<compile_context>
chip_gen: v7x
topology: tpu7x:2x2x1
jax: 0.10.2.dev20260603
libtpu: 0.0.44.dev20260713+nightly
codegen_flags: <defaults>
</compile_context>

<pallas_src>
import functools

import jax
import jax.numpy as jnp
from jax import lax
from jax.experimental import pallas as pl
from jax.experimental.pallas import tpu as pltpu
from jax.experimental.pallas import tpu_sc as plsc

N = 10000
NP = 10240
D = 128
E = 320000
EP = 327680
ODIM = 40
INV_T = 5.0

NC = 2
NS = 16
NWORK = NC * NS
EPW = EP // NWORK
ROWS_PW = EPW // D
NCHUNK = 5
CROWS = ROWS_PW // NCHUNK
NPW = NP // NS
NB = 2048
NGRID = NP // NB

_sc_mesh = plsc.VectorSubcoreMesh(core_axis_name="c", subcore_axis_name="s")


@functools.partial(
    pl.kernel,
    out_type=(
        jax.ShapeDtypeStruct((NP,), jnp.float32),
        jax.ShapeDtypeStruct((NP,), jnp.float32),
    ),
    mesh=_sc_mesh,
    compiler_params=pltpu.CompilerParams(needs_layout_passes=False),
    scratch_types=[
        pltpu.VMEM((CROWS, D), jnp.int32),
        pltpu.VMEM((CROWS, D), jnp.float32),
        pltpu.VMEM((NP,), jnp.float32),
        pltpu.VMEM_SHARED((NS, NP), jnp.float32),
        pltpu.VMEM((NS, NPW), jnp.float32),
        pltpu.VMEM((NPW,), jnp.float32),
    ],
)
def _sc_degree(col2d, ew2d, deg0_out, deg1_out,
               colbuf, ewbuf, dloc, sdeg, vbuf, dsum):
    cid = lax.axis_index("c")
    sid = lax.axis_index("s")
    wid = cid * NS + sid

    def zbody(i, _):
        dloc[pl.ds(i * 16, 16)] = jnp.zeros((16,), jnp.float32)
        return 0
    lax.fori_loop(0, NP // 16, zbody, 0)

    for c in range(NCHUNK):
        rb = wid * ROWS_PW + c * CROWS
        pltpu.sync_copy(col2d.at[pl.ds(rb, CROWS)], colbuf)
        pltpu.sync_copy(ew2d.at[pl.ds(rb, CROWS)], ewbuf)

        def rbody(r, _):
            def kbody(k, _2):
                idx = colbuf[r, pl.ds(k * 16, 16)]
                w = ewbuf[r, pl.ds(k * 16, 16)]
                plsc.addupdate_scatter(dloc, [idx], w)
                return 0
            lax.fori_loop(0, D // 16, kbody, 0)
            return 0
        lax.fori_loop(0, CROWS, rbody, 0)

    pltpu.sync_copy(dloc, sdeg.at[sid])
    plsc.subcore_barrier()
    pltpu.sync_copy(sdeg.at[:, pl.ds(sid * NPW, NPW)], vbuf)

    def gbody(g, _):
        acc = vbuf[0, pl.ds(g * 16, 16)]
        for t in range(1, NS):
            acc = acc + vbuf[t, pl.ds(g * 16, 16)]
        dsum[pl.ds(g * 16, 16)] = acc
        return 0
    lax.fori_loop(0, NPW // 16, gbody, 0)

    @pl.when(cid == 0)
    def _():
        pltpu.sync_copy(dsum, deg0_out.at[pl.ds(sid * NPW, NPW)])

    @pl.when(cid == 1)
    def _():
        pltpu.sync_copy(dsum, deg1_out.at[pl.ds(sid * NPW, NPW)])


NSUB0 = 120
NSUB1 = 40
MROWS = 8
C1BASE = NS * NSUB0

_SPLAT_DNUMS = lax.GatherDimensionNumbers(
    offset_dims=(), collapsed_slice_dims=(0,), start_index_map=(0,))


def _splat(v, lane):
    idx = jnp.full((16,), lane, jnp.int32)
    return lax.gather(v, idx[:, None], _SPLAT_DNUMS, (1,),
                      mode=lax.GatherScatterMode.PROMISE_IN_BOUNDS)


@functools.partial(
    pl.kernel,
    out_type=jax.ShapeDtypeStruct((NC, NP, D), jnp.float32),
    mesh=_sc_mesh,
    compiler_params=pltpu.CompilerParams(needs_layout_passes=False),
    scratch_types=[
        pltpu.VMEM((2, MROWS, D), jnp.int32),
        pltpu.VMEM((2, MROWS, D), jnp.int32),
        pltpu.VMEM((2, MROWS, D), jnp.float32),
        pltpu.VMEM((2, D, D), jnp.float32),
        pltpu.VMEM_SHARED((NP, D), jnp.float32),
        pltpu.SemaphoreType.DMA,
        pltpu.SemaphoreType.DMA,
        pltpu.SemaphoreType.DMA,
        pltpu.SemaphoreType.DMA,
    ],
)
def _sc_spmm(hs, row2d, col2d, ew2d, s_out,
             rowb, colb, ewb, gbuf, acc, sg0, sg1, ss0, ss1):
    cid = lax.axis_index("c")
    sid = lax.axis_index("s")
    nsub = jnp.where(cid == 0, NSUB0, NSUB1)
    mbase = jnp.where(cid == 0, sid * NSUB0, C1BASE + sid * NSUB1)

    def zbody(i, _):
        for g in range(D // 16):
            gbuf[0, i, pl.ds(g * 16, 16)] = jnp.zeros((16,), jnp.float32)
        return 0
    lax.fori_loop(0, D, zbody, 0)
    for q in range(NPW // D):
        pltpu.sync_copy(gbuf.at[0], acc.at[pl.ds(sid * NPW + q * D, D)])
    plsc.subcore_barrier()

    pltpu.sync_copy(row2d.at[pl.ds(mbase, MROWS)], rowb.at[0])
    pltpu.sync_copy(col2d.at[pl.ds(mbase, MROWS)], colb.at[0])
    pltpu.sync_copy(ew2d.at[pl.ds(mbase, MROWS)], ewb.at[0])
    pltpu.async_copy(hs.at[rowb.at[0, 0]], gbuf.at[0], sg0)

    def _step(t, b, gs, ssem, ogs, ossem):
        m = (t >> 3) & 1
        j = t & 7
        ob = b ^ 1
        pltpu.make_async_copy(hs.at[rowb.at[m, j]], gbuf.at[b], gs).wait()

        @pl.when(t >= 1)
        def _():
            pltpu.make_async_copy(gbuf.at[ob], acc.at[colb.at[0, 0]],
                                  ossem).wait()

        @pl.when((j == 7) & (t + 1 < nsub))
        def _():
            s1 = (t + 1) >> 3
            mq = s1 & 1
            rbase = mbase + s1 * MROWS
            pltpu.sync_copy(row2d.at[pl.ds(rbase, MROWS)], rowb.at[mq])
            pltpu.sync_copy(col2d.at[pl.ds(rbase, MROWS)], colb.at[mq])
            pltpu.sync_copy(ew2d.at[pl.ds(rbase, MROWS)], ewb.at[mq])

        @pl.when(t + 1 < nsub)
        def _():
            t1 = t + 1
            pltpu.async_copy(hs.at[rowb.at[(t1 >> 3) & 1, t1 & 7]],
                             gbuf.at[ob], ogs)

        def gbody(g16, _):
            wv = ewb[m, j, pl.ds(g16 * 16, 16)]

            def lbody(l, _2):
                e = g16 * 16 + l
                wl = _splat(wv, l)
                for g in range(D // 16):
                    sl = pl.ds(g * 16, 16)
                    gbuf[b, e, sl] = gbuf[b, e, sl] * wl
                return 0
            lax.fori_loop(0, 16, lbody, 0)
            return 0
        lax.fori_loop(0, D // 16, gbody, 0)

        pltpu.async_copy(gbuf.at[b], acc.at[colb.at[m, j]], ssem, add=True)

    def body(hp, _):
        _step(2 * hp, 0, sg0, ss0, sg1, ss1)
        _step(2 * hp + 1, 1, sg1, ss1, sg0, ss0)
        return 0
    lax.fori_loop(0, nsub // 2, body, 0)

    pltpu.make_async_copy(gbuf.at[1], acc.at[colb.at[0, 0]], ss1).wait()

    plsc.subcore_barrier()
    pltpu.sync_copy(acc.at[pl.ds(sid * NPW, NPW)],
                    s_out.at[cid, pl.ds(sid * NPW, NPW)])


def _dis_block(d0_ref, d1_ref):
    i = pl.program_id(0)
    deg = d0_ref[pl.ds(i * NB, NB)] + d1_ref[pl.ds(i * NB, NB)] + 1.0
    return lax.rsqrt(deg)


def _tc_prep_body(x_ref, w_ref, d0_ref, d1_ref, hs_ref):
    dis = _dis_block(d0_ref, d1_ref)
    h = jnp.dot(x_ref[...], w_ref[...], preferred_element_type=jnp.float32)
    hs_ref[...] = h * dis[:, None]


def _tc_mid_body(s0_ref, s1_ref, hs_ref, d0_ref, d1_ref, w_ref, b_ref, out_ref):
    dis = _dis_block(d0_ref, d1_ref)
    t = (s0_ref[...] + s1_ref[...] + hs_ref[...]) * dis[:, None] + b_ref[...][None, :]
    r = jnp.maximum(t, 0.0)
    h2 = jnp.dot(r, w_ref[...], preferred_element_type=jnp.float32)
    out_ref[...] = h2 * dis[:, None]


def _tc_final_body(s0_ref, s1_ref, hs_ref, d0_ref, d1_ref, b_ref,
                   wout_ref, bout_ref, out_ref):
    dis = _dis_block(d0_ref, d1_ref)
    t = (s0_ref[...] + s1_ref[...] + hs_ref[...]) * dis[:, None] + b_ref[...][None, :]
    logits = jnp.dot(t, wout_ref[...], preferred_element_type=jnp.float32)
    z = (logits + bout_ref[...][None, :]) * INV_T
    m = jnp.max(z, axis=1, keepdims=True)
    zz = z - m
    lse = jnp.log(jnp.sum(jnp.exp(zz), axis=1, keepdims=True))
    out_ref[...] = zz - lse


def _blk(shape):
    return pl.BlockSpec(shape, lambda i: (i,) + (0,) * (len(shape) - 1))


def _full(shape):
    return pl.BlockSpec(shape, lambda i: (0,) * len(shape))


def _tc_prep(x, W1, d0, d1):
    return pl.pallas_call(
        _tc_prep_body,
        grid=(NGRID,),
        in_specs=[_blk((NB, D)), _full((D, D)), _full((NP,)), _full((NP,))],
        out_specs=_blk((NB, D)),
        out_shape=jax.ShapeDtypeStruct((NP, D), jnp.float32),
    )(x, W1, d0, d1)


def _tc_mid(s0, s1, hs, d0, d1, W2, b1):
    return pl.pallas_call(
        _tc_mid_body,
        grid=(NGRID,),
        in_specs=[_blk((NB, D)), _blk((NB, D)), _blk((NB, D)),
                  _full((NP,)), _full((NP,)), _full((D, D)), _full((D,))],
        out_specs=_blk((NB, D)),
        out_shape=jax.ShapeDtypeStruct((NP, D), jnp.float32),
    )(s0, s1, hs, d0, d1, W2, b1)


def _tc_final(s0, s1, hs, d0, d1, b2, Wout, bout):
    return pl.pallas_call(
        _tc_final_body,
        grid=(NGRID,),
        in_specs=[_blk((NB, D)), _blk((NB, D)), _blk((NB, D)),
                  _full((NP,)), _full((NP,)), _full((D,)),
                  _full((D, ODIM)), _full((ODIM,))],
        out_specs=_blk((NB, ODIM)),
        out_shape=jax.ShapeDtypeStruct((NP, ODIM), jnp.float32),
    )(s0, s1, hs, d0, d1, b2, Wout, bout)


def kernel(x, edge_index, edge_weight, W1, b1, W2, b2, Wout, bout):
    x = x.astype(jnp.float32)
    row = edge_index[0].astype(jnp.int32)
    col = edge_index[1].astype(jnp.int32)
    ew = edge_weight.astype(jnp.float32)

    pad = EP - E
    row2d = jnp.pad(row, (0, pad)).reshape(EP // D, D)
    col2d = jnp.pad(col, (0, pad)).reshape(EP // D, D)
    ew2d = jnp.pad(ew, (0, pad)).reshape(EP // D, D)

    xp = jnp.pad(x, ((0, NP - N), (0, 0)))

    d0, d1 = _sc_degree(col2d, ew2d)

    hs1 = _tc_prep(xp, W1, d0, d1)
    s1 = _sc_spmm(hs1, row2d, col2d, ew2d)
    hs2 = _tc_mid(s1[0], s1[1], hs1, d0, d1, W2, b1)
    s2 = _sc_spmm(hs2, row2d, col2d, ew2d)
    out = _tc_final(s2[0], s2[1], hs2, d0, d1, b2, Wout, bout)
    return out[:N]

# --- scband reference (transcript-rebuilt; emitter-appended) ---
"""Pipeline reference for scband-gcn-47467978556195 (READ-ONLY COPY).

The authoritative reference and input builder live on the scoring server;
editing this copy changes nothing except your own understanding.
"""

import jax, jax.numpy as jnp
import numpy as np

N_NODES = 10000
N_EDGES = 320000
IN_DIM = 128
HID_DIM = 128
HID_DIM1 = 128
OUT_DIM = 40


def setup_inputs(seed: int = 0) -> dict:
    key = jax.random.key(seed)
    ks = jax.random.split(key, 10)
    x = jax.random.normal(ks[0], (N_NODES, IN_DIM), dtype=jnp.float32)
    edge_index = jax.random.randint(ks[1], (2, N_EDGES), 0, N_NODES, dtype=jnp.int64)
    edge_weight = jax.random.uniform(ks[2], (N_EDGES,), dtype=jnp.float32)
    W1 = jax.random.normal(ks[3], (IN_DIM, HID_DIM), dtype=jnp.float32) * 0.02
    b1 = jnp.zeros((HID_DIM,), dtype=jnp.float32)
    W2 = jax.random.normal(ks[4], (HID_DIM, HID_DIM1), dtype=jnp.float32) * 0.02
    b2 = jnp.zeros((HID_DIM1,), dtype=jnp.float32)
    Wout = jax.random.normal(ks[5], (HID_DIM1, OUT_DIM), dtype=jnp.float32) * 0.02
    bout = jnp.zeros((OUT_DIM,), dtype=jnp.float32)
    return {"x": x, "edge_index": edge_index, "edge_weight": edge_weight,
            "W1": W1, "b1": b1, "W2": W2, "b2": b2, "Wout": Wout, "bout": bout}


def _gcn_conv(x, edge_index, edge_weight, W, b):
    # x' = D^{-1/2} (A + I) D^{-1/2} (x W) + b  (PyG GCNConv semantics)
    n = x.shape[0]
    h = x @ W
    row = edge_index[0]
    col = edge_index[1]
    loop = jnp.arange(n, dtype=row.dtype)
    row = jnp.concatenate([row, loop])
    col = jnp.concatenate([col, loop])
    ew = jnp.concatenate([edge_weight, jnp.ones((n,), dtype=edge_weight.dtype)])
    deg = jnp.zeros((n,), dtype=h.dtype).at[col].add(ew)
    deg_inv_sqrt = jnp.where(deg > 0, jax.lax.rsqrt(jnp.maximum(deg, 1e-12)), 0.0)
    norm = deg_inv_sqrt[row] * ew * deg_inv_sqrt[col]
    msg = h[row] * norm[:, None]
    out = jnp.zeros_like(h).at[col].add(msg)
    return out + b


def reference(x, edge_index, edge_weight, W1, b1, W2, b2, Wout, bout):
    T = 0.2
    h = _gcn_conv(x, edge_index, edge_weight, W1, b1)
    h = jax.nn.relu(h)
    # dropout is a no-op in eval mode
    h = _gcn_conv(h, edge_index, edge_weight, W2, b2)
    logits = h @ Wout + bout
    return jax.nn.log_softmax(logits / T, axis=1)

if __name__ == "__main__":
    import jax
    _d = setup_inputs()
    print(jax.jit(kernel)(*tuple(_d.values())))

</pallas_src>

<mosaic_0001>
#map = affine_map<(d0, d1) -> (0, 0)>
#map1 = affine_map<(d0, d1) -> (0)>
module attributes {stable_mosaic.version = 14 : i64} {
  func.func @_sc_degree(%arg0: i32, %arg1: i32, %arg2: memref<2560x128xi32, #tpu.memory_space<hbm>>, %arg3: memref<2560x128xf32, #tpu.memory_space<hbm>>, %arg4: memref<10240xf32, #tpu.memory_space<hbm>>, %arg5: memref<10240xf32, #tpu.memory_space<hbm>>, %arg6: memref<16x128xi32, #tpu.memory_space<vmem>>, %arg7: memref<16x128xf32, #tpu.memory_space<vmem>>, %arg8: memref<10240xf32, #tpu.memory_space<vmem>>, %arg9: memref<16x10240xf32, #tpu.memory_space<vmem_shared>>, %arg10: memref<16x640xf32, #tpu.memory_space<vmem>>, %arg11: memref<640xf32, #tpu.memory_space<vmem>>) attributes {dimension_semantics = [#tpu.dimension_semantics<core_parallel>, #tpu.dimension_semantics<subcore_parallel>], iteration_bounds = array<i64: 2, 16>, scalar_prefetch = 0 : i64, scratch_operands = 6 : i64, tpu.core_type = #tpu.core_type<sc_vector_subcore>, window_params = [{transform_indices = #map}, {transform_indices = #map}, {transform_indices = #map1}, {transform_indices = #map1}]} {
    %mul3A = arith.constant 16 : i32
    %mul3A_0 = arith.muli %arg0, %mul3A : i32
    %add3A = arith.addi %mul3A_0, %arg1 : i32
    %scan3A = arith.constant 0 : i32
    %scan3A_1 = arith.constant 0 : i32
    %scan3A_2 = arith.constant 640 : i32
    %scan3A_3 = arith.addi %scan3A_1, %scan3A_2 : i32
    %scan3A_4 = arith.constant 1 : i32
    %scan3A_5 = scf.for %scan3A_78 = %scan3A_1 to %scan3A_3 step %scan3A_4 iter_args(%scan3A_79 = %scan3A) -> (i32)  : i32 {
      %broadcast_in_dim3A = arith.constant 0.000000e+00 : f32
      %broadcast_in_dim3A_80 = vector.broadcast %broadcast_in_dim3A : f32 to vector<16xf32>
      %mul3A_81 = arith.constant 16 : i32
      %mul3A_82 = arith.muli %scan3A_78, %mul3A_81 : i32
      %swap3A = arith.index_cast %mul3A_82 : i32 to index
      %swap3A_83 = tpu.vector_load %arg8[%swap3A] {strides = array<i32>} : memref<10240xf32, #tpu.memory_space<vmem>>, vector<16xf32>,
      tpu.vector_store %arg8[%swap3A], %broadcast_in_dim3A_80 {strides = array<i32>} : memref<10240xf32, #tpu.memory_space<vmem>>, vector<16xf32>,
      %scan3A_84 = arith.constant 0 : i32
      scf.yield %scan3A_84 : i32
    }
    %scan3A_6 = arith.constant 640 : i32
    %mul3A_7 = arith.constant 80 : i32
    %mul3A_8 = arith.muli %add3A, %mul3A_7 : i32
    %add3A_9 = arith.constant 0 : i32
    %add3A_10 = arith.addi %mul3A_8, %add3A_9 : i32
    "tpu.region"() ({
      %run_scoped3A = tpu.sem_alloc : memref<!tpu.dma_semaphore, #tpu.memory_space<semaphore_mem>>
      %dma_start3A = arith.constant 0 : i32
      %dma_start3A_78 = tpu.memref_slice %arg2[%add3A_10, %dma_start3A] : memref<2560x128xi32, #tpu.memory_space<hbm>> -> memref<16x128xi32, #tpu.memory_space<hbm>>
      %dma_start3A_79 = arith.constant 0 : i32
      %dma_start3A_80 = tpu.memref_slice %arg2[%add3A_10, %dma_start3A_79] : memref<2560x128xi32, #tpu.memory_space<hbm>> -> memref<16x128xi32, #tpu.memory_space<hbm>>
      tpu.enqueue_dma source(%dma_start3A_80 : memref<16x128xi32, #tpu.memory_space<hbm>>) target(%arg6 : memref<16x128xi32, #tpu.memory_space<vmem>>) target_semaphore(%run_scoped3A : memref<!tpu.dma_semaphore, #tpu.memory_space<semaphore_mem>>)
      %dma_wait3A = arith.constant 0 : i32
      %dma_wait3A_81 = tpu.memref_slice %arg2[%add3A_10, %dma_wait3A] : memref<2560x128xi32, #tpu.memory_space<hbm>> -> memref<16x128xi32, #tpu.memory_space<hbm>>
      %dma_wait3A_82 = arith.constant 0 : i32
      %dma_wait3A_83 = tpu.memref_slice %arg2[%add3A_10, %dma_wait3A_82] : memref<2560x128xi32, #tpu.memory_space<hbm>> -> memref<16x128xi32, #tpu.memory_space<hbm>>
      tpu.wait_dma2 semaphore(%run_scoped3A : memref<!tpu.dma_semaphore, #tpu.memory_space<semaphore_mem>>) src(%dma_wait3A_83 : memref<16x128xi32, #tpu.memory_space<hbm>>) dst(%arg6 : memref<16x128xi32, #tpu.memory_space<vmem>>)
      tpu.yield
    }) : () -> ()
    "tpu.region"() ({
      %run_scoped3A = tpu.sem_alloc : memref<!tpu.dma_semaphore, #tpu.memory_space<semaphore_mem>>
      %dma_start3A = arith.constant 0 : i32
      %dma_start3A_78 = tpu.memref_slice %arg3[%add3A_10, %dma_start3A] : memref<2560x128xf32, #tpu.memory_space<hbm>> -> memref<16x128xf32, #tpu.memory_space<hbm>>
      %dma_start3A_79 = arith.constant 0 : i32
      %dma_start3A_80 = tpu.memref_slice %arg3[%add3A_10, %dma_start3A_79] : memref<2560x128xf32, #tpu.memory_space<hbm>> -> memref<16x128xf32, #tpu.memory_space<hbm>>
      tpu.enqueue_dma source(%dma_start3A_80 : memref<16x128xf32, #tpu.memory_space<hbm>>) target(%arg7 : memref<16x128xf32, #tpu.memory_space<vmem>>) target_semaphore(%run_scoped3A : memref<!tpu.dma_semaphore, #tpu.memory_space<semaphore_mem>>)
      %dma_wait3A = arith.constant 0 : i32
      %dma_wait3A_81 = tpu.memref_slice %arg3[%add3A_10, %dma_wait3A] : memref<2560x128xf32, #tpu.memory_space<hbm>> -> memref<16x128xf32, #tpu.memory_space<hbm>>
      %dma_wait3A_82 = arith.constant 0 : i32
      %dma_wait3A_83 = tpu.memref_slice %arg3[%add3A_10, %dma_wait3A_82] : memref<2560x128xf32, #tpu.memory_space<hbm>> -> memref<16x128xf32, #tpu.memory_space<hbm>>
      tpu.wait_dma2 semaphore(%run_scoped3A : memref<!tpu.dma_semaphore, #tpu.memory_space<semaphore_mem>>) src(%dma_wait3A_83 : memref<16x128xf32, #tpu.memory_space<hbm>>) dst(%arg7 : memref<16x128xf32, #tpu.memory_space<vmem>>)
      tpu.yield
    }) : () -> ()
    %scan3A_11 = arith.constant 0 : i32
    %scan3A_12 = arith.constant 0 : i32
    %scan3A_13 = arith.constant 16 : i32
    %scan3A_14 = arith.addi %scan3A_12, %scan3A_13 : i32
    %scan3A_15 = arith.constant 1 : i32
    %scan3A_16 = scf.for %scan3A_78 = %scan3A_12 to %scan3A_14 step %scan3A_15 iter_args(%scan3A_79 = %scan3A_11) -> (i32)  : i32 {
      %scan3A_80 = arith.constant 0 : i32
      %scan3A_81 = arith.constant 0 : i32
      %scan3A_82 = arith.constant 8 : i32
      %scan3A_83 = arith.addi %scan3A_81, %scan3A_82 : i32
      %scan3A_84 = arith.constant 1 : i32
      %scan3A_85 = scf.for %scan3A_88 = %scan3A_81 to %scan3A_83 step %scan3A_84 iter_args(%scan3A_89 = %scan3A_80) -> (i32)  : i32 {
        %mul3A_90 = arith.constant 16 : i32
        %mul3A_91 = arith.muli %scan3A_88, %mul3A_90 : i32
        %get3A = arith.index_cast %scan3A_78 : i32 to index
        %get3A_92 = arith.index_cast %mul3A_91 : i32 to index
        %get3A_93 = tpu.vector_load %arg6[%get3A, %get3A_92] {strides = array<i32>} : memref<16x128xi32, #tpu.memory_space<vmem>>, vector<16xi32>,
        %mul3A_94 = arith.constant 16 : i32
        %mul3A_95 = arith.muli %scan3A_88, %mul3A_94 : i32
        %get3A_96 = arith.index_cast %scan3A_78 : i32 to index
        %get3A_97 = arith.index_cast %mul3A_95 : i32 to index
        %get3A_98 = tpu.vector_load %arg7[%get3A_96, %get3A_97] {strides = array<i32>} : memref<16x128xf32, #tpu.memory_space<vmem>>, vector<16xf32>,
        tpu.vector_store_idx %arg8[%get3A_93], %get3A_98 {add = true} : memref<10240xf32, #tpu.memory_space<vmem>>[vector<16xi32>], vector<16xf32>,
        %scan3A_99 = arith.constant 0 : i32
        scf.yield %scan3A_99 : i32
      }
      %scan3A_86 = arith.constant 8 : i32
      %scan3A_87 = arith.constant 0 : i32
      scf.yield %scan3A_87 : i32
    }
    %scan3A_17 = arith.constant 16 : i32
    %mul3A_18 = arith.constant 80 : i32
    %mul3A_19 = arith.muli %add3A, %mul3A_18 : i32
    %add3A_20 = arith.constant 16 : i32
    %add3A_21 = arith.addi %mul3A_19, %add3A_20 : i32
    "tpu.region"() ({
      %run_scoped3A = tpu.sem_alloc : memref<!tpu.dma_semaphore, #tpu.memory_space<semaphore_mem>>
      %dma_start3A = arith.constant 0 : i32
      %dma_start3A_78 = tpu.memref_slice %arg2[%add3A_21, %dma_start3A] : memref<2560x128xi32, #tpu.memory_space<hbm>> -> memref<16x128xi32, #tpu.memory_space<hbm>>
      %dma_start3A_79 = arith.constant 0 : i32
      %dma_start3A_80 = tpu.memref_slice %arg2[%add3A_21, %dma_start3A_79] : memref<2560x128xi32, #tpu.memory_space<hbm>> -> memref<16x128xi32, #tpu.memory_space<hbm>>
      tpu.enqueue_dma source(%dma_start3A_80 : memref<16x128xi32, #tpu.memory_space<hbm>>) target(%arg6 : memref<16x128xi32, #tpu.memory_space<vmem>>) target_semaphore(%run_scoped3A : memref<!tpu.dma_semaphore, #tpu.memory_space<semaphore_mem>>)
      %dma_wait3A = arith.constant 0 : i32
      %dma_wait3A_81 = tpu.memref_slice %arg2[%add3A_21, %dma_wait3A] : memref<2560x128xi32, #tpu.memory_space<hbm>> -> memref<16x128xi32, #tpu.memory_space<hbm>>
      %dma_wait3A_82 = arith.constant 0 : i32
      %dma_wait3A_83 = tpu.memref_slice %arg2[%add3A_21, %dma_wait3A_82] : memref<2560x128xi32, #tpu.memory_space<hbm>> -> memref<16x128xi32, #tpu.memory_space<hbm>>
      tpu.wait_dma2 semaphore(%run_scoped3A : memref<!tpu.dma_semaphore, #tpu.memory_space<semaphore_mem>>) src(%dma_wait3A_83 : memref<16x128xi32, #tpu.memory_space<hbm>>) dst(%arg6 : memref<16x128xi32, #tpu.memory_space<vmem>>)
      tpu.yield
    }) : () -> ()
    "tpu.region"() ({
      %run_scoped3A = tpu.sem_alloc : memref<!tpu.dma_semaphore, #tpu.memory_space<semaphore_mem>>
      %dma_start3A = arith.constant 0 : i32
      %dma_start3A_78 = tpu.memref_slice %arg3[%add3A_21, %dma_start3A] : memref<2560x128xf32, #tpu.memory_space<hbm>> -> memref<16x128xf32, #tpu.memory_space<hbm>>
      %dma_start3A_79 = arith.constant 0 : i32
      %dma_start3A_80 = tpu.memref_slice %arg3[%add3A_21, %dma_start3A_79] : memref<2560x128xf32, #tpu.memory_space<hbm>> -> memref<16x128xf32, #tpu.memory_space<hbm>>
      tpu.enqueue_dma source(%dma_start3A_80 : memref<16x128xf32, #tpu.memory_space<hbm>>) target(%arg7 : memref<16x128xf32, #tpu.memory_space<vmem>>) target_semaphore(%run_scoped3A : memref<!tpu.dma_semaphore, #tpu.memory_space<semaphore_mem>>)
      %dma_wait3A = arith.constant 0 : i32
      %dma_wait3A_81 = tpu.memref_slice %arg3[%add3A_21, %dma_wait3A] : memref<2560x128xf32, #tpu.memory_space<hbm>> -> memref<16x128xf32, #tpu.memory_space<hbm>>
      %dma_wait3A_82 = arith.constant 0 : i32
      %dma_wait3A_83 = tpu.memref_slice %arg3[%add3A_21, %dma_wait3A_82] : memref<2560x128xf32, #tpu.memory_space<hbm>> -> memref<16x128xf32, #tpu.memory_space<hbm>>
      tpu.wait_dma2 semaphore(%run_scoped3A : memref<!tpu.dma_semaphore, #tpu.memory_space<semaphore_mem>>) src(%dma_wait3A_83 : memref<16x128xf32, #tpu.memory_space<hbm>>) dst(%arg7 : memref<16x128xf32, #tpu.memory_space<vmem>>)
      tpu.yield
    }) : () -> ()
    %scan3A_22 = arith.constant 0 : i32
    %scan3A_23 = arith.constant 0 : i32
    %scan3A_24 = arith.constant 16 : i32
    %scan3A_25 = arith.addi %scan3A_23, %scan3A_24 : i32
    %scan3A_26 = arith.constant 1 : i32
    %scan3A_27 = scf.for %scan3A_78 = %scan3A_23 to %scan3A_25 step %scan3A_26 iter_args(%scan3A_79 = %scan3A_22) -> (i32)  : i32 {
      %scan3A_80 = arith.constant 0 : i32
      %scan3A_81 = arith.constant 0 : i32
      %scan3A_82 = arith.constant 8 : i32
      %scan3A_83 = arith.addi %scan3A_81, %scan3A_82 : i32
      %scan3A_84 = arith.constant 1 : i32
      %scan3A_85 = scf.for %scan3A_88 = %scan3A_81 to %scan3A_83 step %scan3A_84 iter_args(%scan3A_89 = %scan3A_80) -> (i32)  : i32 {
        %mul3A_90 = arith.constant 16 : i32
        %mul3A_91 = arith.muli %scan3A_88, %mul3A_90 : i32
        %get3A = arith.index_cast %scan3A_78 : i32 to index
        %get3A_92 = arith.index_cast %mul3A_91 : i32 to index
        %get3A_93 = tpu.vector_load %arg6[%get3A, %get3A_92] {strides = array<i32>} : memref<16x128xi32, #tpu.memory_space<vmem>>, vector<16xi32>,
        %mul3A_94 = arith.constant 16 : i32
        %mul3A_95 = arith.muli %scan3A_88, %mul3A_94 : i32
        %get3A_96 = arith.index_cast %scan3A_78 : i32 to index
        %get3A_97 = arith.index_cast %mul3A_95 : i32 to index
        %get3A_98 = tpu.vector_load %arg7[%get3A_96, %get3A_97] {strides = array<i32>} : memref<16x128xf32, #tpu.memory_space<vmem>>, vector<16xf32>,
        tpu.vector_store_idx %arg8[%get3A_93], %get3A_98 {add = true} : memref<10240xf32, #tpu.memory_space<vmem>>[vector<16xi32>], vector<16xf32>,
        %scan3A_99 = arith.constant 0 : i32
        scf.yield %scan3A_99 : i32
      }
      %scan3A_86 = arith.constant 8 : i32
      %scan3A_87 = arith.constant 0 : i32
      scf.yield %scan3A_87 : i32
    }
    %scan3A_28 = arith.constant 16 : i32
    %mul3A_29 = arith.constant 80 : i32
    %mul3A_30 = arith.muli %add3A, %mul3A_29 : i32
    %add3A_31 = arith.constant 32 : i32
    %add3A_32 = arith.addi %mul3A_30, %add3A_31 : i32
    "tpu.region"() ({
      %run_scoped3A = tpu.sem_alloc : memref<!tpu.dma_semaphore, #tpu.memory_space<semaphore_mem>>
      %dma_start3A = arith.constant 0 : i32
      %dma_start3A_78 = tpu.memref_slice %arg2[%add3A_32, %dma_start3A] : memref<2560x128xi32, #tpu.memory_space<hbm>> -> memref<16x128xi32, #tpu.memory_space<hbm>>
      %dma_start3A_79 = arith.constant 0 : i32
      %dma_start3A_80 = tpu.memref_slice %arg2[%add3A_32, %dma_start3A_79] : memref<2560x128xi32, #tpu.memory_space<hbm>> -> memref<16x128xi32, #tpu.memory_space<hbm>>
      tpu.enqueue_dma source(%dma_start3A_80 : memref<16x128xi32, #tpu.memory_space<hbm>>) target(%arg6 : memref<16x128xi32, #tpu.memory_space<vmem>>) target_semaphore(%run_scoped3A : memref<!tpu.dma_semaphore, #tpu.memory_space<semaphore_mem>>)
      %dma_wait3A = arith.constant 0 : i32
      %dma_wait3A_81 = tpu.memref_slice %arg2[%add3A_32, %dma_wait3A] : memref<2560x128xi32, #tpu.memory_space<hbm>> -> memref<16x128xi32, #tpu.memory_space<hbm>>
      %dma_wait3A_82 = arith.constant 0 : i32
      %dma_wait3A_83 = tpu.memref_slice %arg2[%add3A_32, %dma_wait3A_82] : memref<2560x128xi32, #tpu.memory_space<hbm>> -> memref<16x128xi32, #tpu.memory_space<hbm>>
      tpu.wait_dma2 semaphore(%run_scoped3A : memref<!tpu.dma_semaphore, #tpu.memory_space<semaphore_mem>>) src(%dma_wait3A_83 : memref<16x128xi32, #tpu.memory_space<hbm>>) dst(%arg6 : memref<16x128xi32, #tpu.memory_space<vmem>>)
      tpu.yield
    }) : () -> ()
    "tpu.region"() ({
      %run_scoped3A = tpu.sem_alloc : memref<!tpu.dma_semaphore, #tpu.memory_space<semaphore_mem>>
      %dma_start3A = arith.constant 0 : i32
      %dma_start3A_78 = tpu.memref_slice %arg3[%add3A_32, %dma_start3A] : memref<2560x128xf32, #tpu.memory_space<hbm>> -> memref<16x128xf32, #tpu.memory_space<hbm>>
      %dma_start3A_79 = arith.constant 0 : i32
      %dma_start3A_80 = tpu.memref_slice %arg3[%add3A_32, %dma_start3A_79] : memref<2560x128xf32, #tpu.memory_space<hbm>> -> memref<16x128xf32, #tpu.memory_space<hbm>>
      tpu.enqueue_dma source(%dma_start3A_80 : memref<16x128xf32, #tpu.memory_space<hbm>>) target(%arg7 : memref<16x128xf32, #tpu.memory_space<vmem>>) target_semaphore(%run_scoped3A : memref<!tpu.dma_semaphore, #tpu.memory_space<semaphore_mem>>)
      %dma_wait3A = arith.constant 0 : i32
      %dma_wait3A_81 = tpu.memref_slice %arg3[%add3A_32, %dma_wait3A] : memref<2560x128xf32, #tpu.memory_space<hbm>> -> memref<16x128xf32, #tpu.memory_space<hbm>>
      %dma_wait3A_82 = arith.constant 0 : i32
      %dma_wait3A_83 = tpu.memref_slice %arg3[%add3A_32, %dma_wait3A_82] : memref<2560x128xf32, #tpu.memory_space<hbm>> -> memref<16x128xf32, #tpu.memory_space<hbm>>
      tpu.wait_dma2 semaphore(%run_scoped3A : memref<!tpu.dma_semaphore, #tpu.memory_space<semaphore_mem>>) src(%dma_wait3A_83 : memref<16x128xf32, #tpu.memory_space<hbm>>) dst(%arg7 : memref<16x128xf32, #tpu.memory_space<vmem>>)
      tpu.yield
    }) : () -> ()
    %scan3A_33 = arith.constant 0 : i32
    %scan3A_34 = arith.constant 0 : i32
    %scan3A_35 = arith.constant 16 : i32
    %scan3A_36 = arith.addi %scan3A_34, %scan3A_35 : i32
    %scan3A_37 = arith.constant 1 : i32
    %scan3A_38 = scf.for %scan3A_78 = %scan3A_34 to %scan3A_36 step %scan3A_37 iter_args(%scan3A_79 = %scan3A_33) -> (i32)  : i32 {
      %scan3A_80 = arith.constant 0 : i32
      %scan3A_81 = arith.constant 0 : i32
      %scan3A_82 = arith.constant 8 : i32
      %scan3A_83 = arith.addi %scan3A_81, %scan3A_82 : i32
      %scan3A_84 = arith.constant 1 : i32
      %scan3A_85 = scf.for %scan3A_88 = %scan3A_81 to %scan3A_83 step %scan3A_84 iter_args(%scan3A_89 = %scan3A_80) -> (i32)  : i32 {
        %mul3A_90 = arith.constant 16 : i32
        %mul3A_91 = arith.muli %scan3A_88, %mul3A_90 : i32
        %get3A = arith.index_cast %scan3A_78 : i32 to index
        %get3A_92 = arith.index_cast %mul3A_91 : i32 to index
        %get3A_93 = tpu.vector_load %arg6[%get3A, %get3A_92] {strides = array<i32>} : memref<16x128xi32, #tpu.memory_space<vmem>>, vector<16xi32>,
        %mul3A_94 = arith.constant 16 : i32
        %mul3A_95 = arith.muli %scan3A_88, %mul3A_94 : i32
        %get3A_96 = arith.index_cast %scan3A_78 : i32 to index
        %get3A_97 = arith.index_cast %mul3A_95 : i32 to index
        %get3A_98 = tpu.vector_load %arg7[%get3A_96, %get3A_97] {strides = array<i32>} : memref<16x128xf32, #tpu.memory_space<vmem>>, vector<16xf32>,
        tpu.vector_store_idx %arg8[%get3A_93], %get3A_98 {add = true} : memref<10240xf32, #tpu.memory_space<vmem>>[vector<16xi32>], vector<16xf32>,
        %scan3A_99 = arith.constant 0 : i32
        scf.yield %scan3A_99 : i32
      }
      %scan3A_86 = arith.constant 8 : i32
      %scan3A_87 = arith.constant 0 : i32
      scf.yield %scan3A_87 : i32
    }
    %scan3A_39 = arith.constant 16 : i32
    %mul3A_40 = arith.constant 80 : i32
    %mul3A_41 = arith.muli %add3A, %mul3A_40 : i32
    %add3A_42 = arith.constant 48 : i32
    %add3A_43 = arith.addi %mul3A_41, %add3A_42 : i32
    "tpu.region"() ({
      %run_scoped3A = tpu.sem_alloc : memref<!tpu.dma_semaphore, #tpu.memory_space<semaphore_mem>>
      %dma_start3A = arith.constant 0 : i32
      %dma_start3A_78 = tpu.memref_slice %arg2[%add3A_43, %dma_start3A] : memref<2560x128xi32, #tpu.memory_space<hbm>> -> memref<16x128xi32, #tpu.memory_space<hbm>>
      %dma_start3A_79 = arith.constant 0 : i32
      %dma_start3A_80 = tpu.memref_slice %arg2[%add3A_43, %dma_start3A_79] : memref<2560x128xi32, #tpu.memory_space<hbm>> -> memref<16x128xi32, #tpu.memory_space<hbm>>
      tpu.enqueue_dma source(%dma_start3A_80 : memref<16x128xi32, #tpu.memory_space<hbm>>) target(%arg6 : memref<16x128xi32, #tpu.memory_space<vmem>>) target_semaphore(%run_scoped3A : memref<!tpu.dma_semaphore, #tpu.memory_space<semaphore_mem>>)
      %dma_wait3A = arith.constant 0 : i32
      %dma_wait3A_81 = tpu.memref_slice %arg2[%add3A_43, %dma_wait3A] : memref<2560x128xi32, #tpu.memory_space<hbm>> -> memref<16x128xi32, #tpu.memory_space<hbm>>
      %dma_wait3A_82 = arith.constant 0 : i32
      %dma_wait3A_83 = tpu.memref_slice %arg2[%add3A_43, %dma_wait3A_82] : memref<2560x128xi32, #tpu.memory_space<hbm>> -> memref<16x128xi32, #tpu.memory_space<hbm>>
      tpu.wait_dma2 semaphore(%run_scoped3A : memref<!tpu.dma_semaphore, #tpu.memory_space<semaphore_mem>>) src(%dma_wait3A_83 : memref<16x128xi32, #tpu.memory_space<hbm>>) dst(%arg6 : memref<16x128xi32, #tpu.memory_space<vmem>>)
      tpu.yield
    }) : () -> ()
    "tpu.region"() ({
      %run_scoped3A = tpu.sem_alloc : memref<!tpu.dma_semaphore, #tpu.memory_space<semaphore_mem>>
      %dma_start3A = arith.constant 0 : i32
      %dma_start3A_78 = tpu.memref_slice %arg3[%add3A_43, %dma_start3A] : memref<2560x128xf32, #tpu.memory_space<hbm>> -> memref<16x128xf32, #tpu.memory_space<hbm>>
      %dma_start3A_79 = arith.constant 0 : i32
      %dma_start3A_80 = tpu.memref_slice %arg3[%add3A_43, %dma_start3A_79] : memref<2560x128xf32, #tpu.memory_space<hbm>> -> memref<16x128xf32, #tpu.memory_space<hbm>>
      tpu.enqueue_dma source(%dma_start3A_80 : memref<16x128xf32, #tpu.memory_space<hbm>>) target(%arg7 : memref<16x128xf32, #tpu.memory_space<vmem>>) target_semaphore(%run_scoped3A : memref<!tpu.dma_semaphore, #tpu.memory_space<semaphore_mem>>)
      %dma_wait3A = arith.constant 0 : i32
      %dma_wait3A_81 = tpu.memref_slice %arg3[%add3A_43, %dma_wait3A] : memref<2560x128xf32, #tpu.memory_space<hbm>> -> memref<16x128xf32, #tpu.memory_space<hbm>>
      %dma_wait3A_82 = arith.constant 0 : i32
      %dma_wait3A_83 = tpu.memref_slice %arg3[%add3A_43, %dma_wait3A_82] : memref<2560x128xf32, #tpu.memory_space<hbm>> -> memref<16x128xf32, #tpu.memory_space<hbm>>
      tpu.wait_dma2 semaphore(%run_scoped3A : memref<!tpu.dma_semaphore, #tpu.memory_space<semaphore_mem>>) src(%dma_wait3A_83 : memref<16x128xf32, #tpu.memory_space<hbm>>) dst(%arg7 : memref<16x128xf32, #tpu.memory_space<vmem>>)
      tpu.yield
    }) : () -> ()
    %scan3A_44 = arith.constant 0 : i32
    %scan3A_45 = arith.constant 0 : i32
    %scan3A_46 = arith.constant 16 : i32
    %scan3A_47 = arith.addi %scan3A_45, %scan3A_46 : i32
    %scan3A_48 = arith.constant 1 : i32
    %scan3A_49 = scf.for %scan3A_78 = %scan3A_45 to %scan3A_47 step %scan3A_48 iter_args(%scan3A_79 = %scan3A_44) -> (i32)  : i32 {
      %scan3A_80 = arith.constant 0 : i32
      %scan3A_81 = arith.constant 0 : i32
      %scan3A_82 = arith.constant 8 : i32
      %scan3A_83 = arith.addi %scan3A_81, %scan3A_82 : i32
      %scan3A_84 = arith.constant 1 : i32
      %scan3A_85 = scf.for %scan3A_88 = %scan3A_81 to %scan3A_83 step %scan3A_84 iter_args(%scan3A_89 = %scan3A_80) -> (i32)  : i32 {
        %mul3A_90 = arith.constant 16 : i32
        %mul3A_91 = arith.muli %scan3A_88, %mul3A_90 : i32
        %get3A = arith.index_cast %scan3A_78 : i32 to index
        %get3A_92 = arith.index_cast %mul3A_91 : i32 to index
        %get3A_93 = tpu.vector_load %arg6[%get3A, %get3A_92] {strides = array<i32>} : memref<16x128xi32, #tpu.memory_space<vmem>>, vector<16xi32>,
        %mul3A_94 = arith.constant 16 : i32
        %mul3A_95 = arith.muli %scan3A_88, %mul3A_94 : i32
        %get3A_96 = arith.index_cast %scan3A_78 : i32 to index
        %get3A_97 = arith.index_cast %mul3A_95 : i32 to index
        %get3A_98 = tpu.vector_load %arg7[%get3A_96, %get3A_97] {strides = array<i32>} : memref<16x128xf32, #tpu.memory_space<vmem>>, vector<16xf32>,
        tpu.vector_store_idx %arg8[%get3A_93], %get3A_98 {add = true} : memref<10240xf32, #tpu.memory_space<vmem>>[vector<16xi32>], vector<16xf32>,
        %scan3A_99 = arith.constant 0 : i32
        scf.yield %scan3A_99 : i32
      }
      %scan3A_86 = arith.constant 8 : i32
      %scan3A_87 = arith.constant 0 : i32
      scf.yield %scan3A_87 : i32
    }
    %scan3A_50 = arith.constant 16 : i32
    %mul3A_51 = arith.constant 80 : i32
    %mul3A_52 = arith.muli %add3A, %mul3A_51 : i32
    %add3A_53 = arith.constant 64 : i32
    %add3A_54 = arith.addi %mul3A_52, %add3A_53 : i32
    "tpu.region"() ({
      %run_scoped3A = tpu.sem_alloc : memref<!tpu.dma_semaphore, #tpu.memory_space<semaphore_mem>>
      %dma_start3A = arith.constant 0 : i32
      %dma_start3A_78 = tpu.memref_slice %arg2[%add3A_54, %dma_start3A] : memref<2560x128xi32, #tpu.memory_space<hbm>> -> memref<16x128xi32, #tpu.memory_space<hbm>>
      %dma_start3A_79 = arith.constant 0 : i32
      %dma_start3A_80 = tpu.memref_slice %arg2[%add3A_54, %dma_start3A_79] : memref<2560x128xi32, #tpu.memory_space<hbm>> -> memref<16x128xi32, #tpu.memory_space<hbm>>
      tpu.enqueue_dma source(%dma_start3A_80 : memref<16x128xi32, #tpu.memory_space<hbm>>) target(%arg6 : memref<16x128xi32, #tpu.memory_space<vmem>>) target_semaphore(%run_scoped3A : memref<!tpu.dma_semaphore, #tpu.memory_space<semaphore_mem>>)
      %dma_wait3A = arith.constant 0 : i32
      %dma_wait3A_81 = tpu.memref_slice %arg2[%add3A_54, %dma_wait3A] : memref<2560x128xi32, #tpu.memory_space<hbm>> -> memref<16x128xi32, #tpu.memory_space<hbm>>
      %dma_wait3A_82 = arith.constant 0 : i32
      %dma_wait3A_83 = tpu.memref_slice %arg2[%add3A_54, %dma_wait3A_82] : memref<2560x128xi32, #tpu.memory_space<hbm>> -> memref<16x128xi32, #tpu.memory_space<hbm>>
      tpu.wait_dma2 semaphore(%run_scoped3A : memref<!tpu.dma_semaphore, #tpu.memory_space<semaphore_mem>>) src(%dma_wait3A_83 : memref<16x128xi32, #tpu.memory_space<hbm>>) dst(%arg6 : memref<16x128xi32, #tpu.memory_space<vmem>>)
      tpu.yield
    }) : () -> ()
    "tpu.region"() ({
      %run_scoped3A = tpu.sem_alloc : memref<!tpu.dma_semaphore, #tpu.memory_space<semaphore_mem>>
      %dma_start3A = arith.constant 0 : i32
      %dma_start3A_78 = tpu.memref_slice %arg3[%add3A_54, %dma_start3A] : memref<2560x128xf32, #tpu.memory_space<hbm>> -> memref<16x128xf32, #tpu.memory_space<hbm>>
      %dma_start3A_79 = arith.constant 0 : i32
      %dma_start3A_80 = tpu.memref_slice %arg3[%add3A_54, %dma_start3A_79] : memref<2560x128xf32, #tpu.memory_space<hbm>> -> memref<16x128xf32, #tpu.memory_space<hbm>>
      tpu.enqueue_dma source(%dma_start3A_80 : memref<16x128xf32, #tpu.memory_space<hbm>>) target(%arg7 : memref<16x128xf32, #tpu.memory_space<vmem>>) target_semaphore(%run_scoped3A : memref<!tpu.dma_semaphore, #tpu.memory_space<semaphore_mem>>)
      %dma_wait3A = arith.constant 0 : i32
      %dma_wait3A_81 = tpu.memref_slice %arg3[%add3A_54, %dma_wait3A] : memref<2560x128xf32, #tpu.memory_space<hbm>> -> memref<16x128xf32, #tpu.memory_space<hbm>>
      %dma_wait3A_82 = arith.constant 0 : i32
      %dma_wait3A_83 = tpu.memref_slice %arg3[%add3A_54, %dma_wait3A_82] : memref<2560x128xf32, #tpu.memory_space<hbm>> -> memref<16x128xf32, #tpu.memory_space<hbm>>
      tpu.wait_dma2 semaphore(%run_scoped3A : memref<!tpu.dma_semaphore, #tpu.memory_space<semaphore_mem>>) src(%dma_wait3A_83 : memref<16x128xf32, #tpu.memory_space<hbm>>) dst(%arg7 : memref<16x128xf32, #tpu.memory_space<vmem>>)
      tpu.yield
    }) : () -> ()
    %scan3A_55 = arith.constant 0 : i32
    %scan3A_56 = arith.constant 0 : i32
    %scan3A_57 = arith.constant 16 : i32
    %scan3A_58 = arith.addi %scan3A_56, %scan3A_57 : i32
    %scan3A_59 = arith.constant 1 : i32
    %scan3A_60 = scf.for %scan3A_78 = %scan3A_56 to %scan3A_58 step %scan3A_59 iter_args(%scan3A_79 = %scan3A_55) -> (i32)  : i32 {
      %scan3A_80 = arith.constant 0 : i32
      %scan3A_81 = arith.constant 0 : i32
      %scan3A_82 = arith.constant 8 : i32
      %scan3A_83 = arith.addi %scan3A_81, %scan3A_82 : i32
      %scan3A_84 = arith.constant 1 : i32
      %scan3A_85 = scf.for %scan3A_88 = %scan3A_81 to %scan3A_83 step %scan3A_84 iter_args(%scan3A_89 = %scan3A_80) -> (i32)  : i32 {
        %mul3A_90 = arith.constant 16 : i32
        %mul3A_91 = arith.muli %scan3A_88, %mul3A_90 : i32
        %get3A = arith.index_cast %scan3A_78 : i32 to index
        %get3A_92 = arith.index_cast %mul3A_91 : i32 to index
        %get3A_93 = tpu.vector_load %arg6[%get3A, %get3A_92] {strides = array<i32>} : memref<16x128xi32, #tpu.memory_space<vmem>>, vector<16xi32>,
        %mul3A_94 = arith.constant 16 : i32
        %mul3A_95 = arith.muli %scan3A_88, %mul3A_94 : i32
        %get3A_96 = arith.index_cast %scan3A_78 : i32 to index
        %get3A_97 = arith.index_cast %mul3A_95 : i32 to index
        %get3A_98 = tpu.vector_load %arg7[%get3A_96, %get3A_97] {strides = array<i32>} : memref<16x128xf32, #tpu.memory_space<vmem>>, vector<16xf32>,
        tpu.vector_store_idx %arg8[%get3A_93], %get3A_98 {add = true} : memref<10240xf32, #tpu.memory_space<vmem>>[vector<16xi32>], vector<16xf32>,
        %scan3A_99 = arith.constant 0 : i32
        scf.yield %scan3A_99 : i32
      }
      %scan3A_86 = arith.constant 8 : i32
      %scan3A_87 = arith.constant 0 : i32
      scf.yield %scan3A_87 : i32
    }
    %scan3A_61 = arith.constant 16 : i32
    "tpu.region"() ({
      %run_scoped3A = tpu.sem_alloc : memref<!tpu.dma_semaphore, #tpu.memory_space<semaphore_mem>>
      %dma_start3A = arith.constant 0 : i32
      %dma_start3A_78 = tpu.memref_slice %arg9[%arg1, %dma_start3A] : memref<16x10240xf32, #tpu.memory_space<vmem_shared>> -> memref<1x10240xf32, #tpu.memory_space<vmem_shared>>
      %dma_start3A_79 = tpu.memref_squeeze %dma_start3A_78 : memref<1x10240xf32, #tpu.memory_space<vmem_shared>> -> memref<10240xf32, #tpu.memory_space<vmem_shared>>
      %dma_start3A_80 = arith.constant 0 : i32
      %dma_start3A_81 = tpu.memref_slice %arg9[%arg1, %dma_start3A_80] : memref<16x10240xf32, #tpu.memory_space<vmem_shared>> -> memref<1x10240xf32, #tpu.memory_space<vmem_shared>>
      %dma_start3A_82 = tpu.memref_squeeze %dma_start3A_81 : memref<1x10240xf32, #tpu.memory_space<vmem_shared>> -> memref<10240xf32, #tpu.memory_space<vmem_shared>>
      tpu.enqueue_dma source(%arg8 : memref<10240xf32, #tpu.memory_space<vmem>>) target(%dma_start3A_82 : memref<10240xf32, #tpu.memory_space<vmem_shared>>) target_semaphore(%run_scoped3A : memref<!tpu.dma_semaphore, #tpu.memory_space<semaphore_mem>>)
      %dma_wait3A = arith.constant 0 : i32
      %dma_wait3A_83 = tpu.memref_slice %arg9[%arg1, %dma_wait3A] : memref<16x10240xf32, #tpu.memory_space<vmem_shared>> -> memref<1x10240xf32, #tpu.memory_space<vmem_shared>>
      %dma_wait3A_84 = tpu.memref_squeeze %dma_wait3A_83 : memref<1x10240xf32, #tpu.memory_space<vmem_shared>> -> memref<10240xf32, #tpu.memory_space<vmem_shared>>
      %dma_wait3A_85 = arith.constant 0 : i32
      %dma_wait3A_86 = tpu.memref_slice %arg9[%arg1, %dma_wait3A_85] : memref<16x10240xf32, #tpu.memory_space<vmem_shared>> -> memref<1x10240xf32, #tpu.memory_space<vmem_shared>>
      %dma_wait3A_87 = tpu.memref_squeeze %dma_wait3A_86 : memref<1x10240xf32, #tpu.memory_space<vmem_shared>> -> memref<10240xf32, #tpu.memory_space<vmem_shared>>
      tpu.wait_dma2 semaphore(%run_scoped3A : memref<!tpu.dma_semaphore, #tpu.memory_space<semaphore_mem>>) src(%arg8 : memref<10240xf32, #tpu.memory_space<vmem>>) dst(%dma_wait3A_87 : memref<10240xf32, #tpu.memory_space<vmem_shared>>)
      tpu.yield
    }) : () -> ()
    %barrier3A = arith.constant 0 : index
    tpu.barrier barrier_id(%barrier3A)
    %mul3A_62 = arith.constant 640 : i32
    %mul3A_63 = arith.muli %arg1, %mul3A_62 : i32
    "tpu.region"() ({
      %run_scoped3A = tpu.sem_alloc : memref<!tpu.dma_semaphore, #tpu.memory_space<semaphore_mem>>
      %dma_start3A = arith.constant 0 : i32
      %dma_start3A_78 = tpu.memref_slice %arg9[%dma_start3A, %mul3A_63] : memref<16x10240xf32, #tpu.memory_space<vmem_shared>> -> memref<16x640xf32, #tpu.memory_space<vmem_shared>>
      %dma_start3A_79 = arith.constant 0 : i32
      %dma_start3A_80 = tpu.memref_slice %arg9[%dma_start3A_79, %mul3A_63] : memref<16x10240xf32, #tpu.memory_space<vmem_shared>> -> memref<16x640xf32, #tpu.memory_space<vmem_shared>>
      tpu.enqueue_dma source(%dma_start3A_80 : memref<16x640xf32, #tpu.memory_space<vmem_shared>>) target(%arg10 : memref<16x640xf32, #tpu.memory_space<vmem>>) target_semaphore(%run_scoped3A : memref<!tpu.dma_semaphore, #tpu.memory_space<semaphore_mem>>)
      %dma_wait3A = arith.constant 0 : i32
      %dma_wait3A_81 = tpu.memref_slice %arg9[%dma_wait3A, %mul3A_63] : memref<16x10240xf32, #tpu.memory_space<vmem_shared>> -> memref<16x640xf32, #tpu.memory_space<vmem_shared>>
      %dma_wait3A_82 = arith.constant 0 : i32
      %dma_wait3A_83 = tpu.memref_slice %arg9[%dma_wait3A_82, %mul3A_63] : memref<16x10240xf32, #tpu.memory_space<vmem_shared>> -> memref<16x640xf32, #tpu.memory_space<vmem_shared>>
      tpu.wait_dma2 semaphore(%run_scoped3A : memref<!tpu.dma_semaphore, #tpu.memory_space<semaphore_mem>>) src(%dma_wait3A_83 : memref<16x640xf32, #tpu.memory_space<vmem_shared>>) dst(%arg10 : memref<16x640xf32, #tpu.memory_space<vmem>>)
      tpu.yield
    }) : () -> ()
    %scan3A_64 = arith.constant 0 : i32
    %scan3A_65 = arith.constant 0 : i32
    %scan3A_66 = arith.constant 40 : i32
    %scan3A_67 = arith.addi %scan3A_65, %scan3A_66 : i32
    %scan3A_68 = arith.constant 1 : i32
    %scan3A_69 = scf.for %scan3A_78 = %scan3A_65 to %scan3A_67 step %scan3A_68 iter_args(%scan3A_79 = %scan3A_64) -> (i32)  : i32 {
      %mul3A_80 = arith.constant 16 : i32
      %mul3A_81 = arith.muli %scan3A_78, %mul3A_80 : i32
      %get3A = arith.constant 0 : i32
      %get3A_82 = arith.index_cast %get3A : i32 to index
      %get3A_83 = arith.index_cast %mul3A_81 : i32 to index
      %get3A_84 = tpu.vector_load %arg10[%get3A_82, %get3A_83] {strides = array<i32>} : memref<16x640xf32, #tpu.memory_space<vmem>>, vector<16xf32>,
      %mul3A_85 = arith.constant 16 : i32
      %mul3A_86 = arith.muli %scan3A_78, %mul3A_85 : i32
      %get3A_87 = arith.constant 1 : i32
      %get3A_88 = arith.index_cast %get3A_87 : i32 to index
      %get3A_89 = arith.index_cast %mul3A_86 : i32 to index
      %get3A_90 = tpu.vector_load %arg10[%get3A_88, %get3A_89] {strides = array<i32>} : memref<16x640xf32, #tpu.memory_space<vmem>>, vector<16xf32>,
      %add3A_91 = arith.addf %get3A_84, %get3A_90 : vector<16xf32>
      %mul3A_92 = arith.constant 16 : i32
      %mul3A_93 = arith.muli %scan3A_78, %mul3A_92 : i32
      %get3A_94 = arith.constant 2 : i32
      %get3A_95 = arith.index_cast %get3A_94 : i32 to index
      %get3A_96 = arith.index_cast %mul3A_93 : i32 to index
      %get3A_97 = tpu.vector_load %arg10[%get3A_95, %get3A_96] {strides = array<i32>} : memref<16x640xf32, #tpu.memory_space<vmem>>, vector<16xf32>,
      %add3A_98 = arith.addf %add3A_91, %get3A_97 : vector<16xf32>
      %mul3A_99 = arith.constant 16 : i32
      %mul3A_100 = arith.muli %scan3A_78, %mul3A_99 : i32
      %get3A_101 = arith.constant 3 : i32
      %get3A_102 = arith.index_cast %get3A_101 : i32 to index
      %get3A_103 = arith.index_cast %mul3A_100 : i32 to index
      %get3A_104 = tpu.vector_load %arg10[%get3A_102, %get3A_103] {strides = array<i32>} : memref<16x640xf32, #tpu.memory_space<vmem>>, vector<16xf32>,
      %add3A_105 = arith.addf %add3A_98, %get3A_104 : vector<16xf32>
      %mul3A_106 = arith.constant 16 : i32
      %mul3A_107 = arith.muli %scan3A_78, %mul3A_106 : i32
      %get3A_108 = arith.constant 4 : i32
      %get3A_109 = arith.index_cast %get3A_108 : i32 to index
      %get3A_110 = arith.index_cast %mul3A_107 : i32 to index
      %get3A_111 = tpu.vector_load %arg10[%get3A_109, %get3A_110] {strides = array<i32>} : memref<16x640xf32, #tpu.memory_space<vmem>>, vector<16xf32>,
      %add3A_112 = arith.addf %add3A_105, %get3A_111 : vector<16xf32>
      %mul3A_113 = arith.constant 16 : i32
      %mul3A_114 = arith.muli %scan3A_78, %mul3A_113 : i32
      %get3A_115 = arith.constant 5 : i32
      %get3A_116 = arith.index_cast %get3A_115 : i32 to index
      %get3A_117 = arith.index_cast %mul3A_114 : i32 to index
      %get3A_118 = tpu.vector_load %arg10[%get3A_116, %get3A_117] {strides = array<i32>} : memref<16x640xf32, #tpu.memory_space<vmem>>, vector<16xf32>,
      %add3A_119 = arith.addf %add3A_112, %get3A_118 : vector<16xf32>
      %mul3A_120 = arith.constant 16 : i32
      %mul3A_121 = arith.muli %scan3A_78, %mul3A_120 : i32
      %get3A_122 = arith.constant 6 : i32
      %get3A_123 = arith.index_cast %get3A_122 : i32 to index
      %get3A_124 = arith.index_cast %mul3A_121 : i32 to index
      %get3A_125 = tpu.vector_load %arg10[%get3A_123, %get3A_124] {strides = array<i32>} : memref<16x640xf32, #tpu.memory_space<vmem>>, vector<16xf32>,
      %add3A_126 = arith.addf %add3A_119, %get3A_125 : vector<16xf32>
      %mul3A_127 = arith.constant 16 : i32
      %mul3A_128 = arith.muli %scan3A_78, %mul3A_127 : i32
      %get3A_129 = arith.constant 7 : i32
      %get3A_130 = arith.index_cast %get3A_129 : i32 to index
      %get3A_131 = arith.index_cast %mul3A_128 : i32 to index
      %get3A_132 = tpu.vector_load %arg10[%get3A_130, %get3A_131] {strides = array<i32>} : memref<16x640xf32, #tpu.memory_space<vmem>>, vector<16xf32>,
      %add3A_133 = arith.addf %add3A_126, %get3A_132 : vector<16xf32>
      %mul3A_134 = arith.constant 16 : i32
      %mul3A_135 = arith.muli %scan3A_78, %mul3A_134 : i32
      %get3A_136 = arith.constant 8 : i32
      %get3A_137 = arith.index_cast %get3A_136 : i32 to index
      %get3A_138 = arith.index_cast %mul3A_135 : i32 to index
      %get3A_139 = tpu.vector_load %arg10[%get3A_137, %get3A_138] {strides = array<i32>} : memref<16x640xf32, #tpu.memory_space<vmem>>, vector<16xf32>,
      %add3A_140 = arith.addf %add3A_133, %get3A_139 : vector<16xf32>
      %mul3A_141 = arith.constant 16 : i32
      %mul3A_142 = arith.muli %scan3A_78, %mul3A_141 : i32
      %get3A_143 = arith.constant 9 : i32
      %get3A_144 = arith.index_cast %get3A_143 : i32 to index
      %get3A_145 = arith.index_cast %mul3A_142 : i32 to index
      %get3A_146 = tpu.vector_load %arg10[%get3A_144, %get3A_145] {strides = array<i32>} : memref<16x640xf32, #tpu.memory_space<vmem>>, vector<16xf32>,
      %add3A_147 = arith.addf %add3A_140, %get3A_146 : vector<16xf32>
      %mul3A_148 = arith.constant 16 : i32
      %mul3A_149 = arith.muli %scan3A_78, %mul3A_148 : i32
      %get3A_150 = arith.constant 10 : i32
      %get3A_151 = arith.index_cast %get3A_150 : i32 to index
      %get3A_152 = arith.index_cast %mul3A_149 : i32 to index
      %get3A_153 = tpu.vector_load %arg10[%get3A_151, %get3A_152] {strides = array<i32>} : memref<16x640xf32, #tpu.memory_space<vmem>>, vector<16xf32>,
      %add3A_154 = arith.addf %add3A_147, %get3A_153 : vector<16xf32>
      %mul3A_155 = arith.constant 16 : i32
      %mul3A_156 = arith.muli %scan3A_78, %mul3A_155 : i32
      %get3A_157 = arith.constant 11 : i32
      %get3A_158 = arith.index_cast %get3A_157 : i32 to index
      %get3A_159 = arith.index_cast %mul3A_156 : i32 to index
      %get3A_160 = tpu.vector_load %arg10[%get3A_158, %get3A_159] {strides = array<i32>} : memref<16x640xf32, #tpu.memory_space<vmem>>, vector<16xf32>,
      %add3A_161 = arith.addf %add3A_154, %get3A_160 : vector<16xf32>
      %mul3A_162 = arith.constant 16 : i32
      %mul3A_163 = arith.muli %scan3A_78, %mul3A_162 : i32
      %get3A_164 = arith.constant 12 : i32
      %get3A_165 = arith.index_cast %get3A_164 : i32 to index
      %get3A_166 = arith.index_cast %mul3A_163 : i32 to index
      %get3A_167 = tpu.vector_load %arg10[%get3A_165, %get3A_166] {strides = array<i32>} : memref<16x640xf32, #tpu.memory_space<vmem>>, vector<16xf32>,
      %add3A_168 = arith.addf %add3A_161, %get3A_167 : vector<16xf32>
      %mul3A_169 = arith.constant 16 : i32
      %mul3A_170 = arith.muli %scan3A_78, %mul3A_169 : i32
      %get3A_171 = arith.constant 13 : i32
      %get3A_172 = arith.index_cast %get3A_171 : i32 to index
      %get3A_173 = arith.index_cast %mul3A_170 : i32 to index
      %get3A_174 = tpu.vector_load %arg10[%get3A_172, %get3A_173] {strides = array<i32>} : memref<16x640xf32, #tpu.memory_space<vmem>>, vector<16xf32>,
      %add3A_175 = arith.addf %add3A_168, %get3A_174 : vector<16xf32>
      %mul3A_176 = arith.constant 16 : i32
      %mul3A_177 = arith.muli %scan3A_78, %mul3A_176 : i32
      %get3A_178 = arith.constant 14 : i32
      %get3A_179 = arith.index_cast %get3A_178 : i32 to index
      %get3A_180 = arith.index_cast %mul3A_177 : i32 to index
      %get3A_181 = tpu.vector_load %arg10[%get3A_179, %get3A_180] {strides = array<i32>} : memref<16x640xf32, #tpu.memory_space<vmem>>, vector<16xf32>,
      %add3A_182 = arith.addf %add3A_175, %get3A_181 : vector<16xf32>
      %mul3A_183 = arith.constant 16 : i32
      %mul3A_184 = arith.muli %scan3A_78, %mul3A_183 : i32
      %get3A_185 = arith.constant 15 : i32
      %get3A_186 = arith.index_cast %get3A_185 : i32 to index
      %get3A_187 = arith.index_cast %mul3A_184 : i32 to index
      %get3A_188 = tpu.vector_load %arg10[%get3A_186, %get3A_187] {strides = array<i32>} : memref<16x640xf32, #tpu.memory_space<vmem>>, vector<16xf32>,
      %add3A_189 = arith.addf %add3A_182, %get3A_188 : vector<16xf32>
      %mul3A_190 = arith.constant 16 : i32
      %mul3A_191 = arith.muli %scan3A_78, %mul3A_190 : i32
      %swap3A = arith.index_cast %mul3A_191 : i32 to index
      %swap3A_192 = tpu.vector_load %arg11[%swap3A] {strides = array<i32>} : memref<640xf32, #tpu.memory_space<vmem>>, vector<16xf32>,
      tpu.vector_store %arg11[%swap3A], %add3A_189 {strides = array<i32>} : memref<640xf32, #tpu.memory_space<vmem>>, vector<16xf32>,
      %scan3A_193 = arith.constant 0 : i32
      scf.yield %scan3A_193 : i32
    }
    %scan3A_70 = arith.constant 40 : i32
    %eq3A = arith.constant 0 : i32
    %eq3A_71 = arith.cmpi eq, %arg0, %eq3A : i32
    %convert_element_type3A = arith.extui %eq3A_71 : i1 to i32
    %cond3A = arith.constant 0 : i32
    %cond3A_72 = arith.cmpi ne, %convert_element_type3A, %cond3A : i32
    scf.if %cond3A_72 {
      %mul3A_78 = arith.constant 640 : i32
      %mul3A_79 = arith.muli %arg1, %mul3A_78 : i32
      "tpu.region"() ({
        %run_scoped3A = tpu.sem_alloc : memref<!tpu.dma_semaphore, #tpu.memory_space<semaphore_mem>>
        %dma_start3A = tpu.memref_slice %arg4[%mul3A_79] : memref<10240xf32, #tpu.memory_space<hbm>> -> memref<640xf32, #tpu.memory_space<hbm>>
        %dma_start3A_80 = tpu.memref_slice %arg4[%mul3A_79] : memref<10240xf32, #tpu.memory_space<hbm>> -> memref<640xf32, #tpu.memory_space<hbm>>
        tpu.enqueue_dma source(%arg11 : memref<640xf32, #tpu.memory_space<vmem>>) target(%dma_start3A_80 : memref<640xf32, #tpu.memory_space<hbm>>) target_semaphore(%run_scoped3A : memref<!tpu.dma_semaphore, #tpu.memory_space<semaphore_mem>>)
        %dma_wait3A = tpu.memref_slice %arg4[%mul3A_79] : memref<10240xf32, #tpu.memory_space<hbm>> -> memref<640xf32, #tpu.memory_space<hbm>>
        %dma_wait3A_81 = tpu.memref_slice %arg4[%mul3A_79] : memref<10240xf32, #tpu.memory_space<hbm>> -> memref<640xf32, #tpu.memory_space<hbm>>
        tpu.wait_dma2 semaphore(%run_scoped3A : memref<!tpu.dma_semaphore, #tpu.memory_space<semaphore_mem>>) src(%arg11 : memref<640xf32, #tpu.memory_space<vmem>>) dst(%dma_wait3A_81 : memref<640xf32, #tpu.memory_space<hbm>>)
        tpu.yield
      }) : () -> ()
    } else {
    }
    %eq3A_73 = arith.constant 1 : i32
    %eq3A_74 = arith.cmpi eq, %arg0, %eq3A_73 : i32
    %convert_element_type3A_75 = arith.extui %eq3A_74 : i1 to i32
    %cond3A_76 = arith.constant 0 : i32
    %cond3A_77 = arith.cmpi ne, %convert_element_type3A_75, %cond3A_76 : i32
    scf.if %cond3A_77 {
      %mul3A_78 = arith.constant 640 : i32
      %mul3A_79 = arith.muli %arg1, %mul3A_78 : i32
      "tpu.region"() ({
        %run_scoped3A = tpu.sem_alloc : memref<!tpu.dma_semaphore, #tpu.memory_space<semaphore_mem>>
        %dma_start3A = tpu.memref_slice %arg5[%mul3A_79] : memref<10240xf32, #tpu.memory_space<hbm>> -> memref<640xf32, #tpu.memory_space<hbm>>
        %dma_start3A_80 = tpu.memref_slice %arg5[%mul3A_79] : memref<10240xf32, #tpu.memory_space<hbm>> -> memref<640xf32, #tpu.memory_space<hbm>>
        tpu.enqueue_dma source(%arg11 : memref<640xf32, #tpu.memory_space<vmem>>) target(%dma_start3A_80 : memref<640xf32, #tpu.memory_space<hbm>>) target_semaphore(%run_scoped3A : memref<!tpu.dma_semaphore, #tpu.memory_space<semaphore_mem>>)
        %dma_wait3A = tpu.memref_slice %arg5[%mul3A_79] : memref<10240xf32, #tpu.memory_space<hbm>> -> memref<640xf32, #tpu.memory_space<hbm>>
        %dma_wait3A_81 = tpu.memref_slice %arg5[%mul3A_79] : memref<10240xf32, #tpu.memory_space<hbm>> -> memref<640xf32, #tpu.memory_space<hbm>>
        tpu.wait_dma2 semaphore(%run_scoped3A : memref<!tpu.dma_semaphore, #tpu.memory_space<semaphore_mem>>) src(%arg11 : memref<640xf32, #tpu.memory_space<vmem>>) dst(%dma_wait3A_81 : memref<640xf32, #tpu.memory_space<hbm>>)
        tpu.yield
      }) : () -> ()
    } else {
    }
    return
  }
}

#map = affine_map<(d0, d1) -> (0, 0)>
#map1 = affine_map<(d0, d1) -> (0, 0, 0)>
module attributes {stable_mosaic.version = 14 : i64} {
  func.func @_sc_spmm(%arg0: i32, %arg1: i32, %arg2: memref<10240x128xf32, #tpu.memory_space<hbm>>, %arg3: memref<2560x128xi32, #tpu.memory_space<hbm>>, %arg4: memref<2560x128xi32, #tpu.memory_space<hbm>>, %arg5: memref<2560x128xf32, #tpu.memory_space<hbm>>, %arg6: memref<2x10240x128xf32, #tpu.memory_space<hbm>>, %arg7: memref<2x8x128xi32, #tpu.memory_space<vmem>>, %arg8: memref<2x8x128xi32, #tpu.memory_space<vmem>>, %arg9: memref<2x8x128xf32, #tpu.memory_space<vmem>>, %arg10: memref<2x128x128xf32, #tpu.memory_space<vmem>>, %arg11: memref<10240x128xf32, #tpu.memory_space<vmem_shared>>, %arg12: memref<!tpu.dma_semaphore, #tpu.memory_space<semaphore_mem>>, %arg13: memref<!tpu.dma_semaphore, #tpu.memory_space<semaphore_mem>>, %arg14: memref<!tpu.dma_semaphore, #tpu.memory_space<semaphore_mem>>, %arg15: memref<!tpu.dma_semaphore, #tpu.memory_space<semaphore_mem>>) attributes {dimension_semantics = [#tpu.dimension_semantics<core_parallel>, #tpu.dimension_semantics<subcore_parallel>], iteration_bounds = array<i64: 2, 16>, scalar_prefetch = 0 : i64, scratch_operands = 9 : i64, tpu.core_type = #tpu.core_type<sc_vector_subcore>, window_params = [{transform_indices = #map}, {transform_indices = #map}, {transform_indices = #map}, {transform_indices = #map}, {transform_indices = #map1}]} {
    %eq3A = arith.constant 0 : i32
    %eq3A_0 = arith.cmpi eq, %arg0, %eq3A : i32
    %jit3A = arith.constant 120 : i32
    %jit3A_1 = arith.constant 40 : i32
    %select_n3A = arith.select %eq3A_0, %jit3A, %jit3A_1 : i32
    %eq3A_2 = arith.constant 0 : i32
    %eq3A_3 = arith.cmpi eq, %arg0, %eq3A_2 : i32
    %mul3A = arith.constant 120 : i32
    %mul3A_4 = arith.muli %arg1, %mul3A : i32
    %mul3A_5 = arith.constant 40 : i32
    %mul3A_6 = arith.muli %arg1, %mul3A_5 : i32
    %add3A = arith.constant 1920 : i32
    %add3A_7 = arith.addi %add3A, %mul3A_6 : i32
    %select_n3A_8 = arith.select %eq3A_3, %mul3A_4, %add3A_7 : i32
    %scan3A = arith.constant 0 : i32
    %scan3A_9 = arith.constant 0 : i32
    %scan3A_10 = arith.constant 128 : i32
    %scan3A_11 = arith.addi %scan3A_9, %scan3A_10 : i32
    %scan3A_12 = arith.constant 1 : i32
    %scan3A_13 = scf.for %scan3A_100 = %scan3A_9 to %scan3A_11 step %scan3A_12 iter_args(%scan3A_101 = %scan3A) -> (i32)  : i32 {
      %broadcast_in_dim3A = arith.constant 0.000000e+00 : f32
      %broadcast_in_dim3A_102 = vector.broadcast %broadcast_in_dim3A : f32 to vector<16xf32>
      %swap3A = arith.constant 0 : i32
      %swap3A_103 = arith.index_cast %swap3A : i32 to index
      %swap3A_104 = arith.index_cast %scan3A_100 : i32 to index
      %swap3A_105 = arith.constant 0 : index
      %swap3A_106 = tpu.vector_load %arg10[%swap3A_103, %swap3A_104, %swap3A_105] {strides = array<i32>} : memref<2x128x128xf32, #tpu.memory_space<vmem>>, vector<16xf32>,
      tpu.vector_store %arg10[%swap3A_103, %swap3A_104, %swap3A_105], %broadcast_in_dim3A_102 {strides = array<i32>} : memref<2x128x128xf32, #tpu.memory_space<vmem>>, vector<16xf32>,
      %broadcast_in_dim3A_107 = arith.constant 0.000000e+00 : f32
      %broadcast_in_dim3A_108 = vector.broadcast %broadcast_in_dim3A_107 : f32 to vector<16xf32>
      %swap3A_109 = arith.constant 0 : i32
      %swap3A_110 = arith.index_cast %swap3A_109 : i32 to index
      %swap3A_111 = arith.index_cast %scan3A_100 : i32 to index
      %swap3A_112 = arith.constant 16 : index
      %swap3A_113 = tpu.vector_load %arg10[%swap3A_110, %swap3A_111, %swap3A_112] {strides = array<i32>} : memref<2x128x128xf32, #tpu.memory_space<vmem>>, vector<16xf32>,
      tpu.vector_store %arg10[%swap3A_110, %swap3A_111, %swap3A_112], %broadcast_in_dim3A_108 {strides = array<i32>} : memref<2x128x128xf32, #tpu.memory_space<vmem>>, vector<16xf32>,
      %broadcast_in_dim3A_114 = arith.constant 0.000000e+00 : f32
      %broadcast_in_dim3A_115 = vector.broadcast %broadcast_in_dim3A_114 : f32 to vector<16xf32>
      %swap3A_116 = arith.constant 0 : i32
      %swap3A_117 = arith.index_cast %swap3A_116 : i32 to index
      %swap3A_118 = arith.index_cast %scan3A_100 : i32 to index
      %swap3A_119 = arith.constant 32 : index
      %swap3A_120 = tpu.vector_load %arg10[%swap3A_117, %swap3A_118, %swap3A_119] {strides = array<i32>} : memref<2x128x128xf32, #tpu.memory_space<vmem>>, vector<16xf32>,
      tpu.vector_store %arg10[%swap3A_117, %swap3A_118, %swap3A_119], %broadcast_in_dim3A_115 {strides = array<i32>} : memref<2x128x128xf32, #tpu.memory_space<vmem>>, vector<16xf32>,
      %broadcast_in_dim3A_121 = arith.constant 0.000000e+00 : f32
      %broadcast_in_dim3A_122 = vector.broadcast %broadcast_in_dim3A_121 : f32 to vector<16xf32>
      %swap3A_123 = arith.constant 0 : i32
      %swap3A_124 = arith.index_cast %swap3A_123 : i32 to index
      %swap3A_125 = arith.index_cast %scan3A_100 : i32 to index
      %swap3A_126 = arith.constant 48 : index
      %swap3A_127 = tpu.vector_load %arg10[%swap3A_124, %swap3A_125, %swap3A_126] {strides = array<i32>} : memref<2x128x128xf32, #tpu.memory_space<vmem>>, vector<16xf32>,
      tpu.vector_store %arg10[%swap3A_124, %swap3A_125, %swap3A_126], %broadcast_in_dim3A_122 {strides = array<i32>} : memref<2x128x128xf32, #tpu.memory_space<vmem>>, vector<16xf32>,
      %broadcast_in_dim3A_128 = arith.constant 0.000000e+00 : f32
      %broadcast_in_dim3A_129 = vector.broadcast %broadcast_in_dim3A_128 : f32 to vector<16xf32>
      %swap3A_130 = arith.constant 0 : i32
      %swap3A_131 = arith.index_cast %swap3A_130 : i32 to index
      %swap3A_132 = arith.index_cast %scan3A_100 : i32 to index
      %swap3A_133 = arith.constant 64 : index
      %swap3A_134 = tpu.vector_load %arg10[%swap3A_131, %swap3A_132, %swap3A_133] {strides = array<i32>} : memref<2x128x128xf32, #tpu.memory_space<vmem>>, vector<16xf32>,
      tpu.vector_store %arg10[%swap3A_131, %swap3A_132, %swap3A_133], %broadcast_in_dim3A_129 {strides = array<i32>} : memref<2x128x128xf32, #tpu.memory_space<vmem>>, vector<16xf32>,
      %broadcast_in_dim3A_135 = arith.constant 0.000000e+00 : f32
      %broadcast_in_dim3A_136 = vector.broadcast %broadcast_in_dim3A_135 : f32 to vector<16xf32>
      %swap3A_137 = arith.constant 0 : i32
      %swap3A_138 = arith.index_cast %swap3A_137 : i32 to index
      %swap3A_139 = arith.index_cast %scan3A_100 : i32 to index
      %swap3A_140 = arith.constant 80 : index
      %swap3A_141 = tpu.vector_load %arg10[%swap3A_138, %swap3A_139, %swap3A_140] {strides = array<i32>} : memref<2x128x128xf32, #tpu.memory_space<vmem>>, vector<16xf32>,
      tpu.vector_store %arg10[%swap3A_138, %swap3A_139, %swap3A_140], %broadcast_in_dim3A_136 {strides = array<i32>} : memref<2x128x128xf32, #tpu.memory_space<vmem>>, vector<16xf32>,
      %broadcast_in_dim3A_142 = arith.constant 0.000000e+00 : f32
      %broadcast_in_dim3A_143 = vector.broadcast %broadcast_in_dim3A_142 : f32 to vector<16xf32>
      %swap3A_144 = arith.constant 0 : i32
      %swap3A_145 = arith.index_cast %swap3A_144 : i32 to index
      %swap3A_146 = arith.index_cast %scan3A_100 : i32 to index
      %swap3A_147 = arith.constant 96 : index
      %swap3A_148 = tpu.vector_load %arg10[%swap3A_145, %swap3A_146, %swap3A_147] {strides = array<i32>} : memref<2x128x128xf32, #tpu.memory_space<vmem>>, vector<16xf32>,
      tpu.vector_store %arg10[%swap3A_145, %swap3A_146, %swap3A_147], %broadcast_in_dim3A_143 {strides = array<i32>} : memref<2x128x128xf32, #tpu.memory_space<vmem>>, vector<16xf32>,
      %broadcast_in_dim3A_149 = arith.constant 0.000000e+00 : f32
      %broadcast_in_dim3A_150 = vector.broadcast %broadcast_in_dim3A_149 : f32 to vector<16xf32>
      %swap3A_151 = arith.constant 0 : i32
      %swap3A_152 = arith.index_cast %swap3A_151 : i32 to index
      %swap3A_153 = arith.index_cast %scan3A_100 : i32 to index
      %swap3A_154 = arith.constant 112 : index
      %swap3A_155 = tpu.vector_load %arg10[%swap3A_152, %swap3A_153, %swap3A_154] {strides = array<i32>} : memref<2x128x128xf32, #tpu.memory_space<vmem>>, vector<16xf32>,
      tpu.vector_store %arg10[%swap3A_152, %swap3A_153, %swap3A_154], %broadcast_in_dim3A_150 {strides = array<i32>} : memref<2x128x128xf32, #tpu.memory_space<vmem>>, vector<16xf32>,
      %scan3A_156 = arith.constant 0 : i32
      scf.yield %scan3A_156 : i32
    }
    %scan3A_14 = arith.constant 128 : i32
    %mul3A_15 = arith.constant 640 : i32
    %mul3A_16 = arith.muli %arg1, %mul3A_15 : i32
    %add3A_17 = arith.constant 0 : i32
    %add3A_18 = arith.addi %mul3A_16, %add3A_17 : i32
    %run_scoped3A = arith.constant 0 : i32
    "tpu.region"() ({
      %run_scoped3A_100 = tpu.sem_alloc : memref<!tpu.dma_semaphore, #tpu.memory_space<semaphore_mem>>
      %dma_start3A_101 = arith.constant 0 : i32
      %dma_start3A_102 = arith.constant 0 : i32
      %dma_start3A_103 = tpu.memref_slice %arg10[%run_scoped3A, %dma_start3A_101, %dma_start3A_102] : memref<2x128x128xf32, #tpu.memory_space<vmem>> -> memref<1x128x128xf32, #tpu.memory_space<vmem>>
      %dma_start3A_104 = tpu.memref_squeeze %dma_start3A_103 : memref<1x128x128xf32, #tpu.memory_space<vmem>> -> memref<128x128xf32, #tpu.memory_space<vmem>>
      %dma_start3A_105 = arith.constant 0 : i32
      %dma_start3A_106 = tpu.memref_slice %arg11[%add3A_18, %dma_start3A_105] : memref<10240x128xf32, #tpu.memory_space<vmem_shared>> -> memref<128x128xf32, #tpu.memory_space<vmem_shared>>
      %dma_start3A_107 = arith.constant 0 : i32
      %dma_start3A_108 = tpu.memref_slice %arg11[%add3A_18, %dma_start3A_107] : memref<10240x128xf32, #tpu.memory_space<vmem_shared>> -> memref<128x128xf32, #tpu.memory_space<vmem_shared>>
      %dma_start3A_109 = arith.constant 0 : i32
      %dma_start3A_110 = arith.constant 0 : i32
      %dma_start3A_111 = tpu.memref_slice %arg10[%run_scoped3A, %dma_start3A_109, %dma_start3A_110] : memref<2x128x128xf32, #tpu.memory_space<vmem>> -> memref<1x128x128xf32, #tpu.memory_space<vmem>>
      %dma_start3A_112 = tpu.memref_squeeze %dma_start3A_111 : memref<1x128x128xf32, #tpu.memory_space<vmem>> -> memref<128x128xf32, #tpu.memory_space<vmem>>
      tpu.enqueue_dma source(%dma_start3A_112 : memref<128x128xf32, #tpu.memory_space<vmem>>) target(%dma_start3A_108 : memref<128x128xf32, #tpu.memory_space<vmem_shared>>) target_semaphore(%run_scoped3A_100 : memref<!tpu.dma_semaphore, #tpu.memory_space<semaphore_mem>>)
      %dma_wait3A_113 = arith.constant 0 : i32
      %dma_wait3A_114 = arith.constant 0 : i32
      %dma_wait3A_115 = tpu.memref_slice %arg10[%run_scoped3A, %dma_wait3A_113, %dma_wait3A_114] : memref<2x128x128xf32, #tpu.memory_space<vmem>> -> memref<1x128x128xf32, #tpu.memory_space<vmem>>
      %dma_wait3A_116 = tpu.memref_squeeze %dma_wait3A_115 : memref<1x128x128xf32, #tpu.memory_space<vmem>> -> memref<128x128xf32, #tpu.memory_space<vmem>>
      %dma_wait3A_117 = arith.constant 0 : i32
      %dma_wait3A_118 = tpu.memref_slice %arg11[%add3A_18, %dma_wait3A_117] : memref<10240x128xf32, #tpu.memory_space<vmem_shared>> -> memref<128x128xf32, #tpu.memory_space<vmem_shared>>
      %dma_wait3A_119 = arith.constant 0 : i32
      %dma_wait3A_120 = tpu.memref_slice %arg11[%add3A_18, %dma_wait3A_119] : memref<10240x128xf32, #tpu.memory_space<vmem_shared>> -> memref<128x128xf32, #tpu.memory_space<vmem_shared>>
      %dma_wait3A_121 = arith.constant 0 : i32
      %dma_wait3A_122 = arith.constant 0 : i32
      %dma_wait3A_123 = tpu.memref_slice %arg10[%run_scoped3A, %dma_wait3A_121, %dma_wait3A_122] : memref<2x128x128xf32, #tpu.memory_space<vmem>> -> memref<1x128x128xf32, #tpu.memory_space<vmem>>
      %dma_wait3A_124 = tpu.memref_squeeze %dma_wait3A_123 : memref<1x128x128xf32, #tpu.memory_space<vmem>> -> memref<128x128xf32, #tpu.memory_space<vmem>>
      tpu.wait_dma2 semaphore(%run_scoped3A_100 : memref<!tpu.dma_semaphore, #tpu.memory_space<semaphore_mem>>) src(%dma_wait3A_124 : memref<128x128xf32, #tpu.memory_space<vmem>>) dst(%dma_wait3A_120 : memref<128x128xf32, #tpu.memory_space<vmem_shared>>)
      tpu.yield
    }) : () -> ()
    %mul3A_19 = arith.constant 640 : i32
    %mul3A_20 = arith.muli %arg1, %mul3A_19 : i32
    %add3A_21 = arith.constant 128 : i32
    %add3A_22 = arith.addi %mul3A_20, %add3A_21 : i32
    %run_scoped3A_23 = arith.constant 0 : i32
    "tpu.region"() ({
      %run_scoped3A_100 = tpu.sem_alloc : memref<!tpu.dma_semaphore, #tpu.memory_space<semaphore_mem>>
      %dma_start3A_101 = arith.constant 0 : i32
      %dma_start3A_102 = arith.constant 0 : i32
      %dma_start3A_103 = tpu.memref_slice %arg10[%run_scoped3A_23, %dma_start3A_101, %dma_start3A_102] : memref<2x128x128xf32, #tpu.memory_space<vmem>> -> memref<1x128x128xf32, #tpu.memory_space<vmem>>
      %dma_start3A_104 = tpu.memref_squeeze %dma_start3A_103 : memref<1x128x128xf32, #tpu.memory_space<vmem>> -> memref<128x128xf32, #tpu.memory_space<vmem>>
      %dma_start3A_105 = arith.constant 0 : i32
      %dma_start3A_106 = tpu.memref_slice %arg11[%add3A_22, %dma_start3A_105] : memref<10240x128xf32, #tpu.memory_space<vmem_shared>> -> memref<128x128xf32, #tpu.memory_space<vmem_shared>>
      %dma_start3A_107 = arith.constant 0 : i32
      %dma_start3A_108 = tpu.memref_slice %arg11[%add3A_22, %dma_start3A_107] : memref<10240x128xf32, #tpu.memory_space<vmem_shared>> -> memref<128x128xf32, #tpu.memory_space<vmem_shared>>
      %dma_start3A_109 = arith.constant 0 : i32
      %dma_start3A_110 = arith.constant 0 : i32
      %dma_start3A_111 = tpu.memref_slice %arg10[%run_scoped3A_23, %dma_start3A_109, %dma_start3A_110] : memref<2x128x128xf32, #tpu.memory_space<vmem>> -> memref<1x128x128xf32, #tpu.memory_space<vmem>>
      %dma_start3A_112 = tpu.memref_squeeze %dma_start3A_111 : memref<1x128x128xf32, #tpu.memory_space<vmem>> -> memref<128x128xf32, #tpu.memory_space<vmem>>
      tpu.enqueue_dma source(%dma_start3A_112 : memref<128x128xf32, #tpu.memory_space<vmem>>) target(%dma_start3A_108 : memref<128x128xf32, #tpu.memory_space<vmem_shared>>) target_semaphore(%run_scoped3A_100 : memref<!tpu.dma_semaphore, #tpu.memory_space<semaphore_mem>>)
      %dma_wait3A_113 = arith.constant 0 : i32
      %dma_wait3A_114 = arith.constant 0 : i32
      %dma_wait3A_115 = tpu.memref_slice %arg10[%run_scoped3A_23, %dma_wait3A_113, %dma_wait3A_114] : memref<2x128x128xf32, #tpu.memory_space<vmem>> -> memref<1x128x128xf32, #tpu.memory_space<vmem>>
      %dma_wait3A_116 = tpu.memref_squeeze %dma_wait3A_115 : memref<1x128x128xf32, #tpu.memory_space<vmem>> -> memref<128x128xf32, #tpu.memory_space<vmem>>
      %dma_wait3A_117 = arith.constant 0 : i32
      %dma_wait3A_118 = tpu.memref_slice %arg11[%add3A_22, %dma_wait3A_117] : memref<10240x128xf32, #tpu.memory_space<vmem_shared>> -> memref<128x128xf32, #tpu.memory_space<vmem_shared>>
      %dma_wait3A_119 = arith.constant 0 : i32
      %dma_wait3A_120 = tpu.memref_slice %arg11[%add3A_22, %dma_wait3A_119] : memref<10240x128xf32, #tpu.memory_space<vmem_shared>> -> memref<128x128xf32, #tpu.memory_space<vmem_shared>>
      %dma_wait3A_121 = arith.constant 0 : i32
      %dma_wait3A_122 = arith.constant 0 : i32
      %dma_wait3A_123 = tpu.memref_slice %arg10[%run_scoped3A_23, %dma_wait3A_121, %dma_wait3A_122] : memref<2x128x128xf32, #tpu.memory_space<vmem>> -> memref<1x128x128xf32, #tpu.memory_space<vmem>>
      %dma_wait3A_124 = tpu.memref_squeeze %dma_wait3A_123 : memref<1x128x128xf32, #tpu.memory_space<vmem>> -> memref<128x128xf32, #tpu.memory_space<vmem>>
      tpu.wait_dma2 semaphore(%run_scoped3A_100 : memref<!tpu.dma_semaphore, #tpu.memory_space<semaphore_mem>>) src(%dma_wait3A_124 : memref<128x128xf32, #tpu.memory_space<vmem>>) dst(%dma_wait3A_120 : memref<128x128xf32, #tpu.memory_space<vmem_shared>>)
      tpu.yield
    }) : () -> ()
    %mul3A_24 = arith.constant 640 : i32
    %mul3A_25 = arith.muli %arg1, %mul3A_24 : i32
    %add3A_26 = arith.constant 256 : i32
    %add3A_27 = arith.addi %mul3A_25, %add3A_26 : i32
    %run_scoped3A_28 = arith.constant 0 : i32
    "tpu.region"() ({
      %run_scoped3A_100 = tpu.sem_alloc : memref<!tpu.dma_semaphore, #tpu.memory_space<semaphore_mem>>
      %dma_start3A_101 = arith.constant 0 : i32
      %dma_start3A_102 = arith.constant 0 : i32
      %dma_start3A_103 = tpu.memref_slice %arg10[%run_scoped3A_28, %dma_start3A_101, %dma_start3A_102] : memref<2x128x128xf32, #tpu.memory_space<vmem>> -> memref<1x128x128xf32, #tpu.memory_space<vmem>>
      %dma_start3A_104 = tpu.memref_squeeze %dma_start3A_103 : memref<1x128x128xf32, #tpu.memory_space<vmem>> -> memref<128x128xf32, #tpu.memory_space<vmem>>
      %dma_start3A_105 = arith.constant 0 : i32
      %dma_start3A_106 = tpu.memref_slice %arg11[%add3A_27, %dma_start3A_105] : memref<10240x128xf32, #tpu.memory_space<vmem_shared>> -> memref<128x128xf32, #tpu.memory_space<vmem_shared>>
      %dma_start3A_107 = arith.constant 0 : i32
      %dma_start3A_108 = tpu.memref_slice %arg11[%add3A_27, %dma_start3A_107] : memref<10240x128xf32, #tpu.memory_space<vmem_shared>> -> memref<128x128xf32, #tpu.memory_space<vmem_shared>>
      %dma_start3A_109 = arith.constant 0 : i32
      %dma_start3A_110 = arith.constant 0 : i32
      %dma_start3A_111 = tpu.memref_slice %arg10[%run_scoped3A_28, %dma_start3A_109, %dma_start3A_110] : memref<2x128x128xf32, #tpu.memory_space<vmem>> -> memref<1x128x128xf32, #tpu.memory_space<vmem>>
      %dma_start3A_112 = tpu.memref_squeeze %dma_start3A_111 : memref<1x128x128xf32, #tpu.memory_space<vmem>> -> memref<128x128xf32, #tpu.memory_space<vmem>>
      tpu.enqueue_dma source(%dma_start3A_112 : memref<128x128xf32, #tpu.memory_space<vmem>>) target(%dma_start3A_108 : memref<128x128xf32, #tpu.memory_space<vmem_shared>>) target_semaphore(%run_scoped3A_100 : memref<!tpu.dma_semaphore, #tpu.memory_space<semaphore_mem>>)
      %dma_wait3A_113 = arith.constant 0 : i32
      %dma_wait3A_114 = arith.constant 0 : i32
      %dma_wait3A_115 = tpu.memref_slice %arg10[%run_scoped3A_28, %dma_wait3A_113, %dma_wait3A_114] : memref<2x128x128xf32, #tpu.memory_space<vmem>> -> memref<1x128x128xf32, #tpu.memory_space<vmem>>
      %dma_wait3A_116 = tpu.memref_squeeze %dma_wait3A_115 : memref<1x128x128xf32, #tpu.memory_space<vmem>> -> memref<128x128xf32, #tpu.memory_space<vmem>>
      %dma_wait3A_117 = arith.constant 0 : i32
      %dma_wait3A_118 = tpu.memref_slice %arg11[%add3A_27, %dma_wait3A_117] : memref<10240x128xf32, #tpu.memory_space<vmem_shared>> -> memref<128x128xf32, #tpu.memory_space<vmem_shared>>
      %dma_wait3A_119 = arith.constant 0 : i32
      %dma_wait3A_120 = tpu.memref_slice %arg11[%add3A_27, %dma_wait3A_119] : memref<10240x128xf32, #tpu.memory_space<vmem_shared>> -> memref<128x128xf32, #tpu.memory_space<vmem_shared>>
      %dma_wait3A_121 = arith.constant 0 : i32
      %dma_wait3A_122 = arith.constant 0 : i32
      %dma_wait3A_123 = tpu.memref_slice %arg10[%run_scoped3A_28, %dma_wait3A_121, %dma_wait3A_122] : memref<2x128x128xf32, #tpu.memory_space<vmem>> -> memref<1x128x128xf32, #tpu.memory_space<vmem>>
      %dma_wait3A_124 = tpu.memref_squeeze %dma_wait3A_123 : memref<1x128x128xf32, #tpu.memory_space<vmem>> -> memref<128x128xf32, #tpu.memory_space<vmem>>
      tpu.wait_dma2 semaphore(%run_scoped3A_100 : memref<!tpu.dma_semaphore, #tpu.memory_space<semaphore_mem>>) src(%dma_wait3A_124 : memref<128x128xf32, #tpu.memory_space<vmem>>) dst(%dma_wait3A_120 : memref<128x128xf32, #tpu.memory_space<vmem_shared>>)
      tpu.yield
    }) : () -> ()
    %mul3A_29 = arith.constant 640 : i32
    %mul3A_30 = arith.muli %arg1, %mul3A_29 : i32
    %add3A_31 = arith.constant 384 : i32
    %add3A_32 = arith.addi %mul3A_30, %add3A_31 : i32
    %run_scoped3A_33 = arith.constant 0 : i32
    "tpu.region"() ({
      %run_scoped3A_100 = tpu.sem_alloc : memref<!tpu.dma_semaphore, #tpu.memory_space<semaphore_mem>>
      %dma_start3A_101 = arith.constant 0 : i32
      %dma_start3A_102 = arith.constant 0 : i32
      %dma_start3A_103 = tpu.memref_slice %arg10[%run_scoped3A_33, %dma_start3A_101, %dma_start3A_102] : memref<2x128x128xf32, #tpu.memory_space<vmem>> -> memref<1x128x128xf32, #tpu.memory_space<vmem>>
      %dma_start3A_104 = tpu.memref_squeeze %dma_start3A_103 : memref<1x128x128xf32, #tpu.memory_space<vmem>> -> memref<128x128xf32, #tpu.memory_space<vmem>>
      %dma_start3A_105 = arith.constant 0 : i32
      %dma_start3A_106 = tpu.memref_slice %arg11[%add3A_32, %dma_start3A_105] : memref<10240x128xf32, #tpu.memory_space<vmem_shared>> -> memref<128x128xf32, #tpu.memory_space<vmem_shared>>
      %dma_start3A_107 = arith.constant 0 : i32
      %dma_start3A_108 = tpu.memref_slice %arg11[%add3A_32, %dma_start3A_107] : memref<10240x128xf32, #tpu.memory_space<vmem_shared>> -> memref<128x128xf32, #tpu.memory_space<vmem_shared>>
      %dma_start3A_109 = arith.constant 0 : i32
      %dma_start3A_110 = arith.constant 0 : i32
      %dma_start3A_111 = tpu.memref_slice %arg10[%run_scoped3A_33, %dma_start3A_109, %dma_start3A_110] : memref<2x128x128xf32, #tpu.memory_space<vmem>> -> memref<1x128x128xf32, #tpu.memory_space<vmem>>
      %dma_start3A_112 = tpu.memref_squeeze %dma_start3A_111 : memref<1x128x128xf32, #tpu.memory_space<vmem>> -> memref<128x128xf32, #tpu.memory_space<vmem>>
      tpu.enqueue_dma source(%dma_start3A_112 : memref<128x128xf32, #tpu.memory_space<vmem>>) target(%dma_start3A_108 : memref<128x128xf32, #tpu.memory_space<vmem_shared>>) target_semaphore(%run_scoped3A_100 : memref<!tpu.dma_semaphore, #tpu.memory_space<semaphore_mem>>)
      %dma_wait3A_113 = arith.constant 0 : i32
      %dma_wait3A_114 = arith.constant 0 : i32
      %dma_wait3A_115 = tpu.memref_slice %arg10[%run_scoped3A_33, %dma_wait3A_113, %dma_wait3A_114] : memref<2x128x128xf32, #tpu.memory_space<vmem>> -> memref<1x128x128xf32, #tpu.memory_space<vmem>>
      %dma_wait3A_116 = tpu.memref_squeeze %dma_wait3A_115 : memref<1x128x128xf32, #tpu.memory_space<vmem>> -> memref<128x128xf32, #tpu.memory_space<vmem>>
      %dma_wait3A_117 = arith.constant 0 : i32
      %dma_wait3A_118 = tpu.memref_slice %arg11[%add3A_32, %dma_wait3A_117] : memref<10240x128xf32, #tpu.memory_space<vmem_shared>> -> memref<128x128xf32, #tpu.memory_space<vmem_shared>>
      %dma_wait3A_119 = arith.constant 0 : i32
      %dma_wait3A_120 = tpu.memref_slice %arg11[%add3A_32, %dma_wait3A_119] : memref<10240x128xf32, #tpu.memory_space<vmem_shared>> -> memref<128x128xf32, #tpu.memory_space<vmem_shared>>
      %dma_wait3A_121 = arith.constant 0 : i32
      %dma_wait3A_122 = arith.constant 0 : i32
      %dma_wait3A_123 = tpu.memref_slice %arg10[%run_scoped3A_33, %dma_wait3A_121, %dma_wait3A_122] : memref<2x128x128xf32, #tpu.memory_space<vmem>> -> memref<1x128x128xf32, #tpu.memory_space<vmem>>
      %dma_wait3A_124 = tpu.memref_squeeze %dma_wait3A_123 : memref<1x128x128xf32, #tpu.memory_space<vmem>> -> memref<128x128xf32, #tpu.memory_space<vmem>>
      tpu.wait_dma2 semaphore(%run_scoped3A_100 : memref<!tpu.dma_semaphore, #tpu.memory_space<semaphore_mem>>) src(%dma_wait3A_124 : memref<128x128xf32, #tpu.memory_space<vmem>>) dst(%dma_wait3A_120 : memref<128x128xf32, #tpu.memory_space<vmem_shared>>)
      tpu.yield
    }) : () -> ()
    %mul3A_34 = arith.constant 640 : i32
    %mul3A_35 = arith.muli %arg1, %mul3A_34 : i32
    %add3A_36 = arith.constant 512 : i32
    %add3A_37 = arith.addi %mul3A_35, %add3A_36 : i32
    %run_scoped3A_38 = arith.constant 0 : i32
    "tpu.region"() ({
      %run_scoped3A_100 = tpu.sem_alloc : memref<!tpu.dma_semaphore, #tpu.memory_space<semaphore_mem>>
      %dma_start3A_101 = arith.constant 0 : i32
      %dma_start3A_102 = arith.constant 0 : i32
      %dma_start3A_103 = tpu.memref_slice %arg10[%run_scoped3A_38, %dma_start3A_101, %dma_start3A_102] : memref<2x128x128xf32, #tpu.memory_space<vmem>> -> memref<1x128x128xf32, #tpu.memory_space<vmem>>
      %dma_start3A_104 = tpu.memref_squeeze %dma_start3A_103 : memref<1x128x128xf32, #tpu.memory_space<vmem>> -> memref<128x128xf32, #tpu.memory_space<vmem>>
      %dma_start3A_105 = arith.constant 0 : i32
      %dma_start3A_106 = tpu.memref_slice %arg11[%add3A_37, %dma_start3A_105] : memref<10240x128xf32, #tpu.memory_space<vmem_shared>> -> memref<128x128xf32, #tpu.memory_space<vmem_shared>>
      %dma_start3A_107 = arith.constant 0 : i32
      %dma_start3A_108 = tpu.memref_slice %arg11[%add3A_37, %dma_start3A_107] : memref<10240x128xf32, #tpu.memory_space<vmem_shared>> -> memref<128x128xf32, #tpu.memory_space<vmem_shared>>
      %dma_start3A_109 = arith.constant 0 : i32
      %dma_start3A_110 = arith.constant 0 : i32
      %dma_start3A_111 = tpu.memref_slice %arg10[%run_scoped3A_38, %dma_start3A_109, %dma_start3A_110] : memref<2x128x128xf32, #tpu.memory_space<vmem>> -> memref<1x128x128xf32, #tpu.memory_space<vmem>>
      %dma_start3A_112 = tpu.memref_squeeze %dma_start3A_111 : memref<1x128x128xf32, #tpu.memory_space<vmem>> -> memref<128x128xf32, #tpu.memory_space<vmem>>
      tpu.enqueue_dma source(%dma_start3A_112 : memref<128x128xf32, #tpu.memory_space<vmem>>) target(%dma_start3A_108 : memref<128x128xf32, #tpu.memory_space<vmem_shared>>) target_semaphore(%run_scoped3A_100 : memref<!tpu.dma_semaphore, #tpu.memory_space<semaphore_mem>>)
      %dma_wait3A_113 = arith.constant 0 : i32
      %dma_wait3A_114 = arith.constant 0 : i32
      %dma_wait3A_115 = tpu.memref_slice %arg10[%run_scoped3A_38, %dma_wait3A_113, %dma_wait3A_114] : memref<2x128x128xf32, #tpu.memory_space<vmem>> -> memref<1x128x128xf32, #tpu.memory_space<vmem>>
      %dma_wait3A_116 = tpu.memref_squeeze %dma_wait3A_115 : memref<1x128x128xf32, #tpu.memory_space<vmem>> -> memref<128x128xf32, #tpu.memory_space<vmem>>
      %dma_wait3A_117 = arith.constant 0 : i32
      %dma_wait3A_118 = tpu.memref_slice %arg11[%add3A_37, %dma_wait3A_117] : memref<10240x128xf32, #tpu.memory_space<vmem_shared>> -> memref<128x128xf32, #tpu.memory_space<vmem_shared>>
      %dma_wait3A_119 = arith.constant 0 : i32
      %dma_wait3A_120 = tpu.memref_slice %arg11[%add3A_37, %dma_wait3A_119] : memref<10240x128xf32, #tpu.memory_space<vmem_shared>> -> memref<128x128xf32, #tpu.memory_space<vmem_shared>>
      %dma_wait3A_121 = arith.constant 0 : i32
      %dma_wait3A_122 = arith.constant 0 : i32
      %dma_wait3A_123 = tpu.memref_slice %arg10[%run_scoped3A_38, %dma_wait3A_121, %dma_wait3A_122] : memref<2x128x128xf32, #tpu.memory_space<vmem>> -> memref<1x128x128xf32, #tpu.memory_space<vmem>>
      %dma_wait3A_124 = tpu.memref_squeeze %dma_wait3A_123 : memref<1x128x128xf32, #tpu.memory_space<vmem>> -> memref<128x128xf32, #tpu.memory_space<vmem>>
      tpu.wait_dma2 semaphore(%run_scoped3A_100 : memref<!tpu.dma_semaphore, #tpu.memory_space<semaphore_mem>>) src(%dma_wait3A_124 : memref<128x128xf32, #tpu.memory_space<vmem>>) dst(%dma_wait3A_120 : memref<128x128xf32, #tpu.memory_space<vmem_shared>>)
      tpu.yield
    }) : () -> ()
    %barrier3A = arith.constant 0 : index
    tpu.barrier barrier_id(%barrier3A)
    %run_scoped3A_39 = arith.constant 0 : i32
    "tpu.region"() ({
      %run_scoped3A_100 = tpu.sem_alloc : memref<!tpu.dma_semaphore, #tpu.memory_space<semaphore_mem>>
      %dma_start3A_101 = arith.constant 0 : i32
      %dma_start3A_102 = arith.constant 0 : i32
      %dma_start3A_103 = tpu.memref_slice %arg7[%run_scoped3A_39, %dma_start3A_101, %dma_start3A_102] : memref<2x8x128xi32, #tpu.memory_space<vmem>> -> memref<1x8x128xi32, #tpu.memory_space<vmem>>
      %dma_start3A_104 = tpu.memref_squeeze %dma_start3A_103 : memref<1x8x128xi32, #tpu.memory_space<vmem>> -> memref<8x128xi32, #tpu.memory_space<vmem>>
      %dma_start3A_105 = arith.constant 0 : i32
      %dma_start3A_106 = tpu.memref_slice %arg3[%select_n3A_8, %dma_start3A_105] : memref<2560x128xi32, #tpu.memory_space<hbm>> -> memref<8x128xi32, #tpu.memory_space<hbm>>
      %dma_start3A_107 = arith.constant 0 : i32
      %dma_start3A_108 = arith.constant 0 : i32
      %dma_start3A_109 = tpu.memref_slice %arg7[%run_scoped3A_39, %dma_start3A_107, %dma_start3A_108] : memref<2x8x128xi32, #tpu.memory_space<vmem>> -> memref<1x8x128xi32, #tpu.memory_space<vmem>>
      %dma_start3A_110 = tpu.memref_squeeze %dma_start3A_109 : memref<1x8x128xi32, #tpu.memory_space<vmem>> -> memref<8x128xi32, #tpu.memory_space<vmem>>
      %dma_start3A_111 = arith.constant 0 : i32
      %dma_start3A_112 = tpu.memref_slice %arg3[%select_n3A_8, %dma_start3A_111] : memref<2560x128xi32, #tpu.memory_space<hbm>> -> memref<8x128xi32, #tpu.memory_space<hbm>>
      tpu.enqueue_dma source(%dma_start3A_112 : memref<8x128xi32, #tpu.memory_space<hbm>>) target(%dma_start3A_110 : memref<8x128xi32, #tpu.memory_space<vmem>>) target_semaphore(%run_scoped3A_100 : memref<!tpu.dma_semaphore, #tpu.memory_space<semaphore_mem>>)
      %dma_wait3A_113 = arith.constant 0 : i32
      %dma_wait3A_114 = arith.constant 0 : i32
      %dma_wait3A_115 = tpu.memref_slice %arg7[%run_scoped3A_39, %dma_wait3A_113, %dma_wait3A_114] : memref<2x8x128xi32, #tpu.memory_space<vmem>> -> memref<1x8x128xi32, #tpu.memory_space<vmem>>
      %dma_wait3A_116 = tpu.memref_squeeze %dma_wait3A_115 : memref<1x8x128xi32, #tpu.memory_space<vmem>> -> memref<8x128xi32, #tpu.memory_space<vmem>>
      %dma_wait3A_117 = arith.constant 0 : i32
      %dma_wait3A_118 = tpu.memref_slice %arg3[%select_n3A_8, %dma_wait3A_117] : memref<2560x128xi32, #tpu.memory_space<hbm>> -> memref<8x128xi32, #tpu.memory_space<hbm>>
      %dma_wait3A_119 = arith.constant 0 : i32
      %dma_wait3A_120 = arith.constant 0 : i32
      %dma_wait3A_121 = tpu.memref_slice %arg7[%run_scoped3A_39, %dma_wait3A_119, %dma_wait3A_120] : memref<2x8x128xi32, #tpu.memory_space<vmem>> -> memref<1x8x128xi32, #tpu.memory_space<vmem>>
      %dma_wait3A_122 = tpu.memref_squeeze %dma_wait3A_121 : memref<1x8x128xi32, #tpu.memory_space<vmem>> -> memref<8x128xi32, #tpu.memory_space<vmem>>
      %dma_wait3A_123 = arith.constant 0 : i32
      %dma_wait3A_124 = tpu.memref_slice %arg3[%select_n3A_8, %dma_wait3A_123] : memref<2560x128xi32, #tpu.memory_space<hbm>> -> memref<8x128xi32, #tpu.memory_space<hbm>>
      tpu.wait_dma2 semaphore(%run_scoped3A_100 : memref<!tpu.dma_semaphore, #tpu.memory_space<semaphore_mem>>) src(%dma_wait3A_124 : memref<8x128xi32, #tpu.memory_space<hbm>>) dst(%dma_wait3A_122 : memref<8x128xi32, #tpu.memory_space<vmem>>)
      tpu.yield
    }) : () -> ()
    %run_scoped3A_40 = arith.constant 0 : i32
    "tpu.region"() ({
      %run_scoped3A_100 = tpu.sem_alloc : memref<!tpu.dma_semaphore, #tpu.memory_space<semaphore_mem>>
      %dma_start3A_101 = arith.constant 0 : i32
      %dma_start3A_102 = arith.constant 0 : i32
      %dma_start3A_103 = tpu.memref_slice %arg8[%run_scoped3A_40, %dma_start3A_101, %dma_start3A_102] : memref<2x8x128xi32, #tpu.memory_space<vmem>> -> memref<1x8x128xi32, #tpu.memory_space<vmem>>
      %dma_start3A_104 = tpu.memref_squeeze %dma_start3A_103 : memref<1x8x128xi32, #tpu.memory_space<vmem>> -> memref<8x128xi32, #tpu.memory_space<vmem>>
      %dma_start3A_105 = arith.constant 0 : i32
      %dma_start3A_106 = tpu.memref_slice %arg4[%select_n3A_8, %dma_start3A_105] : memref<2560x128xi32, #tpu.memory_space<hbm>> -> memref<8x128xi32, #tpu.memory_space<hbm>>
      %dma_start3A_107 = arith.constant 0 : i32
      %dma_start3A_108 = arith.constant 0 : i32
      %dma_start3A_109 = tpu.memref_slice %arg8[%run_scoped3A_40, %dma_start3A_107, %dma_start3A_108] : memref<2x8x128xi32, #tpu.memory_space<vmem>> -> memref<1x8x128xi32, #tpu.memory_space<vmem>>
      %dma_start3A_110 = tpu.memref_squeeze %dma_start3A_109 : memref<1x8x128xi32, #tpu.memory_space<vmem>> -> memref<8x128xi32, #tpu.memory_space<vmem>>
      %dma_start3A_111 = arith.constant 0 : i32
      %dma_start3A_112 = tpu.memref_slice %arg4[%select_n3A_8, %dma_start3A_111] : memref<2560x128xi32, #tpu.memory_space<hbm>> -> memref<8x128xi32, #tpu.memory_space<hbm>>
      tpu.enqueue_dma source(%dma_start3A_112 : memref<8x128xi32, #tpu.memory_space<hbm>>) target(%dma_start3A_110 : memref<8x128xi32, #tpu.memory_space<vmem>>) target_semaphore(%run_scoped3A_100 : memref<!tpu.dma_semaphore, #tpu.memory_space<semaphore_mem>>)
      %dma_wait3A_113 = arith.constant 0 : i32
      %dma_wait3A_114 = arith.constant 0 : i32
      %dma_wait3A_115 = tpu.memref_slice %arg8[%run_scoped3A_40, %dma_wait3A_113, %dma_wait3A_114] : memref<2x8x128xi32, #tpu.memory_space<vmem>> -> memref<1x8x128xi32, #tpu.memory_space<vmem>>
      %dma_wait3A_116 = tpu.memref_squeeze %dma_wait3A_115 : memref<1x8x128xi32, #tpu.memory_space<vmem>> -> memref<8x128xi32, #tpu.memory_space<vmem>>
      %dma_wait3A_117 = arith.constant 0 : i32
      %dma_wait3A_118 = tpu.memref_slice %arg4[%select_n3A_8, %dma_wait3A_117] : memref<2560x128xi32, #tpu.memory_space<hbm>> -> memref<8x128xi32, #tpu.memory_space<hbm>>
      %dma_wait3A_119 = arith.constant 0 : i32
      %dma_wait3A_120 = arith.constant 0 : i32
      %dma_wait3A_121 = tpu.memref_slice %arg8[%run_scoped3A_40, %dma_wait3A_119, %dma_wait3A_120] : memref<2x8x128xi32, #tpu.memory_space<vmem>> -> memref<1x8x128xi32, #tpu.memory_space<vmem>>
      %dma_wait3A_122 = tpu.memref_squeeze %dma_wait3A_121 : memref<1x8x128xi32, #tpu.memory_space<vmem>> -> memref<8x128xi32, #tpu.memory_space<vmem>>
      %dma_wait3A_123 = arith.constant 0 : i32
      %dma_wait3A_124 = tpu.memref_slice %arg4[%select_n3A_8, %dma_wait3A_123] : memref<2560x128xi32, #tpu.memory_space<hbm>> -> memref<8x128xi32, #tpu.memory_space<hbm>>
      tpu.wait_dma2 semaphore(%run_scoped3A_100 : memref<!tpu.dma_semaphore, #tpu.memory_space<semaphore_mem>>) src(%dma_wait3A_124 : memref<8x128xi32, #tpu.memory_space<hbm>>) dst(%dma_wait3A_122 : memref<8x128xi32, #tpu.memory_space<vmem>>)
      tpu.yield
    }) : () -> ()
    %run_scoped3A_41 = arith.constant 0 : i32
    "tpu.region"() ({
      %run_scoped3A_100 = tpu.sem_alloc : memref<!tpu.dma_semaphore, #tpu.memory_space<semaphore_mem>>
      %dma_start3A_101 = arith.constant 0 : i32
      %dma_start3A_102 = arith.constant 0 : i32
      %dma_start3A_103 = tpu.memref_slice %arg9[%run_scoped3A_41, %dma_start3A_101, %dma_start3A_102] : memref<2x8x128xf32, #tpu.memory_space<vmem>> -> memref<1x8x128xf32, #tpu.memory_space<vmem>>
      %dma_start3A_104 = tpu.memref_squeeze %dma_start3A_103 : memref<1x8x128xf32, #tpu.memory_space<vmem>> -> memref<8x128xf32, #tpu.memory_space<vmem>>
      %dma_start3A_105 = arith.constant 0 : i32
      %dma_start3A_106 = tpu.memref_slice %arg5[%select_n3A_8, %dma_start3A_105] : memref<2560x128xf32, #tpu.memory_space<hbm>> -> memref<8x128xf32, #tpu.memory_space<hbm>>
      %dma_start3A_107 = arith.constant 0 : i32
      %dma_start3A_108 = arith.constant 0 : i32
      %dma_start3A_109 = tpu.memref_slice %arg9[%run_scoped3A_41, %dma_start3A_107, %dma_start3A_108] : memref<2x8x128xf32, #tpu.memory_space<vmem>> -> memref<1x8x128xf32, #tpu.memory_space<vmem>>
      %dma_start3A_110 = tpu.memref_squeeze %dma_start3A_109 : memref<1x8x128xf32, #tpu.memory_space<vmem>> -> memref<8x128xf32, #tpu.memory_space<vmem>>
      %dma_start3A_111 = arith.constant 0 : i32
      %dma_start3A_112 = tpu.memref_slice %arg5[%select_n3A_8, %dma_start3A_111] : memref<2560x128xf32, #tpu.memory_space<hbm>> -> memref<8x128xf32, #tpu.memory_space<hbm>>
      tpu.enqueue_dma source(%dma_start3A_112 : memref<8x128xf32, #tpu.memory_space<hbm>>) target(%dma_start3A_110 : memref<8x128xf32, #tpu.memory_space<vmem>>) target_semaphore(%run_scoped3A_100 : memref<!tpu.dma_semaphore, #tpu.memory_space<semaphore_mem>>)
      %dma_wait3A_113 = arith.constant 0 : i32
      %dma_wait3A_114 = arith.constant 0 : i32
      %dma_wait3A_115 = tpu.memref_slice %arg9[%run_scoped3A_41, %dma_wait3A_113, %dma_wait3A_114] : memref<2x8x128xf32, #tpu.memory_space<vmem>> -> memref<1x8x128xf32, #tpu.memory_space<vmem>>
      %dma_wait3A_116 = tpu.memref_squeeze %dma_wait3A_115 : memref<1x8x128xf32, #tpu.memory_space<vmem>> -> memref<8x128xf32, #tpu.memory_space<vmem>>
      %dma_wait3A_117 = arith.constant 0 : i32
      %dma_wait3A_118 = tpu.memref_slice %arg5[%select_n3A_8, %dma_wait3A_117] : memref<2560x128xf32, #tpu.memory_space<hbm>> -> memref<8x128xf32, #tpu.memory_space<hbm>>
      %dma_wait3A_119 = arith.constant 0 : i32
      %dma_wait3A_120 = arith.constant 0 : i32
      %dma_wait3A_121 = tpu.memref_slice %arg9[%run_scoped3A_41, %dma_wait3A_119, %dma_wait3A_120] : memref<2x8x128xf32, #tpu.memory_space<vmem>> -> memref<1x8x128xf32, #tpu.memory_space<vmem>>
      %dma_wait3A_122 = tpu.memref_squeeze %dma_wait3A_121 : memref<1x8x128xf32, #tpu.memory_space<vmem>> -> memref<8x128xf32, #tpu.memory_space<vmem>>
      %dma_wait3A_123 = arith.constant 0 : i32
      %dma_wait3A_124 = tpu.memref_slice %arg5[%select_n3A_8, %dma_wait3A_123] : memref<2560x128xf32, #tpu.memory_space<hbm>> -> memref<8x128xf32, #tpu.memory_space<hbm>>
      tpu.wait_dma2 semaphore(%run_scoped3A_100 : memref<!tpu.dma_semaphore, #tpu.memory_space<semaphore_mem>>) src(%dma_wait3A_124 : memref<8x128xf32, #tpu.memory_space<hbm>>) dst(%dma_wait3A_122 : memref<8x128xf32, #tpu.memory_space<vmem>>)
      tpu.yield
    }) : () -> ()
    %dma_start3A = arith.constant 0 : i32
    %dma_start3A_42 = arith.constant 0 : i32
    %dma_start3A_43 = arith.constant 0 : i32
    %dma_start3A_44 = arith.constant 0 : i32
    %dma_start3A_45 = arith.constant 0 : i32
    %dma_start3A_46 = tpu.memref_slice %arg10[%dma_start3A_43, %dma_start3A_44, %dma_start3A_45] : memref<2x128x128xf32, #tpu.memory_space<vmem>> -> memref<1x128x128xf32, #tpu.memory_space<vmem>>
    %dma_start3A_47 = tpu.memref_squeeze %dma_start3A_46 : memref<1x128x128xf32, #tpu.memory_space<vmem>> -> memref<128x128xf32, #tpu.memory_space<vmem>>
    %dma_start3A_48 = arith.constant 0 : i32
    %dma_start3A_49 = tpu.memref_slice %arg7[%dma_start3A, %dma_start3A_42, %dma_start3A_48] : memref<2x8x128xi32, #tpu.memory_space<vmem>> -> memref<1x1x128xi32, #tpu.memory_space<vmem>>
    %dma_start3A_50 = tpu.memref_squeeze %dma_start3A_49 : memref<1x1x128xi32, #tpu.memory_space<vmem>> -> memref<128xi32, #tpu.memory_space<vmem>>
    %dma_start3A_51 = arith.constant 0 : i32
    %dma_start3A_52 = arith.constant 0 : i32
    %dma_start3A_53 = tpu.memref_slice %arg2[%dma_start3A_51, %dma_start3A_52] : memref<10240x128xf32, #tpu.memory_space<hbm>> -> memref<10240x128xf32, #tpu.memory_space<hbm>>
    tpu.enqueue_indirect_dma source(%dma_start3A_53 : memref<10240x128xf32, #tpu.memory_space<hbm>>) target(%dma_start3A_47 : memref<128x128xf32, #tpu.memory_space<vmem>>) offsets(%dma_start3A_50 : memref<128xi32, #tpu.memory_space<vmem>>) semaphore(%arg12 : memref<!tpu.dma_semaphore, #tpu.memory_space<semaphore_mem>>)
    %jit3A_54 = arith.constant 2 : i32
    %div3A = arith.divsi %select_n3A, %jit3A_54 : i32
    %sign3A = arith.constant 0 : i32
    %sign3A_55 = arith.cmpi sgt, %select_n3A, %sign3A : i32
    %sign3A_56 = arith.extui %sign3A_55 : i1 to i32
    %sign3A_57 = arith.constant 0 : i32
    %sign3A_58 = arith.cmpi slt, %select_n3A, %sign3A_57 : i32
    %sign3A_59 = arith.extui %sign3A_58 : i1 to i32
    %sign3A_60 = arith.subi %sign3A_56, %sign3A_59 : i32
    %sign3A_61 = arith.constant 0 : i32
    %sign3A_62 = arith.cmpi sgt, %jit3A_54, %sign3A_61 : i32
    %sign3A_63 = arith.extui %sign3A_62 : i1 to i32
    %sign3A_64 = arith.constant 0 : i32
    %sign3A_65 = arith.cmpi slt, %jit3A_54, %sign3A_64 : i32
    %sign3A_66 = arith.extui %sign3A_65 : i1 to i32
    %sign3A_67 = arith.subi %sign3A_63, %sign3A_66 : i32
    %ne3A = arith.cmpi ne, %sign3A_60, %sign3A_67 : i32
    %rem3A = arith.remsi %select_n3A, %jit3A_54 : i32
    %ne3A_68 = arith.constant 0 : i32
    %ne3A_69 = arith.cmpi ne, %rem3A, %ne3A_68 : i32
    %and3A = arith.andi %ne3A, %ne3A_69 : i1
    %sub3A = arith.constant 1 : i32
    %sub3A_70 = arith.subi %div3A, %sub3A : i32
    %select_n3A_71 = arith.select %and3A, %sub3A_70, %div3A : i32
    %while3A = arith.constant 0 : i32
    %while3A_72 = arith.constant 0 : i32
    %while3A_73 = arith.subi %select_n3A_71, %while3A : i32
    %while3A_74 = arith.addi %while3A, %while3A_73 : i32
    %while3A_75 = arith.constant 1 : i32
    %while3A_76 = arith.divsi %while3A_73, %while3A_75 : i32
    %while3A_77 = arith.muli %while3A_76, %while3A_75 : i32
    %while3A_78 = arith.addi %while3A, %while3A_77 : i32
    %while3A_79 = arith.constant 1 : i32
    %while3A_80 = scf.for %while3A_100 = %while3A to %while3A_78 step %while3A_79 iter_args(%while3A_101 = %while3A_72) -> (i32)  : i32 {
      %mul3A_102 = arith.constant 2 : i32
      %mul3A_103 = arith.muli %mul3A_102, %while3A_100 : i32
      %shift_right_arithmetic3A = arith.constant 3 : i32
      %shift_right_arithmetic3A_104 = arith.shrsi %mul3A_103, %shift_right_arithmetic3A : i32
      %and3A_105 = arith.constant 1 : i32
      %and3A_106 = arith.andi %shift_right_arithmetic3A_104, %and3A_105 : i32
      %and3A_107 = arith.constant 7 : i32
      %and3A_108 = arith.andi %mul3A_103, %and3A_107 : i32
      %dma_wait3A_109 = arith.constant 0 : i32
      %dma_wait3A_110 = arith.constant 0 : i32
      %dma_wait3A_111 = arith.constant 0 : i32
      %dma_wait3A_112 = tpu.memref_slice %arg10[%dma_wait3A_109, %dma_wait3A_110, %dma_wait3A_111] : memref<2x128x128xf32, #tpu.memory_space<vmem>> -> memref<1x128x128xf32, #tpu.memory_space<vmem>>
      %dma_wait3A_113 = tpu.memref_squeeze %dma_wait3A_112 : memref<1x128x128xf32, #tpu.memory_space<vmem>> -> memref<128x128xf32, #tpu.memory_space<vmem>>
      %dma_wait3A_114 = arith.constant 0 : i32
      %dma_wait3A_115 = tpu.memref_slice %arg7[%and3A_106, %and3A_108, %dma_wait3A_114] : memref<2x8x128xi32, #tpu.memory_space<vmem>> -> memref<1x1x128xi32, #tpu.memory_space<vmem>>
      %dma_wait3A_116 = tpu.memref_squeeze %dma_wait3A_115 : memref<1x1x128xi32, #tpu.memory_space<vmem>> -> memref<128xi32, #tpu.memory_space<vmem>>
      %dma_wait3A_117 = arith.constant 0 : i32
      %dma_wait3A_118 = arith.constant 0 : i32
      %dma_wait3A_119 = tpu.memref_slice %arg2[%dma_wait3A_117, %dma_wait3A_118] : memref<10240x128xf32, #tpu.memory_space<hbm>> -> memref<10240x128xf32, #tpu.memory_space<hbm>>
      tpu.wait_indirect_dma semaphore(%arg12 : memref<!tpu.dma_semaphore, #tpu.memory_space<semaphore_mem>>) src(%dma_wait3A_119 : memref<10240x128xf32, #tpu.memory_space<hbm>>) dst(%dma_wait3A_113 : memref<128x128xf32, #tpu.memory_space<vmem>>)
      %ge3A = arith.constant 1 : i32
      %ge3A_120 = arith.cmpi sge, %mul3A_103, %ge3A : i32
      %convert_element_type3A = arith.extui %ge3A_120 : i1 to i32
      %cond3A = arith.constant 0 : i32
      %cond3A_121 = arith.cmpi ne, %convert_element_type3A, %cond3A : i32
      scf.if %cond3A_121 {
        %dma_wait3A_214 = arith.constant 1 : i32
        %dma_wait3A_215 = arith.constant 0 : i32
        %dma_wait3A_216 = arith.constant 0 : i32
        %dma_wait3A_217 = arith.constant 0 : i32
        %dma_wait3A_218 = arith.constant 0 : i32
        %dma_wait3A_219 = tpu.memref_slice %arg10[%dma_wait3A_214, %dma_wait3A_217, %dma_wait3A_218] : memref<2x128x128xf32, #tpu.memory_space<vmem>> -> memref<1x128x128xf32, #tpu.memory_space<vmem>>
        %dma_wait3A_220 = tpu.memref_squeeze %dma_wait3A_219 : memref<1x128x128xf32, #tpu.memory_space<vmem>> -> memref<128x128xf32, #tpu.memory_space<vmem>>
        %dma_wait3A_221 = arith.constant 0 : i32
        %dma_wait3A_222 = tpu.memref_slice %arg8[%dma_wait3A_215, %dma_wait3A_216, %dma_wait3A_221] : memref<2x8x128xi32, #tpu.memory_space<vmem>> -> memref<1x1x128xi32, #tpu.memory_space<vmem>>
        %dma_wait3A_223 = tpu.memref_squeeze %dma_wait3A_222 : memref<1x1x128xi32, #tpu.memory_space<vmem>> -> memref<128xi32, #tpu.memory_space<vmem>>
        %dma_wait3A_224 = arith.constant 0 : i32
        %dma_wait3A_225 = arith.constant 0 : i32
        %dma_wait3A_226 = tpu.memref_slice %arg11[%dma_wait3A_224, %dma_wait3A_225] : memref<10240x128xf32, #tpu.memory_space<vmem_shared>> -> memref<10240x128xf32, #tpu.memory_space<vmem_shared>>
        tpu.wait_indirect_dma semaphore(%arg15 : memref<!tpu.dma_semaphore, #tpu.memory_space<semaphore_mem>>) src(%dma_wait3A_220 : memref<128x128xf32, #tpu.memory_space<vmem>>) dst(%dma_wait3A_226 : memref<10240x128xf32, #tpu.memory_space<vmem_shared>>)
      } else {
      }
      %eq3A_122 = arith.constant 7 : i32
      %eq3A_123 = arith.cmpi eq, %and3A_108, %eq3A_122 : i32
      %add3A_124 = arith.constant 1 : i32
      %add3A_125 = arith.addi %mul3A_103, %add3A_124 : i32
      %lt3A = arith.cmpi slt, %add3A_125, %select_n3A : i32
      %and3A_126 = arith.andi %eq3A_123, %lt3A : i1
      %convert_element_type3A_127 = arith.extui %and3A_126 : i1 to i32
      %cond3A_128 = arith.constant 0 : i32
      %cond3A_129 = arith.cmpi ne, %convert_element_type3A_127, %cond3A_128 : i32
      scf.if %cond3A_129 {
        %add3A_214 = arith.constant 1 : i32
        %add3A_215 = arith.addi %mul3A_103, %add3A_214 : i32
        %shift_right_arithmetic3A_216 = arith.constant 3 : i32
        %shift_right_arithmetic3A_217 = arith.shrsi %add3A_215, %shift_right_arithmetic3A_216 : i32
        %and3A_218 = arith.constant 1 : i32
        %and3A_219 = arith.andi %shift_right_arithmetic3A_217, %and3A_218 : i32
        %mul3A_220 = arith.constant 8 : i32
        %mul3A_221 = arith.muli %shift_right_arithmetic3A_217, %mul3A_220 : i32
        %add3A_222 = arith.addi %select_n3A_8, %mul3A_221 : i32
        "tpu.region"() ({
          %run_scoped3A_223 = tpu.sem_alloc : memref<!tpu.dma_semaphore, #tpu.memory_space<semaphore_mem>>
          %dma_start3A_224 = arith.constant 0 : i32
          %dma_start3A_225 = arith.constant 0 : i32
          %dma_start3A_226 = tpu.memref_slice %arg7[%and3A_219, %dma_start3A_224, %dma_start3A_225] : memref<2x8x128xi32, #tpu.memory_space<vmem>> -> memref<1x8x128xi32, #tpu.memory_space<vmem>>
          %dma_start3A_227 = tpu.memref_squeeze %dma_start3A_226 : memref<1x8x128xi32, #tpu.memory_space<vmem>> -> memref<8x128xi32, #tpu.memory_space<vmem>>
          %dma_start3A_228 = arith.constant 0 : i32
          %dma_start3A_229 = tpu.memref_slice %arg3[%add3A_222, %dma_start3A_228] : memref<2560x128xi32, #tpu.memory_space<hbm>> -> memref<8x128xi32, #tpu.memory_space<hbm>>
          %dma_start3A_230 = arith.constant 0 : i32
          %dma_start3A_231 = arith.constant 0 : i32
          %dma_start3A_232 = tpu.memref_slice %arg7[%and3A_219, %dma_start3A_230, %dma_start3A_231] : memref<2x8x128xi32, #tpu.memory_space<vmem>> -> memref<1x8x128xi32, #tpu.memory_space<vmem>>
          %dma_start3A_233 = tpu.memref_squeeze %dma_start3A_232 : memref<1x8x128xi32, #tpu.memory_space<vmem>> -> memref<8x128xi32, #tpu.memory_space<vmem>>
          %dma_start3A_234 = arith.constant 0 : i32
          %dma_start3A_235 = tpu.memref_slice %arg3[%add3A_222, %dma_start3A_234] : memref<2560x128xi32, #tpu.memory_space<hbm>> -> memref<8x128xi32, #tpu.memory_space<hbm>>
          tpu.enqueue_dma source(%dma_start3A_235 : memref<8x128xi32, #tpu.memory_space<hbm>>) target(%dma_start3A_233 : memref<8x128xi32, #tpu.memory_space<vmem>>) target_semaphore(%run_scoped3A_223 : memref<!tpu.dma_semaphore, #tpu.memory_space<semaphore_mem>>)
          %dma_wait3A_236 = arith.constant 0 : i32
          %dma_wait3A_237 = arith.constant 0 : i32
          %dma_wait3A_238 = tpu.memref_slice %arg7[%and3A_219, %dma_wait3A_236, %dma_wait3A_237] : memref<2x8x128xi32, #tpu.memory_space<vmem>> -> memref<1x8x128xi32, #tpu.memory_space<vmem>>
          %dma_wait3A_239 = tpu.memref_squeeze %dma_wait3A_238 : memref<1x8x128xi32, #tpu.memory_space<vmem>> -> memref<8x128xi32, #tpu.memory_space<vmem>>
          %dma_wait3A_240 = arith.constant 0 : i32
          %dma_wait3A_241 = tpu.memref_slice %arg3[%add3A_222, %dma_wait3A_240] : memref<2560x128xi32, #tpu.memory_space<hbm>> -> memref<8x128xi32, #tpu.memory_space<hbm>>
          %dma_wait3A_242 = arith.constant 0 : i32
          %dma_wait3A_243 = arith.constant 0 : i32
          %dma_wait3A_244 = tpu.memref_slice %arg7[%and3A_219, %dma_wait3A_242, %dma_wait3A_243] : memref<2x8x128xi32, #tpu.memory_space<vmem>> -> memref<1x8x128xi32, #tpu.memory_space<vmem>>
          %dma_wait3A_245 = tpu.memref_squeeze %dma_wait3A_244 : memref<1x8x128xi32, #tpu.memory_space<vmem>> -> memref<8x128xi32, #tpu.memory_space<vmem>>
          %dma_wait3A_246 = arith.constant 0 : i32
          %dma_wait3A_247 = tpu.memref_slice %arg3[%add3A_222, %dma_wait3A_246] : memref<2560x128xi32, #tpu.memory_space<hbm>> -> memref<8x128xi32, #tpu.memory_space<hbm>>
          tpu.wait_dma2 semaphore(%run_scoped3A_223 : memref<!tpu.dma_semaphore, #tpu.memory_space<semaphore_mem>>) src(%dma_wait3A_247 : memref<8x128xi32, #tpu.memory_space<hbm>>) dst(%dma_wait3A_245 : memref<8x128xi32, #tpu.memory_space<vmem>>)
          tpu.yield
        }) : () -> ()
        "tpu.region"() ({
          %run_scoped3A_223 = tpu.sem_alloc : memref<!tpu.dma_semaphore, #tpu.memory_space<semaphore_mem>>
          %dma_start3A_224 = arith.constant 0 : i32
          %dma_start3A_225 = arith.constant 0 : i32
          %dma_start3A_226 = tpu.memref_slice %arg8[%and3A_219, %dma_start3A_224, %dma_start3A_225] : memref<2x8x128xi32, #tpu.memory_space<vmem>> -> memref<1x8x128xi32, #tpu.memory_space<vmem>>
          %dma_start3A_227 = tpu.memref_squeeze %dma_start3A_226 : memref<1x8x128xi32, #tpu.memory_space<vmem>> -> memref<8x128xi32, #tpu.memory_space<vmem>>
          %dma_start3A_228 = arith.constant 0 : i32
          %dma_start3A_229 = tpu.memref_slice %arg4[%add3A_222, %dma_start3A_228] : memref<2560x128xi32, #tpu.memory_space<hbm>> -> memref<8x128xi32, #tpu.memory_space<hbm>>
          %dma_start3A_230 = arith.constant 0 : i32
          %dma_start3A_231 = arith.constant 0 : i32
          %dma_start3A_232 = tpu.memref_slice %arg8[%and3A_219, %dma_start3A_230, %dma_start3A_231] : memref<2x8x128xi32, #tpu.memory_space<vmem>> -> memref<1x8x128xi32, #tpu.memory_space<vmem>>
          %dma_start3A_233 = tpu.memref_squeeze %dma_start3A_232 : memref<1x8x128xi32, #tpu.memory_space<vmem>> -> memref<8x128xi32, #tpu.memory_space<vmem>>
          %dma_start3A_234 = arith.constant 0 : i32
          %dma_start3A_235 = tpu.memref_slice %arg4[%add3A_222, %dma_start3A_234] : memref<2560x128xi32, #tpu.memory_space<hbm>> -> memref<8x128xi32, #tpu.memory_space<hbm>>
          tpu.enqueue_dma source(%dma_start3A_235 : memref<8x128xi32, #tpu.memory_space<hbm>>) target(%dma_start3A_233 : memref<8x128xi32, #tpu.memory_space<vmem>>) target_semaphore(%run_scoped3A_223 : memref<!tpu.dma_semaphore, #tpu.memory_space<semaphore_mem>>)
          %dma_wait3A_236 = arith.constant 0 : i32
          %dma_wait3A_237 = arith.constant 0 : i32
          %dma_wait3A_238 = tpu.memref_slice %arg8[%and3A_219, %dma_wait3A_236, %dma_wait3A_237] : memref<2x8x128xi32, #tpu.memory_space<vmem>> -> memref<1x8x128xi32, #tpu.memory_space<vmem>>
          %dma_wait3A_239 = tpu.memref_squeeze %dma_wait3A_238 : memref<1x8x128xi32, #tpu.memory_space<vmem>> -> memref<8x128xi32, #tpu.memory_space<vmem>>
          %dma_wait3A_240 = arith.constant 0 : i32
          %dma_wait3A_241 = tpu.memref_slice %arg4[%add3A_222, %dma_wait3A_240] : memref<2560x128xi32, #tpu.memory_space<hbm>> -> memref<8x128xi32, #tpu.memory_space<hbm>>
          %dma_wait3A_242 = arith.constant 0 : i32
          %dma_wait3A_243 = arith.constant 0 : i32
          %dma_wait3A_244 = tpu.memref_slice %arg8[%and3A_219, %dma_wait3A_242, %dma_wait3A_243] : memref<2x8x128xi32, #tpu.memory_space<vmem>> -> memref<1x8x128xi32, #tpu.memory_space<vmem>>
          %dma_wait3A_245 = tpu.memref_squeeze %dma_wait3A_244 : memref<1x8x128xi32, #tpu.memory_space<vmem>> -> memref<8x128xi32, #tpu.memory_space<vmem>>
          %dma_wait3A_246 = arith.constant 0 : i32
          %dma_wait3A_247 = tpu.memref_slice %arg4[%add3A_222, %dma_wait3A_246] : memref<2560x128xi32, #tpu.memory_space<hbm>> -> memref<8x128xi32, #tpu.memory_space<hbm>>
          tpu.wait_dma2 semaphore(%run_scoped3A_223 : memref<!tpu.dma_semaphore, #tpu.memory_space<semaphore_mem>>) src(%dma_wait3A_247 : memref<8x128xi32, #tpu.memory_space<hbm>>) dst(%dma_wait3A_245 : memref<8x128xi32, #tpu.memory_space<vmem>>)
          tpu.yield
        }) : () -> ()
        "tpu.region"() ({
          %run_scoped3A_223 = tpu.sem_alloc : memref<!tpu.dma_semaphore, #tpu.memory_space<semaphore_mem>>
          %dma_start3A_224 = arith.constant 0 : i32
          %dma_start3A_225 = arith.constant 0 : i32
          %dma_start3A_226 = tpu.memref_slice %arg9[%and3A_219, %dma_start3A_224, %dma_start3A_225] : memref<2x8x128xf32, #tpu.memory_space<vmem>> -> memref<1x8x128xf32, #tpu.memory_space<vmem>>
          %dma_start3A_227 = tpu.memref_squeeze %dma_start3A_226 : memref<1x8x128xf32, #tpu.memory_space<vmem>> -> memref<8x128xf32, #tpu.memory_space<vmem>>
          %dma_start3A_228 = arith.constant 0 : i32
          %dma_start3A_229 = tpu.memref_slice %arg5[%add3A_222, %dma_start3A_228] : memref<2560x128xf32, #tpu.memory_space<hbm>> -> memref<8x128xf32, #tpu.memory_space<hbm>>
          %dma_start3A_230 = arith.constant 0 : i32
          %dma_start3A_231 = arith.constant 0 : i32
          %dma_start3A_232 = tpu.memref_slice %arg9[%and3A_219, %dma_start3A_230, %dma_start3A_231] : memref<2x8x128xf32, #tpu.memory_space<vmem>> -> memref<1x8x128xf32, #tpu.memory_space<vmem>>
          %dma_start3A_233 = tpu.memref_squeeze %dma_start3A_232 : memref<1x8x128xf32, #tpu.memory_space<vmem>> -> memref<8x128xf32, #tpu.memory_space<vmem>>
          %dma_start3A_234 = arith.constant 0 : i32
          %dma_start3A_235 = tpu.memref_slice %arg5[%add3A_222, %dma_start3A_234] : memref<2560x128xf32, #tpu.memory_space<hbm>> -> memref<8x128xf32, #tpu.memory_space<hbm>>
          tpu.enqueue_dma source(%dma_start3A_235 : memref<8x128xf32, #tpu.memory_space<hbm>>) target(%dma_start3A_233 : memref<8x128xf32, #tpu.memory_space<vmem>>) target_semaphore(%run_scoped3A_223 : memref<!tpu.dma_semaphore, #tpu.memory_space<semaphore_mem>>)
          %dma_wait3A_236 = arith.constant 0 : i32
          %dma_wait3A_237 = arith.constant 0 : i32
          %dma_wait3A_238 = tpu.memref_slice %arg9[%and3A_219, %dma_wait3A_236, %dma_wait3A_237] : memref<2x8x128xf32, #tpu.memory_space<vmem>> -> memref<1x8x128xf32, #tpu.memory_space<vmem>>
          %dma_wait3A_239 = tpu.memref_squeeze %dma_wait3A_238 : memref<1x8x128xf32, #tpu.memory_space<vmem>> -> memref<8x128xf32, #tpu.memory_space<vmem>>
          %dma_wait3A_240 = arith.constant 0 : i32
          %dma_wait3A_241 = tpu.memref_slice %arg5[%add3A_222, %dma_wait3A_240] : memref<2560x128xf32, #tpu.memory_space<hbm>> -> memref<8x128xf32, #tpu.memory_space<hbm>>
          %dma_wait3A_242 = arith.constant 0 : i32
          %dma_wait3A_243 = arith.constant 0 : i32
          %dma_wait3A_244 = tpu.memref_slice %arg9[%and3A_219, %dma_wait3A_242, %dma_wait3A_243] : memref<2x8x128xf32, #tpu.memory_space<vmem>> -> memref<1x8x128xf32, #tpu.memory_space<vmem>>
          %dma_wait3A_245 = tpu.memref_squeeze %dma_wait3A_244 : memref<1x8x128xf32, #tpu.memory_space<vmem>> -> memref<8x128xf32, #tpu.memory_space<vmem>>
          %dma_wait3A_246 = arith.constant 0 : i32
          %dma_wait3A_247 = tpu.memref_slice %arg5[%add3A_222, %dma_wait3A_246] : memref<2560x128xf32, #tpu.memory_space<hbm>> -> memref<8x128xf32, #tpu.memory_space<hbm>>
          tpu.wait_dma2 semaphore(%run_scoped3A_223 : memref<!tpu.dma_semaphore, #tpu.memory_space<semaphore_mem>>) src(%dma_wait3A_247 : memref<8x128xf32, #tpu.memory_space<hbm>>) dst(%dma_wait3A_245 : memref<8x128xf32, #tpu.memory_space<vmem>>)
          tpu.yield
        }) : () -> ()
      } else {
      }
      %add3A_130 = arith.constant 1 : i32
      %add3A_131 = arith.addi %mul3A_103, %add3A_130 : i32
      %lt3A_132 = arith.cmpi slt, %add3A_131, %select_n3A : i32
      %convert_element_type3A_133 = arith.extui %lt3A_132 : i1 to i32
      %cond3A_134 = arith.constant 0 : i32
      %cond3A_135 = arith.cmpi ne, %convert_element_type3A_133, %cond3A_134 : i32
      scf.if %cond3A_135 {
        %add3A_214 = arith.constant 1 : i32
        %add3A_215 = arith.addi %mul3A_103, %add3A_214 : i32
        %shift_right_arithmetic3A_216 = arith.constant 3 : i32
        %shift_right_arithmetic3A_217 = arith.shrsi %add3A_215, %shift_right_arithmetic3A_216 : i32
        %and3A_218 = arith.constant 1 : i32
        %and3A_219 = arith.andi %shift_right_arithmetic3A_217, %and3A_218 : i32
        %and3A_220 = arith.constant 7 : i32
        %and3A_221 = arith.andi %add3A_215, %and3A_220 : i32
        %dma_start3A_222 = arith.constant 1 : i32
        %dma_start3A_223 = arith.constant 0 : i32
        %dma_start3A_224 = arith.constant 0 : i32
        %dma_start3A_225 = tpu.memref_slice %arg10[%dma_start3A_222, %dma_start3A_223, %dma_start3A_224] : memref<2x128x128xf32, #tpu.memory_space<vmem>> -> memref<1x128x128xf32, #tpu.memory_space<vmem>>
        %dma_start3A_226 = tpu.memref_squeeze %dma_start3A_225 : memref<1x128x128xf32, #tpu.memory_space<vmem>> -> memref<128x128xf32, #tpu.memory_space<vmem>>
        %dma_start3A_227 = arith.constant 0 : i32
        %dma_start3A_228 = tpu.memref_slice %arg7[%and3A_219, %and3A_221, %dma_start3A_227] : memref<2x8x128xi32, #tpu.memory_space<vmem>> -> memref<1x1x128xi32, #tpu.memory_space<vmem>>
        %dma_start3A_229 = tpu.memref_squeeze %dma_start3A_228 : memref<1x1x128xi32, #tpu.memory_space<vmem>> -> memref<128xi32, #tpu.memory_space<vmem>>
        %dma_start3A_230 = arith.constant 0 : i32
        %dma_start3A_231 = arith.constant 0 : i32
        %dma_start3A_232 = tpu.memref_slice %arg2[%dma_start3A_230, %dma_start3A_231] : memref<10240x128xf32, #tpu.memory_space<hbm>> -> memref<10240x128xf32, #tpu.memory_space<hbm>>
        tpu.enqueue_indirect_dma source(%dma_start3A_232 : memref<10240x128xf32, #tpu.memory_space<hbm>>) target(%dma_start3A_226 : memref<128x128xf32, #tpu.memory_space<vmem>>) offsets(%dma_start3A_229 : memref<128xi32, #tpu.memory_space<vmem>>) semaphore(%arg13 : memref<!tpu.dma_semaphore, #tpu.memory_space<semaphore_mem>>)
      } else {
      }
      %scan3A_136 = arith.constant 0 : i32
      %scan3A_137 = arith.constant 0 : i32
      %scan3A_138 = arith.constant 8 : i32
      %scan3A_139 = arith.addi %scan3A_137, %scan3A_138 : i32
      %scan3A_140 = arith.constant 1 : i32
      %scan3A_141 = scf.for %scan3A_214 = %scan3A_137 to %scan3A_139 step %scan3A_140 iter_args(%scan3A_215 = %scan3A_136) -> (i32)  : i32 {
        %mul3A_216 = arith.constant 16 : i32
        %mul3A_217 = arith.muli %scan3A_214, %mul3A_216 : i32
        %get3A = arith.index_cast %and3A_106 : i32 to index
        %get3A_218 = arith.index_cast %and3A_108 : i32 to index
        %get3A_219 = arith.index_cast %mul3A_217 : i32 to index
        %get3A_220 = tpu.vector_load %arg9[%get3A, %get3A_218, %get3A_219] {strides = array<i32>} : memref<2x8x128xf32, #tpu.memory_space<vmem>>, vector<16xf32>,
        %scan3A_221 = arith.constant 0 : i32
        %scan3A_222 = arith.constant 0 : i32
        %scan3A_223 = arith.constant 16 : i32
        %scan3A_224 = arith.addi %scan3A_222, %scan3A_223 : i32
        %scan3A_225 = arith.constant 1 : i32
        %scan3A_226 = scf.for %scan3A_229 = %scan3A_222 to %scan3A_224 step %scan3A_225 iter_args(%scan3A_230 = %scan3A_221) -> (i32)  : i32 {
          %mul3A_231 = arith.constant 16 : i32
          %mul3A_232 = arith.muli %scan3A_214, %mul3A_231 : i32
          %add3A_233 = arith.addi %mul3A_232, %scan3A_229 : i32
          %broadcast_in_dim3A = vector.broadcast %scan3A_229 : i32 to vector<16xi32>
          %broadcast_in_dim3A_234 = vector.shape_cast %broadcast_in_dim3A : vector<16xi32> to vector<16x1xi32>
          %gather3A = vector.shape_cast %broadcast_in_dim3A_234 : vector<16x1xi32> to vector<16xi32>
          %gather3A_235 = tpu.dynamic_gather %get3A_220[%gather3A] in [0] : vector<16xf32>, vector<16xi32> -> vector<16xf32>
          %get3A_236 = arith.constant 0 : i32
          %get3A_237 = arith.index_cast %get3A_236 : i32 to index
          %get3A_238 = arith.index_cast %add3A_233 : i32 to index
          %get3A_239 = arith.constant 0 : index
          %get3A_240 = tpu.vector_load %arg10[%get3A_237, %get3A_238, %get3A_239] {strides = array<i32>} : memref<2x128x128xf32, #tpu.memory_space<vmem>>, vector<16xf32>,
          %mul3A_241 = arith.mulf %get3A_240, %gather3A_235 : vector<16xf32>
          %swap3A = arith.constant 0 : i32
          %swap3A_242 = arith.index_cast %swap3A : i32 to index
          %swap3A_243 = arith.index_cast %add3A_233 : i32 to index
          %swap3A_244 = arith.constant 0 : index
          %swap3A_245 = tpu.vector_load %arg10[%swap3A_242, %swap3A_243, %swap3A_244] {strides = array<i32>} : memref<2x128x128xf32, #tpu.memory_space<vmem>>, vector<16xf32>,
          tpu.vector_store %arg10[%swap3A_242, %swap3A_243, %swap3A_244], %mul3A_241 {strides = array<i32>} : memref<2x128x128xf32, #tpu.memory_space<vmem>>, vector<16xf32>,
          %get3A_246 = arith.constant 0 : i32
          %get3A_247 = arith.index_cast %get3A_246 : i32 to index
          %get3A_248 = arith.index_cast %add3A_233 : i32 to index
          %get3A_249 = arith.constant 16 : index
          %get3A_250 = tpu.vector_load %arg10[%get3A_247, %get3A_248, %get3A_249] {strides = array<i32>} : memref<2x128x128xf32, #tpu.memory_space<vmem>>, vector<16xf32>,
          %mul3A_251 = arith.mulf %get3A_250, %gather3A_235 : vector<16xf32>
          %swap3A_252 = arith.constant 0 : i32
          %swap3A_253 = arith.index_cast %swap3A_252 : i32 to index
          %swap3A_254 = arith.index_cast %add3A_233 : i32 to index
          %swap3A_255 = arith.constant 16 : index
          %swap3A_256 = tpu.vector_load %arg10[%swap3A_253, %swap3A_254, %swap3A_255] {strides = array<i32>} : memref<2x128x128xf32, #tpu.memory_space<vmem>>, vector<16xf32>,
          tpu.vector_store %arg10[%swap3A_253, %swap3A_254, %swap3A_255], %mul3A_251 {strides = array<i32>} : memref<2x128x128xf32, #tpu.memory_space<vmem>>, vector<16xf32>,
          %get3A_257 = arith.constant 0 : i32
          %get3A_258 = arith.index_cast %get3A_257 : i32 to index
          %get3A_259 = arith.index_cast %add3A_233 : i32 to index
          %get3A_260 = arith.constant 32 : index
          %get3A_261 = tpu.vector_load %arg10[%get3A_258, %get3A_259, %get3A_260] {strides = array<i32>} : memref<2x128x128xf32, #tpu.memory_space<vmem>>, vector<16xf32>,
          %mul3A_262 = arith.mulf %get3A_261, %gather3A_235 : vector<16xf32>
          %swap3A_263 = arith.constant 0 : i32
          %swap3A_264 = arith.index_cast %swap3A_263 : i32 to index
          %swap3A_265 = arith.index_cast %add3A_233 : i32 to index
          %swap3A_266 = arith.constant 32 : index
          %swap3A_267 = tpu.vector_load %arg10[%swap3A_264, %swap3A_265, %swap3A_266] {strides = array<i32>} : memref<2x128x128xf32, #tpu.memory_space<vmem>>, vector<16xf32>,
          tpu.vector_store %arg10[%swap3A_264, %swap3A_265, %swap3A_266], %mul3A_262 {strides = array<i32>} : memref<2x128x128xf32, #tpu.memory_space<vmem>>, vector<16xf32>,
          %get3A_268 = arith.constant 0 : i32
          %get3A_269 = arith.index_cast %get3A_268 : i32 to index
          %get3A_270 = arith.index_cast %add3A_233 : i32 to index
          %get3A_271 = arith.constant 48 : index
          %get3A_272 = tpu.vector_load %arg10[%get3A_269, %get3A_270, %get3A_271] {strides = array<i32>} : memref<2x128x128xf32, #tpu.memory_space<vmem>>, vector<16xf32>,
          %mul3A_273 = arith.mulf %get3A_272, %gather3A_235 : vector<16xf32>
          %swap3A_274 = arith.constant 0 : i32
          %swap3A_275 = arith.index_cast %swap3A_274 : i32 to index
          %swap3A_276 = arith.index_cast %add3A_233 : i32 to index
          %swap3A_277 = arith.constant 48 : index
          %swap3A_278 = tpu.vector_load %arg10[%swap3A_275, %swap3A_276, %swap3A_277] {strides = array<i32>} : memref<2x128x128xf32, #tpu.memory_space<vmem>>, vector<16xf32>,
          tpu.vector_store %arg10[%swap3A_275, %swap3A_276, %swap3A_277], %mul3A_273 {strides = array<i32>} : memref<2x128x128xf32, #tpu.memory_space<vmem>>, vector<16xf32>,
          %get3A_279 = arith.constant 0 : i32
          %get3A_280 = arith.index_cast %get3A_279 : i32 to index
          %get3A_281 = arith.index_cast %add3A_233 : i32 to index
          %get3A_282 = arith.constant 64 : index
          %get3A_283 = tpu.vector_load %arg10[%get3A_280, %get3A_281, %get3A_282] {strides = array<i32>} : memref<2x128x128xf32, #tpu.memory_space<vmem>>, vector<16xf32>,
          %mul3A_284 = arith.mulf %get3A_283, %gather3A_235 : vector<16xf32>
          %swap3A_285 = arith.constant 0 : i32
          %swap3A_286 = arith.index_cast %swap3A_285 : i32 to index
          %swap3A_287 = arith.index_cast %add3A_233 : i32 to index
          %swap3A_288 = arith.constant 64 : index
          %swap3A_289 = tpu.vector_load %arg10[%swap3A_286, %swap3A_287, %swap3A_288] {strides = array<i32>} : memref<2x128x128xf32, #tpu.memory_space<vmem>>, vector<16xf32>,
          tpu.vector_store %arg10[%swap3A_286, %swap3A_287, %swap3A_288], %mul3A_284 {strides = array<i32>} : memref<2x128x128xf32, #tpu.memory_space<vmem>>, vector<16xf32>,
          %get3A_290 = arith.constant 0 : i32
          %get3A_291 = arith.index_cast %get3A_290 : i32 to index
          %get3A_292 = arith.index_cast %add3A_233 : i32 to index
          %get3A_293 = arith.constant 80 : index
          %get3A_294 = tpu.vector_load %arg10[%get3A_291, %get3A_292, %get3A_293] {strides = array<i32>} : memref<2x128x128xf32, #tpu.memory_space<vmem>>, vector<16xf32>,
          %mul3A_295 = arith.mulf %get3A_294, %gather3A_235 : vector<16xf32>
          %swap3A_296 = arith.constant 0 : i32
          %swap3A_297 = arith.index_cast %swap3A_296 : i32 to index
          %swap3A_298 = arith.index_cast %add3A_233 : i32 to index
          %swap3A_299 = arith.constant 80 : index
          %swap3A_300 = tpu.vector_load %arg10[%swap3A_297, %swap3A_298, %swap3A_299] {strides = array<i32>} : memref<2x128x128xf32, #tpu.memory_space<vmem>>, vector<16xf32>,
          tpu.vector_store %arg10[%swap3A_297, %swap3A_298, %swap3A_299], %mul3A_295 {strides = array<i32>} : memref<2x128x128xf32, #tpu.memory_space<vmem>>, vector<16xf32>,
          %get3A_301 = arith.constant 0 : i32
          %get3A_302 = arith.index_cast %get3A_301 : i32 to index
          %get3A_303 = arith.index_cast %add3A_233 : i32 to index
          %get3A_304 = arith.constant 96 : index
          %get3A_305 = tpu.vector_load %arg10[%get3A_302, %get3A_303, %get3A_304] {strides = array<i32>} : memref<2x128x128xf32, #tpu.memory_space<vmem>>, vector<16xf32>,
          %mul3A_306 = arith.mulf %get3A_305, %gather3A_235 : vector<16xf32>
          %swap3A_307 = arith.constant 0 : i32
          %swap3A_308 = arith.index_cast %swap3A_307 : i32 to index
          %swap3A_309 = arith.index_cast %add3A_233 : i32 to index
          %swap3A_310 = arith.constant 96 : index
          %swap3A_311 = tpu.vector_load %arg10[%swap3A_308, %swap3A_309, %swap3A_310] {strides = array<i32>} : memref<2x128x128xf32, #tpu.memory_space<vmem>>, vector<16xf32>,
          tpu.vector_store %arg10[%swap3A_308, %swap3A_309, %swap3A_310], %mul3A_306 {strides = array<i32>} : memref<2x128x128xf32, #tpu.memory_space<vmem>>, vector<16xf32>,
          %get3A_312 = arith.constant 0 : i32
          %get3A_313 = arith.index_cast %get3A_312 : i32 to index
          %get3A_314 = arith.index_cast %add3A_233 : i32 to index
          %get3A_315 = arith.constant 112 : index
          %get3A_316 = tpu.vector_load %arg10[%get3A_313, %get3A_314, %get3A_315] {strides = array<i32>} : memref<2x128x128xf32, #tpu.memory_space<vmem>>, vector<16xf32>,
          %mul3A_317 = arith.mulf %get3A_316, %gather3A_235 : vector<16xf32>
          %swap3A_318 = arith.constant 0 : i32
          %swap3A_319 = arith.index_cast %swap3A_318 : i32 to index
          %swap3A_320 = arith.index_cast %add3A_233 : i32 to index
          %swap3A_321 = arith.constant 112 : index
          %swap3A_322 = tpu.vector_load %arg10[%swap3A_319, %swap3A_320, %swap3A_321] {strides = array<i32>} : memref<2x128x128xf32, #tpu.memory_space<vmem>>, vector<16xf32>,
          tpu.vector_store %arg10[%swap3A_319, %swap3A_320, %swap3A_321], %mul3A_317 {strides = array<i32>} : memref<2x128x128xf32, #tpu.memory_space<vmem>>, vector<16xf32>,
          %scan3A_323 = arith.constant 0 : i32
          scf.yield %scan3A_323 : i32
        }
        %scan3A_227 = arith.constant 16 : i32
        %scan3A_228 = arith.constant 0 : i32
        scf.yield %scan3A_228 : i32
      }
      %scan3A_142 = arith.constant 8 : i32
      %dma_start3A_143 = arith.constant 0 : i32
      %dma_start3A_144 = arith.constant 0 : i32
      %dma_start3A_145 = arith.constant 0 : i32
      %dma_start3A_146 = tpu.memref_slice %arg10[%dma_start3A_143, %dma_start3A_144, %dma_start3A_145] : memref<2x128x128xf32, #tpu.memory_space<vmem>> -> memref<1x128x128xf32, #tpu.memory_space<vmem>>
      %dma_start3A_147 = tpu.memref_squeeze %dma_start3A_146 : memref<1x128x128xf32, #tpu.memory_space<vmem>> -> memref<128x128xf32, #tpu.memory_space<vmem>>
      %dma_start3A_148 = arith.constant 0 : i32
      %dma_start3A_149 = tpu.memref_slice %arg8[%and3A_106, %and3A_108, %dma_start3A_148] : memref<2x8x128xi32, #tpu.memory_space<vmem>> -> memref<1x1x128xi32, #tpu.memory_space<vmem>>
      %dma_start3A_150 = tpu.memref_squeeze %dma_start3A_149 : memref<1x1x128xi32, #tpu.memory_space<vmem>> -> memref<128xi32, #tpu.memory_space<vmem>>
      %dma_start3A_151 = arith.constant 0 : i32
      %dma_start3A_152 = arith.constant 0 : i32
      %dma_start3A_153 = tpu.memref_slice %arg11[%dma_start3A_151, %dma_start3A_152] : memref<10240x128xf32, #tpu.memory_space<vmem_shared>> -> memref<10240x128xf32, #tpu.memory_space<vmem_shared>>
      tpu.enqueue_indirect_dma source(%dma_start3A_147 : memref<128x128xf32, #tpu.memory_space<vmem>>) target(%dma_start3A_153 : memref<10240x128xf32, #tpu.memory_space<vmem_shared>>) offsets(%dma_start3A_150 : memref<128xi32, #tpu.memory_space<vmem>>) semaphore(%arg14 : memref<!tpu.dma_semaphore, #tpu.memory_space<semaphore_mem>>) {add = true}
      %mul3A_154 = arith.constant 2 : i32
      %mul3A_155 = arith.muli %mul3A_154, %while3A_100 : i32
      %add3A_156 = arith.constant 1 : i32
      %add3A_157 = arith.addi %mul3A_155, %add3A_156 : i32
      %shift_right_arithmetic3A_158 = arith.constant 3 : i32
      %shift_right_arithmetic3A_159 = arith.shrsi %add3A_157, %shift_right_arithmetic3A_158 : i32
      %and3A_160 = arith.constant 1 : i32
      %and3A_161 = arith.andi %shift_right_arithmetic3A_159, %and3A_160 : i32
      %and3A_162 = arith.constant 7 : i32
      %and3A_163 = arith.andi %add3A_157, %and3A_162 : i32
      %dma_wait3A_164 = arith.constant 1 : i32
      %dma_wait3A_165 = arith.constant 0 : i32
      %dma_wait3A_166 = arith.constant 0 : i32
      %dma_wait3A_167 = tpu.memref_slice %arg10[%dma_wait3A_164, %dma_wait3A_165, %dma_wait3A_166] : memref<2x128x128xf32, #tpu.memory_space<vmem>> -> memref<1x128x128xf32, #tpu.memory_space<vmem>>
      %dma_wait3A_168 = tpu.memref_squeeze %dma_wait3A_167 : memref<1x128x128xf32, #tpu.memory_space<vmem>> -> memref<128x128xf32, #tpu.memory_space<vmem>>
      %dma_wait3A_169 = arith.constant 0 : i32
      %dma_wait3A_170 = tpu.memref_slice %arg7[%and3A_161, %and3A_163, %dma_wait3A_169] : memref<2x8x128xi32, #tpu.memory_space<vmem>> -> memref<1x1x128xi32, #tpu.memory_space<vmem>>
      %dma_wait3A_171 = tpu.memref_squeeze %dma_wait3A_170 : memref<1x1x128xi32, #tpu.memory_space<vmem>> -> memref<128xi32, #tpu.memory_space<vmem>>
      %dma_wait3A_172 = arith.constant 0 : i32
      %dma_wait3A_173 = arith.constant 0 : i32
      %dma_wait3A_174 = tpu.memref_slice %arg2[%dma_wait3A_172, %dma_wait3A_173] : memref<10240x128xf32, #tpu.memory_space<hbm>> -> memref<10240x128xf32, #tpu.memory_space<hbm>>
      tpu.wait_indirect_dma semaphore(%arg13 : memref<!tpu.dma_semaphore, #tpu.memory_space<semaphore_mem>>) src(%dma_wait3A_174 : memref<10240x128xf32, #tpu.memory_space<hbm>>) dst(%dma_wait3A_168 : memref<128x128xf32, #tpu.memory_space<vmem>>)
      %ge3A_175 = arith.constant 1 : i32
      %ge3A_176 = arith.cmpi sge, %add3A_157, %ge3A_175 : i32
      %convert_element_type3A_177 = arith.extui %ge3A_176 : i1 to i32
      %cond3A_178 = arith.constant 0 : i32
      %cond3A_179 = arith.cmpi ne, %convert_element_type3A_177, %cond3A_178 : i32
      scf.if %cond3A_179 {
        %dma_wait3A_214 = arith.constant 0 : i32
        %dma_wait3A_215 = arith.constant 0 : i32
        %dma_wait3A_216 = arith.constant 0 : i32
        %dma_wait3A_217 = arith.constant 0 : i32
        %dma_wait3A_218 = arith.constant 0 : i32
        %dma_wait3A_219 = tpu.memref_slice %arg10[%dma_wait3A_214, %dma_wait3A_217, %dma_wait3A_218] : memref<2x128x128xf32, #tpu.memory_space<vmem>> -> memref<1x128x128xf32, #tpu.memory_space<vmem>>
        %dma_wait3A_220 = tpu.memref_squeeze %dma_wait3A_219 : memref<1x128x128xf32, #tpu.memory_space<vmem>> -> memref<128x128xf32, #tpu.memory_space<vmem>>
        %dma_wait3A_221 = arith.constant 0 : i32
        %dma_wait3A_222 = tpu.memref_slice %arg8[%dma_wait3A_215, %dma_wait3A_216, %dma_wait3A_221] : memref<2x8x128xi32, #tpu.memory_space<vmem>> -> memref<1x1x128xi32, #tpu.memory_space<vmem>>
        %dma_wait3A_223 = tpu.memref_squeeze %dma_wait3A_222 : memref<1x1x128xi32, #tpu.memory_space<vmem>> -> memref<128xi32, #tpu.memory_space<vmem>>
        %dma_wait3A_224 = arith.constant 0 : i32
        %dma_wait3A_225 = arith.constant 0 : i32
        %dma_wait3A_226 = tpu.memref_slice %arg11[%dma_wait3A_224, %dma_wait3A_225] : memref<10240x128xf32, #tpu.memory_space<vmem_shared>> -> memref<10240x128xf32, #tpu.memory_space<vmem_shared>>
        tpu.wait_indirect_dma semaphore(%arg14 : memref<!tpu.dma_semaphore, #tpu.memory_space<semaphore_mem>>) src(%dma_wait3A_220 : memref<128x128xf32, #tpu.memory_space<vmem>>) dst(%dma_wait3A_226 : memref<10240x128xf32, #tpu.memory_space<vmem_shared>>)
      } else {
      }
      %eq3A_180 = arith.constant 7 : i32
      %eq3A_181 = arith.cmpi eq, %and3A_163, %eq3A_180 : i32
      %add3A_182 = arith.constant 1 : i32
      %add3A_183 = arith.addi %add3A_157, %add3A_182 : i32
      %lt3A_184 = arith.cmpi slt, %add3A_183, %select_n3A : i32
      %and3A_185 = arith.andi %eq3A_181, %lt3A_184 : i1
      %convert_element_type3A_186 = arith.extui %and3A_185 : i1 to i32
      %cond3A_187 = arith.constant 0 : i32
      %cond3A_188 = arith.cmpi ne, %convert_element_type3A_186, %cond3A_187 : i32
      scf.if %cond3A_188 {
        %add3A_214 = arith.constant 1 : i32
        %add3A_215 = arith.addi %add3A_157, %add3A_214 : i32
        %shift_right_arithmetic3A_216 = arith.constant 3 : i32
        %shift_right_arithmetic3A_217 = arith.shrsi %add3A_215, %shift_right_arithmetic3A_216 : i32
        %and3A_218 = arith.constant 1 : i32
        %and3A_219 = arith.andi %shift_right_arithmetic3A_217, %and3A_218 : i32
        %mul3A_220 = arith.constant 8 : i32
        %mul3A_221 = arith.muli %shift_right_arithmetic3A_217, %mul3A_220 : i32
        %add3A_222 = arith.addi %select_n3A_8, %mul3A_221 : i32
        "tpu.region"() ({
          %run_scoped3A_223 = tpu.sem_alloc : memref<!tpu.dma_semaphore, #tpu.memory_space<semaphore_mem>>
          %dma_start3A_224 = arith.constant 0 : i32
          %dma_start3A_225 = arith.constant 0 : i32
          %dma_start3A_226 = tpu.memref_slice %arg7[%and3A_219, %dma_start3A_224, %dma_start3A_225] : memref<2x8x128xi32, #tpu.memory_space<vmem>> -> memref<1x8x128xi32, #tpu.memory_space<vmem>>
          %dma_start3A_227 = tpu.memref_squeeze %dma_start3A_226 : memref<1x8x128xi32, #tpu.memory_space<vmem>> -> memref<8x128xi32, #tpu.memory_space<vmem>>
          %dma_start3A_228 = arith.constant 0 : i32
          %dma_start3A_229 = tpu.memref_slice %arg3[%add3A_222, %dma_start3A_228] : memref<2560x128xi32, #tpu.memory_space<hbm>> -> memref<8x128xi32, #tpu.memory_space<hbm>>
          %dma_start3A_230 = arith.constant 0 : i32
          %dma_start3A_231 = arith.constant 0 : i32
          %dma_start3A_232 = tpu.memref_slice %arg7[%and3A_219, %dma_start3A_230, %dma_start3A_231] : memref<2x8x128xi32, #tpu.memory_space<vmem>> -> memref<1x8x128xi32, #tpu.memory_space<vmem>>
          %dma_start3A_233 = tpu.memref_squeeze %dma_start3A_232 : memref<1x8x128xi32, #tpu.memory_space<vmem>> -> memref<8x128xi32, #tpu.memory_space<vmem>>
          %dma_start3A_234 = arith.constant 0 : i32
          %dma_start3A_235 = tpu.memref_slice %arg3[%add3A_222, %dma_start3A_234] : memref<2560x128xi32, #tpu.memory_space<hbm>> -> memref<8x128xi32, #tpu.memory_space<hbm>>
          tpu.enqueue_dma source(%dma_start3A_235 : memref<8x128xi32, #tpu.memory_space<hbm>>) target(%dma_start3A_233 : memref<8x128xi32, #tpu.memory_space<vmem>>) target_semaphore(%run_scoped3A_223 : memref<!tpu.dma_semaphore, #tpu.memory_space<semaphore_mem>>)
          %dma_wait3A_236 = arith.constant 0 : i32
          %dma_wait3A_237 = arith.constant 0 : i32
          %dma_wait3A_238 = tpu.memref_slice %arg7[%and3A_219, %dma_wait3A_236, %dma_wait3A_237] : memref<2x8x128xi32, #tpu.memory_space<vmem>> -> memref<1x8x128xi32, #tpu.memory_space<vmem>>
          %dma_wait3A_239 = tpu.memref_squeeze %dma_wait3A_238 : memref<1x8x128xi32, #tpu.memory_space<vmem>> -> memref<8x128xi32, #tpu.memory_space<vmem>>
          %dma_wait3A_240 = arith.constant 0 : i32
          %dma_wait3A_241 = tpu.memref_slice %arg3[%add3A_222, %dma_wait3A_240] : memref<2560x128xi32, #tpu.memory_space<hbm>> -> memref<8x128xi32, #tpu.memory_space<hbm>>
          %dma_wait3A_242 = arith.constant 0 : i32
          %dma_wait3A_243 = arith.constant 0 : i32
          %dma_wait3A_244 = tpu.memref_slice %arg7[%and3A_219, %dma_wait3A_242, %dma_wait3A_243] : memref<2x8x128xi32, #tpu.memory_space<vmem>> -> memref<1x8x128xi32, #tpu.memory_space<vmem>>
          %dma_wait3A_245 = tpu.memref_squeeze %dma_wait3A_244 : memref<1x8x128xi32, #tpu.memory_space<vmem>> -> memref<8x128xi32, #tpu.memory_space<vmem>>
          %dma_wait3A_246 = arith.constant 0 : i32
          %dma_wait3A_247 = tpu.memref_slice %arg3[%add3A_222, %dma_wait3A_246] : memref<2560x128xi32, #tpu.memory_space<hbm>> -> memref<8x128xi32, #tpu.memory_space<hbm>>
          tpu.wait_dma2 semaphore(%run_scoped3A_223 : memref<!tpu.dma_semaphore, #tpu.memory_space<semaphore_mem>>) src(%dma_wait3A_247 : memref<8x128xi32, #tpu.memory_space<hbm>>) dst(%dma_wait3A_245 : memref<8x128xi32, #tpu.memory_space<vmem>>)
          tpu.yield
        }) : () -> ()
        "tpu.region"() ({
          %run_scoped3A_223 = tpu.sem_alloc : memref<!tpu.dma_semaphore, #tpu.memory_space<semaphore_mem>>
          %dma_start3A_224 = arith.constant 0 : i32
          %dma_start3A_225 = arith.constant 0 : i32
          %dma_start3A_226 = tpu.memref_slice %arg8[%and3A_219, %dma_start3A_224, %dma_start3A_225] : memref<2x8x128xi32, #tpu.memory_space<vmem>> -> memref<1x8x128xi32, #tpu.memory_space<vmem>>
          %dma_start3A_227 = tpu.memref_squeeze %dma_start3A_226 : memref<1x8x128xi32, #tpu.memory_space<vmem>> -> memref<8x128xi32, #tpu.memory_space<vmem>>
          %dma_start3A_228 = arith.constant 0 : i32
          %dma_start3A_229 = tpu.memref_slice %arg4[%add3A_222, %dma_start3A_228] : memref<2560x128xi32, #tpu.memory_space<hbm>> -> memref<8x128xi32, #tpu.memory_space<hbm>>
          %dma_start3A_230 = arith.constant 0 : i32
          %dma_start3A_231 = arith.constant 0 : i32
          %dma_start3A_232 = tpu.memref_slice %arg8[%and3A_219, %dma_start3A_230, %dma_start3A_231] : memref<2x8x128xi32, #tpu.memory_space<vmem>> -> memref<1x8x128xi32, #tpu.memory_space<vmem>>
          %dma_start3A_233 = tpu.memref_squeeze %dma_start3A_232 : memref<1x8x128xi32, #tpu.memory_space<vmem>> -> memref<8x128xi32, #tpu.memory_space<vmem>>
          %dma_start3A_234 = arith.constant 0 : i32
          %dma_start3A_235 = tpu.memref_slice %arg4[%add3A_222, %dma_start3A_234] : memref<2560x128xi32, #tpu.memory_space<hbm>> -> memref<8x128xi32, #tpu.memory_space<hbm>>
          tpu.enqueue_dma source(%dma_start3A_235 : memref<8x128xi32, #tpu.memory_space<hbm>>) target(%dma_start3A_233 : memref<8x128xi32, #tpu.memory_space<vmem>>) target_semaphore(%run_scoped3A_223 : memref<!tpu.dma_semaphore, #tpu.memory_space<semaphore_mem>>)
          %dma_wait3A_236 = arith.constant 0 : i32
          %dma_wait3A_237 = arith.constant 0 : i32
          %dma_wait3A_238 = tpu.memref_slice %arg8[%and3A_219, %dma_wait3A_236, %dma_wait3A_237] : memref<2x8x128xi32, #tpu.memory_space<vmem>> -> memref<1x8x128xi32, #tpu.memory_space<vmem>>
          %dma_wait3A_239 = tpu.memref_squeeze %dma_wait3A_238 : memref<1x8x128xi32, #tpu.memory_space<vmem>> -> memref<8x128xi32, #tpu.memory_space<vmem>>
          %dma_wait3A_240 = arith.constant 0 : i32
          %dma_wait3A_241 = tpu.memref_slice %arg4[%add3A_222, %dma_wait3A_240] : memref<2560x128xi32, #tpu.memory_space<hbm>> -> memref<8x128xi32, #tpu.memory_space<hbm>>
          %dma_wait3A_242 = arith.constant 0 : i32
          %dma_wait3A_243 = arith.constant 0 : i32
          %dma_wait3A_244 = tpu.memref_slice %arg8[%and3A_219, %dma_wait3A_242, %dma_wait3A_243] : memref<2x8x128xi32, #tpu.memory_space<vmem>> -> memref<1x8x128xi32, #tpu.memory_space<vmem>>
          %dma_wait3A_245 = tpu.memref_squeeze %dma_wait3A_244 : memref<1x8x128xi32, #tpu.memory_space<vmem>> -> memref<8x128xi32, #tpu.memory_space<vmem>>
          %dma_wait3A_246 = arith.constant 0 : i32
          %dma_wait3A_247 = tpu.memref_slice %arg4[%add3A_222, %dma_wait3A_246] : memref<2560x128xi32, #tpu.memory_space<hbm>> -> memref<8x128xi32, #tpu.memory_space<hbm>>
          tpu.wait_dma2 semaphore(%run_scoped3A_223 : memref<!tpu.dma_semaphore, #tpu.memory_space<semaphore_mem>>) src(%dma_wait3A_247 : memref<8x128xi32, #tpu.memory_space<hbm>>) dst(%dma_wait3A_245 : memref<8x128xi32, #tpu.memory_space<vmem>>)
          tpu.yield
        }) : () -> ()
        "tpu.region"() ({
          %run_scoped3A_223 = tpu.sem_alloc : memref<!tpu.dma_semaphore, #tpu.memory_space<semaphore_mem>>
          %dma_start3A_224 = arith.constant 0 : i32
          %dma_start3A_225 = arith.constant 0 : i32
          %dma_start3A_226 = tpu.memref_slice %arg9[%and3A_219, %dma_start3A_224, %dma_start3A_225] : memref<2x8x128xf32, #tpu.memory_space<vmem>> -> memref<1x8x128xf32, #tpu.memory_space<vmem>>
          %dma_start3A_227 = tpu.memref_squeeze %dma_start3A_226 : memref<1x8x128xf32, #tpu.memory_space<vmem>> -> memref<8x128xf32, #tpu.memory_space<vmem>>
          %dma_start3A_228 = arith.constant 0 : i32
          %dma_start3A_229 = tpu.memref_slice %arg5[%add3A_222, %dma_start3A_228] : memref<2560x128xf32, #tpu.memory_space<hbm>> -> memref<8x128xf32, #tpu.memory_space<hbm>>
          %dma_start3A_230 = arith.constant 0 : i32
          %dma_start3A_231 = arith.constant 0 : i32
          %dma_start3A_232 = tpu.memref_slice %arg9[%and3A_219, %dma_start3A_230, %dma_start3A_231] : memref<2x8x128xf32, #tpu.memory_space<vmem>> -> memref<1x8x128xf32, #tpu.memory_space<vmem>>
          %dma_start3A_233 = tpu.memref_squeeze %dma_start3A_232 : memref<1x8x128xf32, #tpu.memory_space<vmem>> -> memref<8x128xf32, #tpu.memory_space<vmem>>
          %dma_start3A_234 = arith.constant 0 : i32
          %dma_start3A_235 = tpu.memref_slice %arg5[%add3A_222, %dma_start3A_234] : memref<2560x128xf32, #tpu.memory_space<hbm>> -> memref<8x128xf32, #tpu.memory_space<hbm>>
          tpu.enqueue_dma source(%dma_start3A_235 : memref<8x128xf32, #tpu.memory_space<hbm>>) target(%dma_start3A_233 : memref<8x128xf32, #tpu.memory_space<vmem>>) target_semaphore(%run_scoped3A_223 : memref<!tpu.dma_semaphore, #tpu.memory_space<semaphore_mem>>)
          %dma_wait3A_236 = arith.constant 0 : i32
          %dma_wait3A_237 = arith.constant 0 : i32
          %dma_wait3A_238 = tpu.memref_slice %arg9[%and3A_219, %dma_wait3A_236, %dma_wait3A_237] : memref<2x8x128xf32, #tpu.memory_space<vmem>> -> memref<1x8x128xf32, #tpu.memory_space<vmem>>
          %dma_wait3A_239 = tpu.memref_squeeze %dma_wait3A_238 : memref<1x8x128xf32, #tpu.memory_space<vmem>> -> memref<8x128xf32, #tpu.memory_space<vmem>>
          %dma_wait3A_240 = arith.constant 0 : i32
          %dma_wait3A_241 = tpu.memref_slice %arg5[%add3A_222, %dma_wait3A_240] : memref<2560x128xf32, #tpu.memory_space<hbm>> -> memref<8x128xf32, #tpu.memory_space<hbm>>
          %dma_wait3A_242 = arith.constant 0 : i32
          %dma_wait3A_243 = arith.constant 0 : i32
          %dma_wait3A_244 = tpu.memref_slice %arg9[%and3A_219, %dma_wait3A_242, %dma_wait3A_243] : memref<2x8x128xf32, #tpu.memory_space<vmem>> -> memref<1x8x128xf32, #tpu.memory_space<vmem>>
          %dma_wait3A_245 = tpu.memref_squeeze %dma_wait3A_244 : memref<1x8x128xf32, #tpu.memory_space<vmem>> -> memref<8x128xf32, #tpu.memory_space<vmem>>
          %dma_wait3A_246 = arith.constant 0 : i32
          %dma_wait3A_247 = tpu.memref_slice %arg5[%add3A_222, %dma_wait3A_246] : memref<2560x128xf32, #tpu.memory_space<hbm>> -> memref<8x128xf32, #tpu.memory_space<hbm>>
          tpu.wait_dma2 semaphore(%run_scoped3A_223 : memref<!tpu.dma_semaphore, #tpu.memory_space<semaphore_mem>>) src(%dma_wait3A_247 : memref<8x128xf32, #tpu.memory_space<hbm>>) dst(%dma_wait3A_245 : memref<8x128xf32, #tpu.memory_space<vmem>>)
          tpu.yield
        }) : () -> ()
      } else {
      }
      %add3A_189 = arith.constant 1 : i32
      %add3A_190 = arith.addi %add3A_157, %add3A_189 : i32
      %lt3A_191 = arith.cmpi slt, %add3A_190, %select_n3A : i32
      %convert_element_type3A_192 = arith.extui %lt3A_191 : i1 to i32
      %cond3A_193 = arith.constant 0 : i32
      %cond3A_194 = arith.cmpi ne, %convert_element_type3A_192, %cond3A_193 : i32
      scf.if %cond3A_194 {
        %add3A_214 = arith.constant 1 : i32
        %add3A_215 = arith.addi %add3A_157, %add3A_214 : i32
        %shift_right_arithmetic3A_216 = arith.constant 3 : i32
        %shift_right_arithmetic3A_217 = arith.shrsi %add3A_215, %shift_right_arithmetic3A_216 : i32
        %and3A_218 = arith.constant 1 : i32
        %and3A_219 = arith.andi %shift_right_arithmetic3A_217, %and3A_218 : i32
        %and3A_220 = arith.constant 7 : i32
        %and3A_221 = arith.andi %add3A_215, %and3A_220 : i32
        %dma_start3A_222 = arith.constant 0 : i32
        %dma_start3A_223 = arith.constant 0 : i32
        %dma_start3A_224 = arith.constant 0 : i32
        %dma_start3A_225 = tpu.memref_slice %arg10[%dma_start3A_222, %dma_start3A_223, %dma_start3A_224] : memref<2x128x128xf32, #tpu.memory_space<vmem>> -> memref<1x128x128xf32, #tpu.memory_space<vmem>>
        %dma_start3A_226 = tpu.memref_squeeze %dma_start3A_225 : memref<1x128x128xf32, #tpu.memory_space<vmem>> -> memref<128x128xf32, #tpu.memory_space<vmem>>
        %dma_start3A_227 = arith.constant 0 : i32
        %dma_start3A_228 = tpu.memref_slice %arg7[%and3A_219, %and3A_221, %dma_start3A_227] : memref<2x8x128xi32, #tpu.memory_space<vmem>> -> memref<1x1x128xi32, #tpu.memory_space<vmem>>
        %dma_start3A_229 = tpu.memref_squeeze %dma_start3A_228 : memref<1x1x128xi32, #tpu.memory_space<vmem>> -> memref<128xi32, #tpu.memory_space<vmem>>
        %dma_start3A_230 = arith.constant 0 : i32
        %dma_start3A_231 = arith.constant 0 : i32
        %dma_start3A_232 = tpu.memref_slice %arg2[%dma_start3A_230, %dma_start3A_231] : memref<10240x128xf32, #tpu.memory_space<hbm>> -> memref<10240x128xf32, #tpu.memory_space<hbm>>
        tpu.enqueue_indirect_dma source(%dma_start3A_232 : memref<10240x128xf32, #tpu.memory_space<hbm>>) target(%dma_start3A_226 : memref<128x128xf32, #tpu.memory_space<vmem>>) offsets(%dma_start3A_229 : memref<128xi32, #tpu.memory_space<vmem>>) semaphore(%arg12 : memref<!tpu.dma_semaphore, #tpu.memory_space<semaphore_mem>>)
      } else {
      }
      %scan3A_195 = arith.constant 0 : i32
      %scan3A_196 = arith.constant 0 : i32
      %scan3A_197 = arith.constant 8 : i32
      %scan3A_198 = arith.addi %scan3A_196, %scan3A_197 : i32
      %scan3A_199 = arith.constant 1 : i32
      %scan3A_200 = scf.for %scan3A_214 = %scan3A_196 to %scan3A_198 step %scan3A_199 iter_args(%scan3A_215 = %scan3A_195) -> (i32)  : i32 {
        %mul3A_216 = arith.constant 16 : i32
        %mul3A_217 = arith.muli %scan3A_214, %mul3A_216 : i32
        %get3A = arith.index_cast %and3A_161 : i32 to index
        %get3A_218 = arith.index_cast %and3A_163 : i32 to index
        %get3A_219 = arith.index_cast %mul3A_217 : i32 to index
        %get3A_220 = tpu.vector_load %arg9[%get3A, %get3A_218, %get3A_219] {strides = array<i32>} : memref<2x8x128xf32, #tpu.memory_space<vmem>>, vector<16xf32>,
        %scan3A_221 = arith.constant 0 : i32
        %scan3A_222 = arith.constant 0 : i32
        %scan3A_223 = arith.constant 16 : i32
        %scan3A_224 = arith.addi %scan3A_222, %scan3A_223 : i32
        %scan3A_225 = arith.constant 1 : i32
        %scan3A_226 = scf.for %scan3A_229 = %scan3A_222 to %scan3A_224 step %scan3A_225 iter_args(%scan3A_230 = %scan3A_221) -> (i32)  : i32 {
          %mul3A_231 = arith.constant 16 : i32
          %mul3A_232 = arith.muli %scan3A_214, %mul3A_231 : i32
          %add3A_233 = arith.addi %mul3A_232, %scan3A_229 : i32
          %broadcast_in_dim3A = vector.broadcast %scan3A_229 : i32 to vector<16xi32>
          %broadcast_in_dim3A_234 = vector.shape_cast %broadcast_in_dim3A : vector<16xi32> to vector<16x1xi32>
          %gather3A = vector.shape_cast %broadcast_in_dim3A_234 : vector<16x1xi32> to vector<16xi32>
          %gather3A_235 = tpu.dynamic_gather %get3A_220[%gather3A] in [0] : vector<16xf32>, vector<16xi32> -> vector<16xf32>
          %get3A_236 = arith.constant 1 : i32
          %get3A_237 = arith.index_cast %get3A_236 : i32 to index
          %get3A_238 = arith.index_cast %add3A_233 : i32 to index
          %get3A_239 = arith.constant 0 : index
          %get3A_240 = tpu.vector_load %arg10[%get3A_237, %get3A_238, %get3A_239] {strides = array<i32>} : memref<2x128x128xf32, #tpu.memory_space<vmem>>, vector<16xf32>,
          %mul3A_241 = arith.mulf %get3A_240, %gather3A_235 : vector<16xf32>
          %swap3A = arith.constant 1 : i32
          %swap3A_242 = arith.index_cast %swap3A : i32 to index
          %swap3A_243 = arith.index_cast %add3A_233 : i32 to index
          %swap3A_244 = arith.constant 0 : index
          %swap3A_245 = tpu.vector_load %arg10[%swap3A_242, %swap3A_243, %swap3A_244] {strides = array<i32>} : memref<2x128x128xf32, #tpu.memory_space<vmem>>, vector<16xf32>,
          tpu.vector_store %arg10[%swap3A_242, %swap3A_243, %swap3A_244], %mul3A_241 {strides = array<i32>} : memref<2x128x128xf32, #tpu.memory_space<vmem>>, vector<16xf32>,
          %get3A_246 = arith.constant 1 : i32
          %get3A_247 = arith.index_cast %get3A_246 : i32 to index
          %get3A_248 = arith.index_cast %add3A_233 : i32 to index
          %get3A_249 = arith.constant 16 : index
          %get3A_250 = tpu.vector_load %arg10[%get3A_247, %get3A_248, %get3A_249] {strides = array<i32>} : memref<2x128x128xf32, #tpu.memory_space<vmem>>, vector<16xf32>,
          %mul3A_251 = arith.mulf %get3A_250, %gather3A_235 : vector<16xf32>
          %swap3A_252 = arith.constant 1 : i32
          %swap3A_253 = arith.index_cast %swap3A_252 : i32 to index
          %swap3A_254 = arith.index_cast %add3A_233 : i32 to index
          %swap3A_255 = arith.constant 16 : index
          %swap3A_256 = tpu.vector_load %arg10[%swap3A_253, %swap3A_254, %swap3A_255] {strides = array<i32>} : memref<2x128x128xf32, #tpu.memory_space<vmem>>, vector<16xf32>,
          tpu.vector_store %arg10[%swap3A_253, %swap3A_254, %swap3A_255], %mul3A_251 {strides = array<i32>} : memref<2x128x128xf32, #tpu.memory_space<vmem>>, vector<16xf32>,
          %get3A_257 = arith.constant 1 : i32
          %get3A_258 = arith.index_cast %get3A_257 : i32 to index
          %get3A_259 = arith.index_cast %add3A_233 : i32 to index
          %get3A_260 = arith.constant 32 : index
          %get3A_261 = tpu.vector_load %arg10[%get3A_258, %get3A_259, %get3A_260] {strides = array<i32>} : memref<2x128x128xf32, #tpu.memory_space<vmem>>, vector<16xf32>,
          %mul3A_262 = arith.mulf %get3A_261, %gather3A_235 : vector<16xf32>
          %swap3A_263 = arith.constant 1 : i32
          %swap3A_264 = arith.index_cast %swap3A_263 : i32 to index
          %swap3A_265 = arith.index_cast %add3A_233 : i32 to index
          %swap3A_266 = arith.constant 32 : index
          %swap3A_267 = tpu.vector_load %arg10[%swap3A_264, %swap3A_265, %swap3A_266] {strides = array<i32>} : memref<2x128x128xf32, #tpu.memory_space<vmem>>, vector<16xf32>,
          tpu.vector_store %arg10[%swap3A_264, %swap3A_265, %swap3A_266], %mul3A_262 {strides = array<i32>} : memref<2x128x128xf32, #tpu.memory_space<vmem>>, vector<16xf32>,
          %get3A_268 = arith.constant 1 : i32
          %get3A_269 = arith.index_cast %get3A_268 : i32 to index
          %get3A_270 = arith.index_cast %add3A_233 : i32 to index
          %get3A_271 = arith.constant 48 : index
          %get3A_272 = tpu.vector_load %arg10[%get3A_269, %get3A_270, %get3A_271] {strides = array<i32>} : memref<2x128x128xf32, #tpu.memory_space<vmem>>, vector<16xf32>,
          %mul3A_273 = arith.mulf %get3A_272, %gather3A_235 : vector<16xf32>
          %swap3A_274 = arith.constant 1 : i32
          %swap3A_275 = arith.index_cast %swap3A_274 : i32 to index
          %swap3A_276 = arith.index_cast %add3A_233 : i32 to index
          %swap3A_277 = arith.constant 48 : index
          %swap3A_278 = tpu.vector_load %arg10[%swap3A_275, %swap3A_276, %swap3A_277] {strides = array<i32>} : memref<2x128x128xf32, #tpu.memory_space<vmem>>, vector<16xf32>,
          tpu.vector_store %arg10[%swap3A_275, %swap3A_276, %swap3A_277], %mul3A_273 {strides = array<i32>} : memref<2x128x128xf32, #tpu.memory_space<vmem>>, vector<16xf32>,
          %get3A_279 = arith.constant 1 : i32
          %get3A_280 = arith.index_cast %get3A_279 : i32 to index
          %get3A_281 = arith.index_cast %add3A_233 : i32 to index
          %get3A_282 = arith.constant 64 : index
          %get3A_283 = tpu.vector_load %arg10[%get3A_280, %get3A_281, %get3A_282] {strides = array<i32>} : memref<2x128x128xf32, #tpu.memory_space<vmem>>, vector<16xf32>,
          %mul3A_284 = arith.mulf %get3A_283, %gather3A_235 : vector<16xf32>
          %swap3A_285 = arith.constant 1 : i32
          %swap3A_286 = arith.index_cast %swap3A_285 : i32 to index
          %swap3A_287 = arith.index_cast %add3A_233 : i32 to index
          %swap3A_288 = arith.constant 64 : index
          %swap3A_289 = tpu.vector_load %arg10[%swap3A_286, %swap3A_287, %swap3A_288] {strides = array<i32>} : memref<2x128x128xf32, #tpu.memory_space<vmem>>, vector<16xf32>,
          tpu.vector_store %arg10[%swap3A_286, %swap3A_287, %swap3A_288], %mul3A_284 {strides = array<i32>} : memref<2x128x128xf32, #tpu.memory_space<vmem>>, vector<16xf32>,
          %get3A_290 = arith.constant 1 : i32
          %get3A_291 = arith.index_cast %get3A_290 : i32 to index
          %get3A_292 = arith.index_cast %add3A_233 : i32 to index
          %get3A_293 = arith.constant 80 : index
          %get3A_294 = tpu.vector_load %arg10[%get3A_291, %get3A_292, %get3A_293] {strides = array<i32>} : memref<2x128x128xf32, #tpu.memory_space<vmem>>, vector<16xf32>,
          %mul3A_295 = arith.mulf %get3A_294, %gather3A_235 : vector<16xf32>
          %swap3A_296 = arith.constant 1 : i32
          %swap3A_297 = arith.index_cast %swap3A_296 : i32 to index
          %swap3A_298 = arith.index_cast %add3A_233 : i32 to index
          %swap3A_299 = arith.constant 80 : index
          %swap3A_300 = tpu.vector_load %arg10[%swap3A_297, %swap3A_298, %swap3A_299] {strides = array<i32>} : memref<2x128x128xf32, #tpu.memory_space<vmem>>, vector<16xf32>,
          tpu.vector_store %arg10[%swap3A_297, %swap3A_298, %swap3A_299], %mul3A_295 {strides = array<i32>} : memref<2x128x128xf32, #tpu.memory_space<vmem>>, vector<16xf32>,
          %get3A_301 = arith.constant 1 : i32
          %get3A_302 = arith.index_cast %get3A_301 : i32 to index
          %get3A_303 = arith.index_cast %add3A_233 : i32 to index
          %get3A_304 = arith.constant 96 : index
          %get3A_305 = tpu.vector_load %arg10[%get3A_302, %get3A_303, %get3A_304] {strides = array<i32>} : memref<2x128x128xf32, #tpu.memory_space<vmem>>, vector<16xf32>,
          %mul3A_306 = arith.mulf %get3A_305, %gather3A_235 : vector<16xf32>
          %swap3A_307 = arith.constant 1 : i32
          %swap3A_308 = arith.index_cast %swap3A_307 : i32 to index
          %swap3A_309 = arith.index_cast %add3A_233 : i32 to index
          %swap3A_310 = arith.constant 96 : index
          %swap3A_311 = tpu.vector_load %arg10[%swap3A_308, %swap3A_309, %swap3A_310] {strides = array<i32>} : memref<2x128x128xf32, #tpu.memory_space<vmem>>, vector<16xf32>,
          tpu.vector_store %arg10[%swap3A_308, %swap3A_309, %swap3A_310], %mul3A_306 {strides = array<i32>} : memref<2x128x128xf32, #tpu.memory_space<vmem>>, vector<16xf32>,
          %get3A_312 = arith.constant 1 : i32
          %get3A_313 = arith.index_cast %get3A_312 : i32 to index
          %get3A_314 = arith.index_cast %add3A_233 : i32 to index
          %get3A_315 = arith.constant 112 : index
          %get3A_316 = tpu.vector_load %arg10[%get3A_313, %get3A_314, %get3A_315] {strides = array<i32>} : memref<2x128x128xf32, #tpu.memory_space<vmem>>, vector<16xf32>,
          %mul3A_317 = arith.mulf %get3A_316, %gather3A_235 : vector<16xf32>
          %swap3A_318 = arith.constant 1 : i32
          %swap3A_319 = arith.index_cast %swap3A_318 : i32 to index
          %swap3A_320 = arith.index_cast %add3A_233 : i32 to index
          %swap3A_321 = arith.constant 112 : index
          %swap3A_322 = tpu.vector_load %arg10[%swap3A_319, %swap3A_320, %swap3A_321] {strides = array<i32>} : memref<2x128x128xf32, #tpu.memory_space<vmem>>, vector<16xf32>,
          tpu.vector_store %arg10[%swap3A_319, %swap3A_320, %swap3A_321], %mul3A_317 {strides = array<i32>} : memref<2x128x128xf32, #tpu.memory_space<vmem>>, vector<16xf32>,
          %scan3A_323 = arith.constant 0 : i32
          scf.yield %scan3A_323 : i32
        }
        %scan3A_227 = arith.constant 16 : i32
        %scan3A_228 = arith.constant 0 : i32
        scf.yield %scan3A_228 : i32
      }
      %scan3A_201 = arith.constant 8 : i32
      %dma_start3A_202 = arith.constant 1 : i32
      %dma_start3A_203 = arith.constant 0 : i32
      %dma_start3A_204 = arith.constant 0 : i32
      %dma_start3A_205 = tpu.memref_slice %arg10[%dma_start3A_202, %dma_start3A_203, %dma_start3A_204] : memref<2x128x128xf32, #tpu.memory_space<vmem>> -> memref<1x128x128xf32, #tpu.memory_space<vmem>>
      %dma_start3A_206 = tpu.memref_squeeze %dma_start3A_205 : memref<1x128x128xf32, #tpu.memory_space<vmem>> -> memref<128x128xf32, #tpu.memory_space<vmem>>
      %dma_start3A_207 = arith.constant 0 : i32
      %dma_start3A_208 = tpu.memref_slice %arg8[%and3A_161, %and3A_163, %dma_start3A_207] : memref<2x8x128xi32, #tpu.memory_space<vmem>> -> memref<1x1x128xi32, #tpu.memory_space<vmem>>
      %dma_start3A_209 = tpu.memref_squeeze %dma_start3A_208 : memref<1x1x128xi32, #tpu.memory_space<vmem>> -> memref<128xi32, #tpu.memory_space<vmem>>
      %dma_start3A_210 = arith.constant 0 : i32
      %dma_start3A_211 = arith.constant 0 : i32
      %dma_start3A_212 = tpu.memref_slice %arg11[%dma_start3A_210, %dma_start3A_211] : memref<10240x128xf32, #tpu.memory_space<vmem_shared>> -> memref<10240x128xf32, #tpu.memory_space<vmem_shared>>
      tpu.enqueue_indirect_dma source(%dma_start3A_206 : memref<128x128xf32, #tpu.memory_space<vmem>>) target(%dma_start3A_212 : memref<10240x128xf32, #tpu.memory_space<vmem_shared>>) offsets(%dma_start3A_209 : memref<128xi32, #tpu.memory_space<vmem>>) semaphore(%arg15 : memref<!tpu.dma_semaphore, #tpu.memory_space<semaphore_mem>>) {add = true}
      %while3A_213 = arith.constant 0 : i32
      scf.yield %while3A_213 : i32
    }
    %while3A_81 = arith.constant 1 : i32
    %while3A_82 = scf.for %while3A_100 = %while3A_78 to %while3A_74 step %while3A_81 iter_args(%while3A_101 = %while3A_80) -> (i32)  : i32 {
      %mul3A_102 = arith.constant 2 : i32
      %mul3A_103 = arith.muli %mul3A_102, %while3A_100 : i32
      %shift_right_arithmetic3A = arith.constant 3 : i32
      %shift_right_arithmetic3A_104 = arith.shrsi %mul3A_103, %shift_right_arithmetic3A : i32
      %and3A_105 = arith.constant 1 : i32
      %and3A_106 = arith.andi %shift_right_arithmetic3A_104, %and3A_105 : i32
      %and3A_107 = arith.constant 7 : i32
      %and3A_108 = arith.andi %mul3A_103, %and3A_107 : i32
      %dma_wait3A_109 = arith.constant 0 : i32
      %dma_wait3A_110 = arith.constant 0 : i32
      %dma_wait3A_111 = arith.constant 0 : i32
      %dma_wait3A_112 = tpu.memref_slice %arg10[%dma_wait3A_109, %dma_wait3A_110, %dma_wait3A_111] : memref<2x128x128xf32, #tpu.memory_space<vmem>> -> memref<1x128x128xf32, #tpu.memory_space<vmem>>
      %dma_wait3A_113 = tpu.memref_squeeze %dma_wait3A_112 : memref<1x128x128xf32, #tpu.memory_space<vmem>> -> memref<128x128xf32, #tpu.memory_space<vmem>>
      %dma_wait3A_114 = arith.constant 0 : i32
      %dma_wait3A_115 = tpu.memref_slice %arg7[%and3A_106, %and3A_108, %dma_wait3A_114] : memref<2x8x128xi32, #tpu.memory_space<vmem>> -> memref<1x1x128xi32, #tpu.memory_space<vmem>>
      %dma_wait3A_116 = tpu.memref_squeeze %dma_wait3A_115 : memref<1x1x128xi32, #tpu.memory_space<vmem>> -> memref<128xi32, #tpu.memory_space<vmem>>
      %dma_wait3A_117 = arith.constant 0 : i32
      %dma_wait3A_118 = arith.constant 0 : i32
      %dma_wait3A_119 = tpu.memref_slice %arg2[%dma_wait3A_117, %dma_wait3A_118] : memref<10240x128xf32, #tpu.memory_space<hbm>> -> memref<10240x128xf32, #tpu.memory_space<hbm>>
      tpu.wait_indirect_dma semaphore(%arg12 : memref<!tpu.dma_semaphore, #tpu.memory_space<semaphore_mem>>) src(%dma_wait3A_119 : memref<10240x128xf32, #tpu.memory_space<hbm>>) dst(%dma_wait3A_113 : memref<128x128xf32, #tpu.memory_space<vmem>>)
      %ge3A = arith.constant 1 : i32
      %ge3A_120 = arith.cmpi sge, %mul3A_103, %ge3A : i32
      %convert_element_type3A = arith.extui %ge3A_120 : i1 to i32
      %cond3A = arith.constant 0 : i32
      %cond3A_121 = arith.cmpi ne, %convert_element_type3A, %cond3A : i32
      scf.if %cond3A_121 {
        %dma_wait3A_214 = arith.constant 1 : i32
        %dma_wait3A_215 = arith.constant 0 : i32
        %dma_wait3A_216 = arith.constant 0 : i32
        %dma_wait3A_217 = arith.constant 0 : i32
        %dma_wait3A_218 = arith.constant 0 : i32
        %dma_wait3A_219 = tpu.memref_slice %arg10[%dma_wait3A_214, %dma_wait3A_217, %dma_wait3A_218] : memref<2x128x128xf32, #tpu.memory_space<vmem>> -> memref<1x128x128xf32, #tpu.memory_space<vmem>>
        %dma_wait3A_220 = tpu.memref_squeeze %dma_wait3A_219 : memref<1x128x128xf32, #tpu.memory_space<vmem>> -> memref<128x128xf32, #tpu.memory_space<vmem>>
        %dma_wait3A_221 = arith.constant 0 : i32
        %dma_wait3A_222 = tpu.memref_slice %arg8[%dma_wait3A_215, %dma_wait3A_216, %dma_wait3A_221] : memref<2x8x128xi32, #tpu.memory_space<vmem>> -> memref<1x1x128xi32, #tpu.memory_space<vmem>>
        %dma_wait3A_223 = tpu.memref_squeeze %dma_wait3A_222 : memref<1x1x128xi32, #tpu.memory_space<vmem>> -> memref<128xi32, #tpu.memory_space<vmem>>
        %dma_wait3A_224 = arith.constant 0 : i32
        %dma_wait3A_225 = arith.constant 0 : i32
        %dma_wait3A_226 = tpu.memref_slice %arg11[%dma_wait3A_224, %dma_wait3A_225] : memref<10240x128xf32, #tpu.memory_space<vmem_shared>> -> memref<10240x128xf32, #tpu.memory_space<vmem_shared>>
        tpu.wait_indirect_dma semaphore(%arg15 : memref<!tpu.dma_semaphore, #tpu.memory_space<semaphore_mem>>) src(%dma_wait3A_220 : memref<128x128xf32, #tpu.memory_space<vmem>>) dst(%dma_wait3A_226 : memref<10240x128xf32, #tpu.memory_space<vmem_shared>>)
      } else {
      }
      %eq3A_122 = arith.constant 7 : i32
      %eq3A_123 = arith.cmpi eq, %and3A_108, %eq3A_122 : i32
      %add3A_124 = arith.constant 1 : i32
      %add3A_125 = arith.addi %mul3A_103, %add3A_124 : i32
      %lt3A = arith.cmpi slt, %add3A_125, %select_n3A : i32
      %and3A_126 = arith.andi %eq3A_123, %lt3A : i1
      %convert_element_type3A_127 = arith.extui %and3A_126 : i1 to i32
      %cond3A_128 = arith.constant 0 : i32
      %cond3A_129 = arith.cmpi ne, %convert_element_type3A_127, %cond3A_128 : i32
      scf.if %cond3A_129 {
        %add3A_214 = arith.constant 1 : i32
        %add3A_215 = arith.addi %mul3A_103, %add3A_214 : i32
        %shift_right_arithmetic3A_216 = arith.constant 3 : i32
        %shift_right_arithmetic3A_217 = arith.shrsi %add3A_215, %shift_right_arithmetic3A_216 : i32
        %and3A_218 = arith.constant 1 : i32
        %and3A_219 = arith.andi %shift_right_arithmetic3A_217, %and3A_218 : i32
        %mul3A_220 = arith.constant 8 : i32
        %mul3A_221 = arith.muli %shift_right_arithmetic3A_217, %mul3A_220 : i32
        %add3A_222 = arith.addi %select_n3A_8, %mul3A_221 : i32
        "tpu.region"() ({
          %run_scoped3A_223 = tpu.sem_alloc : memref<!tpu.dma_semaphore, #tpu.memory_space<semaphore_mem>>
          %dma_start3A_224 = arith.constant 0 : i32
          %dma_start3A_225 = arith.constant 0 : i32
          %dma_start3A_226 = tpu.memref_slice %arg7[%and3A_219, %dma_start3A_224, %dma_start3A_225] : memref<2x8x128xi32, #tpu.memory_space<vmem>> -> memref<1x8x128xi32, #tpu.memory_space<vmem>>
          %dma_start3A_227 = tpu.memref_squeeze %dma_start3A_226 : memref<1x8x128xi32, #tpu.memory_space<vmem>> -> memref<8x128xi32, #tpu.memory_space<vmem>>
          %dma_start3A_228 = arith.constant 0 : i32
          %dma_start3A_229 = tpu.memref_slice %arg3[%add3A_222, %dma_start3A_228] : memref<2560x128xi32, #tpu.memory_space<hbm>> -> memref<8x128xi32, #tpu.memory_space<hbm>>
          %dma_start3A_230 = arith.constant 0 : i32
          %dma_start3A_231 = arith.constant 0 : i32
          %dma_start3A_232 = tpu.memref_slice %arg7[%and3A_219, %dma_start3A_230, %dma_start3A_231] : memref<2x8x128xi32, #tpu.memory_space<vmem>> -> memref<1x8x128xi32, #tpu.memory_space<vmem>>
          %dma_start3A_233 = tpu.memref_squeeze %dma_start3A_232 : memref<1x8x128xi32, #tpu.memory_space<vmem>> -> memref<8x128xi32, #tpu.memory_space<vmem>>
          %dma_start3A_234 = arith.constant 0 : i32
          %dma_start3A_235 = tpu.memref_slice %arg3[%add3A_222, %dma_start3A_234] : memref<2560x128xi32, #tpu.memory_space<hbm>> -> memref<8x128xi32, #tpu.memory_space<hbm>>
          tpu.enqueue_dma source(%dma_start3A_235 : memref<8x128xi32, #tpu.memory_space<hbm>>) target(%dma_start3A_233 : memref<8x128xi32, #tpu.memory_space<vmem>>) target_semaphore(%run_scoped3A_223 : memref<!tpu.dma_semaphore, #tpu.memory_space<semaphore_mem>>)
          %dma_wait3A_236 = arith.constant 0 : i32
          %dma_wait3A_237 = arith.constant 0 : i32
          %dma_wait3A_238 = tpu.memref_slice %arg7[%and3A_219, %dma_wait3A_236, %dma_wait3A_237] : memref<2x8x128xi32, #tpu.memory_space<vmem>> -> memref<1x8x128xi32, #tpu.memory_space<vmem>>
          %dma_wait3A_239 = tpu.memref_squeeze %dma_wait3A_238 : memref<1x8x128xi32, #tpu.memory_space<vmem>> -> memref<8x128xi32, #tpu.memory_space<vmem>>
          %dma_wait3A_240 = arith.constant 0 : i32
          %dma_wait3A_241 = tpu.memref_slice %arg3[%add3A_222, %dma_wait3A_240] : memref<2560x128xi32, #tpu.memory_space<hbm>> -> memref<8x128xi32, #tpu.memory_space<hbm>>
          %dma_wait3A_242 = arith.constant 0 : i32
          %dma_wait3A_243 = arith.constant 0 : i32
          %dma_wait3A_244 = tpu.memref_slice %arg7[%and3A_219, %dma_wait3A_242, %dma_wait3A_243] : memref<2x8x128xi32, #tpu.memory_space<vmem>> -> memref<1x8x128xi32, #tpu.memory_space<vmem>>
          %dma_wait3A_245 = tpu.memref_squeeze %dma_wait3A_244 : memref<1x8x128xi32, #tpu.memory_space<vmem>> -> memref<8x128xi32, #tpu.memory_space<vmem>>
          %dma_wait3A_246 = arith.constant 0 : i32
          %dma_wait3A_247 = tpu.memref_slice %arg3[%add3A_222, %dma_wait3A_246] : memref<2560x128xi32, #tpu.memory_space<hbm>> -> memref<8x128xi32, #tpu.memory_space<hbm>>
          tpu.wait_dma2 semaphore(%run_scoped3A_223 : memref<!tpu.dma_semaphore, #tpu.memory_space<semaphore_mem>>) src(%dma_wait3A_247 : memref<8x128xi32, #tpu.memory_space<hbm>>) dst(%dma_wait3A_245 : memref<8x128xi32, #tpu.memory_space<vmem>>)
          tpu.yield
        }) : () -> ()
        "tpu.region"() ({
          %run_scoped3A_223 = tpu.sem_alloc : memref<!tpu.dma_semaphore, #tpu.memory_space<semaphore_mem>>
          %dma_start3A_224 = arith.constant 0 : i32
          %dma_start3A_225 = arith.constant 0 : i32
          %dma_start3A_226 = tpu.memref_slice %arg8[%and3A_219, %dma_start3A_224, %dma_start3A_225] : memref<2x8x128xi32, #tpu.memory_space<vmem>> -> memref<1x8x128xi32, #tpu.memory_space<vmem>>
          %dma_start3A_227 = tpu.memref_squeeze %dma_start3A_226 : memref<1x8x128xi32, #tpu.memory_space<vmem>> -> memref<8x128xi32, #tpu.memory_space<vmem>>
          %dma_start3A_228 = arith.constant 0 : i32
          %dma_start3A_229 = tpu.memref_slice %arg4[%add3A_222, %dma_start3A_228] : memref<2560x128xi32, #tpu.memory_space<hbm>> -> memref<8x128xi32, #tpu.memory_space<hbm>>
          %dma_start3A_230 = arith.constant 0 : i32
          %dma_start3A_231 = arith.constant 0 : i32
          %dma_start3A_232 = tpu.memref_slice %arg8[%and3A_219, %dma_start3A_230, %dma_start3A_231] : memref<2x8x128xi32, #tpu.memory_space<vmem>> -> memref<1x8x128xi32, #tpu.memory_space<vmem>>
          %dma_start3A_233 = tpu.memref_squeeze %dma_start3A_232 : memref<1x8x128xi32, #tpu.memory_space<vmem>> -> memref<8x128xi32, #tpu.memory_space<vmem>>
          %dma_start3A_234 = arith.constant 0 : i32
          %dma_start3A_235 = tpu.memref_slice %arg4[%add3A_222, %dma_start3A_234] : memref<2560x128xi32, #tpu.memory_space<hbm>> -> memref<8x128xi32, #tpu.memory_space<hbm>>
          tpu.enqueue_dma source(%dma_start3A_235 : memref<8x128xi32, #tpu.memory_space<hbm>>) target(%dma_start3A_233 : memref<8x128xi32, #tpu.memory_space<vmem>>) target_semaphore(%run_scoped3A_223 : memref<!tpu.dma_semaphore, #tpu.memory_space<semaphore_mem>>)
          %dma_wait3A_236 = arith.constant 0 : i32
          %dma_wait3A_237 = arith.constant 0 : i32
          %dma_wait3A_238 = tpu.memref_slice %arg8[%and3A_219, %dma_wait3A_236, %dma_wait3A_237] : memref<2x8x128xi32, #tpu.memory_space<vmem>> -> memref<1x8x128xi32, #tpu.memory_space<vmem>>
          %dma_wait3A_239 = tpu.memref_squeeze %dma_wait3A_238 : memref<1x8x128xi32, #tpu.memory_space<vmem>> -> memref<8x128xi32, #tpu.memory_space<vmem>>
          %dma_wait3A_240 = arith.constant 0 : i32
          %dma_wait3A_241 = tpu.memref_slice %arg4[%add3A_222, %dma_wait3A_240] : memref<2560x128xi32, #tpu.memory_space<hbm>> -> memref<8x128xi32, #tpu.memory_space<hbm>>
          %dma_wait3A_242 = arith.constant 0 : i32
          %dma_wait3A_243 = arith.constant 0 : i32
          %dma_wait3A_244 = tpu.memref_slice %arg8[%and3A_219, %dma_wait3A_242, %dma_wait3A_243] : memref<2x8x128xi32, #tpu.memory_space<vmem>> -> memref<1x8x128xi32, #tpu.memory_space<vmem>>
          %dma_wait3A_245 = tpu.memref_squeeze %dma_wait3A_244 : memref<1x8x128xi32, #tpu.memory_space<vmem>> -> memref<8x128xi32, #tpu.memory_space<vmem>>
          %dma_wait3A_246 = arith.constant 0 : i32
          %dma_wait3A_247 = tpu.memref_slice %arg4[%add3A_222, %dma_wait3A_246] : memref<2560x128xi32, #tpu.memory_space<hbm>> -> memref<8x128xi32, #tpu.memory_space<hbm>>
          tpu.wait_dma2 semaphore(%run_scoped3A_223 : memref<!tpu.dma_semaphore, #tpu.memory_space<semaphore_mem>>) src(%dma_wait3A_247 : memref<8x128xi32, #tpu.memory_space<hbm>>) dst(%dma_wait3A_245 : memref<8x128xi32, #tpu.memory_space<vmem>>)
          tpu.yield
        }) : () -> ()
        "tpu.region"() ({
          %run_scoped3A_223 = tpu.sem_alloc : memref<!tpu.dma_semaphore, #tpu.memory_space<semaphore_mem>>
          %dma_start3A_224 = arith.constant 0 : i32
          %dma_start3A_225 = arith.constant 0 : i32
          %dma_start3A_226 = tpu.memref_slice %arg9[%and3A_219, %dma_start3A_224, %dma_start3A_225] : memref<2x8x128xf32, #tpu.memory_space<vmem>> -> memref<1x8x128xf32, #tpu.memory_space<vmem>>
          %dma_start3A_227 = tpu.memref_squeeze %dma_start3A_226 : memref<1x8x128xf32, #tpu.memory_space<vmem>> -> memref<8x128xf32, #tpu.memory_space<vmem>>
          %dma_start3A_228 = arith.constant 0 : i32
          %dma_start3A_229 = tpu.memref_slice %arg5[%add3A_222, %dma_start3A_228] : memref<2560x128xf32, #tpu.memory_space<hbm>> -> memref<8x128xf32, #tpu.memory_space<hbm>>
          %dma_start3A_230 = arith.constant 0 : i32
          %dma_start3A_231 = arith.constant 0 : i32
          %dma_start3A_232 = tpu.memref_slice %arg9[%and3A_219, %dma_start3A_230, %dma_start3A_231] : memref<2x8x128xf32, #tpu.memory_space<vmem>> -> memref<1x8x128xf32, #tpu.memory_space<vmem>>
          %dma_start3A_233 = tpu.memref_squeeze %dma_start3A_232 : memref<1x8x128xf32, #tpu.memory_space<vmem>> -> memref<8x128xf32, #tpu.memory_space<vmem>>
          %dma_start3A_234 = arith.constant 0 : i32
          %dma_start3A_235 = tpu.memref_slice %arg5[%add3A_222, %dma_start3A_234] : memref<2560x128xf32, #tpu.memory_space<hbm>> -> memref<8x128xf32, #tpu.memory_space<hbm>>
          tpu.enqueue_dma source(%dma_start3A_235 : memref<8x128xf32, #tpu.memory_space<hbm>>) target(%dma_start3A_233 : memref<8x128xf32, #tpu.memory_space<vmem>>) target_semaphore(%run_scoped3A_223 : memref<!tpu.dma_semaphore, #tpu.memory_space<semaphore_mem>>)
          %dma_wait3A_236 = arith.constant 0 : i32
          %dma_wait3A_237 = arith.constant 0 : i32
          %dma_wait3A_238 = tpu.memref_slice %arg9[%and3A_219, %dma_wait3A_236, %dma_wait3A_237] : memref<2x8x128xf32, #tpu.memory_space<vmem>> -> memref<1x8x128xf32, #tpu.memory_space<vmem>>
          %dma_wait3A_239 = tpu.memref_squeeze %dma_wait3A_238 : memref<1x8x128xf32, #tpu.memory_space<vmem>> -> memref<8x128xf32, #tpu.memory_space<vmem>>
          %dma_wait3A_240 = arith.constant 0 : i32
          %dma_wait3A_241 = tpu.memref_slice %arg5[%add3A_222, %dma_wait3A_240] : memref<2560x128xf32, #tpu.memory_space<hbm>> -> memref<8x128xf32, #tpu.memory_space<hbm>>
          %dma_wait3A_242 = arith.constant 0 : i32
          %dma_wait3A_243 = arith.constant 0 : i32
          %dma_wait3A_244 = tpu.memref_slice %arg9[%and3A_219, %dma_wait3A_242, %dma_wait3A_243] : memref<2x8x128xf32, #tpu.memory_space<vmem>> -> memref<1x8x128xf32, #tpu.memory_space<vmem>>
          %dma_wait3A_245 = tpu.memref_squeeze %dma_wait3A_244 : memref<1x8x128xf32, #tpu.memory_space<vmem>> -> memref<8x128xf32, #tpu.memory_space<vmem>>
          %dma_wait3A_246 = arith.constant 0 : i32
          %dma_wait3A_247 = tpu.memref_slice %arg5[%add3A_222, %dma_wait3A_246] : memref<2560x128xf32, #tpu.memory_space<hbm>> -> memref<8x128xf32, #tpu.memory_space<hbm>>
          tpu.wait_dma2 semaphore(%run_scoped3A_223 : memref<!tpu.dma_semaphore, #tpu.memory_space<semaphore_mem>>) src(%dma_wait3A_247 : memref<8x128xf32, #tpu.memory_space<hbm>>) dst(%dma_wait3A_245 : memref<8x128xf32, #tpu.memory_space<vmem>>)
          tpu.yield
        }) : () -> ()
      } else {
      }
      %add3A_130 = arith.constant 1 : i32
      %add3A_131 = arith.addi %mul3A_103, %add3A_130 : i32
      %lt3A_132 = arith.cmpi slt, %add3A_131, %select_n3A : i32
      %convert_element_type3A_133 = arith.extui %lt3A_132 : i1 to i32
      %cond3A_134 = arith.constant 0 : i32
      %cond3A_135 = arith.cmpi ne, %convert_element_type3A_133, %cond3A_134 : i32
      scf.if %cond3A_135 {
        %add3A_214 = arith.constant 1 : i32
        %add3A_215 = arith.addi %mul3A_103, %add3A_214 : i32
        %shift_right_arithmetic3A_216 = arith.constant 3 : i32
        %shift_right_arithmetic3A_217 = arith.shrsi %add3A_215, %shift_right_arithmetic3A_216 : i32
        %and3A_218 = arith.constant 1 : i32
        %and3A_219 = arith.andi %shift_right_arithmetic3A_217, %and3A_218 : i32
        %and3A_220 = arith.constant 7 : i32
        %and3A_221 = arith.andi %add3A_215, %and3A_220 : i32
        %dma_start3A_222 = arith.constant 1 : i32
        %dma_start3A_223 = arith.constant 0 : i32
        %dma_start3A_224 = arith.constant 0 : i32
        %dma_start3A_225 = tpu.memref_slice %arg10[%dma_start3A_222, %dma_start3A_223, %dma_start3A_224] : memref<2x128x128xf32, #tpu.memory_space<vmem>> -> memref<1x128x128xf32, #tpu.memory_space<vmem>>
        %dma_start3A_226 = tpu.memref_squeeze %dma_start3A_225 : memref<1x128x128xf32, #tpu.memory_space<vmem>> -> memref<128x128xf32, #tpu.memory_space<vmem>>
        %dma_start3A_227 = arith.constant 0 : i32
        %dma_start3A_228 = tpu.memref_slice %arg7[%and3A_219, %and3A_221, %dma_start3A_227] : memref<2x8x128xi32, #tpu.memory_space<vmem>> -> memref<1x1x128xi32, #tpu.memory_space<vmem>>
        %dma_start3A_229 = tpu.memref_squeeze %dma_start3A_228 : memref<1x1x128xi32, #tpu.memory_space<vmem>> -> memref<128xi32, #tpu.memory_space<vmem>>
        %dma_start3A_230 = arith.constant 0 : i32
        %dma_start3A_231 = arith.constant 0 : i32
        %dma_start3A_232 = tpu.memref_slice %arg2[%dma_start3A_230, %dma_start3A_231] : memref<10240x128xf32, #tpu.memory_space<hbm>> -> memref<10240x128xf32, #tpu.memory_space<hbm>>
        tpu.enqueue_indirect_dma source(%dma_start3A_232 : memref<10240x128xf32, #tpu.memory_space<hbm>>) target(%dma_start3A_226 : memref<128x128xf32, #tpu.memory_space<vmem>>) offsets(%dma_start3A_229 : memref<128xi32, #tpu.memory_space<vmem>>) semaphore(%arg13 : memref<!tpu.dma_semaphore, #tpu.memory_space<semaphore_mem>>)
      } else {
      }
      %scan3A_136 = arith.constant 0 : i32
      %scan3A_137 = arith.constant 0 : i32
      %scan3A_138 = arith.constant 8 : i32
      %scan3A_139 = arith.addi %scan3A_137, %scan3A_138 : i32
      %scan3A_140 = arith.constant 1 : i32
      %scan3A_141 = scf.for %scan3A_214 = %scan3A_137 to %scan3A_139 step %scan3A_140 iter_args(%scan3A_215 = %scan3A_136) -> (i32)  : i32 {
        %mul3A_216 = arith.constant 16 : i32
        %mul3A_217 = arith.muli %scan3A_214, %mul3A_216 : i32
        %get3A = arith.index_cast %and3A_106 : i32 to index
        %get3A_218 = arith.index_cast %and3A_108 : i32 to index
        %get3A_219 = arith.index_cast %mul3A_217 : i32 to index
        %get3A_220 = tpu.vector_load %arg9[%get3A, %get3A_218, %get3A_219] {strides = array<i32>} : memref<2x8x128xf32, #tpu.memory_space<vmem>>, vector<16xf32>,
        %scan3A_221 = arith.constant 0 : i32
        %scan3A_222 = arith.constant 0 : i32
        %scan3A_223 = arith.constant 16 : i32
        %scan3A_224 = arith.addi %scan3A_222, %scan3A_223 : i32
        %scan3A_225 = arith.constant 1 : i32
        %scan3A_226 = scf.for %scan3A_229 = %scan3A_222 to %scan3A_224 step %scan3A_225 iter_args(%scan3A_230 = %scan3A_221) -> (i32)  : i32 {
          %mul3A_231 = arith.constant 16 : i32
          %mul3A_232 = arith.muli %scan3A_214, %mul3A_231 : i32
          %add3A_233 = arith.addi %mul3A_232, %scan3A_229 : i32
          %broadcast_in_dim3A = vector.broadcast %scan3A_229 : i32 to vector<16xi32>
          %broadcast_in_dim3A_234 = vector.shape_cast %broadcast_in_dim3A : vector<16xi32> to vector<16x1xi32>
          %gather3A = vector.shape_cast %broadcast_in_dim3A_234 : vector<16x1xi32> to vector<16xi32>
          %gather3A_235 = tpu.dynamic_gather %get3A_220[%gather3A] in [0] : vector<16xf32>, vector<16xi32> -> vector<16xf32>
          %get3A_236 = arith.constant 0 : i32
          %get3A_237 = arith.index_cast %get3A_236 : i32 to index
          %get3A_238 = arith.index_cast %add3A_233 : i32 to index
          %get3A_239 = arith.constant 0 : index
          %get3A_240 = tpu.vector_load %arg10[%get3A_237, %get3A_238, %get3A_239] {strides = array<i32>} : memref<2x128x128xf32, #tpu.memory_space<vmem>>, vector<16xf32>,
          %mul3A_241 = arith.mulf %get3A_240, %gather3A_235 : vector<16xf32>
          %swap3A = arith.constant 0 : i32
          %swap3A_242 = arith.index_cast %swap3A : i32 to index
          %swap3A_243 = arith.index_cast %add3A_233 : i32 to index
          %swap3A_244 = arith.constant 0 : index
          %swap3A_245 = tpu.vector_load %arg10[%swap3A_242, %swap3A_243, %swap3A_244] {strides = array<i32>} : memref<2x128x128xf32, #tpu.memory_space<vmem>>, vector<16xf32>,
          tpu.vector_store %arg10[%swap3A_242, %swap3A_243, %swap3A_244], %mul3A_241 {strides = array<i32>} : memref<2x128x128xf32, #tpu.memory_space<vmem>>, vector<16xf32>,
          %get3A_246 = arith.constant 0 : i32
          %get3A_247 = arith.index_cast %get3A_246 : i32 to index
          %get3A_248 = arith.index_cast %add3A_233 : i32 to index
          %get3A_249 = arith.constant 16 : index
          %get3A_250 = tpu.vector_load %arg10[%get3A_247, %get3A_248, %get3A_249] {strides = array<i32>} : memref<2x128x128xf32, #tpu.memory_space<vmem>>, vector<16xf32>,
          %mul3A_251 = arith.mulf %get3A_250, %gather3A_235 : vector<16xf32>
          %swap3A_252 = arith.constant 0 : i32
          %swap3A_253 = arith.index_cast %swap3A_252 : i32 to index
          %swap3A_254 = arith.index_cast %add3A_233 : i32 to index
          %swap3A_255 = arith.constant 16 : index
          %swap3A_256 = tpu.vector_load %arg10[%swap3A_253, %swap3A_254, %swap3A_255] {strides = array<i32>} : memref<2x128x128xf32, #tpu.memory_space<vmem>>, vector<16xf32>,
          tpu.vector_store %arg10[%swap3A_253, %swap3A_254, %swap3A_255], %mul3A_251 {strides = array<i32>} : memref<2x128x128xf32, #tpu.memory_space<vmem>>, vector<16xf32>,
          %get3A_257 = arith.constant 0 : i32
          %get3A_258 = arith.index_cast %get3A_257 : i32 to index
          %get3A_259 = arith.index_cast %add3A_233 : i32 to index
          %get3A_260 = arith.constant 32 : index
          %get3A_261 = tpu.vector_load %arg10[%get3A_258, %get3A_259, %get3A_260] {strides = array<i32>} : memref<2x128x128xf32, #tpu.memory_space<vmem>>, vector<16xf32>,
          %mul3A_262 = arith.mulf %get3A_261, %gather3A_235 : vector<16xf32>
          %swap3A_263 = arith.constant 0 : i32
          %swap3A_264 = arith.index_cast %swap3A_263 : i32 to index
          %swap3A_265 = arith.index_cast %add3A_233 : i32 to index
          %swap3A_266 = arith.constant 32 : index
          %swap3A_267 = tpu.vector_load %arg10[%swap3A_264, %swap3A_265, %swap3A_266] {strides = array<i32>} : memref<2x128x128xf32, #tpu.memory_space<vmem>>, vector<16xf32>,
          tpu.vector_store %arg10[%swap3A_264, %swap3A_265, %swap3A_266], %mul3A_262 {strides = array<i32>} : memref<2x128x128xf32, #tpu.memory_space<vmem>>, vector<16xf32>,
          %get3A_268 = arith.constant 0 : i32
          %get3A_269 = arith.index_cast %get3A_268 : i32 to index
          %get3A_270 = arith.index_cast %add3A_233 : i32 to index
          %get3A_271 = arith.constant 48 : index
          %get3A_272 = tpu.vector_load %arg10[%get3A_269, %get3A_270, %get3A_271] {strides = array<i32>} : memref<2x128x128xf32, #tpu.memory_space<vmem>>, vector<16xf32>,
          %mul3A_273 = arith.mulf %get3A_272, %gather3A_235 : vector<16xf32>
          %swap3A_274 = arith.constant 0 : i32
          %swap3A_275 = arith.index_cast %swap3A_274 : i32 to index
          %swap3A_276 = arith.index_cast %add3A_233 : i32 to index
          %swap3A_277 = arith.constant 48 : index
          %swap3A_278 = tpu.vector_load %arg10[%swap3A_275, %swap3A_276, %swap3A_277] {strides = array<i32>} : memref<2x128x128xf32, #tpu.memory_space<vmem>>, vector<16xf32>,
          tpu.vector_store %arg10[%swap3A_275, %swap3A_276, %swap3A_277], %mul3A_273 {strides = array<i32>} : memref<2x128x128xf32, #tpu.memory_space<vmem>>, vector<16xf32>,
          %get3A_279 = arith.constant 0 : i32
          %get3A_280 = arith.index_cast %get3A_279 : i32 to index
          %get3A_281 = arith.index_cast %add3A_233 : i32 to index
          %get3A_282 = arith.constant 64 : index
          %get3A_283 = tpu.vector_load %arg10[%get3A_280, %get3A_281, %get3A_282] {strides = array<i32>} : memref<2x128x128xf32, #tpu.memory_space<vmem>>, vector<16xf32>,
          %mul3A_284 = arith.mulf %get3A_283, %gather3A_235 : vector<16xf32>
          %swap3A_285 = arith.constant 0 : i32
          %swap3A_286 = arith.index_cast %swap3A_285 : i32 to index
          %swap3A_287 = arith.index_cast %add3A_233 : i32 to index
          %swap3A_288 = arith.constant 64 : index
          %swap3A_289 = tpu.vector_load %arg10[%swap3A_286, %swap3A_287, %swap3A_288] {strides = array<i32>} : memref<2x128x128xf32, #tpu.memory_space<vmem>>, vector<16xf32>,
          tpu.vector_store %arg10[%swap3A_286, %swap3A_287, %swap3A_288], %mul3A_284 {strides = array<i32>} : memref<2x128x128xf32, #tpu.memory_space<vmem>>, vector<16xf32>,
          %get3A_290 = arith.constant 0 : i32
          %get3A_291 = arith.index_cast %get3A_290 : i32 to index
          %get3A_292 = arith.index_cast %add3A_233 : i32 to index
          %get3A_293 = arith.constant 80 : index
          %get3A_294 = tpu.vector_load %arg10[%get3A_291, %get3A_292, %get3A_293] {strides = array<i32>} : memref<2x128x128xf32, #tpu.memory_space<vmem>>, vector<16xf32>,
          %mul3A_295 = arith.mulf %get3A_294, %gather3A_235 : vector<16xf32>
          %swap3A_296 = arith.constant 0 : i32
          %swap3A_297 = arith.index_cast %swap3A_296 : i32 to index
          %swap3A_298 = arith.index_cast %add3A_233 : i32 to index
          %swap3A_299 = arith.constant 80 : index
          %swap3A_300 = tpu.vector_load %arg10[%swap3A_297, %swap3A_298, %swap3A_299] {strides = array<i32>} : memref<2x128x128xf32, #tpu.memory_space<vmem>>, vector<16xf32>,
          tpu.vector_store %arg10[%swap3A_297, %swap3A_298, %swap3A_299], %mul3A_295 {strides = array<i32>} : memref<2x128x128xf32, #tpu.memory_space<vmem>>, vector<16xf32>,
          %get3A_301 = arith.constant 0 : i32
          %get3A_302 = arith.index_cast %get3A_301 : i32 to index
          %get3A_303 = arith.index_cast %add3A_233 : i32 to index
          %get3A_304 = arith.constant 96 : index
          %get3A_305 = tpu.vector_load %arg10[%get3A_302, %get3A_303, %get3A_304] {strides = array<i32>} : memref<2x128x128xf32, #tpu.memory_space<vmem>>, vector<16xf32>,
          %mul3A_306 = arith.mulf %get3A_305, %gather3A_235 : vector<16xf32>
          %swap3A_307 = arith.constant 0 : i32
          %swap3A_308 = arith.index_cast %swap3A_307 : i32 to index
          %swap3A_309 = arith.index_cast %add3A_233 : i32 to index
          %swap3A_310 = arith.constant 96 : index
          %swap3A_311 = tpu.vector_load %arg10[%swap3A_308, %swap3A_309, %swap3A_310] {strides = array<i32>} : memref<2x128x128xf32, #tpu.memory_space<vmem>>, vector<16xf32>,
          tpu.vector_store %arg10[%swap3A_308, %swap3A_309, %swap3A_310], %mul3A_306 {strides = array<i32>} : memref<2x128x128xf32, #tpu.memory_space<vmem>>, vector<16xf32>,
          %get3A_312 = arith.constant 0 : i32
          %get3A_313 = arith.index_cast %get3A_312 : i32 to index
          %get3A_314 = arith.index_cast %add3A_233 : i32 to index
          %get3A_315 = arith.constant 112 : index
          %get3A_316 = tpu.vector_load %arg10[%get3A_313, %get3A_314, %get3A_315] {strides = array<i32>} : memref<2x128x128xf32, #tpu.memory_space<vmem>>, vector<16xf32>,
          %mul3A_317 = arith.mulf %get3A_316, %gather3A_235 : vector<16xf32>
          %swap3A_318 = arith.constant 0 : i32
          %swap3A_319 = arith.index_cast %swap3A_318 : i32 to index
          %swap3A_320 = arith.index_cast %add3A_233 : i32 to index
          %swap3A_321 = arith.constant 112 : index
          %swap3A_322 = tpu.vector_load %arg10[%swap3A_319, %swap3A_320, %swap3A_321] {strides = array<i32>} : memref<2x128x128xf32, #tpu.memory_space<vmem>>, vector<16xf32>,
          tpu.vector_store %arg10[%swap3A_319, %swap3A_320, %swap3A_321], %mul3A_317 {strides = array<i32>} : memref<2x128x128xf32, #tpu.memory_space<vmem>>, vector<16xf32>,
          %scan3A_323 = arith.constant 0 : i32
          scf.yield %scan3A_323 : i32
        }
        %scan3A_227 = arith.constant 16 : i32
        %scan3A_228 = arith.constant 0 : i32
        scf.yield %scan3A_228 : i32
      }
      %scan3A_142 = arith.constant 8 : i32
      %dma_start3A_143 = arith.constant 0 : i32
      %dma_start3A_144 = arith.constant 0 : i32
      %dma_start3A_145 = arith.constant 0 : i32
      %dma_start3A_146 = tpu.memref_slice %arg10[%dma_start3A_143, %dma_start3A_144, %dma_start3A_145] : memref<2x128x128xf32, #tpu.memory_space<vmem>> -> memref<1x128x128xf32, #tpu.memory_space<vmem>>
      %dma_start3A_147 = tpu.memref_squeeze %dma_start3A_146 : memref<1x128x128xf32, #tpu.memory_space<vmem>> -> memref<128x128xf32, #tpu.memory_space<vmem>>
      %dma_start3A_148 = arith.constant 0 : i32
      %dma_start3A_149 = tpu.memref_slice %arg8[%and3A_106, %and3A_108, %dma_start3A_148] : memref<2x8x128xi32, #tpu.memory_space<vmem>> -> memref<1x1x128xi32, #tpu.memory_space<vmem>>
      %dma_start3A_150 = tpu.memref_squeeze %dma_start3A_149 : memref<1x1x128xi32, #tpu.memory_space<vmem>> -> memref<128xi32, #tpu.memory_space<vmem>>
      %dma_start3A_151 = arith.constant 0 : i32
      %dma_start3A_152 = arith.constant 0 : i32
      %dma_start3A_153 = tpu.memref_slice %arg11[%dma_start3A_151, %dma_start3A_152] : memref<10240x128xf32, #tpu.memory_space<vmem_shared>> -> memref<10240x128xf32, #tpu.memory_space<vmem_shared>>
      tpu.enqueue_indirect_dma source(%dma_start3A_147 : memref<128x128xf32, #tpu.memory_space<vmem>>) target(%dma_start3A_153 : memref<10240x128xf32, #tpu.memory_space<vmem_shared>>) offsets(%dma_start3A_150 : memref<128xi32, #tpu.memory_space<vmem>>) semaphore(%arg14 : memref<!tpu.dma_semaphore, #tpu.memory_space<semaphore_mem>>) {add = true}
      %mul3A_154 = arith.constant 2 : i32
      %mul3A_155 = arith.muli %mul3A_154, %while3A_100 : i32
      %add3A_156 = arith.constant 1 : i32
      %add3A_157 = arith.addi %mul3A_155, %add3A_156 : i32
      %shift_right_arithmetic3A_158 = arith.constant 3 : i32
      %shift_right_arithmetic3A_159 = arith.shrsi %add3A_157, %shift_right_arithmetic3A_158 : i32
      %and3A_160 = arith.constant 1 : i32
      %and3A_161 = arith.andi %shift_right_arithmetic3A_159, %and3A_160 : i32
      %and3A_162 = arith.constant 7 : i32
      %and3A_163 = arith.andi %add3A_157, %and3A_162 : i32
      %dma_wait3A_164 = arith.constant 1 : i32
      %dma_wait3A_165 = arith.constant 0 : i32
      %dma_wait3A_166 = arith.constant 0 : i32
      %dma_wait3A_167 = tpu.memref_slice %arg10[%dma_wait3A_164, %dma_wait3A_165, %dma_wait3A_166] : memref<2x128x128xf32, #tpu.memory_space<vmem>> -> memref<1x128x128xf32, #tpu.memory_space<vmem>>
      %dma_wait3A_168 = tpu.memref_squeeze %dma_wait3A_167 : memref<1x128x128xf32, #tpu.memory_space<vmem>> -> memref<128x128xf32, #tpu.memory_space<vmem>>
      %dma_wait3A_169 = arith.constant 0 : i32
      %dma_wait3A_170 = tpu.memref_slice %arg7[%and3A_161, %and3A_163, %dma_wait3A_169] : memref<2x8x128xi32, #tpu.memory_space<vmem>> -> memref<1x1x128xi32, #tpu.memory_space<vmem>>
      %dma_wait3A_171 = tpu.memref_squeeze %dma_wait3A_170 : memref<1x1x128xi32, #tpu.memory_space<vmem>> -> memref<128xi32, #tpu.memory_space<vmem>>
      %dma_wait3A_172 = arith.constant 0 : i32
      %dma_wait3A_173 = arith.constant 0 : i32
      %dma_wait3A_174 = tpu.memref_slice %arg2[%dma_wait3A_172, %dma_wait3A_173] : memref<10240x128xf32, #tpu.memory_space<hbm>> -> memref<10240x128xf32, #tpu.memory_space<hbm>>
      tpu.wait_indirect_dma semaphore(%arg13 : memref<!tpu.dma_semaphore, #tpu.memory_space<semaphore_mem>>) src(%dma_wait3A_174 : memref<10240x128xf32, #tpu.memory_space<hbm>>) dst(%dma_wait3A_168 : memref<128x128xf32, #tpu.memory_space<vmem>>)
      %ge3A_175 = arith.constant 1 : i32
      %ge3A_176 = arith.cmpi sge, %add3A_157, %ge3A_175 : i32
      %convert_element_type3A_177 = arith.extui %ge3A_176 : i1 to i32
      %cond3A_178 = arith.constant 0 : i32
      %cond3A_179 = arith.cmpi ne, %convert_element_type3A_177, %cond3A_178 : i32
      scf.if %cond3A_179 {
        %dma_wait3A_214 = arith.constant 0 : i32
        %dma_wait3A_215 = arith.constant 0 : i32
        %dma_wait3A_216 = arith.constant 0 : i32
        %dma_wait3A_217 = arith.constant 0 : i32
        %dma_wait3A_218 = arith.constant 0 : i32
        %dma_wait3A_219 = tpu.memref_slice %arg10[%dma_wait3A_214, %dma_wait3A_217, %dma_wait3A_218] : memref<2x128x128xf32, #tpu.memory_space<vmem>> -> memref<1x128x128xf32, #tpu.memory_space<vmem>>
        %dma_wait3A_220 = tpu.memref_squeeze %dma_wait3A_219 : memref<1x128x128xf32, #tpu.memory_space<vmem>> -> memref<128x128xf32, #tpu.memory_space<vmem>>
        %dma_wait3A_221 = arith.constant 0 : i32
        %dma_wait3A_222 = tpu.memref_slice %arg8[%dma_wait3A_215, %dma_wait3A_216, %dma_wait3A_221] : memref<2x8x128xi32, #tpu.memory_space<vmem>> -> memref<1x1x128xi32, #tpu.memory_space<vmem>>
        %dma_wait3A_223 = tpu.memref_squeeze %dma_wait3A_222 : memref<1x1x128xi32, #tpu.memory_space<vmem>> -> memref<128xi32, #tpu.memory_space<vmem>>
        %dma_wait3A_224 = arith.constant 0 : i32
        %dma_wait3A_225 = arith.constant 0 : i32
        %dma_wait3A_226 = tpu.memref_slice %arg11[%dma_wait3A_224, %dma_wait3A_225] : memref<10240x128xf32, #tpu.memory_space<vmem_shared>> -> memref<10240x128xf32, #tpu.memory_space<vmem_shared>>
        tpu.wait_indirect_dma semaphore(%arg14 : memref<!tpu.dma_semaphore, #tpu.memory_space<semaphore_mem>>) src(%dma_wait3A_220 : memref<128x128xf32, #tpu.memory_space<vmem>>) dst(%dma_wait3A_226 : memref<10240x128xf32, #tpu.memory_space<vmem_shared>>)
      } else {
      }
      %eq3A_180 = arith.constant 7 : i32
      %eq3A_181 = arith.cmpi eq, %and3A_163, %eq3A_180 : i32
      %add3A_182 = arith.constant 1 : i32
      %add3A_183 = arith.addi %add3A_157, %add3A_182 : i32
      %lt3A_184 = arith.cmpi slt, %add3A_183, %select_n3A : i32
      %and3A_185 = arith.andi %eq3A_181, %lt3A_184 : i1
      %convert_element_type3A_186 = arith.extui %and3A_185 : i1 to i32
      %cond3A_187 = arith.constant 0 : i32
      %cond3A_188 = arith.cmpi ne, %convert_element_type3A_186, %cond3A_187 : i32
      scf.if %cond3A_188 {
        %add3A_214 = arith.constant 1 : i32
        %add3A_215 = arith.addi %add3A_157, %add3A_214 : i32
        %shift_right_arithmetic3A_216 = arith.constant 3 : i32
        %shift_right_arithmetic3A_217 = arith.shrsi %add3A_215, %shift_right_arithmetic3A_216 : i32
        %and3A_218 = arith.constant 1 : i32
        %and3A_219 = arith.andi %shift_right_arithmetic3A_217, %and3A_218 : i32
        %mul3A_220 = arith.constant 8 : i32
        %mul3A_221 = arith.muli %shift_right_arithmetic3A_217, %mul3A_220 : i32
        %add3A_222 = arith.addi %select_n3A_8, %mul3A_221 : i32
        "tpu.region"() ({
          %run_scoped3A_223 = tpu.sem_alloc : memref<!tpu.dma_semaphore, #tpu.memory_space<semaphore_mem>>
          %dma_start3A_224 = arith.constant 0 : i32
          %dma_start3A_225 = arith.constant 0 : i32
          %dma_start3A_226 = tpu.memref_slice %arg7[%and3A_219, %dma_start3A_224, %dma_start3A_225] : memref<2x8x128xi32, #tpu.memory_space<vmem>> -> memref<1x8x128xi32, #tpu.memory_space<vmem>>
          %dma_start3A_227 = tpu.memref_squeeze %dma_start3A_226 : memref<1x8x128xi32, #tpu.memory_space<vmem>> -> memref<8x128xi32, #tpu.memory_space<vmem>>
          %dma_start3A_228 = arith.constant 0 : i32
          %dma_start3A_229 = tpu.memref_slice %arg3[%add3A_222, %dma_start3A_228] : memref<2560x128xi32, #tpu.memory_space<hbm>> -> memref<8x128xi32, #tpu.memory_space<hbm>>
          %dma_start3A_230 = arith.constant 0 : i32
          %dma_start3A_231 = arith.constant 0 : i32
          %dma_start3A_232 = tpu.memref_slice %arg7[%and3A_219, %dma_start3A_230, %dma_start3A_231] : memref<2x8x128xi32, #tpu.memory_space<vmem>> -> memref<1x8x128xi32, #tpu.memory_space<vmem>>
          %dma_start3A_233 = tpu.memref_squeeze %dma_start3A_232 : memref<1x8x128xi32, #tpu.memory_space<vmem>> -> memref<8x128xi32, #tpu.memory_space<vmem>>
          %dma_start3A_234 = arith.constant 0 : i32
          %dma_start3A_235 = tpu.memref_slice %arg3[%add3A_222, %dma_start3A_234] : memref<2560x128xi32, #tpu.memory_space<hbm>> -> memref<8x128xi32, #tpu.memory_space<hbm>>
          tpu.enqueue_dma source(%dma_start3A_235 : memref<8x128xi32, #tpu.memory_space<hbm>>) target(%dma_start3A_233 : memref<8x128xi32, #tpu.memory_space<vmem>>) target_semaphore(%run_scoped3A_223 : memref<!tpu.dma_semaphore, #tpu.memory_space<semaphore_mem>>)
          %dma_wait3A_236 = arith.constant 0 : i32
          %dma_wait3A_237 = arith.constant 0 : i32
          %dma_wait3A_238 = tpu.memref_slice %arg7[%and3A_219, %dma_wait3A_236, %dma_wait3A_237] : memref<2x8x128xi32, #tpu.memory_space<vmem>> -> memref<1x8x128xi32, #tpu.memory_space<vmem>>
          %dma_wait3A_239 = tpu.memref_squeeze %dma_wait3A_238 : memref<1x8x128xi32, #tpu.memory_space<vmem>> -> memref<8x128xi32, #tpu.memory_space<vmem>>
          %dma_wait3A_240 = arith.constant 0 : i32
          %dma_wait3A_241 = tpu.memref_slice %arg3[%add3A_222, %dma_wait3A_240] : memref<2560x128xi32, #tpu.memory_space<hbm>> -> memref<8x128xi32, #tpu.memory_space<hbm>>
          %dma_wait3A_242 = arith.constant 0 : i32
          %dma_wait3A_243 = arith.constant 0 : i32
          %dma_wait3A_244 = tpu.memref_slice %arg7[%and3A_219, %dma_wait3A_242, %dma_wait3A_243] : memref<2x8x128xi32, #tpu.memory_space<vmem>> -> memref<1x8x128xi32, #tpu.memory_space<vmem>>
          %dma_wait3A_245 = tpu.memref_squeeze %dma_wait3A_244 : memref<1x8x128xi32, #tpu.memory_space<vmem>> -> memref<8x128xi32, #tpu.memory_space<vmem>>
          %dma_wait3A_246 = arith.constant 0 : i32
          %dma_wait3A_247 = tpu.memref_slice %arg3[%add3A_222, %dma_wait3A_246] : memref<2560x128xi32, #tpu.memory_space<hbm>> -> memref<8x128xi32, #tpu.memory_space<hbm>>
          tpu.wait_dma2 semaphore(%run_scoped3A_223 : memref<!tpu.dma_semaphore, #tpu.memory_space<semaphore_mem>>) src(%dma_wait3A_247 : memref<8x128xi32, #tpu.memory_space<hbm>>) dst(%dma_wait3A_245 : memref<8x128xi32, #tpu.memory_space<vmem>>)
          tpu.yield
        }) : () -> ()
        "tpu.region"() ({
          %run_scoped3A_223 = tpu.sem_alloc : memref<!tpu.dma_semaphore, #tpu.memory_space<semaphore_mem>>
          %dma_start3A_224 = arith.constant 0 : i32
          %dma_start3A_225 = arith.constant 0 : i32
          %dma_start3A_226 = tpu.memref_slice %arg8[%and3A_219, %dma_start3A_224, %dma_start3A_225] : memref<2x8x128xi32, #tpu.memory_space<vmem>> -> memref<1x8x128xi32, #tpu.memory_space<vmem>>
          %dma_start3A_227 = tpu.memref_squeeze %dma_start3A_226 : memref<1x8x128xi32, #tpu.memory_space<vmem>> -> memref<8x128xi32, #tpu.memory_space<vmem>>
          %dma_start3A_228 = arith.constant 0 : i32
          %dma_start3A_229 = tpu.memref_slice %arg4[%add3A_222, %dma_start3A_228] : memref<2560x128xi32, #tpu.memory_space<hbm>> -> memref<8x128xi32, #tpu.memory_space<hbm>>
          %dma_start3A_230 = arith.constant 0 : i32
          %dma_start3A_231 = arith.constant 0 : i32
          %dma_start3A_232 = tpu.memref_slice %arg8[%and3A_219, %dma_start3A_230, %dma_start3A_231] : memref<2x8x128xi32, #tpu.memory_space<vmem>> -> memref<1x8x128xi32, #tpu.memory_space<vmem>>
          %dma_start3A_233 = tpu.memref_squeeze %dma_start3A_232 : memref<1x8x128xi32, #tpu.memory_space<vmem>> -> memref<8x128xi32, #tpu.memory_space<vmem>>
          %dma_start3A_234 = arith.constant 0 : i32
          %dma_start3A_235 = tpu.memref_slice %arg4[%add3A_222, %dma_start3A_234] : memref<2560x128xi32, #tpu.memory_space<hbm>> -> memref<8x128xi32, #tpu.memory_space<hbm>>
          tpu.enqueue_dma source(%dma_start3A_235 : memref<8x128xi32, #tpu.memory_space<hbm>>) target(%dma_start3A_233 : memref<8x128xi32, #tpu.memory_space<vmem>>) target_semaphore(%run_scoped3A_223 : memref<!tpu.dma_semaphore, #tpu.memory_space<semaphore_mem>>)
          %dma_wait3A_236 = arith.constant 0 : i32
          %dma_wait3A_237 = arith.constant 0 : i32
          %dma_wait3A_238 = tpu.memref_slice %arg8[%and3A_219, %dma_wait3A_236, %dma_wait3A_237] : memref<2x8x128xi32, #tpu.memory_space<vmem>> -> memref<1x8x128xi32, #tpu.memory_space<vmem>>
          %dma_wait3A_239 = tpu.memref_squeeze %dma_wait3A_238 : memref<1x8x128xi32, #tpu.memory_space<vmem>> -> memref<8x128xi32, #tpu.memory_space<vmem>>
          %dma_wait3A_240 = arith.constant 0 : i32
          %dma_wait3A_241 = tpu.memref_slice %arg4[%add3A_222, %dma_wait3A_240] : memref<2560x128xi32, #tpu.memory_space<hbm>> -> memref<8x128xi32, #tpu.memory_space<hbm>>
          %dma_wait3A_242 = arith.constant 0 : i32
          %dma_wait3A_243 = arith.constant 0 : i32
          %dma_wait3A_244 = tpu.memref_slice %arg8[%and3A_219, %dma_wait3A_242, %dma_wait3A_243] : memref<2x8x128xi32, #tpu.memory_space<vmem>> -> memref<1x8x128xi32, #tpu.memory_space<vmem>>
          %dma_wait3A_245 = tpu.memref_squeeze %dma_wait3A_244 : memref<1x8x128xi32, #tpu.memory_space<vmem>> -> memref<8x128xi32, #tpu.memory_space<vmem>>
          %dma_wait3A_246 = arith.constant 0 : i32
          %dma_wait3A_247 = tpu.memref_slice %arg4[%add3A_222, %dma_wait3A_246] : memref<2560x128xi32, #tpu.memory_space<hbm>> -> memref<8x128xi32, #tpu.memory_space<hbm>>
          tpu.wait_dma2 semaphore(%run_scoped3A_223 : memref<!tpu.dma_semaphore, #tpu.memory_space<semaphore_mem>>) src(%dma_wait3A_247 : memref<8x128xi32, #tpu.memory_space<hbm>>) dst(%dma_wait3A_245 : memref<8x128xi32, #tpu.memory_space<vmem>>)
          tpu.yield
        }) : () -> ()
        "tpu.region"() ({
          %run_scoped3A_223 = tpu.sem_alloc : memref<!tpu.dma_semaphore, #tpu.memory_space<semaphore_mem>>
          %dma_start3A_224 = arith.constant 0 : i32
          %dma_start3A_225 = arith.constant 0 : i32
          %dma_start3A_226 = tpu.memref_slice %arg9[%and3A_219, %dma_start3A_224, %dma_start3A_225] : memref<2x8x128xf32, #tpu.memory_space<vmem>> -> memref<1x8x128xf32, #tpu.memory_space<vmem>>
          %dma_start3A_227 = tpu.memref_squeeze %dma_start3A_226 : memref<1x8x128xf32, #tpu.memory_space<vmem>> -> memref<8x128xf32, #tpu.memory_space<vmem>>
          %dma_start3A_228 = arith.constant 0 : i32
          %dma_start3A_229 = tpu.memref_slice %arg5[%add3A_222, %dma_start3A_228] : memref<2560x128xf32, #tpu.memory_space<hbm>> -> memref<8x128xf32, #tpu.memory_space<hbm>>
          %dma_start3A_230 = arith.constant 0 : i32
          %dma_start3A_231 = arith.constant 0 : i32
          %dma_start3A_232 = tpu.memref_slice %arg9[%and3A_219, %dma_start3A_230, %dma_start3A_231] : memref<2x8x128xf32, #tpu.memory_space<vmem>> -> memref<1x8x128xf32, #tpu.memory_space<vmem>>
          %dma_start3A_233 = tpu.memref_squeeze %dma_start3A_232 : memref<1x8x128xf32, #tpu.memory_space<vmem>> -> memref<8x128xf32, #tpu.memory_space<vmem>>
          %dma_start3A_234 = arith.constant 0 : i32
          %dma_start3A_235 = tpu.memref_slice %arg5[%add3A_222, %dma_start3A_234] : memref<2560x128xf32, #tpu.memory_space<hbm>> -> memref<8x128xf32, #tpu.memory_space<hbm>>
          tpu.enqueue_dma source(%dma_start3A_235 : memref<8x128xf32, #tpu.memory_space<hbm>>) target(%dma_start3A_233 : memref<8x128xf32, #tpu.memory_space<vmem>>) target_semaphore(%run_scoped3A_223 : memref<!tpu.dma_semaphore, #tpu.memory_space<semaphore_mem>>)
          %dma_wait3A_236 = arith.constant 0 : i32
          %dma_wait3A_237 = arith.constant 0 : i32
          %dma_wait3A_238 = tpu.memref_slice %arg9[%and3A_219, %dma_wait3A_236, %dma_wait3A_237] : memref<2x8x128xf32, #tpu.memory_space<vmem>> -> memref<1x8x128xf32, #tpu.memory_space<vmem>>
          %dma_wait3A_239 = tpu.memref_squeeze %dma_wait3A_238 : memref<1x8x128xf32, #tpu.memory_space<vmem>> -> memref<8x128xf32, #tpu.memory_space<vmem>>
          %dma_wait3A_240 = arith.constant 0 : i32
          %dma_wait3A_241 = tpu.memref_slice %arg5[%add3A_222, %dma_wait3A_240] : memref<2560x128xf32, #tpu.memory_space<hbm>> -> memref<8x128xf32, #tpu.memory_space<hbm>>
          %dma_wait3A_242 = arith.constant 0 : i32
          %dma_wait3A_243 = arith.constant 0 : i32
          %dma_wait3A_244 = tpu.memref_slice %arg9[%and3A_219, %dma_wait3A_242, %dma_wait3A_243] : memref<2x8x128xf32, #tpu.memory_space<vmem>> -> memref<1x8x128xf32, #tpu.memory_space<vmem>>
          %dma_wait3A_245 = tpu.memref_squeeze %dma_wait3A_244 : memref<1x8x128xf32, #tpu.memory_space<vmem>> -> memref<8x128xf32, #tpu.memory_space<vmem>>
          %dma_wait3A_246 = arith.constant 0 : i32
          %dma_wait3A_247 = tpu.memref_slice %arg5[%add3A_222, %dma_wait3A_246] : memref<2560x128xf32, #tpu.memory_space<hbm>> -> memref<8x128xf32, #tpu.memory_space<hbm>>
          tpu.wait_dma2 semaphore(%run_scoped3A_223 : memref<!tpu.dma_semaphore, #tpu.memory_space<semaphore_mem>>) src(%dma_wait3A_247 : memref<8x128xf32, #tpu.memory_space<hbm>>) dst(%dma_wait3A_245 : memref<8x128xf32, #tpu.memory_space<vmem>>)
          tpu.yield
        }) : () -> ()
      } else {
      }
      %add3A_189 = arith.constant 1 : i32
      %add3A_190 = arith.addi %add3A_157, %add3A_189 : i32
      %lt3A_191 = arith.cmpi slt, %add3A_190, %select_n3A : i32
      %convert_element_type3A_192 = arith.extui %lt3A_191 : i1 to i32
      %cond3A_193 = arith.constant 0 : i32
      %cond3A_194 = arith.cmpi ne, %convert_element_type3A_192, %cond3A_193 : i32
      scf.if %cond3A_194 {
        %add3A_214 = arith.constant 1 : i32
        %add3A_215 = arith.addi %add3A_157, %add3A_214 : i32
        %shift_right_arithmetic3A_216 = arith.constant 3 : i32
        %shift_right_arithmetic3A_217 = arith.shrsi %add3A_215, %shift_right_arithmetic3A_216 : i32
        %and3A_218 = arith.constant 1 : i32
        %and3A_219 = arith.andi %shift_right_arithmetic3A_217, %and3A_218 : i32
        %and3A_220 = arith.constant 7 : i32
        %and3A_221 = arith.andi %add3A_215, %and3A_220 : i32
        %dma_start3A_222 = arith.constant 0 : i32
        %dma_start3A_223 = arith.constant 0 : i32
        %dma_start3A_224 = arith.constant 0 : i32
        %dma_start3A_225 = tpu.memref_slice %arg10[%dma_start3A_222, %dma_start3A_223, %dma_start3A_224] : memref<2x128x128xf32, #tpu.memory_space<vmem>> -> memref<1x128x128xf32, #tpu.memory_space<vmem>>
        %dma_start3A_226 = tpu.memref_squeeze %dma_start3A_225 : memref<1x128x128xf32, #tpu.memory_space<vmem>> -> memref<128x128xf32, #tpu.memory_space<vmem>>
        %dma_start3A_227 = arith.constant 0 : i32
        %dma_start3A_228 = tpu.memref_slice %arg7[%and3A_219, %and3A_221, %dma_start3A_227] : memref<2x8x128xi32, #tpu.memory_space<vmem>> -> memref<1x1x128xi32, #tpu.memory_space<vmem>>
        %dma_start3A_229 = tpu.memref_squeeze %dma_start3A_228 : memref<1x1x128xi32, #tpu.memory_space<vmem>> -> memref<128xi32, #tpu.memory_space<vmem>>
        %dma_start3A_230 = arith.constant 0 : i32
        %dma_start3A_231 = arith.constant 0 : i32
        %dma_start3A_232 = tpu.memref_slice %arg2[%dma_start3A_230, %dma_start3A_231] : memref<10240x128xf32, #tpu.memory_space<hbm>> -> memref<10240x128xf32, #tpu.memory_space<hbm>>
        tpu.enqueue_indirect_dma source(%dma_start3A_232 : memref<10240x128xf32, #tpu.memory_space<hbm>>) target(%dma_start3A_226 : memref<128x128xf32, #tpu.memory_space<vmem>>) offsets(%dma_start3A_229 : memref<128xi32, #tpu.memory_space<vmem>>) semaphore(%arg12 : memref<!tpu.dma_semaphore, #tpu.memory_space<semaphore_mem>>)
      } else {
      }
      %scan3A_195 = arith.constant 0 : i32
      %scan3A_196 = arith.constant 0 : i32
      %scan3A_197 = arith.constant 8 : i32
      %scan3A_198 = arith.addi %scan3A_196, %scan3A_197 : i32
      %scan3A_199 = arith.constant 1 : i32
      %scan3A_200 = scf.for %scan3A_214 = %scan3A_196 to %scan3A_198 step %scan3A_199 iter_args(%scan3A_215 = %scan3A_195) -> (i32)  : i32 {
        %mul3A_216 = arith.constant 16 : i32
        %mul3A_217 = arith.muli %scan3A_214, %mul3A_216 : i32
        %get3A = arith.index_cast %and3A_161 : i32 to index
        %get3A_218 = arith.index_cast %and3A_163 : i32 to index
        %get3A_219 = arith.index_cast %mul3A_217 : i32 to index
        %get3A_220 = tpu.vector_load %arg9[%get3A, %get3A_218, %get3A_219] {strides = array<i32>} : memref<2x8x128xf32, #tpu.memory_space<vmem>>, vector<16xf32>,
        %scan3A_221 = arith.constant 0 : i32
        %scan3A_222 = arith.constant 0 : i32
        %scan3A_223 = arith.constant 16 : i32
        %scan3A_224 = arith.addi %scan3A_222, %scan3A_223 : i32
        %scan3A_225 = arith.constant 1 : i32
        %scan3A_226 = scf.for %scan3A_229 = %scan3A_222 to %scan3A_224 step %scan3A_225 iter_args(%scan3A_230 = %scan3A_221) -> (i32)  : i32 {
          %mul3A_231 = arith.constant 16 : i32
          %mul3A_232 = arith.muli %scan3A_214, %mul3A_231 : i32
          %add3A_233 = arith.addi %mul3A_232, %scan3A_229 : i32
          %broadcast_in_dim3A = vector.broadcast %scan3A_229 : i32 to vector<16xi32>
          %broadcast_in_dim3A_234 = vector.shape_cast %broadcast_in_dim3A : vector<16xi32> to vector<16x1xi32>
          %gather3A = vector.shape_cast %broadcast_in_dim3A_234 : vector<16x1xi32> to vector<16xi32>
          %gather3A_235 = tpu.dynamic_gather %get3A_220[%gather3A] in [0] : vector<16xf32>, vector<16xi32> -> vector<16xf32>
          %get3A_236 = arith.constant 1 : i32
          %get3A_237 = arith.index_cast %get3A_236 : i32 to index
          %get3A_238 = arith.index_cast %add3A_233 : i32 to index
          %get3A_239 = arith.constant 0 : index
          %get3A_240 = tpu.vector_load %arg10[%get3A_237, %get3A_238, %get3A_239] {strides = array<i32>} : memref<2x128x128xf32, #tpu.memory_space<vmem>>, vector<16xf32>,
          %mul3A_241 = arith.mulf %get3A_240, %gather3A_235 : vector<16xf32>
          %swap3A = arith.constant 1 : i32
          %swap3A_242 = arith.index_cast %swap3A : i32 to index
          %swap3A_243 = arith.index_cast %add3A_233 : i32 to index
          %swap3A_244 = arith.constant 0 : index
          %swap3A_245 = tpu.vector_load %arg10[%swap3A_242, %swap3A_243, %swap3A_244] {strides = array<i32>} : memref<2x128x128xf32, #tpu.memory_space<vmem>>, vector<16xf32>,
          tpu.vector_store %arg10[%swap3A_242, %swap3A_243, %swap3A_244], %mul3A_241 {strides = array<i32>} : memref<2x128x128xf32, #tpu.memory_space<vmem>>, vector<16xf32>,
          %get3A_246 = arith.constant 1 : i32
          %get3A_247 = arith.index_cast %get3A_246 : i32 to index
          %get3A_248 = arith.index_cast %add3A_233 : i32 to index
          %get3A_249 = arith.constant 16 : index
          %get3A_250 = tpu.vector_load %arg10[%get3A_247, %get3A_248, %get3A_249] {strides = array<i32>} : memref<2x128x128xf32, #tpu.memory_space<vmem>>, vector<16xf32>,
          %mul3A_251 = arith.mulf %get3A_250, %gather3A_235 : vector<16xf32>
          %swap3A_252 = arith.constant 1 : i32
          %swap3A_253 = arith.index_cast %swap3A_252 : i32 to index
          %swap3A_254 = arith.index_cast %add3A_233 : i32 to index
          %swap3A_255 = arith.constant 16 : index
          %swap3A_256 = tpu.vector_load %arg10[%swap3A_253, %swap3A_254, %swap3A_255] {strides = array<i32>} : memref<2x128x128xf32, #tpu.memory_space<vmem>>, vector<16xf32>,
          tpu.vector_store %arg10[%swap3A_253, %swap3A_254, %swap3A_255], %mul3A_251 {strides = array<i32>} : memref<2x128x128xf32, #tpu.memory_space<vmem>>, vector<16xf32>,
          %get3A_257 = arith.constant 1 : i32
          %get3A_258 = arith.index_cast %get3A_257 : i32 to index
          %get3A_259 = arith.index_cast %add3A_233 : i32 to index
          %get3A_260 = arith.constant 32 : index
          %get3A_261 = tpu.vector_load %arg10[%get3A_258, %get3A_259, %get3A_260] {strides = array<i32>} : memref<2x128x128xf32, #tpu.memory_space<vmem>>, vector<16xf32>,
          %mul3A_262 = arith.mulf %get3A_261, %gather3A_235 : vector<16xf32>
          %swap3A_263 = arith.constant 1 : i32
          %swap3A_264 = arith.index_cast %swap3A_263 : i32 to index
          %swap3A_265 = arith.index_cast %add3A_233 : i32 to index
          %swap3A_266 = arith.constant 32 : index
          %swap3A_267 = tpu.vector_load %arg10[%swap3A_264, %swap3A_265, %swap3A_266] {strides = array<i32>} : memref<2x128x128xf32, #tpu.memory_space<vmem>>, vector<16xf32>,
          tpu.vector_store %arg10[%swap3A_264, %swap3A_265, %swap3A_266], %mul3A_262 {strides = array<i32>} : memref<2x128x128xf32, #tpu.memory_space<vmem>>, vector<16xf32>,
          %get3A_268 = arith.constant 1 : i32
          %get3A_269 = arith.index_cast %get3A_268 : i32 to index
          %get3A_270 = arith.index_cast %add3A_233 : i32 to index
          %get3A_271 = arith.constant 48 : index
          %get3A_272 = tpu.vector_load %arg10[%get3A_269, %get3A_270, %get3A_271] {strides = array<i32>} : memref<2x128x128xf32, #tpu.memory_space<vmem>>, vector<16xf32>,
          %mul3A_273 = arith.mulf %get3A_272, %gather3A_235 : vector<16xf32>
          %swap3A_274 = arith.constant 1 : i32
          %swap3A_275 = arith.index_cast %swap3A_274 : i32 to index
          %swap3A_276 = arith.index_cast %add3A_233 : i32 to index
          %swap3A_277 = arith.constant 48 : index
          %swap3A_278 = tpu.vector_load %arg10[%swap3A_275, %swap3A_276, %swap3A_277] {strides = array<i32>} : memref<2x128x128xf32, #tpu.memory_space<vmem>>, vector<16xf32>,
          tpu.vector_store %arg10[%swap3A_275, %swap3A_276, %swap3A_277], %mul3A_273 {strides = array<i32>} : memref<2x128x128xf32, #tpu.memory_space<vmem>>, vector<16xf32>,
          %get3A_279 = arith.constant 1 : i32
          %get3A_280 = arith.index_cast %get3A_279 : i32 to index
          %get3A_281 = arith.index_cast %add3A_233 : i32 to index
          %get3A_282 = arith.constant 64 : index
          %get3A_283 = tpu.vector_load %arg10[%get3A_280, %get3A_281, %get3A_282] {strides = array<i32>} : memref<2x128x128xf32, #tpu.memory_space<vmem>>, vector<16xf32>,
          %mul3A_284 = arith.mulf %get3A_283, %gather3A_235 : vector<16xf32>
          %swap3A_285 = arith.constant 1 : i32
          %swap3A_286 = arith.index_cast %swap3A_285 : i32 to index
          %swap3A_287 = arith.index_cast %add3A_233 : i32 to index
          %swap3A_288 = arith.constant 64 : index
          %swap3A_289 = tpu.vector_load %arg10[%swap3A_286, %swap3A_287, %swap3A_288] {strides = array<i32>} : memref<2x128x128xf32, #tpu.memory_space<vmem>>, vector<16xf32>,
          tpu.vector_store %arg10[%swap3A_286, %swap3A_287, %swap3A_288], %mul3A_284 {strides = array<i32>} : memref<2x128x128xf32, #tpu.memory_space<vmem>>, vector<16xf32>,
          %get3A_290 = arith.constant 1 : i32
          %get3A_291 = arith.index_cast %get3A_290 : i32 to index
          %get3A_292 = arith.index_cast %add3A_233 : i32 to index
          %get3A_293 = arith.constant 80 : index
          %get3A_294 = tpu.vector_load %arg10[%get3A_291, %get3A_292, %get3A_293] {strides = array<i32>} : memref<2x128x128xf32, #tpu.memory_space<vmem>>, vector<16xf32>,
          %mul3A_295 = arith.mulf %get3A_294, %gather3A_235 : vector<16xf32>
          %swap3A_296 = arith.constant 1 : i32
          %swap3A_297 = arith.index_cast %swap3A_296 : i32 to index
          %swap3A_298 = arith.index_cast %add3A_233 : i32 to index
          %swap3A_299 = arith.constant 80 : index
          %swap3A_300 = tpu.vector_load %arg10[%swap3A_297, %swap3A_298, %swap3A_299] {strides = array<i32>} : memref<2x128x128xf32, #tpu.memory_space<vmem>>, vector<16xf32>,
          tpu.vector_store %arg10[%swap3A_297, %swap3A_298, %swap3A_299], %mul3A_295 {strides = array<i32>} : memref<2x128x128xf32, #tpu.memory_space<vmem>>, vector<16xf32>,
          %get3A_301 = arith.constant 1 : i32
          %get3A_302 = arith.index_cast %get3A_301 : i32 to index
          %get3A_303 = arith.index_cast %add3A_233 : i32 to index
          %get3A_304 = arith.constant 96 : index
          %get3A_305 = tpu.vector_load %arg10[%get3A_302, %get3A_303, %get3A_304] {strides = array<i32>} : memref<2x128x128xf32, #tpu.memory_space<vmem>>, vector<16xf32>,
          %mul3A_306 = arith.mulf %get3A_305, %gather3A_235 : vector<16xf32>
          %swap3A_307 = arith.constant 1 : i32
          %swap3A_308 = arith.index_cast %swap3A_307 : i32 to index
          %swap3A_309 = arith.index_cast %add3A_233 : i32 to index
          %swap3A_310 = arith.constant 96 : index
          %swap3A_311 = tpu.vector_load %arg10[%swap3A_308, %swap3A_309, %swap3A_310] {strides = array<i32>} : memref<2x128x128xf32, #tpu.memory_space<vmem>>, vector<16xf32>,
          tpu.vector_store %arg10[%swap3A_308, %swap3A_309, %swap3A_310], %mul3A_306 {strides = array<i32>} : memref<2x128x128xf32, #tpu.memory_space<vmem>>, vector<16xf32>,
          %get3A_312 = arith.constant 1 : i32
          %get3A_313 = arith.index_cast %get3A_312 : i32 to index
          %get3A_314 = arith.index_cast %add3A_233 : i32 to index
          %get3A_315 = arith.constant 112 : index
          %get3A_316 = tpu.vector_load %arg10[%get3A_313, %get3A_314, %get3A_315] {strides = array<i32>} : memref<2x128x128xf32, #tpu.memory_space<vmem>>, vector<16xf32>,
          %mul3A_317 = arith.mulf %get3A_316, %gather3A_235 : vector<16xf32>
          %swap3A_318 = arith.constant 1 : i32
          %swap3A_319 = arith.index_cast %swap3A_318 : i32 to index
          %swap3A_320 = arith.index_cast %add3A_233 : i32 to index
          %swap3A_321 = arith.constant 112 : index
          %swap3A_322 = tpu.vector_load %arg10[%swap3A_319, %swap3A_320, %swap3A_321] {strides = array<i32>} : memref<2x128x128xf32, #tpu.memory_space<vmem>>, vector<16xf32>,
          tpu.vector_store %arg10[%swap3A_319, %swap3A_320, %swap3A_321], %mul3A_317 {strides = array<i32>} : memref<2x128x128xf32, #tpu.memory_space<vmem>>, vector<16xf32>,
          %scan3A_323 = arith.constant 0 : i32
          scf.yield %scan3A_323 : i32
        }
        %scan3A_227 = arith.constant 16 : i32
        %scan3A_228 = arith.constant 0 : i32
        scf.yield %scan3A_228 : i32
      }
      %scan3A_201 = arith.constant 8 : i32
      %dma_start3A_202 = arith.constant 1 : i32
      %dma_start3A_203 = arith.constant 0 : i32
      %dma_start3A_204 = arith.constant 0 : i32
      %dma_start3A_205 = tpu.memref_slice %arg10[%dma_start3A_202, %dma_start3A_203, %dma_start3A_204] : memref<2x128x128xf32, #tpu.memory_space<vmem>> -> memref<1x128x128xf32, #tpu.memory_space<vmem>>
      %dma_start3A_206 = tpu.memref_squeeze %dma_start3A_205 : memref<1x128x128xf32, #tpu.memory_space<vmem>> -> memref<128x128xf32, #tpu.memory_space<vmem>>
      %dma_start3A_207 = arith.constant 0 : i32
      %dma_start3A_208 = tpu.memref_slice %arg8[%and3A_161, %and3A_163, %dma_start3A_207] : memref<2x8x128xi32, #tpu.memory_space<vmem>> -> memref<1x1x128xi32, #tpu.memory_space<vmem>>
      %dma_start3A_209 = tpu.memref_squeeze %dma_start3A_208 : memref<1x1x128xi32, #tpu.memory_space<vmem>> -> memref<128xi32, #tpu.memory_space<vmem>>
      %dma_start3A_210 = arith.constant 0 : i32
      %dma_start3A_211 = arith.constant 0 : i32
      %dma_start3A_212 = tpu.memref_slice %arg11[%dma_start3A_210, %dma_start3A_211] : memref<10240x128xf32, #tpu.memory_space<vmem_shared>> -> memref<10240x128xf32, #tpu.memory_space<vmem_shared>>
      tpu.enqueue_indirect_dma source(%dma_start3A_206 : memref<128x128xf32, #tpu.memory_space<vmem>>) target(%dma_start3A_212 : memref<10240x128xf32, #tpu.memory_space<vmem_shared>>) offsets(%dma_start3A_209 : memref<128xi32, #tpu.memory_space<vmem>>) semaphore(%arg15 : memref<!tpu.dma_semaphore, #tpu.memory_space<semaphore_mem>>) {add = true}
      %while3A_213 = arith.constant 0 : i32
      scf.yield %while3A_213 : i32
    }
    %dma_wait3A = arith.constant 1 : i32
    %dma_wait3A_83 = arith.constant 0 : i32
    %dma_wait3A_84 = arith.constant 0 : i32
    %dma_wait3A_85 = arith.constant 0 : i32
    %dma_wait3A_86 = arith.constant 0 : i32
    %dma_wait3A_87 = tpu.memref_slice %arg10[%dma_wait3A, %dma_wait3A_85, %dma_wait3A_86] : memref<2x128x128xf32, #tpu.memory_space<vmem>> -> memref<1x128x128xf32, #tpu.memory_space<vmem>>
    %dma_wait3A_88 = tpu.memref_squeeze %dma_wait3A_87 : memref<1x128x128xf32, #tpu.memory_space<vmem>> -> memref<128x128xf32, #tpu.memory_space<vmem>>
    %dma_wait3A_89 = arith.constant 0 : i32
    %dma_wait3A_90 = tpu.memref_slice %arg8[%dma_wait3A_83, %dma_wait3A_84, %dma_wait3A_89] : memref<2x8x128xi32, #tpu.memory_space<vmem>> -> memref<1x1x128xi32, #tpu.memory_space<vmem>>
    %dma_wait3A_91 = tpu.memref_squeeze %dma_wait3A_90 : memref<1x1x128xi32, #tpu.memory_space<vmem>> -> memref<128xi32, #tpu.memory_space<vmem>>
    %dma_wait3A_92 = arith.constant 0 : i32
    %dma_wait3A_93 = arith.constant 0 : i32
    %dma_wait3A_94 = tpu.memref_slice %arg11[%dma_wait3A_92, %dma_wait3A_93] : memref<10240x128xf32, #tpu.memory_space<vmem_shared>> -> memref<10240x128xf32, #tpu.memory_space<vmem_shared>>
    tpu.wait_indirect_dma semaphore(%arg15 : memref<!tpu.dma_semaphore, #tpu.memory_space<semaphore_mem>>) src(%dma_wait3A_88 : memref<128x128xf32, #tpu.memory_space<vmem>>) dst(%dma_wait3A_94 : memref<10240x128xf32, #tpu.memory_space<vmem_shared>>)
    %barrier3A_95 = arith.constant 0 : index
    tpu.barrier barrier_id(%barrier3A_95)
    %mul3A_96 = arith.constant 640 : i32
    %mul3A_97 = arith.muli %arg1, %mul3A_96 : i32
    %mul3A_98 = arith.constant 640 : i32
    %mul3A_99 = arith.muli %arg1, %mul3A_98 : i32
    "tpu.region"() ({
      %run_scoped3A_100 = tpu.sem_alloc : memref<!tpu.dma_semaphore, #tpu.memory_space<semaphore_mem>>
      %dma_start3A_101 = arith.constant 0 : i32
      %dma_start3A_102 = tpu.memref_slice %arg6[%arg0, %mul3A_99, %dma_start3A_101] : memref<2x10240x128xf32, #tpu.memory_space<hbm>> -> memref<1x640x128xf32, #tpu.memory_space<hbm>>
      %dma_start3A_103 = tpu.memref_squeeze %dma_start3A_102 : memref<1x640x128xf32, #tpu.memory_space<hbm>> -> memref<640x128xf32, #tpu.memory_space<hbm>>
      %dma_start3A_104 = arith.constant 0 : i32
      %dma_start3A_105 = tpu.memref_slice %arg11[%mul3A_97, %dma_start3A_104] : memref<10240x128xf32, #tpu.memory_space<vmem_shared>> -> memref<640x128xf32, #tpu.memory_space<vmem_shared>>
      tpu.enqueue_dma source(%dma_start3A_105 : memref<640x128xf32, #tpu.memory_space<vmem_shared>>) target(%dma_start3A_103 : memref<640x128xf32, #tpu.memory_space<hbm>>) target_semaphore(%run_scoped3A_100 : memref<!tpu.dma_semaphore, #tpu.memory_space<semaphore_mem>>)
      %dma_wait3A_106 = arith.constant 0 : i32
      %dma_wait3A_107 = tpu.memref_slice %arg6[%arg0, %mul3A_99, %dma_wait3A_106] : memref<2x10240x128xf32, #tpu.memory_space<hbm>> -> memref<1x640x128xf32, #tpu.memory_space<hbm>>
      %dma_wait3A_108 = tpu.memref_squeeze %dma_wait3A_107 : memref<1x640x128xf32, #tpu.memory_space<hbm>> -> memref<640x128xf32, #tpu.memory_space<hbm>>
      %dma_wait3A_109 = arith.constant 0 : i32
      %dma_wait3A_110 = tpu.memref_slice %arg11[%mul3A_97, %dma_wait3A_109] : memref<10240x128xf32, #tpu.memory_space<vmem_shared>> -> memref<640x128xf32, #tpu.memory_space<vmem_shared>>
      tpu.wait_dma2 semaphore(%run_scoped3A_100 : memref<!tpu.dma_semaphore, #tpu.memory_space<semaphore_mem>>) src(%dma_wait3A_110 : memref<640x128xf32, #tpu.memory_space<vmem_shared>>) dst(%dma_wait3A_108 : memref<640x128xf32, #tpu.memory_space<hbm>>)
      tpu.yield
    }) : () -> ()
    return
  }
}

#map = affine_map<(d0, d1) -> (0, 0)>
#map1 = affine_map<(d0, d1) -> (0, 0, 0)>
module attributes {stable_mosaic.version = 14 : i64} {
  func.func @_sc_spmm(%arg0: i32, %arg1: i32, %arg2: memref<10240x128xf32, #tpu.memory_space<hbm>>, %arg3: memref<2560x128xi32, #tpu.memory_space<hbm>>, %arg4: memref<2560x128xi32, #tpu.memory_space<hbm>>, %arg5: memref<2560x128xf32, #tpu.memory_space<hbm>>, %arg6: memref<2x10240x128xf32, #tpu.memory_space<hbm>>, %arg7: memref<2x8x128xi32, #tpu.memory_space<vmem>>, %arg8: memref<2x8x128xi32, #tpu.memory_space<vmem>>, %arg9: memref<2x8x128xf32, #tpu.memory_space<vmem>>, %arg10: memref<2x128x128xf32, #tpu.memory_space<vmem>>, %arg11: memref<10240x128xf32, #tpu.memory_space<vmem_shared>>, %arg12: memref<!tpu.dma_semaphore, #tpu.memory_space<semaphore_mem>>, %arg13: memref<!tpu.dma_semaphore, #tpu.memory_space<semaphore_mem>>, %arg14: memref<!tpu.dma_semaphore, #tpu.memory_space<semaphore_mem>>, %arg15: memref<!tpu.dma_semaphore, #tpu.memory_space<semaphore_mem>>) attributes {dimension_semantics = [#tpu.dimension_semantics<core_parallel>, #tpu.dimension_semantics<subcore_parallel>], iteration_bounds = array<i64: 2, 16>, scalar_prefetch = 0 : i64, scratch_operands = 9 : i64, tpu.core_type = #tpu.core_type<sc_vector_subcore>, window_params = [{transform_indices = #map}, {transform_indices = #map}, {transform_indices = #map}, {transform_indices = #map}, {transform_indices = #map1}]} {
    %eq3A = arith.constant 0 : i32
    %eq3A_0 = arith.cmpi eq, %arg0, %eq3A : i32
    %jit3A = arith.constant 120 : i32
    %jit3A_1 = arith.constant 40 : i32
    %select_n3A = arith.select %eq3A_0, %jit3A, %jit3A_1 : i32
    %eq3A_2 = arith.constant 0 : i32
    %eq3A_3 = arith.cmpi eq, %arg0, %eq3A_2 : i32
    %mul3A = arith.constant 120 : i32
    %mul3A_4 = arith.muli %arg1, %mul3A : i32
    %mul3A_5 = arith.constant 40 : i32
    %mul3A_6 = arith.muli %arg1, %mul3A_5 : i32
    %add3A = arith.constant 1920 : i32
    %add3A_7 = arith.addi %add3A, %mul3A_6 : i32
    %select_n3A_8 = arith.select %eq3A_3, %mul3A_4, %add3A_7 : i32
    %scan3A = arith.constant 0 : i32
    %scan3A_9 = arith.constant 0 : i32
    %scan3A_10 = arith.constant 128 : i32
    %scan3A_11 = arith.addi %scan3A_9, %scan3A_10 : i32
    %scan3A_12 = arith.constant 1 : i32
    %scan3A_13 = scf.for %scan3A_100 = %scan3A_9 to %scan3A_11 step %scan3A_12 iter_args(%scan3A_101 = %scan3A) -> (i32)  : i32 {
      %broadcast_in_dim3A = arith.constant 0.000000e+00 : f32
      %broadcast_in_dim3A_102 = vector.broadcast %broadcast_in_dim3A : f32 to vector<16xf32>
      %swap3A = arith.constant 0 : i32
      %swap3A_103 = arith.index_cast %swap3A : i32 to index
      %swap3A_104 = arith.index_cast %scan3A_100 : i32 to index
      %swap3A_105 = arith.constant 0 : index
      %swap3A_106 = tpu.vector_load %arg10[%swap3A_103, %swap3A_104, %swap3A_105] {strides = array<i32>} : memref<2x128x128xf32, #tpu.memory_space<vmem>>, vector<16xf32>,
      tpu.vector_store %arg10[%swap3A_103, %swap3A_104, %swap3A_105], %broadcast_in_dim3A_102 {strides = array<i32>} : memref<2x128x128xf32, #tpu.memory_space<vmem>>, vector<16xf32>,
      %broadcast_in_dim3A_107 = arith.constant 0.000000e+00 : f32
      %broadcast_in_dim3A_108 = vector.broadcast %broadcast_in_dim3A_107 : f32 to vector<16xf32>
      %swap3A_109 = arith.constant 0 : i32
      %swap3A_110 = arith.index_cast %swap3A_109 : i32 to index
      %swap3A_111 = arith.index_cast %scan3A_100 : i32 to index
      %swap3A_112 = arith.constant 16 : index
      %swap3A_113 = tpu.vector_load %arg10[%swap3A_110, %swap3A_111, %swap3A_112] {strides = array<i32>} : memref<2x128x128xf32, #tpu.memory_space<vmem>>, vector<16xf32>,
      tpu.vector_store %arg10[%swap3A_110, %swap3A_111, %swap3A_112], %broadcast_in_dim3A_108 {strides = array<i32>} : memref<2x128x128xf32, #tpu.memory_space<vmem>>, vector<16xf32>,
      %broadcast_in_dim3A_114 = arith.constant 0.000000e+00 : f32
      %broadcast_in_dim3A_115 = vector.broadcast %broadcast_in_dim3A_114 : f32 to vector<16xf32>
      %swap3A_116 = arith.constant 0 : i32
      %swap3A_117 = arith.index_cast %swap3A_116 : i32 to index
      %swap3A_118 = arith.index_cast %scan3A_100 : i32 to index
      %swap3A_119 = arith.constant 32 : index
      %swap3A_120 = tpu.vector_load %arg10[%swap3A_117, %swap3A_118, %swap3A_119] {strides = array<i32>} : memref<2x128x128xf32, #tpu.memory_space<vmem>>, vector<16xf32>,
      tpu.vector_store %arg10[%swap3A_117, %swap3A_118, %swap3A_119], %broadcast_in_dim3A_115 {strides = array<i32>} : memref<2x128x128xf32, #tpu.memory_space<vmem>>, vector<16xf32>,
      %broadcast_in_dim3A_121 = arith.constant 0.000000e+00 : f32
      %broadcast_in_dim3A_122 = vector.broadcast %broadcast_in_dim3A_121 : f32 to vector<16xf32>
      %swap3A_123 = arith.constant 0 : i32
      %swap3A_124 = arith.index_cast %swap3A_123 : i32 to index
      %swap3A_125 = arith.index_cast %scan3A_100 : i32 to index
      %swap3A_126 = arith.constant 48 : index
      %swap3A_127 = tpu.vector_load %arg10[%swap3A_124, %swap3A_125, %swap3A_126] {strides = array<i32>} : memref<2x128x128xf32, #tpu.memory_space<vmem>>, vector<16xf32>,
      tpu.vector_store %arg10[%swap3A_124, %swap3A_125, %swap3A_126], %broadcast_in_dim3A_122 {strides = array<i32>} : memref<2x128x128xf32, #tpu.memory_space<vmem>>, vector<16xf32>,
      %broadcast_in_dim3A_128 = arith.constant 0.000000e+00 : f32
      %broadcast_in_dim3A_129 = vector.broadcast %broadcast_in_dim3A_128 : f32 to vector<16xf32>
      %swap3A_130 = arith.constant 0 : i32
      %swap3A_131 = arith.index_cast %swap3A_130 : i32 to index
      %swap3A_132 = arith.index_cast %scan3A_100 : i32 to index
      %swap3A_133 = arith.constant 64 : index
      %swap3A_134 = tpu.vector_load %arg10[%swap3A_131, %swap3A_132, %swap3A_133] {strides = array<i32>} : memref<2x128x128xf32, #tpu.memory_space<vmem>>, vector<16xf32>,
      tpu.vector_store %arg10[%swap3A_131, %swap3A_132, %swap3A_133], %broadcast_in_dim3A_129 {strides = array<i32>} : memref<2x128x128xf32, #tpu.memory_space<vmem>>, vector<16xf32>,
      %broadcast_in_dim3A_135 = arith.constant 0.000000e+00 : f32
      %broadcast_in_dim3A_136 = vector.broadcast %broadcast_in_dim3A_135 : f32 to vector<16xf32>
      %swap3A_137 = arith.constant 0 : i32
      %swap3A_138 = arith.index_cast %swap3A_137 : i32 to index
      %swap3A_139 = arith.index_cast %scan3A_100 : i32 to index
      %swap3A_140 = arith.constant 80 : index
      %swap3A_141 = tpu.vector_load %arg10[%swap3A_138, %swap3A_139, %swap3A_140] {strides = array<i32>} : memref<2x128x128xf32, #tpu.memory_space<vmem>>, vector<16xf32>,
      tpu.vector_store %arg10[%swap3A_138, %swap3A_139, %swap3A_140], %broadcast_in_dim3A_136 {strides = array<i32>} : memref<2x128x128xf32, #tpu.memory_space<vmem>>, vector<16xf32>,
      %broadcast_in_dim3A_142 = arith.constant 0.000000e+00 : f32
      %broadcast_in_dim3A_143 = vector.broadcast %broadcast_in_dim3A_142 : f32 to vector<16xf32>
      %swap3A_144 = arith.constant 0 : i32
      %swap3A_145 = arith.index_cast %swap3A_144 : i32 to index
      %swap3A_146 = arith.index_cast %scan3A_100 : i32 to index
      %swap3A_147 = arith.constant 96 : index
      %swap3A_148 = tpu.vector_load %arg10[%swap3A_145, %swap3A_146, %swap3A_147] {strides = array<i32>} : memref<2x128x128xf32, #tpu.memory_space<vmem>>, vector<16xf32>,
      tpu.vector_store %arg10[%swap3A_145, %swap3A_146, %swap3A_147], %broadcast_in_dim3A_143 {strides = array<i32>} : memref<2x128x128xf32, #tpu.memory_space<vmem>>, vector<16xf32>,
      %broadcast_in_dim3A_149 = arith.constant 0.000000e+00 : f32
      %broadcast_in_dim3A_150 = vector.broadcast %broadcast_in_dim3A_149 : f32 to vector<16xf32>
      %swap3A_151 = arith.constant 0 : i32
      %swap3A_152 = arith.index_cast %swap3A_151 : i32 to index
      %swap3A_153 = arith.index_cast %scan3A_100 : i32 to index
      %swap3A_154 = arith.constant 112 : index
      %swap3A_155 = tpu.vector_load %arg10[%swap3A_152, %swap3A_153, %swap3A_154] {strides = array<i32>} : memref<2x128x128xf32, #tpu.memory_space<vmem>>, vector<16xf32>,
      tpu.vector_store %arg10[%swap3A_152, %swap3A_153, %swap3A_154], %broadcast_in_dim3A_150 {strides = array<i32>} : memref<2x128x128xf32, #tpu.memory_space<vmem>>, vector<16xf32>,
      %scan3A_156 = arith.constant 0 : i32
      scf.yield %scan3A_156 : i32
    }
    %scan3A_14 = arith.constant 128 : i32
    %mul3A_15 = arith.constant 640 : i32
    %mul3A_16 = arith.muli %arg1, %mul3A_15 : i32
    %add3A_17 = arith.constant 0 : i32
    %add3A_18 = arith.addi %mul3A_16, %add3A_17 : i32
    %run_scoped3A = arith.constant 0 : i32
    "tpu.region"() ({
      %run_scoped3A_100 = tpu.sem_alloc : memref<!tpu.dma_semaphore, #tpu.memory_space<semaphore_mem>>
      %dma_start3A_101 = arith.constant 0 : i32
      %dma_start3A_102 = arith.constant 0 : i32
      %dma_start3A_103 = tpu.memref_slice %arg10[%run_scoped3A, %dma_start3A_101, %dma_start3A_102] : memref<2x128x128xf32, #tpu.memory_space<vmem>> -> memref<1x128x128xf32, #tpu.memory_space<vmem>>
      %dma_start3A_104 = tpu.memref_squeeze %dma_start3A_103 : memref<1x128x128xf32, #tpu.memory_space<vmem>> -> memref<128x128xf32, #tpu.memory_space<vmem>>
      %dma_start3A_105 = arith.constant 0 : i32
      %dma_start3A_106 = tpu.memref_slice %arg11[%add3A_18, %dma_start3A_105] : memref<10240x128xf32, #tpu.memory_space<vmem_shared>> -> memref<128x128xf32, #tpu.memory_space<vmem_shared>>
      %dma_start3A_107 = arith.constant 0 : i32
      %dma_start3A_108 = tpu.memref_slice %arg11[%add3A_18, %dma_start3A_107] : memref<10240x128xf32, #tpu.memory_space<vmem_shared>> -> memref<128x128xf32, #tpu.memory_space<vmem_shared>>
      %dma_start3A_109 = arith.constant 0 : i32
      %dma_start3A_110 = arith.constant 0 : i32
      %dma_start3A_111 = tpu.memref_slice %arg10[%run_scoped3A, %dma_start3A_109, %dma_start3A_110] : memref<2x128x128xf32, #tpu.memory_space<vmem>> -> memref<1x128x128xf32, #tpu.memory_space<vmem>>
      %dma_start3A_112 = tpu.memref_squeeze %dma_start3A_111 : memref<1x128x128xf32, #tpu.memory_space<vmem>> -> memref<128x128xf32, #tpu.memory_space<vmem>>
      tpu.enqueue_dma source(%dma_start3A_112 : memref<128x128xf32, #tpu.memory_space<vmem>>) target(%dma_start3A_108 : memref<128x128xf32, #tpu.memory_space<vmem_shared>>) target_semaphore(%run_scoped3A_100 : memref<!tpu.dma_semaphore, #tpu.memory_space<semaphore_mem>>)
      %dma_wait3A_113 = arith.constant 0 : i32
      %dma_wait3A_114 = arith.constant 0 : i32
      %dma_wait3A_115 = tpu.memref_slice %arg10[%run_scoped3A, %dma_wait3A_113, %dma_wait3A_114] : memref<2x128x128xf32, #tpu.memory_space<vmem>> -> memref<1x128x128xf32, #tpu.memory_space<vmem>>
      %dma_wait3A_116 = tpu.memref_squeeze %dma_wait3A_115 : memref<1x128x128xf32, #tpu.memory_space<vmem>> -> memref<128x128xf32, #tpu.memory_space<vmem>>
      %dma_wait3A_117 = arith.constant 0 : i32
      %dma_wait3A_118 = tpu.memref_slice %arg11[%add3A_18, %dma_wait3A_117] : memref<10240x128xf32, #tpu.memory_space<vmem_shared>> -> memref<128x128xf32, #tpu.memory_space<vmem_shared>>
      %dma_wait3A_119 = arith.constant 0 : i32
      %dma_wait3A_120 = tpu.memref_slice %arg11[%add3A_18, %dma_wait3A_119] : memref<10240x128xf32, #tpu.memory_space<vmem_shared>> -> memref<128x128xf32, #tpu.memory_space<vmem_shared>>
      %dma_wait3A_121 = arith.constant 0 : i32
      %dma_wait3A_122 = arith.constant 0 : i32
      %dma_wait3A_123 = tpu.memref_slice %arg10[%run_scoped3A, %dma_wait3A_121, %dma_wait3A_122] : memref<2x128x128xf32, #tpu.memory_space<vmem>> -> memref<1x128x128xf32, #tpu.memory_space<vmem>>
      %dma_wait3A_124 = tpu.memref_squeeze %dma_wait3A_123 : memref<1x128x128xf32, #tpu.memory_space<vmem>> -> memref<128x128xf32, #tpu.memory_space<vmem>>
      tpu.wait_dma2 semaphore(%run_scoped3A_100 : memref<!tpu.dma_semaphore, #tpu.memory_space<semaphore_mem>>) src(%dma_wait3A_124 : memref<128x128xf32, #tpu.memory_space<vmem>>) dst(%dma_wait3A_120 : memref<128x128xf32, #tpu.memory_space<vmem_shared>>)
      tpu.yield
    }) : () -> ()
    %mul3A_19 = arith.constant 640 : i32
    %mul3A_20 = arith.muli %arg1, %mul3A_19 : i32
    %add3A_21 = arith.constant 128 : i32
    %add3A_22 = arith.addi %mul3A_20, %add3A_21 : i32
    %run_scoped3A_23 = arith.constant 0 : i32
    "tpu.region"() ({
      %run_scoped3A_100 = tpu.sem_alloc : memref<!tpu.dma_semaphore, #tpu.memory_space<semaphore_mem>>
      %dma_start3A_101 = arith.constant 0 : i32
      %dma_start3A_102 = arith.constant 0 : i32
      %dma_start3A_103 = tpu.memref_slice %arg10[%run_scoped3A_23, %dma_start3A_101, %dma_start3A_102] : memref<2x128x128xf32, #tpu.memory_space<vmem>> -> memref<1x128x128xf32, #tpu.memory_space<vmem>>
      %dma_start3A_104 = tpu.memref_squeeze %dma_start3A_103 : memref<1x128x128xf32, #tpu.memory_space<vmem>> -> memref<128x128xf32, #tpu.memory_space<vmem>>
      %dma_start3A_105 = arith.constant 0 : i32
      %dma_start3A_106 = tpu.memref_slice %arg11[%add3A_22, %dma_start3A_105] : memref<10240x128xf32, #tpu.memory_space<vmem_shared>> -> memref<128x128xf32, #tpu.memory_space<vmem_shared>>
      %dma_start3A_107 = arith.constant 0 : i32
      %dma_start3A_108 = tpu.memref_slice %arg11[%add3A_22, %dma_start3A_107] : memref<10240x128xf32, #tpu.memory_space<vmem_shared>> -> memref<128x128xf32, #tpu.memory_space<vmem_shared>>
      %dma_start3A_109 = arith.constant 0 : i32
      %dma_start3A_110 = arith.constant 0 : i32
      %dma_start3A_111 = tpu.memref_slice %arg10[%run_scoped3A_23, %dma_start3A_109, %dma_start3A_110] : memref<2x128x128xf32, #tpu.memory_space<vmem>> -> memref<1x128x128xf32, #tpu.memory_space<vmem>>
      %dma_start3A_112 = tpu.memref_squeeze %dma_start3A_111 : memref<1x128x128xf32, #tpu.memory_space<vmem>> -> memref<128x128xf32, #tpu.memory_space<vmem>>
      tpu.enqueue_dma source(%dma_start3A_112 : memref<128x128xf32, #tpu.memory_space<vmem>>) target(%dma_start3A_108 : memref<128x128xf32, #tpu.memory_space<vmem_shared>>) target_semaphore(%run_scoped3A_100 : memref<!tpu.dma_semaphore, #tpu.memory_space<semaphore_mem>>)
      %dma_wait3A_113 = arith.constant 0 : i32
      %dma_wait3A_114 = arith.constant 0 : i32
      %dma_wait3A_115 = tpu.memref_slice %arg10[%run_scoped3A_23, %dma_wait3A_113, %dma_wait3A_114] : memref<2x128x128xf32, #tpu.memory_space<vmem>> -> memref<1x128x128xf32, #tpu.memory_space<vmem>>
      %dma_wait3A_116 = tpu.memref_squeeze %dma_wait3A_115 : memref<1x128x128xf32, #tpu.memory_space<vmem>> -> memref<128x128xf32, #tpu.memory_space<vmem>>
      %dma_wait3A_117 = arith.constant 0 : i32
      %dma_wait3A_118 = tpu.memref_slice %arg11[%add3A_22, %dma_wait3A_117] : memref<10240x128xf32, #tpu.memory_space<vmem_shared>> -> memref<128x128xf32, #tpu.memory_space<vmem_shared>>
      %dma_wait3A_119 = arith.constant 0 : i32
      %dma_wait3A_120 = tpu.memref_slice %arg11[%add3A_22, %dma_wait3A_119] : memref<10240x128xf32, #tpu.memory_space<vmem_shared>> -> memref<128x128xf32, #tpu.memory_space<vmem_shared>>
      %dma_wait3A_121 = arith.constant 0 : i32
      %dma_wait3A_122 = arith.constant 0 : i32
      %dma_wait3A_123 = tpu.memref_slice %arg10[%run_scoped3A_23, %dma_wait3A_121, %dma_wait3A_122] : memref<2x128x128xf32, #tpu.memory_space<vmem>> -> memref<1x128x128xf32, #tpu.memory_space<vmem>>
      %dma_wait3A_124 = tpu.memref_squeeze %dma_wait3A_123 : memref<1x128x128xf32, #tpu.memory_space<vmem>> -> memref<128x128xf32, #tpu.memory_space<vmem>>
      tpu.wait_dma2 semaphore(%run_scoped3A_100 : memref<!tpu.dma_semaphore, #tpu.memory_space<semaphore_mem>>) src(%dma_wait3A_124 : memref<128x128xf32, #tpu.memory_space<vmem>>) dst(%dma_wait3A_120 : memref<128x128xf32, #tpu.memory_space<vmem_shared>>)
      tpu.yield
    }) : () -> ()
    %mul3A_24 = arith.constant 640 : i32
    %mul3A_25 = arith.muli %arg1, %mul3A_24 : i32
    %add3A_26 = arith.constant 256 : i32
    %add3A_27 = arith.addi %mul3A_25, %add3A_26 : i32
    %run_scoped3A_28 = arith.constant 0 : i32
    "tpu.region"() ({
      %run_scoped3A_100 = tpu.sem_alloc : memref<!tpu.dma_semaphore, #tpu.memory_space<semaphore_mem>>
      %dma_start3A_101 = arith.constant 0 : i32
      %dma_start3A_102 = arith.constant 0 : i32
      %dma_start3A_103 = tpu.memref_slice %arg10[%run_scoped3A_28, %dma_start3A_101, %dma_start3A_102] : memref<2x128x128xf32, #tpu.memory_space<vmem>> -> memref<1x128x128xf32, #tpu.memory_space<vmem>>
      %dma_start3A_104 = tpu.memref_squeeze %dma_start3A_103 : memref<1x128x128xf32, #tpu.memory_space<vmem>> -> memref<128x128xf32, #tpu.memory_space<vmem>>
      %dma_start3A_105 = arith.constant 0 : i32
      %dma_start3A_106 = tpu.memref_slice %arg11[%add3A_27, %dma_start3A_105] : memref<10240x128xf32, #tpu.memory_space<vmem_shared>> -> memref<128x128xf32, #tpu.memory_space<vmem_shared>>
      %dma_start3A_107 = arith.constant 0 : i32
      %dma_start3A_108 = tpu.memref_slice %arg11[%add3A_27, %dma_start3A_107] : memref<10240x128xf32, #tpu.memory_space<vmem_shared>> -> memref<128x128xf32, #tpu.memory_space<vmem_shared>>
      %dma_start3A_109 = arith.constant 0 : i32
      %dma_start3A_110 = arith.constant 0 : i32
      %dma_start3A_111 = tpu.memref_slice %arg10[%run_scoped3A_28, %dma_start3A_109, %dma_start3A_110] : memref<2x128x128xf32, #tpu.memory_space<vmem>> -> memref<1x128x128xf32, #tpu.memory_space<vmem>>
      %dma_start3A_112 = tpu.memref_squeeze %dma_start3A_111 : memref<1x128x128xf32, #tpu.memory_space<vmem>> -> memref<128x128xf32, #tpu.memory_space<vmem>>
      tpu.enqueue_dma source(%dma_start3A_112 : memref<128x128xf32, #tpu.memory_space<vmem>>) target(%dma_start3A_108 : memref<128x128xf32, #tpu.memory_space<vmem_shared>>) target_semaphore(%run_scoped3A_100 : memref<!tpu.dma_semaphore, #tpu.memory_space<semaphore_mem>>)
      %dma_wait3A_113 = arith.constant 0 : i32
      %dma_wait3A_114 = arith.constant 0 : i32
      %dma_wait3A_115 = tpu.memref_slice %arg10[%run_scoped3A_28, %dma_wait3A_113, %dma_wait3A_114] : memref<2x128x128xf32, #tpu.memory_space<vmem>> -> memref<1x128x128xf32, #tpu.memory_space<vmem>>
      %dma_wait3A_116 = tpu.memref_squeeze %dma_wait3A_115 : memref<1x128x128xf32, #tpu.memory_space<vmem>> -> memref<128x128xf32, #tpu.memory_space<vmem>>
      %dma_wait3A_117 = arith.constant 0 : i32
      %dma_wait3A_118 = tpu.memref_slice %arg11[%add3A_27, %dma_wait3A_117] : memref<10240x128xf32, #tpu.memory_space<vmem_shared>> -> memref<128x128xf32, #tpu.memory_space<vmem_shared>>
      %dma_wait3A_119 = arith.constant 0 : i32
      %dma_wait3A_120 = tpu.memref_slice %arg11[%add3A_27, %dma_wait3A_119] : memref<10240x128xf32, #tpu.memory_space<vmem_shared>> -> memref<128x128xf32, #tpu.memory_space<vmem_shared>>
      %dma_wait3A_121 = arith.constant 0 : i32
      %dma_wait3A_122 = arith.constant 0 : i32
      %dma_wait3A_123 = tpu.memref_slice %arg10[%run_scoped3A_28, %dma_wait3A_121, %dma_wait3A_122] : memref<2x128x128xf32, #tpu.memory_space<vmem>> -> memref<1x128x128xf32, #tpu.memory_space<vmem>>
      %dma_wait3A_124 = tpu.memref_squeeze %dma_wait3A_123 : memref<1x128x128xf32, #tpu.memory_space<vmem>> -> memref<128x128xf32, #tpu.memory_space<vmem>>
      tpu.wait_dma2 semaphore(%run_scoped3A_100 : memref<!tpu.dma_semaphore, #tpu.memory_space<semaphore_mem>>) src(%dma_wait3A_124 : memref<128x128xf32, #tpu.memory_space<vmem>>) dst(%dma_wait3A_120 : memref<128x128xf32, #tpu.memory_space<vmem_shared>>)
      tpu.yield
    }) : () -> ()
    %mul3A_29 = arith.constant 640 : i32
    %mul3A_30 = arith.muli %arg1, %mul3A_29 : i32
    %add3A_31 = arith.constant 384 : i32
    %add3A_32 = arith.addi %mul3A_30, %add3A_31 : i32
    %run_scoped3A_33 = arith.constant 0 : i32
    "tpu.region"() ({
      %run_scoped3A_100 = tpu.sem_alloc : memref<!tpu.dma_semaphore, #tpu.memory_space<semaphore_mem>>
      %dma_start3A_101 = arith.constant 0 : i32
      %dma_start3A_102 = arith.constant 0 : i32
      %dma_start3A_103 = tpu.memref_slice %arg10[%run_scoped3A_33, %dma_start3A_101, %dma_start3A_102] : memref<2x128x128xf32, #tpu.memory_space<vmem>> -> memref<1x128x128xf32, #tpu.memory_space<vmem>>
      %dma_start3A_104 = tpu.memref_squeeze %dma_start3A_103 : memref<1x128x128xf32, #tpu.memory_space<vmem>> -> memref<128x128xf32, #tpu.memory_space<vmem>>
      %dma_start3A_105 = arith.constant 0 : i32
      %dma_start3A_106 = tpu.memref_slice %arg11[%add3A_32, %dma_start3A_105] : memref<10240x128xf32, #tpu.memory_space<vmem_shared>> -> memref<128x128xf32, #tpu.memory_space<vmem_shared>>
      %dma_start3A_107 = arith.constant 0 : i32
      %dma_start3A_108 = tpu.memref_slice %arg11[%add3A_32, %dma_start3A_107] : memref<10240x128xf32, #tpu.memory_space<vmem_shared>> -> memref<128x128xf32, #tpu.memory_space<vmem_shared>>
      %dma_start3A_109 = arith.constant 0 : i32
      %dma_start3A_110 = arith.constant 0 : i32
      %dma_start3A_111 = tpu.memref_slice %arg10[%run_scoped3A_33, %dma_start3A_109, %dma_start3A_110] : memref<2x128x128xf32, #tpu.memory_space<vmem>> -> memref<1x128x128xf32, #tpu.memory_space<vmem>>
      %dma_start3A_112 = tpu.memref_squeeze %dma_start3A_111 : memref<1x128x128xf32, #tpu.memory_space<vmem>> -> memref<128x128xf32, #tpu.memory_space<vmem>>
      tpu.enqueue_dma source(%dma_start3A_112 : memref<128x128xf32, #tpu.memory_space<vmem>>) target(%dma_start3A_108 : memref<128x128xf32, #tpu.memory_space<vmem_shared>>) target_semaphore(%run_scoped3A_100 : memref<!tpu.dma_semaphore, #tpu.memory_space<semaphore_mem>>)
      %dma_wait3A_113 = arith.constant 0 : i32
      %dma_wait3A_114 = arith.constant 0 : i32
      %dma_wait3A_115 = tpu.memref_slice %arg10[%run_scoped3A_33, %dma_wait3A_113, %dma_wait3A_114] : memref<2x128x128xf32, #tpu.memory_space<vmem>> -> memref<1x128x128xf32, #tpu.memory_space<vmem>>
      %dma_wait3A_116 = tpu.memref_squeeze %dma_wait3A_115 : memref<1x128x128xf32, #tpu.memory_space<vmem>> -> memref<128x128xf32, #tpu.memory_space<vmem>>
      %dma_wait3A_117 = arith.constant 0 : i32
      %dma_wait3A_118 = tpu.memref_slice %arg11[%add3A_32, %dma_wait3A_117] : memref<10240x128xf32, #tpu.memory_space<vmem_shared>> -> memref<128x128xf32, #tpu.memory_space<vmem_shared>>
      %dma_wait3A_119 = arith.constant 0 : i32
      %dma_wait3A_120 = tpu.memref_slice %arg11[%add3A_32, %dma_wait3A_119] : memref<10240x128xf32, #tpu.memory_space<vmem_shared>> -> memref<128x128xf32, #tpu.memory_space<vmem_shared>>
      %dma_wait3A_121 = arith.constant 0 : i32
      %dma_wait3A_122 = arith.constant 0 : i32
      %dma_wait3A_123 = tpu.memref_slice %arg10[%run_scoped3A_33, %dma_wait3A_121, %dma_wait3A_122] : memref<2x128x128xf32, #tpu.memory_space<vmem>> -> memref<1x128x128xf32, #tpu.memory_space<vmem>>
      %dma_wait3A_124 = tpu.memref_squeeze %dma_wait3A_123 : memref<1x128x128xf32, #tpu.memory_space<vmem>> -> memref<128x128xf32, #tpu.memory_space<vmem>>
      tpu.wait_dma2 semaphore(%run_scoped3A_100 : memref<!tpu.dma_semaphore, #tpu.memory_space<semaphore_mem>>) src(%dma_wait3A_124 : memref<128x128xf32, #tpu.memory_space<vmem>>) dst(%dma_wait3A_120 : memref<128x128xf32, #tpu.memory_space<vmem_shared>>)
      tpu.yield
    }) : () -> ()
    %mul3A_34 = arith.constant 640 : i32
    %mul3A_35 = arith.muli %arg1, %mul3A_34 : i32
    %add3A_36 = arith.constant 512 : i32
    %add3A_37 = arith.addi %mul3A_35, %add3A_36 : i32
    %run_scoped3A_38 = arith.constant 0 : i32
    "tpu.region"() ({
      %run_scoped3A_100 = tpu.sem_alloc : memref<!tpu.dma_semaphore, #tpu.memory_space<semaphore_mem>>
      %dma_start3A_101 = arith.constant 0 : i32
      %dma_start3A_102 = arith.constant 0 : i32
      %dma_start3A_103 = tpu.memref_slice %arg10[%run_scoped3A_38, %dma_start3A_101, %dma_start3A_102] : memref<2x128x128xf32, #tpu.memory_space<vmem>> -> memref<1x128x128xf32, #tpu.memory_space<vmem>>
      %dma_start3A_104 = tpu.memref_squeeze %dma_start3A_103 : memref<1x128x128xf32, #tpu.memory_space<vmem>> -> memref<128x128xf32, #tpu.memory_space<vmem>>
      %dma_start3A_105 = arith.constant 0 : i32
      %dma_start3A_106 = tpu.memref_slice %arg11[%add3A_37, %dma_start3A_105] : memref<10240x128xf32, #tpu.memory_space<vmem_shared>> -> memref<128x128xf32, #tpu.memory_space<vmem_shared>>
      %dma_start3A_107 = arith.constant 0 : i32
      %dma_start3A_108 = tpu.memref_slice %arg11[%add3A_37, %dma_start3A_107] : memref<10240x128xf32, #tpu.memory_space<vmem_shared>> -> memref<128x128xf32, #tpu.memory_space<vmem_shared>>
      %dma_start3A_109 = arith.constant 0 : i32
      %dma_start3A_110 = arith.constant 0 : i32
      %dma_start3A_111 = tpu.memref_slice %arg10[%run_scoped3A_38, %dma_start3A_109, %dma_start3A_110] : memref<2x128x128xf32, #tpu.memory_space<vmem>> -> memref<1x128x128xf32, #tpu.memory_space<vmem>>
      %dma_start3A_112 = tpu.memref_squeeze %dma_start3A_111 : memref<1x128x128xf32, #tpu.memory_space<vmem>> -> memref<128x128xf32, #tpu.memory_space<vmem>>
      tpu.enqueue_dma source(%dma_start3A_112 : memref<128x128xf32, #tpu.memory_space<vmem>>) target(%dma_start3A_108 : memref<128x128xf32, #tpu.memory_space<vmem_shared>>) target_semaphore(%run_scoped3A_100 : memref<!tpu.dma_semaphore, #tpu.memory_space<semaphore_mem>>)
      %dma_wait3A_113 = arith.constant 0 : i32
      %dma_wait3A_114 = arith.constant 0 : i32
      %dma_wait3A_115 = tpu.memref_slice %arg10[%run_scoped3A_38, %dma_wait3A_113, %dma_wait3A_114] : memref<2x128x128xf32, #tpu.memory_space<vmem>> -> memref<1x128x128xf32, #tpu.memory_space<vmem>>
      %dma_wait3A_116 = tpu.memref_squeeze %dma_wait3A_115 : memref<1x128x128xf32, #tpu.memory_space<vmem>> -> memref<128x128xf32, #tpu.memory_space<vmem>>
      %dma_wait3A_117 = arith.constant 0 : i32
      %dma_wait3A_118 = tpu.memref_slice %arg11[%add3A_37, %dma_wait3A_117] : memref<10240x128xf32, #tpu.memory_space<vmem_shared>> -> memref<128x128xf32, #tpu.memory_space<vmem_shared>>
      %dma_wait3A_119 = arith.constant 0 : i32
      %dma_wait3A_120 = tpu.memref_slice %arg11[%add3A_37, %dma_wait3A_119] : memref<10240x128xf32, #tpu.memory_space<vmem_shared>> -> memref<128x128xf32, #tpu.memory_space<vmem_shared>>
      %dma_wait3A_121 = arith.constant 0 : i32
      %dma_wait3A_122 = arith.constant 0 : i32
      %dma_wait3A_123 = tpu.memref_slice %arg10[%run_scoped3A_38, %dma_wait3A_121, %dma_wait3A_122] : memref<2x128x128xf32, #tpu.memory_space<vmem>> -> memref<1x128x128xf32, #tpu.memory_space<vmem>>
      %dma_wait3A_124 = tpu.memref_squeeze %dma_wait3A_123 : memref<1x128x128xf32, #tpu.memory_space<vmem>> -> memref<128x128xf32, #tpu.memory_space<vmem>>
      tpu.wait_dma2 semaphore(%run_scoped3A_100 : memref<!tpu.dma_semaphore, #tpu.memory_space<semaphore_mem>>) src(%dma_wait3A_124 : memref<128x128xf32, #tpu.memory_space<vmem>>) dst(%dma_wait3A_120 : memref<128x128xf32, #tpu.memory_space<vmem_shared>>)
      tpu.yield
    }) : () -> ()
    %barrier3A = arith.constant 0 : index
    tpu.barrier barrier_id(%barrier3A)
    %run_scoped3A_39 = arith.constant 0 : i32
    "tpu.region"() ({
      %run_scoped3A_100 = tpu.sem_alloc : memref<!tpu.dma_semaphore, #tpu.memory_space<semaphore_mem>>
      %dma_start3A_101 = arith.constant 0 : i32
      %dma_start3A_102 = arith.constant 0 : i32
      %dma_start3A_103 = tpu.memref_slice %arg7[%run_scoped3A_39, %dma_start3A_101, %dma_start3A_102] : memref<2x8x128xi32, #tpu.memory_space<vmem>> -> memref<1x8x128xi32, #tpu.memory_space<vmem>>
      %dma_start3A_104 = tpu.memref_squeeze %dma_start3A_103 : memref<1x8x128xi32, #tpu.memory_space<vmem>> -> memref<8x128xi32, #tpu.memory_space<vmem>>
      %dma_start3A_105 = arith.constant 0 : i32
      %dma_start3A_106 = tpu.memref_slice %arg3[%select_n3A_8, %dma_start3A_105] : memref<2560x128xi32, #tpu.memory_space<hbm>> -> memref<8x128xi32, #tpu.memory_space<hbm>>
      %dma_start3A_107 = arith.constant 0 : i32
      %dma_start3A_108 = arith.constant 0 : i32
      %dma_start3A_109 = tpu.memref_slice %arg7[%run_scoped3A_39, %dma_start3A_107, %dma_start3A_108] : memref<2x8x128xi32, #tpu.memory_space<vmem>> -> memref<1x8x128xi32, #tpu.memory_space<vmem>>
      %dma_start3A_110 = tpu.memref_squeeze %dma_start3A_109 : memref<1x8x128xi32, #tpu.memory_space<vmem>> -> memref<8x128xi32, #tpu.memory_space<vmem>>
      %dma_start3A_111 = arith.constant 0 : i32
      %dma_start3A_112 = tpu.memref_slice %arg3[%select_n3A_8, %dma_start3A_111] : memref<2560x128xi32, #tpu.memory_space<hbm>> -> memref<8x128xi32, #tpu.memory_space<hbm>>
      tpu.enqueue_dma source(%dma_start3A_112 : memref<8x128xi32, #tpu.memory_space<hbm>>) target(%dma_start3A_110 : memref<8x128xi32, #tpu.memory_space<vmem>>) target_semaphore(%run_scoped3A_100 : memref<!tpu.dma_semaphore, #tpu.memory_space<semaphore_mem>>)
      %dma_wait3A_113 = arith.constant 0 : i32
      %dma_wait3A_114 = arith.constant 0 : i32
      %dma_wait3A_115 = tpu.memref_slice %arg7[%run_scoped3A_39, %dma_wait3A_113, %dma_wait3A_114] : memref<2x8x128xi32, #tpu.memory_space<vmem>> -> memref<1x8x128xi32, #tpu.memory_space<vmem>>
      %dma_wait3A_116 = tpu.memref_squeeze %dma_wait3A_115 : memref<1x8x128xi32, #tpu.memory_space<vmem>> -> memref<8x128xi32, #tpu.memory_space<vmem>>
      %dma_wait3A_117 = arith.constant 0 : i32
      %dma_wait3A_118 = tpu.memref_slice %arg3[%select_n3A_8, %dma_wait3A_117] : memref<2560x128xi32, #tpu.memory_space<hbm>> -> memref<8x128xi32, #tpu.memory_space<hbm>>
      %dma_wait3A_119 = arith.constant 0 : i32
      %dma_wait3A_120 = arith.constant 0 : i32
      %dma_wait3A_121 = tpu.memref_slice %arg7[%run_scoped3A_39, %dma_wait3A_119, %dma_wait3A_120] : memref<2x8x128xi32, #tpu.memory_space<vmem>> -> memref<1x8x128xi32, #tpu.memory_space<vmem>>
      %dma_wait3A_122 = tpu.memref_squeeze %dma_wait3A_121 : memref<1x8x128xi32, #tpu.memory_space<vmem>> -> memref<8x128xi32, #tpu.memory_space<vmem>>
      %dma_wait3A_123 = arith.constant 0 : i32
      %dma_wait3A_124 = tpu.memref_slice %arg3[%select_n3A_8, %dma_wait3A_123] : memref<2560x128xi32, #tpu.memory_space<hbm>> -> memref<8x128xi32, #tpu.memory_space<hbm>>
      tpu.wait_dma2 semaphore(%run_scoped3A_100 : memref<!tpu.dma_semaphore, #tpu.memory_space<semaphore_mem>>) src(%dma_wait3A_124 : memref<8x128xi32, #tpu.memory_space<hbm>>) dst(%dma_wait3A_122 : memref<8x128xi32, #tpu.memory_space<vmem>>)
      tpu.yield
    }) : () -> ()
    %run_scoped3A_40 = arith.constant 0 : i32
    "tpu.region"() ({
      %run_scoped3A_100 = tpu.sem_alloc : memref<!tpu.dma_semaphore, #tpu.memory_space<semaphore_mem>>
      %dma_start3A_101 = arith.constant 0 : i32
      %dma_start3A_102 = arith.constant 0 : i32
      %dma_start3A_103 = tpu.memref_slice %arg8[%run_scoped3A_40, %dma_start3A_101, %dma_start3A_102] : memref<2x8x128xi32, #tpu.memory_space<vmem>> -> memref<1x8x128xi32, #tpu.memory_space<vmem>>
      %dma_start3A_104 = tpu.memref_squeeze %dma_start3A_103 : memref<1x8x128xi32, #tpu.memory_space<vmem>> -> memref<8x128xi32, #tpu.memory_space<vmem>>
      %dma_start3A_105 = arith.constant 0 : i32
      %dma_start3A_106 = tpu.memref_slice %arg4[%select_n3A_8, %dma_start3A_105] : memref<2560x128xi32, #tpu.memory_space<hbm>> -> memref<8x128xi32, #tpu.memory_space<hbm>>
      %dma_start3A_107 = arith.constant 0 : i32
      %dma_start3A_108 = arith.constant 0 : i32
      %dma_start3A_109 = tpu.memref_slice %arg8[%run_scoped3A_40, %dma_start3A_107, %dma_start3A_108] : memref<2x8x128xi32, #tpu.memory_space<vmem>> -> memref<1x8x128xi32, #tpu.memory_space<vmem>>
      %dma_start3A_110 = tpu.memref_squeeze %dma_start3A_109 : memref<1x8x128xi32, #tpu.memory_space<vmem>> -> memref<8x128xi32, #tpu.memory_space<vmem>>
      %dma_start3A_111 = arith.constant 0 : i32
      %dma_start3A_112 = tpu.memref_slice %arg4[%select_n3A_8, %dma_start3A_111] : memref<2560x128xi32, #tpu.memory_space<hbm>> -> memref<8x128xi32, #tpu.memory_space<hbm>>
      tpu.enqueue_dma source(%dma_start3A_112 : memref<8x128xi32, #tpu.memory_space<hbm>>) target(%dma_start3A_110 : memref<8x128xi32, #tpu.memory_space<vmem>>) target_semaphore(%run_scoped3A_100 : memref<!tpu.dma_semaphore, #tpu.memory_space<semaphore_mem>>)
      %dma_wait3A_113 = arith.constant 0 : i32
      %dma_wait3A_114 = arith.constant 0 : i32
      %dma_wait3A_115 = tpu.memref_slice %arg8[%run_scoped3A_40, %dma_wait3A_113, %dma_wait3A_114] : memref<2x8x128xi32, #tpu.memory_space<vmem>> -> memref<1x8x128xi32, #tpu.memory_space<vmem>>
      %dma_wait3A_116 = tpu.memref_squeeze %dma_wait3A_115 : memref<1x8x128xi32, #tpu.memory_space<vmem>> -> memref<8x128xi32, #tpu.memory_space<vmem>>
      %dma_wait3A_117 = arith.constant 0 : i32
      %dma_wait3A_118 = tpu.memref_slice %arg4[%select_n3A_8, %dma_wait3A_117] : memref<2560x128xi32, #tpu.memory_space<hbm>> -> memref<8x128xi32, #tpu.memory_space<hbm>>
      %dma_wait3A_119 = arith.constant 0 : i32
      %dma_wait3A_120 = arith.constant 0 : i32
      %dma_wait3A_121 = tpu.memref_slice %arg8[%run_scoped3A_40, %dma_wait3A_119, %dma_wait3A_120] : memref<2x8x128xi32, #tpu.memory_space<vmem>> -> memref<1x8x128xi32, #tpu.memory_space<vmem>>
      %dma_wait3A_122 = tpu.memref_squeeze %dma_wait3A_121 : memref<1x8x128xi32, #tpu.memory_space<vmem>> -> memref<8x128xi32, #tpu.memory_space<vmem>>
      %dma_wait3A_123 = arith.constant 0 : i32
      %dma_wait3A_124 = tpu.memref_slice %arg4[%select_n3A_8, %dma_wait3A_123] : memref<2560x128xi32, #tpu.memory_space<hbm>> -> memref<8x128xi32, #tpu.memory_space<hbm>>
      tpu.wait_dma2 semaphore(%run_scoped3A_100 : memref<!tpu.dma_semaphore, #tpu.memory_space<semaphore_mem>>) src(%dma_wait3A_124 : memref<8x128xi32, #tpu.memory_space<hbm>>) dst(%dma_wait3A_122 : memref<8x128xi32, #tpu.memory_space<vmem>>)
      tpu.yield
    }) : () -> ()
    %run_scoped3A_41 = arith.constant 0 : i32
    "tpu.region"() ({
      %run_scoped3A_100 = tpu.sem_alloc : memref<!tpu.dma_semaphore, #tpu.memory_space<semaphore_mem>>
      %dma_start3A_101 = arith.constant 0 : i32
      %dma_start3A_102 = arith.constant 0 : i32
      %dma_start3A_103 = tpu.memref_slice %arg9[%run_scoped3A_41, %dma_start3A_101, %dma_start3A_102] : memref<2x8x128xf32, #tpu.memory_space<vmem>> -> memref<1x8x128xf32, #tpu.memory_space<vmem>>
      %dma_start3A_104 = tpu.memref_squeeze %dma_start3A_103 : memref<1x8x128xf32, #tpu.memory_space<vmem>> -> memref<8x128xf32, #tpu.memory_space<vmem>>
      %dma_start3A_105 = arith.constant 0 : i32
      %dma_start3A_106 = tpu.memref_slice %arg5[%select_n3A_8, %dma_start3A_105] : memref<2560x128xf32, #tpu.memory_space<hbm>> -> memref<8x128xf32, #tpu.memory_space<hbm>>
      %dma_start3A_107 = arith.constant 0 : i32
      %dma_start3A_108 = arith.constant 0 : i32
      %dma_start3A_109 = tpu.memref_slice %arg9[%run_scoped3A_41, %dma_start3A_107, %dma_start3A_108] : memref<2x8x128xf32, #tpu.memory_space<vmem>> -> memref<1x8x128xf32, #tpu.memory_space<vmem>>
      %dma_start3A_110 = tpu.memref_squeeze %dma_start3A_109 : memref<1x8x128xf32, #tpu.memory_space<vmem>> -> memref<8x128xf32, #tpu.memory_space<vmem>>
      %dma_start3A_111 = arith.constant 0 : i32
      %dma_start3A_112 = tpu.memref_slice %arg5[%select_n3A_8, %dma_start3A_111] : memref<2560x128xf32, #tpu.memory_space<hbm>> -> memref<8x128xf32, #tpu.memory_space<hbm>>
      tpu.enqueue_dma source(%dma_start3A_112 : memref<8x128xf32, #tpu.memory_space<hbm>>) target(%dma_start3A_110 : memref<8x128xf32, #tpu.memory_space<vmem>>) target_semaphore(%run_scoped3A_100 : memref<!tpu.dma_semaphore, #tpu.memory_space<semaphore_mem>>)
      %dma_wait3A_113 = arith.constant 0 : i32
      %dma_wait3A_114 = arith.constant 0 : i32
      %dma_wait3A_115 = tpu.memref_slice %arg9[%run_scoped3A_41, %dma_wait3A_113, %dma_wait3A_114] : memref<2x8x128xf32, #tpu.memory_space<vmem>> -> memref<1x8x128xf32, #tpu.memory_space<vmem>>
      %dma_wait3A_116 = tpu.memref_squeeze %dma_wait3A_115 : memref<1x8x128xf32, #tpu.memory_space<vmem>> -> memref<8x128xf32, #tpu.memory_space<vmem>>
      %dma_wait3A_117 = arith.constant 0 : i32
      %dma_wait3A_118 = tpu.memref_slice %arg5[%select_n3A_8, %dma_wait3A_117] : memref<2560x128xf32, #tpu.memory_space<hbm>> -> memref<8x128xf32, #tpu.memory_space<hbm>>
      %dma_wait3A_119 = arith.constant 0 : i32
      %dma_wait3A_120 = arith.constant 0 : i32
      %dma_wait3A_121 = tpu.memref_slice %arg9[%run_scoped3A_41, %dma_wait3A_119, %dma_wait3A_120] : memref<2x8x128xf32, #tpu.memory_space<vmem>> -> memref<1x8x128xf32, #tpu.memory_space<vmem>>
      %dma_wait3A_122 = tpu.memref_squeeze %dma_wait3A_121 : memref<1x8x128xf32, #tpu.memory_space<vmem>> -> memref<8x128xf32, #tpu.memory_space<vmem>>
      %dma_wait3A_123 = arith.constant 0 : i32
      %dma_wait3A_124 = tpu.memref_slice %arg5[%select_n3A_8, %dma_wait3A_123] : memref<2560x128xf32, #tpu.memory_space<hbm>> -> memref<8x128xf32, #tpu.memory_space<hbm>>
      tpu.wait_dma2 semaphore(%run_scoped3A_100 : memref<!tpu.dma_semaphore, #tpu.memory_space<semaphore_mem>>) src(%dma_wait3A_124 : memref<8x128xf32, #tpu.memory_space<hbm>>) dst(%dma_wait3A_122 : memref<8x128xf32, #tpu.memory_space<vmem>>)
      tpu.yield
    }) : () -> ()
    %dma_start3A = arith.constant 0 : i32
    %dma_start3A_42 = arith.constant 0 : i32
    %dma_start3A_43 = arith.constant 0 : i32
    %dma_start3A_44 = arith.constant 0 : i32
    %dma_start3A_45 = arith.constant 0 : i32
    %dma_start3A_46 = tpu.memref_slice %arg10[%dma_start3A_43, %dma_start3A_44, %dma_start3A_45] : memref<2x128x128xf32, #tpu.memory_space<vmem>> -> memref<1x128x128xf32, #tpu.memory_space<vmem>>
    %dma_start3A_47 = tpu.memref_squeeze %dma_start3A_46 : memref<1x128x128xf32, #tpu.memory_space<vmem>> -> memref<128x128xf32, #tpu.memory_space<vmem>>
    %dma_start3A_48 = arith.constant 0 : i32
    %dma_start3A_49 = tpu.memref_slice %arg7[%dma_start3A, %dma_start3A_42, %dma_start3A_48] : memref<2x8x128xi32, #tpu.memory_space<vmem>> -> memref<1x1x128xi32, #tpu.memory_space<vmem>>
    %dma_start3A_50 = tpu.memref_squeeze %dma_start3A_49 : memref<1x1x128xi32, #tpu.memory_space<vmem>> -> memref<128xi32, #tpu.memory_space<vmem>>
    %dma_start3A_51 = arith.constant 0 : i32
    %dma_start3A_52 = arith.constant 0 : i32
    %dma_start3A_53 = tpu.memref_slice %arg2[%dma_start3A_51, %dma_start3A_52] : memref<10240x128xf32, #tpu.memory_space<hbm>> -> memref<10240x128xf32, #tpu.memory_space<hbm>>
    tpu.enqueue_indirect_dma source(%dma_start3A_53 : memref<10240x128xf32, #tpu.memory_space<hbm>>) target(%dma_start3A_47 : memref<128x128xf32, #tpu.memory_space<vmem>>) offsets(%dma_start3A_50 : memref<128xi32, #tpu.memory_space<vmem>>) semaphore(%arg12 : memref<!tpu.dma_semaphore, #tpu.memory_space<semaphore_mem>>)
    %jit3A_54 = arith.constant 2 : i32
    %div3A = arith.divsi %select_n3A, %jit3A_54 : i32
    %sign3A = arith.constant 0 : i32
    %sign3A_55 = arith.cmpi sgt, %select_n3A, %sign3A : i32
    %sign3A_56 = arith.extui %sign3A_55 : i1 to i32
    %sign3A_57 = arith.constant 0 : i32
    %sign3A_58 = arith.cmpi slt, %select_n3A, %sign3A_57 : i32
    %sign3A_59 = arith.extui %sign3A_58 : i1 to i32
    %sign3A_60 = arith.subi %sign3A_56, %sign3A_59 : i32
    %sign3A_61 = arith.constant 0 : i32
    %sign3A_62 = arith.cmpi sgt, %jit3A_54, %sign3A_61 : i32
    %sign3A_63 = arith.extui %sign3A_62 : i1 to i32
    %sign3A_64 = arith.constant 0 : i32
    %sign3A_65 = arith.cmpi slt, %jit3A_54, %sign3A_64 : i32
    %sign3A_66 = arith.extui %sign3A_65 : i1 to i32
    %sign3A_67 = arith.subi %sign3A_63, %sign3A_66 : i32
    %ne3A = arith.cmpi ne, %sign3A_60, %sign3A_67 : i32
    %rem3A = arith.remsi %select_n3A, %jit3A_54 : i32
    %ne3A_68 = arith.constant 0 : i32
    %ne3A_69 = arith.cmpi ne, %rem3A, %ne3A_68 : i32
    %and3A = arith.andi %ne3A, %ne3A_69 : i1
    %sub3A = arith.constant 1 : i32
    %sub3A_70 = arith.subi %div3A, %sub3A : i32
    %select_n3A_71 = arith.select %and3A, %sub3A_70, %div3A : i32
    %while3A = arith.constant 0 : i32
    %while3A_72 = arith.constant 0 : i32
    %while3A_73 = arith.subi %select_n3A_71, %while3A : i32
    %while3A_74 = arith.addi %while3A, %while3A_73 : i32
    %while3A_75 = arith.constant 1 : i32
    %while3A_76 = arith.divsi %while3A_73, %while3A_75 : i32
    %while3A_77 = arith.muli %while3A_76, %while3A_75 : i32
    %while3A_78 = arith.addi %while3A, %while3A_77 : i32
    %while3A_79 = arith.constant 1 : i32
    %while3A_80 = scf.for %while3A_100 = %while3A to %while3A_78 step %while3A_79 iter_args(%while3A_101 = %while3A_72) -> (i32)  : i32 {
      %mul3A_102 = arith.constant 2 : i32
      %mul3A_103 = arith.muli %mul3A_102, %while3A_100 : i32
      %shift_right_arithmetic3A = arith.constant 3 : i32
      %shift_right_arithmetic3A_104 = arith.shrsi %mul3A_103, %shift_right_arithmetic3A : i32
      %and3A_105 = arith.constant 1 : i32
      %and3A_106 = arith.andi %shift_right_arithmetic3A_104, %and3A_105 : i32
      %and3A_107 = arith.constant 7 : i32
      %and3A_108 = arith.andi %mul3A_103, %and3A_107 : i32
      %dma_wait3A_109 = arith.constant 0 : i32
      %dma_wait3A_110 = arith.constant 0 : i32
      %dma_wait3A_111 = arith.constant 0 : i32
      %dma_wait3A_112 = tpu.memref_slice %arg10[%dma_wait3A_109, %dma_wait3A_110, %dma_wait3A_111] : memref<2x128x128xf32, #tpu.memory_space<vmem>> -> memref<1x128x128xf32, #tpu.memory_space<vmem>>
      %dma_wait3A_113 = tpu.memref_squeeze %dma_wait3A_112 : memref<1x128x128xf32, #tpu.memory_space<vmem>> -> memref<128x128xf32, #tpu.memory_space<vmem>>
      %dma_wait3A_114 = arith.constant 0 : i32
      %dma_wait3A_115 = tpu.memref_slice %arg7[%and3A_106, %and3A_108, %dma_wait3A_114] : memref<2x8x128xi32, #tpu.memory_space<vmem>> -> memref<1x1x128xi32, #tpu.memory_space<vmem>>
      %dma_wait3A_116 = tpu.memref_squeeze %dma_wait3A_115 : memref<1x1x128xi32, #tpu.memory_space<vmem>> -> memref<128xi32, #tpu.memory_space<vmem>>
      %dma_wait3A_117 = arith.constant 0 : i32
      %dma_wait3A_118 = arith.constant 0 : i32
      %dma_wait3A_119 = tpu.memref_slice %arg2[%dma_wait3A_117, %dma_wait3A_118] : memref<10240x128xf32, #tpu.memory_space<hbm>> -> memref<10240x128xf32, #tpu.memory_space<hbm>>
      tpu.wait_indirect_dma semaphore(%arg12 : memref<!tpu.dma_semaphore, #tpu.memory_space<semaphore_mem>>) src(%dma_wait3A_119 : memref<10240x128xf32, #tpu.memory_space<hbm>>) dst(%dma_wait3A_113 : memref<128x128xf32, #tpu.memory_space<vmem>>)
      %ge3A = arith.constant 1 : i32
      %ge3A_120 = arith.cmpi sge, %mul3A_103, %ge3A : i32
      %convert_element_type3A = arith.extui %ge3A_120 : i1 to i32
      %cond3A = arith.constant 0 : i32
      %cond3A_121 = arith.cmpi ne, %convert_element_type3A, %cond3A : i32
      scf.if %cond3A_121 {
        %dma_wait3A_214 = arith.constant 1 : i32
        %dma_wait3A_215 = arith.constant 0 : i32
        %dma_wait3A_216 = arith.constant 0 : i32
        %dma_wait3A_217 = arith.constant 0 : i32
        %dma_wait3A_218 = arith.constant 0 : i32
        %dma_wait3A_219 = tpu.memref_slice %arg10[%dma_wait3A_214, %dma_wait3A_217, %dma_wait3A_218] : memref<2x128x128xf32, #tpu.memory_space<vmem>> -> memref<1x128x128xf32, #tpu.memory_space<vmem>>
        %dma_wait3A_220 = tpu.memref_squeeze %dma_wait3A_219 : memref<1x128x128xf32, #tpu.memory_space<vmem>> -> memref<128x128xf32, #tpu.memory_space<vmem>>
        %dma_wait3A_221 = arith.constant 0 : i32
        %dma_wait3A_222 = tpu.memref_slice %arg8[%dma_wait3A_215, %dma_wait3A_216, %dma_wait3A_221] : memref<2x8x128xi32, #tpu.memory_space<vmem>> -> memref<1x1x128xi32, #tpu.memory_space<vmem>>
        %dma_wait3A_223 = tpu.memref_squeeze %dma_wait3A_222 : memref<1x1x128xi32, #tpu.memory_space<vmem>> -> memref<128xi32, #tpu.memory_space<vmem>>
        %dma_wait3A_224 = arith.constant 0 : i32
        %dma_wait3A_225 = arith.constant 0 : i32
        %dma_wait3A_226 = tpu.memref_slice %arg11[%dma_wait3A_224, %dma_wait3A_225] : memref<10240x128xf32, #tpu.memory_space<vmem_shared>> -> memref<10240x128xf32, #tpu.memory_space<vmem_shared>>
        tpu.wait_indirect_dma semaphore(%arg15 : memref<!tpu.dma_semaphore, #tpu.memory_space<semaphore_mem>>) src(%dma_wait3A_220 : memref<128x128xf32, #tpu.memory_space<vmem>>) dst(%dma_wait3A_226 : memref<10240x128xf32, #tpu.memory_space<vmem_shared>>)
      } else {
      }
      %eq3A_122 = arith.constant 7 : i32
      %eq3A_123 = arith.cmpi eq, %and3A_108, %eq3A_122 : i32
      %add3A_124 = arith.constant 1 : i32
      %add3A_125 = arith.addi %mul3A_103, %add3A_124 : i32
      %lt3A = arith.cmpi slt, %add3A_125, %select_n3A : i32
      %and3A_126 = arith.andi %eq3A_123, %lt3A : i1
      %convert_element_type3A_127 = arith.extui %and3A_126 : i1 to i32
      %cond3A_128 = arith.constant 0 : i32
      %cond3A_129 = arith.cmpi ne, %convert_element_type3A_127, %cond3A_128 : i32
      scf.if %cond3A_129 {
        %add3A_214 = arith.constant 1 : i32
        %add3A_215 = arith.addi %mul3A_103, %add3A_214 : i32
        %shift_right_arithmetic3A_216 = arith.constant 3 : i32
        %shift_right_arithmetic3A_217 = arith.shrsi %add3A_215, %shift_right_arithmetic3A_216 : i32
        %and3A_218 = arith.constant 1 : i32
        %and3A_219 = arith.andi %shift_right_arithmetic3A_217, %and3A_218 : i32
        %mul3A_220 = arith.constant 8 : i32
        %mul3A_221 = arith.muli %shift_right_arithmetic3A_217, %mul3A_220 : i32
        %add3A_222 = arith.addi %select_n3A_8, %mul3A_221 : i32
        "tpu.region"() ({
          %run_scoped3A_223 = tpu.sem_alloc : memref<!tpu.dma_semaphore, #tpu.memory_space<semaphore_mem>>
          %dma_start3A_224 = arith.constant 0 : i32
          %dma_start3A_225 = arith.constant 0 : i32
          %dma_start3A_226 = tpu.memref_slice %arg7[%and3A_219, %dma_start3A_224, %dma_start3A_225] : memref<2x8x128xi32, #tpu.memory_space<vmem>> -> memref<1x8x128xi32, #tpu.memory_space<vmem>>
          %dma_start3A_227 = tpu.memref_squeeze %dma_start3A_226 : memref<1x8x128xi32, #tpu.memory_space<vmem>> -> memref<8x128xi32, #tpu.memory_space<vmem>>
          %dma_start3A_228 = arith.constant 0 : i32
          %dma_start3A_229 = tpu.memref_slice %arg3[%add3A_222, %dma_start3A_228] : memref<2560x128xi32, #tpu.memory_space<hbm>> -> memref<8x128xi32, #tpu.memory_space<hbm>>
          %dma_start3A_230 = arith.constant 0 : i32
          %dma_start3A_231 = arith.constant 0 : i32
          %dma_start3A_232 = tpu.memref_slice %arg7[%and3A_219, %dma_start3A_230, %dma_start3A_231] : memref<2x8x128xi32, #tpu.memory_space<vmem>> -> memref<1x8x128xi32, #tpu.memory_space<vmem>>
          %dma_start3A_233 = tpu.memref_squeeze %dma_start3A_232 : memref<1x8x128xi32, #tpu.memory_space<vmem>> -> memref<8x128xi32, #tpu.memory_space<vmem>>
          %dma_start3A_234 = arith.constant 0 : i32
          %dma_start3A_235 = tpu.memref_slice %arg3[%add3A_222, %dma_start3A_234] : memref<2560x128xi32, #tpu.memory_space<hbm>> -> memref<8x128xi32, #tpu.memory_space<hbm>>
          tpu.enqueue_dma source(%dma_start3A_235 : memref<8x128xi32, #tpu.memory_space<hbm>>) target(%dma_start3A_233 : memref<8x128xi32, #tpu.memory_space<vmem>>) target_semaphore(%run_scoped3A_223 : memref<!tpu.dma_semaphore, #tpu.memory_space<semaphore_mem>>)
          %dma_wait3A_236 = arith.constant 0 : i32
          %dma_wait3A_237 = arith.constant 0 : i32
          %dma_wait3A_238 = tpu.memref_slice %arg7[%and3A_219, %dma_wait3A_236, %dma_wait3A_237] : memref<2x8x128xi32, #tpu.memory_space<vmem>> -> memref<1x8x128xi32, #tpu.memory_space<vmem>>
          %dma_wait3A_239 = tpu.memref_squeeze %dma_wait3A_238 : memref<1x8x128xi32, #tpu.memory_space<vmem>> -> memref<8x128xi32, #tpu.memory_space<vmem>>
          %dma_wait3A_240 = arith.constant 0 : i32
          %dma_wait3A_241 = tpu.memref_slice %arg3[%add3A_222, %dma_wait3A_240] : memref<2560x128xi32, #tpu.memory_space<hbm>> -> memref<8x128xi32, #tpu.memory_space<hbm>>
          %dma_wait3A_242 = arith.constant 0 : i32
          %dma_wait3A_243 = arith.constant 0 : i32
          %dma_wait3A_244 = tpu.memref_slice %arg7[%and3A_219, %dma_wait3A_242, %dma_wait3A_243] : memref<2x8x128xi32, #tpu.memory_space<vmem>> -> memref<1x8x128xi32, #tpu.memory_space<vmem>>
          %dma_wait3A_245 = tpu.memref_squeeze %dma_wait3A_244 : memref<1x8x128xi32, #tpu.memory_space<vmem>> -> memref<8x128xi32, #tpu.memory_space<vmem>>
          %dma_wait3A_246 = arith.constant 0 : i32
          %dma_wait3A_247 = tpu.memref_slice %arg3[%add3A_222, %dma_wait3A_246] : memref<2560x128xi32, #tpu.memory_space<hbm>> -> memref<8x128xi32, #tpu.memory_space<hbm>>
          tpu.wait_dma2 semaphore(%run_scoped3A_223 : memref<!tpu.dma_semaphore, #tpu.memory_space<semaphore_mem>>) src(%dma_wait3A_247 : memref<8x128xi32, #tpu.memory_space<hbm>>) dst(%dma_wait3A_245 : memref<8x128xi32, #tpu.memory_space<vmem>>)
          tpu.yield
        }) : () -> ()
        "tpu.region"() ({
          %run_scoped3A_223 = tpu.sem_alloc : memref<!tpu.dma_semaphore, #tpu.memory_space<semaphore_mem>>
          %dma_start3A_224 = arith.constant 0 : i32
          %dma_start3A_225 = arith.constant 0 : i32
          %dma_start3A_226 = tpu.memref_slice %arg8[%and3A_219, %dma_start3A_224, %dma_start3A_225] : memref<2x8x128xi32, #tpu.memory_space<vmem>> -> memref<1x8x128xi32, #tpu.memory_space<vmem>>
          %dma_start3A_227 = tpu.memref_squeeze %dma_start3A_226 : memref<1x8x128xi32, #tpu.memory_space<vmem>> -> memref<8x128xi32, #tpu.memory_space<vmem>>
          %dma_start3A_228 = arith.constant 0 : i32
          %dma_start3A_229 = tpu.memref_slice %arg4[%add3A_222, %dma_start3A_228] : memref<2560x128xi32, #tpu.memory_space<hbm>> -> memref<8x128xi32, #tpu.memory_space<hbm>>
          %dma_start3A_230 = arith.constant 0 : i32
          %dma_start3A_231 = arith.constant 0 : i32
          %dma_start3A_232 = tpu.memref_slice %arg8[%and3A_219, %dma_start3A_230, %dma_start3A_231] : memref<2x8x128xi32, #tpu.memory_space<vmem>> -> memref<1x8x128xi32, #tpu.memory_space<vmem>>
          %dma_start3A_233 = tpu.memref_squeeze %dma_start3A_232 : memref<1x8x128xi32, #tpu.memory_space<vmem>> -> memref<8x128xi32, #tpu.memory_space<vmem>>
          %dma_start3A_234 = arith.constant 0 : i32
          %dma_start3A_235 = tpu.memref_slice %arg4[%add3A_222, %dma_start3A_234] : memref<2560x128xi32, #tpu.memory_space<hbm>> -> memref<8x128xi32, #tpu.memory_space<hbm>>
          tpu.enqueue_dma source(%dma_start3A_235 : memref<8x128xi32, #tpu.memory_space<hbm>>) target(%dma_start3A_233 : memref<8x128xi32, #tpu.memory_space<vmem>>) target_semaphore(%run_scoped3A_223 : memref<!tpu.dma_semaphore, #tpu.memory_space<semaphore_mem>>)
          %dma_wait3A_236 = arith.constant 0 : i32
          %dma_wait3A_237 = arith.constant 0 : i32
          %dma_wait3A_238 = tpu.memref_slice %arg8[%and3A_219, %dma_wait3A_236, %dma_wait3A_237] : memref<2x8x128xi32, #tpu.memory_space<vmem>> -> memref<1x8x128xi32, #tpu.memory_space<vmem>>
          %dma_wait3A_239 = tpu.memref_squeeze %dma_wait3A_238 : memref<1x8x128xi32, #tpu.memory_space<vmem>> -> memref<8x128xi32, #tpu.memory_space<vmem>>
          %dma_wait3A_240 = arith.constant 0 : i32
          %dma_wait3A_241 = tpu.memref_slice %arg4[%add3A_222, %dma_wait3A_240] : memref<2560x128xi32, #tpu.memory_space<hbm>> -> memref<8x128xi32, #tpu.memory_space<hbm>>
          %dma_wait3A_242 = arith.constant 0 : i32
          %dma_wait3A_243 = arith.constant 0 : i32
          %dma_wait3A_244 = tpu.memref_slice %arg8[%and3A_219, %dma_wait3A_242, %dma_wait3A_243] : memref<2x8x128xi32, #tpu.memory_space<vmem>> -> memref<1x8x128xi32, #tpu.memory_space<vmem>>
          %dma_wait3A_245 = tpu.memref_squeeze %dma_wait3A_244 : memref<1x8x128xi32, #tpu.memory_space<vmem>> -> memref<8x128xi32, #tpu.memory_space<vmem>>
          %dma_wait3A_246 = arith.constant 0 : i32
          %dma_wait3A_247 = tpu.memref_slice %arg4[%add3A_222, %dma_wait3A_246] : memref<2560x128xi32, #tpu.memory_space<hbm>> -> memref<8x128xi32, #tpu.memory_space<hbm>>
          tpu.wait_dma2 semaphore(%run_scoped3A_223 : memref<!tpu.dma_semaphore, #tpu.memory_space<semaphore_mem>>) src(%dma_wait3A_247 : memref<8x128xi32, #tpu.memory_space<hbm>>) dst(%dma_wait3A_245 : memref<8x128xi32, #tpu.memory_space<vmem>>)
          tpu.yield
        }) : () -> ()
        "tpu.region"() ({
          %run_scoped3A_223 = tpu.sem_alloc : memref<!tpu.dma_semaphore, #tpu.memory_space<semaphore_mem>>
          %dma_start3A_224 = arith.constant 0 : i32
          %dma_start3A_225 = arith.constant 0 : i32
          %dma_start3A_226 = tpu.memref_slice %arg9[%and3A_219, %dma_start3A_224, %dma_start3A_225] : memref<2x8x128xf32, #tpu.memory_space<vmem>> -> memref<1x8x128xf32, #tpu.memory_space<vmem>>
          %dma_start3A_227 = tpu.memref_squeeze %dma_start3A_226 : memref<1x8x128xf32, #tpu.memory_space<vmem>> -> memref<8x128xf32, #tpu.memory_space<vmem>>
          %dma_start3A_228 = arith.constant 0 : i32
          %dma_start3A_229 = tpu.memref_slice %arg5[%add3A_222, %dma_start3A_228] : memref<2560x128xf32, #tpu.memory_space<hbm>> -> memref<8x128xf32, #tpu.memory_space<hbm>>
          %dma_start3A_230 = arith.constant 0 : i32
          %dma_start3A_231 = arith.constant 0 : i32
          %dma_start3A_232 = tpu.memref_slice %arg9[%and3A_219, %dma_start3A_230, %dma_start3A_231] : memref<2x8x128xf32, #tpu.memory_space<vmem>> -> memref<1x8x128xf32, #tpu.memory_space<vmem>>
          %dma_start3A_233 = tpu.memref_squeeze %dma_start3A_232 : memref<1x8x128xf32, #tpu.memory_space<vmem>> -> memref<8x128xf32, #tpu.memory_space<vmem>>
          %dma_start3A_234 = arith.constant 0 : i32
          %dma_start3A_235 = tpu.memref_slice %arg5[%add3A_222, %dma_start3A_234] : memref<2560x128xf32, #tpu.memory_space<hbm>> -> memref<8x128xf32, #tpu.memory_space<hbm>>
          tpu.enqueue_dma source(%dma_start3A_235 : memref<8x128xf32, #tpu.memory_space<hbm>>) target(%dma_start3A_233 : memref<8x128xf32, #tpu.memory_space<vmem>>) target_semaphore(%run_scoped3A_223 : memref<!tpu.dma_semaphore, #tpu.memory_space<semaphore_mem>>)
          %dma_wait3A_236 = arith.constant 0 : i32
          %dma_wait3A_237 = arith.constant 0 : i32
          %dma_wait3A_238 = tpu.memref_slice %arg9[%and3A_219, %dma_wait3A_236, %dma_wait3A_237] : memref<2x8x128xf32, #tpu.memory_space<vmem>> -> memref<1x8x128xf32, #tpu.memory_space<vmem>>
          %dma_wait3A_239 = tpu.memref_squeeze %dma_wait3A_238 : memref<1x8x128xf32, #tpu.memory_space<vmem>> -> memref<8x128xf32, #tpu.memory_space<vmem>>
          %dma_wait3A_240 = arith.constant 0 : i32
          %dma_wait3A_241 = tpu.memref_slice %arg5[%add3A_222, %dma_wait3A_240] : memref<2560x128xf32, #tpu.memory_space<hbm>> -> memref<8x128xf32, #tpu.memory_space<hbm>>
          %dma_wait3A_242 = arith.constant 0 : i32
          %dma_wait3A_243 = arith.constant 0 : i32
          %dma_wait3A_244 = tpu.memref_slice %arg9[%and3A_219, %dma_wait3A_242, %dma_wait3A_243] : memref<2x8x128xf32, #tpu.memory_space<vmem>> -> memref<1x8x128xf32, #tpu.memory_space<vmem>>
          %dma_wait3A_245 = tpu.memref_squeeze %dma_wait3A_244 : memref<1x8x128xf32, #tpu.memory_space<vmem>> -> memref<8x128xf32, #tpu.memory_space<vmem>>
          %dma_wait3A_246 = arith.constant 0 : i32
          %dma_wait3A_247 = tpu.memref_slice %arg5[%add3A_222, %dma_wait3A_246] : memref<2560x128xf32, #tpu.memory_space<hbm>> -> memref<8x128xf32, #tpu.memory_space<hbm>>
          tpu.wait_dma2 semaphore(%run_scoped3A_223 : memref<!tpu.dma_semaphore, #tpu.memory_space<semaphore_mem>>) src(%dma_wait3A_247 : memref<8x128xf32, #tpu.memory_space<hbm>>) dst(%dma_wait3A_245 : memref<8x128xf32, #tpu.memory_space<vmem>>)
          tpu.yield
        }) : () -> ()
      } else {
      }
      %add3A_130 = arith.constant 1 : i32
      %add3A_131 = arith.addi %mul3A_103, %add3A_130 : i32
      %lt3A_132 = arith.cmpi slt, %add3A_131, %select_n3A : i32
      %convert_element_type3A_133 = arith.extui %lt3A_132 : i1 to i32
      %cond3A_134 = arith.constant 0 : i32
      %cond3A_135 = arith.cmpi ne, %convert_element_type3A_133, %cond3A_134 : i32
      scf.if %cond3A_135 {
        %add3A_214 = arith.constant 1 : i32
        %add3A_215 = arith.addi %mul3A_103, %add3A_214 : i32
        %shift_right_arithmetic3A_216 = arith.constant 3 : i32
        %shift_right_arithmetic3A_217 = arith.shrsi %add3A_215, %shift_right_arithmetic3A_216 : i32
        %and3A_218 = arith.constant 1 : i32
        %and3A_219 = arith.andi %shift_right_arithmetic3A_217, %and3A_218 : i32
        %and3A_220 = arith.constant 7 : i32
        %and3A_221 = arith.andi %add3A_215, %and3A_220 : i32
        %dma_start3A_222 = arith.constant 1 : i32
        %dma_start3A_223 = arith.constant 0 : i32
        %dma_start3A_224 = arith.constant 0 : i32
        %dma_start3A_225 = tpu.memref_slice %arg10[%dma_start3A_222, %dma_start3A_223, %dma_start3A_224] : memref<2x128x128xf32, #tpu.memory_space<vmem>> -> memref<1x128x128xf32, #tpu.memory_space<vmem>>
        %dma_start3A_226 = tpu.memref_squeeze %dma_start3A_225 : memref<1x128x128xf32, #tpu.memory_space<vmem>> -> memref<128x128xf32, #tpu.memory_space<vmem>>
        %dma_start3A_227 = arith.constant 0 : i32
        %dma_start3A_228 = tpu.memref_slice %arg7[%and3A_219, %and3A_221, %dma_start3A_227] : memref<2x8x128xi32, #tpu.memory_space<vmem>> -> memref<1x1x128xi32, #tpu.memory_space<vmem>>
        %dma_start3A_229 = tpu.memref_squeeze %dma_start3A_228 : memref<1x1x128xi32, #tpu.memory_space<vmem>> -> memref<128xi32, #tpu.memory_space<vmem>>
        %dma_start3A_230 = arith.constant 0 : i32
        %dma_start3A_231 = arith.constant 0 : i32
        %dma_start3A_232 = tpu.memref_slice %arg2[%dma_start3A_230, %dma_start3A_231] : memref<10240x128xf32, #tpu.memory_space<hbm>> -> memref<10240x128xf32, #tpu.memory_space<hbm>>
        tpu.enqueue_indirect_dma source(%dma_start3A_232 : memref<10240x128xf32, #tpu.memory_space<hbm>>) target(%dma_start3A_226 : memref<128x128xf32, #tpu.memory_space<vmem>>) offsets(%dma_start3A_229 : memref<128xi32, #tpu.memory_space<vmem>>) semaphore(%arg13 : memref<!tpu.dma_semaphore, #tpu.memory_space<semaphore_mem>>)
      } else {
      }
      %scan3A_136 = arith.constant 0 : i32
      %scan3A_137 = arith.constant 0 : i32
      %scan3A_138 = arith.constant 8 : i32
      %scan3A_139 = arith.addi %scan3A_137, %scan3A_138 : i32
      %scan3A_140 = arith.constant 1 : i32
      %scan3A_141 = scf.for %scan3A_214 = %scan3A_137 to %scan3A_139 step %scan3A_140 iter_args(%scan3A_215 = %scan3A_136) -> (i32)  : i32 {
        %mul3A_216 = arith.constant 16 : i32
        %mul3A_217 = arith.muli %scan3A_214, %mul3A_216 : i32
        %get3A = arith.index_cast %and3A_106 : i32 to index
        %get3A_218 = arith.index_cast %and3A_108 : i32 to index
        %get3A_219 = arith.index_cast %mul3A_217 : i32 to index
        %get3A_220 = tpu.vector_load %arg9[%get3A, %get3A_218, %get3A_219] {strides = array<i32>} : memref<2x8x128xf32, #tpu.memory_space<vmem>>, vector<16xf32>,
        %scan3A_221 = arith.constant 0 : i32
        %scan3A_222 = arith.constant 0 : i32
        %scan3A_223 = arith.constant 16 : i32
        %scan3A_224 = arith.addi %scan3A_222, %scan3A_223 : i32
        %scan3A_225 = arith.constant 1 : i32
        %scan3A_226 = scf.for %scan3A_229 = %scan3A_222 to %scan3A_224 step %scan3A_225 iter_args(%scan3A_230 = %scan3A_221) -> (i32)  : i32 {
          %mul3A_231 = arith.constant 16 : i32
          %mul3A_232 = arith.muli %scan3A_214, %mul3A_231 : i32
          %add3A_233 = arith.addi %mul3A_232, %scan3A_229 : i32
          %broadcast_in_dim3A = vector.broadcast %scan3A_229 : i32 to vector<16xi32>
          %broadcast_in_dim3A_234 = vector.shape_cast %broadcast_in_dim3A : vector<16xi32> to vector<16x1xi32>
          %gather3A = vector.shape_cast %broadcast_in_dim3A_234 : vector<16x1xi32> to vector<16xi32>
          %gather3A_235 = tpu.dynamic_gather %get3A_220[%gather3A] in [0] : vector<16xf32>, vector<16xi32> -> vector<16xf32>
          %get3A_236 = arith.constant 0 : i32
          %get3A_237 = arith.index_cast %get3A_236 : i32 to index
          %get3A_238 = arith.index_cast %add3A_233 : i32 to index
          %get3A_239 = arith.constant 0 : index
          %get3A_240 = tpu.vector_load %arg10[%get3A_237, %get3A_238, %get3A_239] {strides = array<i32>} : memref<2x128x128xf32, #tpu.memory_space<vmem>>, vector<16xf32>,
          %mul3A_241 = arith.mulf %get3A_240, %gather3A_235 : vector<16xf32>
          %swap3A = arith.constant 0 : i32
          %swap3A_242 = arith.index_cast %swap3A : i32 to index
          %swap3A_243 = arith.index_cast %add3A_233 : i32 to index
          %swap3A_244 = arith.constant 0 : index
          %swap3A_245 = tpu.vector_load %arg10[%swap3A_242, %swap3A_243, %swap3A_244] {strides = array<i32>} : memref<2x128x128xf32, #tpu.memory_space<vmem>>, vector<16xf32>,
          tpu.vector_store %arg10[%swap3A_242, %swap3A_243, %swap3A_244], %mul3A_241 {strides = array<i32>} : memref<2x128x128xf32, #tpu.memory_space<vmem>>, vector<16xf32>,
          %get3A_246 = arith.constant 0 : i32
          %get3A_247 = arith.index_cast %get3A_246 : i32 to index
          %get3A_248 = arith.index_cast %add3A_233 : i32 to index
          %get3A_249 = arith.constant 16 : index
          %get3A_250 = tpu.vector_load %arg10[%get3A_247, %get3A_248, %get3A_249] {strides = array<i32>} : memref<2x128x128xf32, #tpu.memory_space<vmem>>, vector<16xf32>,
          %mul3A_251 = arith.mulf %get3A_250, %gather3A_235 : vector<16xf32>
          %swap3A_252 = arith.constant 0 : i32
          %swap3A_253 = arith.index_cast %swap3A_252 : i32 to index
          %swap3A_254 = arith.index_cast %add3A_233 : i32 to index
          %swap3A_255 = arith.constant 16 : index
          %swap3A_256 = tpu.vector_load %arg10[%swap3A_253, %swap3A_254, %swap3A_255] {strides = array<i32>} : memref<2x128x128xf32, #tpu.memory_space<vmem>>, vector<16xf32>,
          tpu.vector_store %arg10[%swap3A_253, %swap3A_254, %swap3A_255], %mul3A_251 {strides = array<i32>} : memref<2x128x128xf32, #tpu.memory_space<vmem>>, vector<16xf32>,
          %get3A_257 = arith.constant 0 : i32
          %get3A_258 = arith.index_cast %get3A_257 : i32 to index
          %get3A_259 = arith.index_cast %add3A_233 : i32 to index
          %get3A_260 = arith.constant 32 : index
          %get3A_261 = tpu.vector_load %arg10[%get3A_258, %get3A_259, %get3A_260] {strides = array<i32>} : memref<2x128x128xf32, #tpu.memory_space<vmem>>, vector<16xf32>,
          %mul3A_262 = arith.mulf %get3A_261, %gather3A_235 : vector<16xf32>
          %swap3A_263 = arith.constant 0 : i32
          %swap3A_264 = arith.index_cast %swap3A_263 : i32 to index
          %swap3A_265 = arith.index_cast %add3A_233 : i32 to index
          %swap3A_266 = arith.constant 32 : index
          %swap3A_267 = tpu.vector_load %arg10[%swap3A_264, %swap3A_265, %swap3A_266] {strides = array<i32>} : memref<2x128x128xf32, #tpu.memory_space<vmem>>, vector<16xf32>,
          tpu.vector_store %arg10[%swap3A_264, %swap3A_265, %swap3A_266], %mul3A_262 {strides = array<i32>} : memref<2x128x128xf32, #tpu.memory_space<vmem>>, vector<16xf32>,
          %get3A_268 = arith.constant 0 : i32
          %get3A_269 = arith.index_cast %get3A_268 : i32 to index
          %get3A_270 = arith.index_cast %add3A_233 : i32 to index
          %get3A_271 = arith.constant 48 : index
          %get3A_272 = tpu.vector_load %arg10[%get3A_269, %get3A_270, %get3A_271] {strides = array<i32>} : memref<2x128x128xf32, #tpu.memory_space<vmem>>, vector<16xf32>,
          %mul3A_273 = arith.mulf %get3A_272, %gather3A_235 : vector<16xf32>
          %swap3A_274 = arith.constant 0 : i32
          %swap3A_275 = arith.index_cast %swap3A_274 : i32 to index
          %swap3A_276 = arith.index_cast %add3A_233 : i32 to index
          %swap3A_277 = arith.constant 48 : index
          %swap3A_278 = tpu.vector_load %arg10[%swap3A_275, %swap3A_276, %swap3A_277] {strides = array<i32>} : memref<2x128x128xf32, #tpu.memory_space<vmem>>, vector<16xf32>,
          tpu.vector_store %arg10[%swap3A_275, %swap3A_276, %swap3A_277], %mul3A_273 {strides = array<i32>} : memref<2x128x128xf32, #tpu.memory_space<vmem>>, vector<16xf32>,
          %get3A_279 = arith.constant 0 : i32
          %get3A_280 = arith.index_cast %get3A_279 : i32 to index
          %get3A_281 = arith.index_cast %add3A_233 : i32 to index
          %get3A_282 = arith.constant 64 : index
          %get3A_283 = tpu.vector_load %arg10[%get3A_280, %get3A_281, %get3A_282] {strides = array<i32>} : memref<2x128x128xf32, #tpu.memory_space<vmem>>, vector<16xf32>,
          %mul3A_284 = arith.mulf %get3A_283, %gather3A_235 : vector<16xf32>
          %swap3A_285 = arith.constant 0 : i32
          %swap3A_286 = arith.index_cast %swap3A_285 : i32 to index
          %swap3A_287 = arith.index_cast %add3A_233 : i32 to index
          %swap3A_288 = arith.constant 64 : index
          %swap3A_289 = tpu.vector_load %arg10[%swap3A_286, %swap3A_287, %swap3A_288] {strides = array<i32>} : memref<2x128x128xf32, #tpu.memory_space<vmem>>, vector<16xf32>,
          tpu.vector_store %arg10[%swap3A_286, %swap3A_287, %swap3A_288], %mul3A_284 {strides = array<i32>} : memref<2x128x128xf32, #tpu.memory_space<vmem>>, vector<16xf32>,
          %get3A_290 = arith.constant 0 : i32
          %get3A_291 = arith.index_cast %get3A_290 : i32 to index
          %get3A_292 = arith.index_cast %add3A_233 : i32 to index
          %get3A_293 = arith.constant 80 : index
          %get3A_294 = tpu.vector_load %arg10[%get3A_291, %get3A_292, %get3A_293] {strides = array<i32>} : memref<2x128x128xf32, #tpu.memory_space<vmem>>, vector<16xf32>,
          %mul3A_295 = arith.mulf %get3A_294, %gather3A_235 : vector<16xf32>
          %swap3A_296 = arith.constant 0 : i32
          %swap3A_297 = arith.index_cast %swap3A_296 : i32 to index
          %swap3A_298 = arith.index_cast %add3A_233 : i32 to index
          %swap3A_299 = arith.constant 80 : index
          %swap3A_300 = tpu.vector_load %arg10[%swap3A_297, %swap3A_298, %swap3A_299] {strides = array<i32>} : memref<2x128x128xf32, #tpu.memory_space<vmem>>, vector<16xf32>,
          tpu.vector_store %arg10[%swap3A_297, %swap3A_298, %swap3A_299], %mul3A_295 {strides = array<i32>} : memref<2x128x128xf32, #tpu.memory_space<vmem>>, vector<16xf32>,
          %get3A_301 = arith.constant 0 : i32
          %get3A_302 = arith.index_cast %get3A_301 : i32 to index
          %get3A_303 = arith.index_cast %add3A_233 : i32 to index
          %get3A_304 = arith.constant 96 : index
          %get3A_305 = tpu.vector_load %arg10[%get3A_302, %get3A_303, %get3A_304] {strides = array<i32>} : memref<2x128x128xf32, #tpu.memory_space<vmem>>, vector<16xf32>,
          %mul3A_306 = arith.mulf %get3A_305, %gather3A_235 : vector<16xf32>
          %swap3A_307 = arith.constant 0 : i32
          %swap3A_308 = arith.index_cast %swap3A_307 : i32 to index
          %swap3A_309 = arith.index_cast %add3A_233 : i32 to index
          %swap3A_310 = arith.constant 96 : index
          %swap3A_311 = tpu.vector_load %arg10[%swap3A_308, %swap3A_309, %swap3A_310] {strides = array<i32>} : memref<2x128x128xf32, #tpu.memory_space<vmem>>, vector<16xf32>,
          tpu.vector_store %arg10[%swap3A_308, %swap3A_309, %swap3A_310], %mul3A_306 {strides = array<i32>} : memref<2x128x128xf32, #tpu.memory_space<vmem>>, vector<16xf32>,
          %get3A_312 = arith.constant 0 : i32
          %get3A_313 = arith.index_cast %get3A_312 : i32 to index
          %get3A_314 = arith.index_cast %add3A_233 : i32 to index
          %get3A_315 = arith.constant 112 : index
          %get3A_316 = tpu.vector_load %arg10[%get3A_313, %get3A_314, %get3A_315] {strides = array<i32>} : memref<2x128x128xf32, #tpu.memory_space<vmem>>, vector<16xf32>,
          %mul3A_317 = arith.mulf %get3A_316, %gather3A_235 : vector<16xf32>
          %swap3A_318 = arith.constant 0 : i32
          %swap3A_319 = arith.index_cast %swap3A_318 : i32 to index
          %swap3A_320 = arith.index_cast %add3A_233 : i32 to index
          %swap3A_321 = arith.constant 112 : index
          %swap3A_322 = tpu.vector_load %arg10[%swap3A_319, %swap3A_320, %swap3A_321] {strides = array<i32>} : memref<2x128x128xf32, #tpu.memory_space<vmem>>, vector<16xf32>,
          tpu.vector_store %arg10[%swap3A_319, %swap3A_320, %swap3A_321], %mul3A_317 {strides = array<i32>} : memref<2x128x128xf32, #tpu.memory_space<vmem>>, vector<16xf32>,
          %scan3A_323 = arith.constant 0 : i32
          scf.yield %scan3A_323 : i32
        }
        %scan3A_227 = arith.constant 16 : i32
        %scan3A_228 = arith.constant 0 : i32
        scf.yield %scan3A_228 : i32
      }
      %scan3A_142 = arith.constant 8 : i32
      %dma_start3A_143 = arith.constant 0 : i32
      %dma_start3A_144 = arith.constant 0 : i32
      %dma_start3A_145 = arith.constant 0 : i32
      %dma_start3A_146 = tpu.memref_slice %arg10[%dma_start3A_143, %dma_start3A_144, %dma_start3A_145] : memref<2x128x128xf32, #tpu.memory_space<vmem>> -> memref<1x128x128xf32, #tpu.memory_space<vmem>>
      %dma_start3A_147 = tpu.memref_squeeze %dma_start3A_146 : memref<1x128x128xf32, #tpu.memory_space<vmem>> -> memref<128x128xf32, #tpu.memory_space<vmem>>
      %dma_start3A_148 = arith.constant 0 : i32
      %dma_start3A_149 = tpu.memref_slice %arg8[%and3A_106, %and3A_108, %dma_start3A_148] : memref<2x8x128xi32, #tpu.memory_space<vmem>> -> memref<1x1x128xi32, #tpu.memory_space<vmem>>
      %dma_start3A_150 = tpu.memref_squeeze %dma_start3A_149 : memref<1x1x128xi32, #tpu.memory_space<vmem>> -> memref<128xi32, #tpu.memory_space<vmem>>
      %dma_start3A_151 = arith.constant 0 : i32
      %dma_start3A_152 = arith.constant 0 : i32
      %dma_start3A_153 = tpu.memref_slice %arg11[%dma_start3A_151, %dma_start3A_152] : memref<10240x128xf32, #tpu.memory_space<vmem_shared>> -> memref<10240x128xf32, #tpu.memory_space<vmem_shared>>
      tpu.enqueue_indirect_dma source(%dma_start3A_147 : memref<128x128xf32, #tpu.memory_space<vmem>>) target(%dma_start3A_153 : memref<10240x128xf32, #tpu.memory_space<vmem_shared>>) offsets(%dma_start3A_150 : memref<128xi32, #tpu.memory_space<vmem>>) semaphore(%arg14 : memref<!tpu.dma_semaphore, #tpu.memory_space<semaphore_mem>>) {add = true}
      %mul3A_154 = arith.constant 2 : i32
      %mul3A_155 = arith.muli %mul3A_154, %while3A_100 : i32
      %add3A_156 = arith.constant 1 : i32
      %add3A_157 = arith.addi %mul3A_155, %add3A_156 : i32
      %shift_right_arithmetic3A_158 = arith.constant 3 : i32
      %shift_right_arithmetic3A_159 = arith.shrsi %add3A_157, %shift_right_arithmetic3A_158 : i32
      %and3A_160 = arith.constant 1 : i32
      %and3A_161 = arith.andi %shift_right_arithmetic3A_159, %and3A_160 : i32
      %and3A_162 = arith.constant 7 : i32
      %and3A_163 = arith.andi %add3A_157, %and3A_162 : i32
      %dma_wait3A_164 = arith.constant 1 : i32
      %dma_wait3A_165 = arith.constant 0 : i32
      %dma_wait3A_166 = arith.constant 0 : i32
      %dma_wait3A_167 = tpu.memref_slice %arg10[%dma_wait3A_164, %dma_wait3A_165, %dma_wait3A_166] : memref<2x128x128xf32, #tpu.memory_space<vmem>> -> memref<1x128x128xf32, #tpu.memory_space<vmem>>
      %dma_wait3A_168 = tpu.memref_squeeze %dma_wait3A_167 : memref<1x128x128xf32, #tpu.memory_space<vmem>> -> memref<128x128xf32, #tpu.memory_space<vmem>>
      %dma_wait3A_169 = arith.constant 0 : i32
      %dma_wait3A_170 = tpu.memref_slice %arg7[%and3A_161, %and3A_163, %dma_wait3A_169] : memref<2x8x128xi32, #tpu.memory_space<vmem>> -> memref<1x1x128xi32, #tpu.memory_space<vmem>>
      %dma_wait3A_171 = tpu.memref_squeeze %dma_wait3A_170 : memref<1x1x128xi32, #tpu.memory_space<vmem>> -> memref<128xi32, #tpu.memory_space<vmem>>
      %dma_wait3A_172 = arith.constant 0 : i32
      %dma_wait3A_173 = arith.constant 0 : i32
      %dma_wait3A_174 = tpu.memref_slice %arg2[%dma_wait3A_172, %dma_wait3A_173] : memref<10240x128xf32, #tpu.memory_space<hbm>> -> memref<10240x128xf32, #tpu.memory_space<hbm>>
      tpu.wait_indirect_dma semaphore(%arg13 : memref<!tpu.dma_semaphore, #tpu.memory_space<semaphore_mem>>) src(%dma_wait3A_174 : memref<10240x128xf32, #tpu.memory_space<hbm>>) dst(%dma_wait3A_168 : memref<128x128xf32, #tpu.memory_space<vmem>>)
      %ge3A_175 = arith.constant 1 : i32
      %ge3A_176 = arith.cmpi sge, %add3A_157, %ge3A_175 : i32
      %convert_element_type3A_177 = arith.extui %ge3A_176 : i1 to i32
      %cond3A_178 = arith.constant 0 : i32
      %cond3A_179 = arith.cmpi ne, %convert_element_type3A_177, %cond3A_178 : i32
      scf.if %cond3A_179 {
        %dma_wait3A_214 = arith.constant 0 : i32
        %dma_wait3A_215 = arith.constant 0 : i32
        %dma_wait3A_216 = arith.constant 0 : i32
        %dma_wait3A_217 = arith.constant 0 : i32
        %dma_wait3A_218 = arith.constant 0 : i32
        %dma_wait3A_219 = tpu.memref_slice %arg10[%dma_wait3A_214, %dma_wait3A_217, %dma_wait3A_218] : memref<2x128x128xf32, #tpu.memory_space<vmem>> -> memref<1x128x128xf32, #tpu.memory_space<vmem>>
        %dma_wait3A_220 = tpu.memref_squeeze %dma_wait3A_219 : memref<1x128x128xf32, #tpu.memory_space<vmem>> -> memref<128x128xf32, #tpu.memory_space<vmem>>
        %dma_wait3A_221 = arith.constant 0 : i32
        %dma_wait3A_222 = tpu.memref_slice %arg8[%dma_wait3A_215, %dma_wait3A_216, %dma_wait3A_221] : memref<2x8x128xi32, #tpu.memory_space<vmem>> -> memref<1x1x128xi32, #tpu.memory_space<vmem>>
        %dma_wait3A_223 = tpu.memref_squeeze %dma_wait3A_222 : memref<1x1x128xi32, #tpu.memory_space<vmem>> -> memref<128xi32, #tpu.memory_space<vmem>>
        %dma_wait3A_224 = arith.constant 0 : i32
        %dma_wait3A_225 = arith.constant 0 : i32
        %dma_wait3A_226 = tpu.memref_slice %arg11[%dma_wait3A_224, %dma_wait3A_225] : memref<10240x128xf32, #tpu.memory_space<vmem_shared>> -> memref<10240x128xf32, #tpu.memory_space<vmem_shared>>
        tpu.wait_indirect_dma semaphore(%arg14 : memref<!tpu.dma_semaphore, #tpu.memory_space<semaphore_mem>>) src(%dma_wait3A_220 : memref<128x128xf32, #tpu.memory_space<vmem>>) dst(%dma_wait3A_226 : memref<10240x128xf32, #tpu.memory_space<vmem_shared>>)
      } else {
      }
      %eq3A_180 = arith.constant 7 : i32
      %eq3A_181 = arith.cmpi eq, %and3A_163, %eq3A_180 : i32
      %add3A_182 = arith.constant 1 : i32
      %add3A_183 = arith.addi %add3A_157, %add3A_182 : i32
      %lt3A_184 = arith.cmpi slt, %add3A_183, %select_n3A : i32
      %and3A_185 = arith.andi %eq3A_181, %lt3A_184 : i1
      %convert_element_type3A_186 = arith.extui %and3A_185 : i1 to i32
      %cond3A_187 = arith.constant 0 : i32
      %cond3A_188 = arith.cmpi ne, %convert_element_type3A_186, %cond3A_187 : i32
      scf.if %cond3A_188 {
        %add3A_214 = arith.constant 1 : i32
        %add3A_215 = arith.addi %add3A_157, %add3A_214 : i32
        %shift_right_arithmetic3A_216 = arith.constant 3 : i32
        %shift_right_arithmetic3A_217 = arith.shrsi %add3A_215, %shift_right_arithmetic3A_216 : i32
        %and3A_218 = arith.constant 1 : i32
        %and3A_219 = arith.andi %shift_right_arithmetic3A_217, %and3A_218 : i32
        %mul3A_220 = arith.constant 8 : i32
        %mul3A_221 = arith.muli %shift_right_arithmetic3A_217, %mul3A_220 : i32
        %add3A_222 = arith.addi %select_n3A_8, %mul3A_221 : i32
        "tpu.region"() ({
          %run_scoped3A_223 = tpu.sem_alloc : memref<!tpu.dma_semaphore, #tpu.memory_space<semaphore_mem>>
          %dma_start3A_224 = arith.constant 0 : i32
          %dma_start3A_225 = arith.constant 0 : i32
          %dma_start3A_226 = tpu.memref_slice %arg7[%and3A_219, %dma_start3A_224, %dma_start3A_225] : memref<2x8x128xi32, #tpu.memory_space<vmem>> -> memref<1x8x128xi32, #tpu.memory_space<vmem>>
          %dma_start3A_227 = tpu.memref_squeeze %dma_start3A_226 : memref<1x8x128xi32, #tpu.memory_space<vmem>> -> memref<8x128xi32, #tpu.memory_space<vmem>>
          %dma_start3A_228 = arith.constant 0 : i32
          %dma_start3A_229 = tpu.memref_slice %arg3[%add3A_222, %dma_start3A_228] : memref<2560x128xi32, #tpu.memory_space<hbm>> -> memref<8x128xi32, #tpu.memory_space<hbm>>
          %dma_start3A_230 = arith.constant 0 : i32
          %dma_start3A_231 = arith.constant 0 : i32
          %dma_start3A_232 = tpu.memref_slice %arg7[%and3A_219, %dma_start3A_230, %dma_start3A_231] : memref<2x8x128xi32, #tpu.memory_space<vmem>> -> memref<1x8x128xi32, #tpu.memory_space<vmem>>
          %dma_start3A_233 = tpu.memref_squeeze %dma_start3A_232 : memref<1x8x128xi32, #tpu.memory_space<vmem>> -> memref<8x128xi32, #tpu.memory_space<vmem>>
          %dma_start3A_234 = arith.constant 0 : i32
          %dma_start3A_235 = tpu.memref_slice %arg3[%add3A_222, %dma_start3A_234] : memref<2560x128xi32, #tpu.memory_space<hbm>> -> memref<8x128xi32, #tpu.memory_space<hbm>>
          tpu.enqueue_dma source(%dma_start3A_235 : memref<8x128xi32, #tpu.memory_space<hbm>>) target(%dma_start3A_233 : memref<8x128xi32, #tpu.memory_space<vmem>>) target_semaphore(%run_scoped3A_223 : memref<!tpu.dma_semaphore, #tpu.memory_space<semaphore_mem>>)
          %dma_wait3A_236 = arith.constant 0 : i32
          %dma_wait3A_237 = arith.constant 0 : i32
          %dma_wait3A_238 = tpu.memref_slice %arg7[%and3A_219, %dma_wait3A_236, %dma_wait3A_237] : memref<2x8x128xi32, #tpu.memory_space<vmem>> -> memref<1x8x128xi32, #tpu.memory_space<vmem>>
          %dma_wait3A_239 = tpu.memref_squeeze %dma_wait3A_238 : memref<1x8x128xi32, #tpu.memory_space<vmem>> -> memref<8x128xi32, #tpu.memory_space<vmem>>
          %dma_wait3A_240 = arith.constant 0 : i32
          %dma_wait3A_241 = tpu.memref_slice %arg3[%add3A_222, %dma_wait3A_240] : memref<2560x128xi32, #tpu.memory_space<hbm>> -> memref<8x128xi32, #tpu.memory_space<hbm>>
          %dma_wait3A_242 = arith.constant 0 : i32
          %dma_wait3A_243 = arith.constant 0 : i32
          %dma_wait3A_244 = tpu.memref_slice %arg7[%and3A_219, %dma_wait3A_242, %dma_wait3A_243] : memref<2x8x128xi32, #tpu.memory_space<vmem>> -> memref<1x8x128xi32, #tpu.memory_space<vmem>>
          %dma_wait3A_245 = tpu.memref_squeeze %dma_wait3A_244 : memref<1x8x128xi32, #tpu.memory_space<vmem>> -> memref<8x128xi32, #tpu.memory_space<vmem>>
          %dma_wait3A_246 = arith.constant 0 : i32
          %dma_wait3A_247 = tpu.memref_slice %arg3[%add3A_222, %dma_wait3A_246] : memref<2560x128xi32, #tpu.memory_space<hbm>> -> memref<8x128xi32, #tpu.memory_space<hbm>>
          tpu.wait_dma2 semaphore(%run_scoped3A_223 : memref<!tpu.dma_semaphore, #tpu.memory_space<semaphore_mem>>) src(%dma_wait3A_247 : memref<8x128xi32, #tpu.memory_space<hbm>>) dst(%dma_wait3A_245 : memref<8x128xi32, #tpu.memory_space<vmem>>)
          tpu.yield
        }) : () -> ()
        "tpu.region"() ({
          %run_scoped3A_223 = tpu.sem_alloc : memref<!tpu.dma_semaphore, #tpu.memory_space<semaphore_mem>>
          %dma_start3A_224 = arith.constant 0 : i32
          %dma_start3A_225 = arith.constant 0 : i32
          %dma_start3A_226 = tpu.memref_slice %arg8[%and3A_219, %dma_start3A_224, %dma_start3A_225] : memref<2x8x128xi32, #tpu.memory_space<vmem>> -> memref<1x8x128xi32, #tpu.memory_space<vmem>>
          %dma_start3A_227 = tpu.memref_squeeze %dma_start3A_226 : memref<1x8x128xi32, #tpu.memory_space<vmem>> -> memref<8x128xi32, #tpu.memory_space<vmem>>
          %dma_start3A_228 = arith.constant 0 : i32
          %dma_start3A_229 = tpu.memref_slice %arg4[%add3A_222, %dma_start3A_228] : memref<2560x128xi32, #tpu.memory_space<hbm>> -> memref<8x128xi32, #tpu.memory_space<hbm>>
          %dma_start3A_230 = arith.constant 0 : i32
          %dma_start3A_231 = arith.constant 0 : i32
          %dma_start3A_232 = tpu.memref_slice %arg8[%and3A_219, %dma_start3A_230, %dma_start3A_231] : memref<2x8x128xi32, #tpu.memory_space<vmem>> -> memref<1x8x128xi32, #tpu.memory_space<vmem>>
          %dma_start3A_233 = tpu.memref_squeeze %dma_start3A_232 : memref<1x8x128xi32, #tpu.memory_space<vmem>> -> memref<8x128xi32, #tpu.memory_space<vmem>>
          %dma_start3A_234 = arith.constant 0 : i32
          %dma_start3A_235 = tpu.memref_slice %arg4[%add3A_222, %dma_start3A_234] : memref<2560x128xi32, #tpu.memory_space<hbm>> -> memref<8x128xi32, #tpu.memory_space<hbm>>
          tpu.enqueue_dma source(%dma_start3A_235 : memref<8x128xi32, #tpu.memory_space<hbm>>) target(%dma_start3A_233 : memref<8x128xi32, #tpu.memory_space<vmem>>) target_semaphore(%run_scoped3A_223 : memref<!tpu.dma_semaphore, #tpu.memory_space<semaphore_mem>>)
          %dma_wait3A_236 = arith.constant 0 : i32
          %dma_wait3A_237 = arith.constant 0 : i32
          %dma_wait3A_238 = tpu.memref_slice %arg8[%and3A_219, %dma_wait3A_236, %dma_wait3A_237] : memref<2x8x128xi32, #tpu.memory_space<vmem>> -> memref<1x8x128xi32, #tpu.memory_space<vmem>>
          %dma_wait3A_239 = tpu.memref_squeeze %dma_wait3A_238 : memref<1x8x128xi32, #tpu.memory_space<vmem>> -> memref<8x128xi32, #tpu.memory_space<vmem>>
          %dma_wait3A_240 = arith.constant 0 : i32
          %dma_wait3A_241 = tpu.memref_slice %arg4[%add3A_222, %dma_wait3A_240] : memref<2560x128xi32, #tpu.memory_space<hbm>> -> memref<8x128xi32, #tpu.memory_space<hbm>>
          %dma_wait3A_242 = arith.constant 0 : i32
          %dma_wait3A_243 = arith.constant 0 : i32
          %dma_wait3A_244 = tpu.memref_slice %arg8[%and3A_219, %dma_wait3A_242, %dma_wait3A_243] : memref<2x8x128xi32, #tpu.memory_space<vmem>> -> memref<1x8x128xi32, #tpu.memory_space<vmem>>
          %dma_wait3A_245 = tpu.memref_squeeze %dma_wait3A_244 : memref<1x8x128xi32, #tpu.memory_space<vmem>> -> memref<8x128xi32, #tpu.memory_space<vmem>>
          %dma_wait3A_246 = arith.constant 0 : i32
          %dma_wait3A_247 = tpu.memref_slice %arg4[%add3A_222, %dma_wait3A_246] : memref<2560x128xi32, #tpu.memory_space<hbm>> -> memref<8x128xi32, #tpu.memory_space<hbm>>
          tpu.wait_dma2 semaphore(%run_scoped3A_223 : memref<!tpu.dma_semaphore, #tpu.memory_space<semaphore_mem>>) src(%dma_wait3A_247 : memref<8x128xi32, #tpu.memory_space<hbm>>) dst(%dma_wait3A_245 : memref<8x128xi32, #tpu.memory_space<vmem>>)
          tpu.yield
        }) : () -> ()
        "tpu.region"() ({
          %run_scoped3A_223 = tpu.sem_alloc : memref<!tpu.dma_semaphore, #tpu.memory_space<semaphore_mem>>
          %dma_start3A_224 = arith.constant 0 : i32
          %dma_start3A_225 = arith.constant 0 : i32
          %dma_start3A_226 = tpu.memref_slice %arg9[%and3A_219, %dma_start3A_224, %dma_start3A_225] : memref<2x8x128xf32, #tpu.memory_space<vmem>> -> memref<1x8x128xf32, #tpu.memory_space<vmem>>
          %dma_start3A_227 = tpu.memref_squeeze %dma_start3A_226 : memref<1x8x128xf32, #tpu.memory_space<vmem>> -> memref<8x128xf32, #tpu.memory_space<vmem>>
          %dma_start3A_228 = arith.constant 0 : i32
          %dma_start3A_229 = tpu.memref_slice %arg5[%add3A_222, %dma_start3A_228] : memref<2560x128xf32, #tpu.memory_space<hbm>> -> memref<8x128xf32, #tpu.memory_space<hbm>>
          %dma_start3A_230 = arith.constant 0 : i32
          %dma_start3A_231 = arith.constant 0 : i32
          %dma_start3A_232 = tpu.memref_slice %arg9[%and3A_219, %dma_start3A_230, %dma_start3A_231] : memref<2x8x128xf32, #tpu.memory_space<vmem>> -> memref<1x8x128xf32, #tpu.memory_space<vmem>>
          %dma_start3A_233 = tpu.memref_squeeze %dma_start3A_232 : memref<1x8x128xf32, #tpu.memory_space<vmem>> -> memref<8x128xf32, #tpu.memory_space<vmem>>
          %dma_start3A_234 = arith.constant 0 : i32
          %dma_start3A_235 = tpu.memref_slice %arg5[%add3A_222, %dma_start3A_234] : memref<2560x128xf32, #tpu.memory_space<hbm>> -> memref<8x128xf32, #tpu.memory_space<hbm>>
          tpu.enqueue_dma source(%dma_start3A_235 : memref<8x128xf32, #tpu.memory_space<hbm>>) target(%dma_start3A_233 : memref<8x128xf32, #tpu.memory_space<vmem>>) target_semaphore(%run_scoped3A_223 : memref<!tpu.dma_semaphore, #tpu.memory_space<semaphore_mem>>)
          %dma_wait3A_236 = arith.constant 0 : i32
          %dma_wait3A_237 = arith.constant 0 : i32
          %dma_wait3A_238 = tpu.memref_slice %arg9[%and3A_219, %dma_wait3A_236, %dma_wait3A_237] : memref<2x8x128xf32, #tpu.memory_space<vmem>> -> memref<1x8x128xf32, #tpu.memory_space<vmem>>
          %dma_wait3A_239 = tpu.memref_squeeze %dma_wait3A_238 : memref<1x8x128xf32, #tpu.memory_space<vmem>> -> memref<8x128xf32, #tpu.memory_space<vmem>>
          %dma_wait3A_240 = arith.constant 0 : i32
          %dma_wait3A_241 = tpu.memref_slice %arg5[%add3A_222, %dma_wait3A_240] : memref<2560x128xf32, #tpu.memory_space<hbm>> -> memref<8x128xf32, #tpu.memory_space<hbm>>
          %dma_wait3A_242 = arith.constant 0 : i32
          %dma_wait3A_243 = arith.constant 0 : i32
          %dma_wait3A_244 = tpu.memref_slice %arg9[%and3A_219, %dma_wait3A_242, %dma_wait3A_243] : memref<2x8x128xf32, #tpu.memory_space<vmem>> -> memref<1x8x128xf32, #tpu.memory_space<vmem>>
          %dma_wait3A_245 = tpu.memref_squeeze %dma_wait3A_244 : memref<1x8x128xf32, #tpu.memory_space<vmem>> -> memref<8x128xf32, #tpu.memory_space<vmem>>
          %dma_wait3A_246 = arith.constant 0 : i32
          %dma_wait3A_247 = tpu.memref_slice %arg5[%add3A_222, %dma_wait3A_246] : memref<2560x128xf32, #tpu.memory_space<hbm>> -> memref<8x128xf32, #tpu.memory_space<hbm>>
          tpu.wait_dma2 semaphore(%run_scoped3A_223 : memref<!tpu.dma_semaphore, #tpu.memory_space<semaphore_mem>>) src(%dma_wait3A_247 : memref<8x128xf32, #tpu.memory_space<hbm>>) dst(%dma_wait3A_245 : memref<8x128xf32, #tpu.memory_space<vmem>>)
          tpu.yield
        }) : () -> ()
      } else {
      }
      %add3A_189 = arith.constant 1 : i32
      %add3A_190 = arith.addi %add3A_157, %add3A_189 : i32
      %lt3A_191 = arith.cmpi slt, %add3A_190, %select_n3A : i32
      %convert_element_type3A_192 = arith.extui %lt3A_191 : i1 to i32
      %cond3A_193 = arith.constant 0 : i32
      %cond3A_194 = arith.cmpi ne, %convert_element_type3A_192, %cond3A_193 : i32
      scf.if %cond3A_194 {
        %add3A_214 = arith.constant 1 : i32
        %add3A_215 = arith.addi %add3A_157, %add3A_214 : i32
        %shift_right_arithmetic3A_216 = arith.constant 3 : i32
        %shift_right_arithmetic3A_217 = arith.shrsi %add3A_215, %shift_right_arithmetic3A_216 : i32
        %and3A_218 = arith.constant 1 : i32
        %and3A_219 = arith.andi %shift_right_arithmetic3A_217, %and3A_218 : i32
        %and3A_220 = arith.constant 7 : i32
        %and3A_221 = arith.andi %add3A_215, %and3A_220 : i32
        %dma_start3A_222 = arith.constant 0 : i32
        %dma_start3A_223 = arith.constant 0 : i32
        %dma_start3A_224 = arith.constant 0 : i32
        %dma_start3A_225 = tpu.memref_slice %arg10[%dma_start3A_222, %dma_start3A_223, %dma_start3A_224] : memref<2x128x128xf32, #tpu.memory_space<vmem>> -> memref<1x128x128xf32, #tpu.memory_space<vmem>>
        %dma_start3A_226 = tpu.memref_squeeze %dma_start3A_225 : memref<1x128x128xf32, #tpu.memory_space<vmem>> -> memref<128x128xf32, #tpu.memory_space<vmem>>
        %dma_start3A_227 = arith.constant 0 : i32
        %dma_start3A_228 = tpu.memref_slice %arg7[%and3A_219, %and3A_221, %dma_start3A_227] : memref<2x8x128xi32, #tpu.memory_space<vmem>> -> memref<1x1x128xi32, #tpu.memory_space<vmem>>
        %dma_start3A_229 = tpu.memref_squeeze %dma_start3A_228 : memref<1x1x128xi32, #tpu.memory_space<vmem>> -> memref<128xi32, #tpu.memory_space<vmem>>
        %dma_start3A_230 = arith.constant 0 : i32
        %dma_start3A_231 = arith.constant 0 : i32
        %dma_start3A_232 = tpu.memref_slice %arg2[%dma_start3A_230, %dma_start3A_231] : memref<10240x128xf32, #tpu.memory_space<hbm>> -> memref<10240x128xf32, #tpu.memory_space<hbm>>
        tpu.enqueue_indirect_dma source(%dma_start3A_232 : memref<10240x128xf32, #tpu.memory_space<hbm>>) target(%dma_start3A_226 : memref<128x128xf32, #tpu.memory_space<vmem>>) offsets(%dma_start3A_229 : memref<128xi32, #tpu.memory_space<vmem>>) semaphore(%arg12 : memref<!tpu.dma_semaphore, #tpu.memory_space<semaphore_mem>>)
      } else {
      }
      %scan3A_195 = arith.constant 0 : i32
      %scan3A_196 = arith.constant 0 : i32
      %scan3A_197 = arith.constant 8 : i32
      %scan3A_198 = arith.addi %scan3A_196, %scan3A_197 : i32
      %scan3A_199 = arith.constant 1 : i32
      %scan3A_200 = scf.for %scan3A_214 = %scan3A_196 to %scan3A_198 step %scan3A_199 iter_args(%scan3A_215 = %scan3A_195) -> (i32)  : i32 {
        %mul3A_216 = arith.constant 16 : i32
        %mul3A_217 = arith.muli %scan3A_214, %mul3A_216 : i32
        %get3A = arith.index_cast %and3A_161 : i32 to index
        %get3A_218 = arith.index_cast %and3A_163 : i32 to index
        %get3A_219 = arith.index_cast %mul3A_217 : i32 to index
        %get3A_220 = tpu.vector_load %arg9[%get3A, %get3A_218, %get3A_219] {strides = array<i32>} : memref<2x8x128xf32, #tpu.memory_space<vmem>>, vector<16xf32>,
        %scan3A_221 = arith.constant 0 : i32
        %scan3A_222 = arith.constant 0 : i32
        %scan3A_223 = arith.constant 16 : i32
        %scan3A_224 = arith.addi %scan3A_222, %scan3A_223 : i32
        %scan3A_225 = arith.constant 1 : i32
        %scan3A_226 = scf.for %scan3A_229 = %scan3A_222 to %scan3A_224 step %scan3A_225 iter_args(%scan3A_230 = %scan3A_221) -> (i32)  : i32 {
          %mul3A_231 = arith.constant 16 : i32
          %mul3A_232 = arith.muli %scan3A_214, %mul3A_231 : i32
          %add3A_233 = arith.addi %mul3A_232, %scan3A_229 : i32
          %broadcast_in_dim3A = vector.broadcast %scan3A_229 : i32 to vector<16xi32>
          %broadcast_in_dim3A_234 = vector.shape_cast %broadcast_in_dim3A : vector<16xi32> to vector<16x1xi32>
          %gather3A = vector.shape_cast %broadcast_in_dim3A_234 : vector<16x1xi32> to vector<16xi32>
          %gather3A_235 = tpu.dynamic_gather %get3A_220[%gather3A] in [0] : vector<16xf32>, vector<16xi32> -> vector<16xf32>
          %get3A_236 = arith.constant 1 : i32
          %get3A_237 = arith.index_cast %get3A_236 : i32 to index
          %get3A_238 = arith.index_cast %add3A_233 : i32 to index
          %get3A_239 = arith.constant 0 : index
          %get3A_240 = tpu.vector_load %arg10[%get3A_237, %get3A_238, %get3A_239] {strides = array<i32>} : memref<2x128x128xf32, #tpu.memory_space<vmem>>, vector<16xf32>,
          %mul3A_241 = arith.mulf %get3A_240, %gather3A_235 : vector<16xf32>
          %swap3A = arith.constant 1 : i32
          %swap3A_242 = arith.index_cast %swap3A : i32 to index
          %swap3A_243 = arith.index_cast %add3A_233 : i32 to index
          %swap3A_244 = arith.constant 0 : index
          %swap3A_245 = tpu.vector_load %arg10[%swap3A_242, %swap3A_243, %swap3A_244] {strides = array<i32>} : memref<2x128x128xf32, #tpu.memory_space<vmem>>, vector<16xf32>,
          tpu.vector_store %arg10[%swap3A_242, %swap3A_243, %swap3A_244], %mul3A_241 {strides = array<i32>} : memref<2x128x128xf32, #tpu.memory_space<vmem>>, vector<16xf32>,
          %get3A_246 = arith.constant 1 : i32
          %get3A_247 = arith.index_cast %get3A_246 : i32 to index
          %get3A_248 = arith.index_cast %add3A_233 : i32 to index
          %get3A_249 = arith.constant 16 : index
          %get3A_250 = tpu.vector_load %arg10[%get3A_247, %get3A_248, %get3A_249] {strides = array<i32>} : memref<2x128x128xf32, #tpu.memory_space<vmem>>, vector<16xf32>,
          %mul3A_251 = arith.mulf %get3A_250, %gather3A_235 : vector<16xf32>
          %swap3A_252 = arith.constant 1 : i32
          %swap3A_253 = arith.index_cast %swap3A_252 : i32 to index
          %swap3A_254 = arith.index_cast %add3A_233 : i32 to index
          %swap3A_255 = arith.constant 16 : index
          %swap3A_256 = tpu.vector_load %arg10[%swap3A_253, %swap3A_254, %swap3A_255] {strides = array<i32>} : memref<2x128x128xf32, #tpu.memory_space<vmem>>, vector<16xf32>,
          tpu.vector_store %arg10[%swap3A_253, %swap3A_254, %swap3A_255], %mul3A_251 {strides = array<i32>} : memref<2x128x128xf32, #tpu.memory_space<vmem>>, vector<16xf32>,
          %get3A_257 = arith.constant 1 : i32
          %get3A_258 = arith.index_cast %get3A_257 : i32 to index
          %get3A_259 = arith.index_cast %add3A_233 : i32 to index
          %get3A_260 = arith.constant 32 : index
          %get3A_261 = tpu.vector_load %arg10[%get3A_258, %get3A_259, %get3A_260] {strides = array<i32>} : memref<2x128x128xf32, #tpu.memory_space<vmem>>, vector<16xf32>,
          %mul3A_262 = arith.mulf %get3A_261, %gather3A_235 : vector<16xf32>
          %swap3A_263 = arith.constant 1 : i32
          %swap3A_264 = arith.index_cast %swap3A_263 : i32 to index
          %swap3A_265 = arith.index_cast %add3A_233 : i32 to index
          %swap3A_266 = arith.constant 32 : index
          %swap3A_267 = tpu.vector_load %arg10[%swap3A_264, %swap3A_265, %swap3A_266] {strides = array<i32>} : memref<2x128x128xf32, #tpu.memory_space<vmem>>, vector<16xf32>,
          tpu.vector_store %arg10[%swap3A_264, %swap3A_265, %swap3A_266], %mul3A_262 {strides = array<i32>} : memref<2x128x128xf32, #tpu.memory_space<vmem>>, vector<16xf32>,
          %get3A_268 = arith.constant 1 : i32
          %get3A_269 = arith.index_cast %get3A_268 : i32 to index
          %get3A_270 = arith.index_cast %add3A_233 : i32 to index
          %get3A_271 = arith.constant 48 : index
          %get3A_272 = tpu.vector_load %arg10[%get3A_269, %get3A_270, %get3A_271] {strides = array<i32>} : memref<2x128x128xf32, #tpu.memory_space<vmem>>, vector<16xf32>,
          %mul3A_273 = arith.mulf %get3A_272, %gather3A_235 : vector<16xf32>
          %swap3A_274 = arith.constant 1 : i32
          %swap3A_275 = arith.index_cast %swap3A_274 : i32 to index
          %swap3A_276 = arith.index_cast %add3A_233 : i32 to index
          %swap3A_277 = arith.constant 48 : index
          %swap3A_278 = tpu.vector_load %arg10[%swap3A_275, %swap3A_276, %swap3A_277] {strides = array<i32>} : memref<2x128x128xf32, #tpu.memory_space<vmem>>, vector<16xf32>,
          tpu.vector_store %arg10[%swap3A_275, %swap3A_276, %swap3A_277], %mul3A_273 {strides = array<i32>} : memref<2x128x128xf32, #tpu.memory_space<vmem>>, vector<16xf32>,
          %get3A_279 = arith.constant 1 : i32
          %get3A_280 = arith.index_cast %get3A_279 : i32 to index
          %get3A_281 = arith.index_cast %add3A_233 : i32 to index
          %get3A_282 = arith.constant 64 : index
          %get3A_283 = tpu.vector_load %arg10[%get3A_280, %get3A_281, %get3A_282] {strides = array<i32>} : memref<2x128x128xf32, #tpu.memory_space<vmem>>, vector<16xf32>,
          %mul3A_284 = arith.mulf %get3A_283, %gather3A_235 : vector<16xf32>
          %swap3A_285 = arith.constant 1 : i32
          %swap3A_286 = arith.index_cast %swap3A_285 : i32 to index
          %swap3A_287 = arith.index_cast %add3A_233 : i32 to index
          %swap3A_288 = arith.constant 64 : index
          %swap3A_289 = tpu.vector_load %arg10[%swap3A_286, %swap3A_287, %swap3A_288] {strides = array<i32>} : memref<2x128x128xf32, #tpu.memory_space<vmem>>, vector<16xf32>,
          tpu.vector_store %arg10[%swap3A_286, %swap3A_287, %swap3A_288], %mul3A_284 {strides = array<i32>} : memref<2x128x128xf32, #tpu.memory_space<vmem>>, vector<16xf32>,
          %get3A_290 = arith.constant 1 : i32
          %get3A_291 = arith.index_cast %get3A_290 : i32 to index
          %get3A_292 = arith.index_cast %add3A_233 : i32 to index
          %get3A_293 = arith.constant 80 : index
          %get3A_294 = tpu.vector_load %arg10[%get3A_291, %get3A_292, %get3A_293] {strides = array<i32>} : memref<2x128x128xf32, #tpu.memory_space<vmem>>, vector<16xf32>,
          %mul3A_295 = arith.mulf %get3A_294, %gather3A_235 : vector<16xf32>
          %swap3A_296 = arith.constant 1 : i32
          %swap3A_297 = arith.index_cast %swap3A_296 : i32 to index
          %swap3A_298 = arith.index_cast %add3A_233 : i32 to index
          %swap3A_299 = arith.constant 80 : index
          %swap3A_300 = tpu.vector_load %arg10[%swap3A_297, %swap3A_298, %swap3A_299] {strides = array<i32>} : memref<2x128x128xf32, #tpu.memory_space<vmem>>, vector<16xf32>,
          tpu.vector_store %arg10[%swap3A_297, %swap3A_298, %swap3A_299], %mul3A_295 {strides = array<i32>} : memref<2x128x128xf32, #tpu.memory_space<vmem>>, vector<16xf32>,
          %get3A_301 = arith.constant 1 : i32
          %get3A_302 = arith.index_cast %get3A_301 : i32 to index
          %get3A_303 = arith.index_cast %add3A_233 : i32 to index
          %get3A_304 = arith.constant 96 : index
          %get3A_305 = tpu.vector_load %arg10[%get3A_302, %get3A_303, %get3A_304] {strides = array<i32>} : memref<2x128x128xf32, #tpu.memory_space<vmem>>, vector<16xf32>,
          %mul3A_306 = arith.mulf %get3A_305, %gather3A_235 : vector<16xf32>
          %swap3A_307 = arith.constant 1 : i32
          %swap3A_308 = arith.index_cast %swap3A_307 : i32 to index
          %swap3A_309 = arith.index_cast %add3A_233 : i32 to index
          %swap3A_310 = arith.constant 96 : index
          %swap3A_311 = tpu.vector_load %arg10[%swap3A_308, %swap3A_309, %swap3A_310] {strides = array<i32>} : memref<2x128x128xf32, #tpu.memory_space<vmem>>, vector<16xf32>,
          tpu.vector_store %arg10[%swap3A_308, %swap3A_309, %swap3A_310], %mul3A_306 {strides = array<i32>} : memref<2x128x128xf32, #tpu.memory_space<vmem>>, vector<16xf32>,
          %get3A_312 = arith.constant 1 : i32
          %get3A_313 = arith.index_cast %get3A_312 : i32 to index
          %get3A_314 = arith.index_cast %add3A_233 : i32 to index
          %get3A_315 = arith.constant 112 : index
          %get3A_316 = tpu.vector_load %arg10[%get3A_313, %get3A_314, %get3A_315] {strides = array<i32>} : memref<2x128x128xf32, #tpu.memory_space<vmem>>, vector<16xf32>,
          %mul3A_317 = arith.mulf %get3A_316, %gather3A_235 : vector<16xf32>
          %swap3A_318 = arith.constant 1 : i32
          %swap3A_319 = arith.index_cast %swap3A_318 : i32 to index
          %swap3A_320 = arith.index_cast %add3A_233 : i32 to index
          %swap3A_321 = arith.constant 112 : index
          %swap3A_322 = tpu.vector_load %arg10[%swap3A_319, %swap3A_320, %swap3A_321] {strides = array<i32>} : memref<2x128x128xf32, #tpu.memory_space<vmem>>, vector<16xf32>,
          tpu.vector_store %arg10[%swap3A_319, %swap3A_320, %swap3A_321], %mul3A_317 {strides = array<i32>} : memref<2x128x128xf32, #tpu.memory_space<vmem>>, vector<16xf32>,
          %scan3A_323 = arith.constant 0 : i32
          scf.yield %scan3A_323 : i32
        }
        %scan3A_227 = arith.constant 16 : i32
        %scan3A_228 = arith.constant 0 : i32
        scf.yield %scan3A_228 : i32
      }
      %scan3A_201 = arith.constant 8 : i32
      %dma_start3A_202 = arith.constant 1 : i32
      %dma_start3A_203 = arith.constant 0 : i32
      %dma_start3A_204 = arith.constant 0 : i32
      %dma_start3A_205 = tpu.memref_slice %arg10[%dma_start3A_202, %dma_start3A_203, %dma_start3A_204] : memref<2x128x128xf32, #tpu.memory_space<vmem>> -> memref<1x128x128xf32, #tpu.memory_space<vmem>>
      %dma_start3A_206 = tpu.memref_squeeze %dma_start3A_205 : memref<1x128x128xf32, #tpu.memory_space<vmem>> -> memref<128x128xf32, #tpu.memory_space<vmem>>
      %dma_start3A_207 = arith.constant 0 : i32
      %dma_start3A_208 = tpu.memref_slice %arg8[%and3A_161, %and3A_163, %dma_start3A_207] : memref<2x8x128xi32, #tpu.memory_space<vmem>> -> memref<1x1x128xi32, #tpu.memory_space<vmem>>
      %dma_start3A_209 = tpu.memref_squeeze %dma_start3A_208 : memref<1x1x128xi32, #tpu.memory_space<vmem>> -> memref<128xi32, #tpu.memory_space<vmem>>
      %dma_start3A_210 = arith.constant 0 : i32
      %dma_start3A_211 = arith.constant 0 : i32
      %dma_start3A_212 = tpu.memref_slice %arg11[%dma_start3A_210, %dma_start3A_211] : memref<10240x128xf32, #tpu.memory_space<vmem_shared>> -> memref<10240x128xf32, #tpu.memory_space<vmem_shared>>
      tpu.enqueue_indirect_dma source(%dma_start3A_206 : memref<128x128xf32, #tpu.memory_space<vmem>>) target(%dma_start3A_212 : memref<10240x128xf32, #tpu.memory_space<vmem_shared>>) offsets(%dma_start3A_209 : memref<128xi32, #tpu.memory_space<vmem>>) semaphore(%arg15 : memref<!tpu.dma_semaphore, #tpu.memory_space<semaphore_mem>>) {add = true}
      %while3A_213 = arith.constant 0 : i32
      scf.yield %while3A_213 : i32
    }
    %while3A_81 = arith.constant 1 : i32
    %while3A_82 = scf.for %while3A_100 = %while3A_78 to %while3A_74 step %while3A_81 iter_args(%while3A_101 = %while3A_80) -> (i32)  : i32 {
      %mul3A_102 = arith.constant 2 : i32
      %mul3A_103 = arith.muli %mul3A_102, %while3A_100 : i32
      %shift_right_arithmetic3A = arith.constant 3 : i32
      %shift_right_arithmetic3A_104 = arith.shrsi %mul3A_103, %shift_right_arithmetic3A : i32
      %and3A_105 = arith.constant 1 : i32
      %and3A_106 = arith.andi %shift_right_arithmetic3A_104, %and3A_105 : i32
      %and3A_107 = arith.constant 7 : i32
      %and3A_108 = arith.andi %mul3A_103, %and3A_107 : i32
      %dma_wait3A_109 = arith.constant 0 : i32
      %dma_wait3A_110 = arith.constant 0 : i32
      %dma_wait3A_111 = arith.constant 0 : i32
      %dma_wait3A_112 = tpu.memref_slice %arg10[%dma_wait3A_109, %dma_wait3A_110, %dma_wait3A_111] : memref<2x128x128xf32, #tpu.memory_space<vmem>> -> memref<1x128x128xf32, #tpu.memory_space<vmem>>
      %dma_wait3A_113 = tpu.memref_squeeze %dma_wait3A_112 : memref<1x128x128xf32, #tpu.memory_space<vmem>> -> memref<128x128xf32, #tpu.memory_space<vmem>>
      %dma_wait3A_114 = arith.constant 0 : i32
      %dma_wait3A_115 = tpu.memref_slice %arg7[%and3A_106, %and3A_108, %dma_wait3A_114] : memref<2x8x128xi32, #tpu.memory_space<vmem>> -> memref<1x1x128xi32, #tpu.memory_space<vmem>>
      %dma_wait3A_116 = tpu.memref_squeeze %dma_wait3A_115 : memref<1x1x128xi32, #tpu.memory_space<vmem>> -> memref<128xi32, #tpu.memory_space<vmem>>
      %dma_wait3A_117 = arith.constant 0 : i32
      %dma_wait3A_118 = arith.constant 0 : i32
      %dma_wait3A_119 = tpu.memref_slice %arg2[%dma_wait3A_117, %dma_wait3A_118] : memref<10240x128xf32, #tpu.memory_space<hbm>> -> memref<10240x128xf32, #tpu.memory_space<hbm>>
      tpu.wait_indirect_dma semaphore(%arg12 : memref<!tpu.dma_semaphore, #tpu.memory_space<semaphore_mem>>) src(%dma_wait3A_119 : memref<10240x128xf32, #tpu.memory_space<hbm>>) dst(%dma_wait3A_113 : memref<128x128xf32, #tpu.memory_space<vmem>>)
      %ge3A = arith.constant 1 : i32
      %ge3A_120 = arith.cmpi sge, %mul3A_103, %ge3A : i32
      %convert_element_type3A = arith.extui %ge3A_120 : i1 to i32
      %cond3A = arith.constant 0 : i32
      %cond3A_121 = arith.cmpi ne, %convert_element_type3A, %cond3A : i32
      scf.if %cond3A_121 {
        %dma_wait3A_214 = arith.constant 1 : i32
        %dma_wait3A_215 = arith.constant 0 : i32
        %dma_wait3A_216 = arith.constant 0 : i32
        %dma_wait3A_217 = arith.constant 0 : i32
        %dma_wait3A_218 = arith.constant 0 : i32
        %dma_wait3A_219 = tpu.memref_slice %arg10[%dma_wait3A_214, %dma_wait3A_217, %dma_wait3A_218] : memref<2x128x128xf32, #tpu.memory_space<vmem>> -> memref<1x128x128xf32, #tpu.memory_space<vmem>>
        %dma_wait3A_220 = tpu.memref_squeeze %dma_wait3A_219 : memref<1x128x128xf32, #tpu.memory_space<vmem>> -> memref<128x128xf32, #tpu.memory_space<vmem>>
        %dma_wait3A_221 = arith.constant 0 : i32
        %dma_wait3A_222 = tpu.memref_slice %arg8[%dma_wait3A_215, %dma_wait3A_216, %dma_wait3A_221] : memref<2x8x128xi32, #tpu.memory_space<vmem>> -> memref<1x1x128xi32, #tpu.memory_space<vmem>>
        %dma_wait3A_223 = tpu.memref_squeeze %dma_wait3A_222 : memref<1x1x128xi32, #tpu.memory_space<vmem>> -> memref<128xi32, #tpu.memory_space<vmem>>
        %dma_wait3A_224 = arith.constant 0 : i32
        %dma_wait3A_225 = arith.constant 0 : i32
        %dma_wait3A_226 = tpu.memref_slice %arg11[%dma_wait3A_224, %dma_wait3A_225] : memref<10240x128xf32, #tpu.memory_space<vmem_shared>> -> memref<10240x128xf32, #tpu.memory_space<vmem_shared>>
        tpu.wait_indirect_dma semaphore(%arg15 : memref<!tpu.dma_semaphore, #tpu.memory_space<semaphore_mem>>) src(%dma_wait3A_220 : memref<128x128xf32, #tpu.memory_space<vmem>>) dst(%dma_wait3A_226 : memref<10240x128xf32, #tpu.memory_space<vmem_shared>>)
      } else {
      }
      %eq3A_122 = arith.constant 7 : i32
      %eq3A_123 = arith.cmpi eq, %and3A_108, %eq3A_122 : i32
      %add3A_124 = arith.constant 1 : i32
      %add3A_125 = arith.addi %mul3A_103, %add3A_124 : i32
      %lt3A = arith.cmpi slt, %add3A_125, %select_n3A : i32
      %and3A_126 = arith.andi %eq3A_123, %lt3A : i1
      %convert_element_type3A_127 = arith.extui %and3A_126 : i1 to i32
      %cond3A_128 = arith.constant 0 : i32
      %cond3A_129 = arith.cmpi ne, %convert_element_type3A_127, %cond3A_128 : i32
      scf.if %cond3A_129 {
        %add3A_214 = arith.constant 1 : i32
        %add3A_215 = arith.addi %mul3A_103, %add3A_214 : i32
        %shift_right_arithmetic3A_216 = arith.constant 3 : i32
        %shift_right_arithmetic3A_217 = arith.shrsi %add3A_215, %shift_right_arithmetic3A_216 : i32
        %and3A_218 = arith.constant 1 : i32
        %and3A_219 = arith.andi %shift_right_arithmetic3A_217, %and3A_218 : i32
        %mul3A_220 = arith.constant 8 : i32
        %mul3A_221 = arith.muli %shift_right_arithmetic3A_217, %mul3A_220 : i32
        %add3A_222 = arith.addi %select_n3A_8, %mul3A_221 : i32
        "tpu.region"() ({
          %run_scoped3A_223 = tpu.sem_alloc : memref<!tpu.dma_semaphore, #tpu.memory_space<semaphore_mem>>
          %dma_start3A_224 = arith.constant 0 : i32
          %dma_start3A_225 = arith.constant 0 : i32
          %dma_start3A_226 = tpu.memref_slice %arg7[%and3A_219, %dma_start3A_224, %dma_start3A_225] : memref<2x8x128xi32, #tpu.memory_space<vmem>> -> memref<1x8x128xi32, #tpu.memory_space<vmem>>
          %dma_start3A_227 = tpu.memref_squeeze %dma_start3A_226 : memref<1x8x128xi32, #tpu.memory_space<vmem>> -> memref<8x128xi32, #tpu.memory_space<vmem>>
          %dma_start3A_228 = arith.constant 0 : i32
          %dma_start3A_229 = tpu.memref_slice %arg3[%add3A_222, %dma_start3A_228] : memref<2560x128xi32, #tpu.memory_space<hbm>> -> memref<8x128xi32, #tpu.memory_space<hbm>>
          %dma_start3A_230 = arith.constant 0 : i32
          %dma_start3A_231 = arith.constant 0 : i32
          %dma_start3A_232 = tpu.memref_slice %arg7[%and3A_219, %dma_start3A_230, %dma_start3A_231] : memref<2x8x128xi32, #tpu.memory_space<vmem>> -> memref<1x8x128xi32, #tpu.memory_space<vmem>>
          %dma_start3A_233 = tpu.memref_squeeze %dma_start3A_232 : memref<1x8x128xi32, #tpu.memory_space<vmem>> -> memref<8x128xi32, #tpu.memory_space<vmem>>
          %dma_start3A_234 = arith.constant 0 : i32
          %dma_start3A_235 = tpu.memref_slice %arg3[%add3A_222, %dma_start3A_234] : memref<2560x128xi32, #tpu.memory_space<hbm>> -> memref<8x128xi32, #tpu.memory_space<hbm>>
          tpu.enqueue_dma source(%dma_start3A_235 : memref<8x128xi32, #tpu.memory_space<hbm>>) target(%dma_start3A_233 : memref<8x128xi32, #tpu.memory_space<vmem>>) target_semaphore(%run_scoped3A_223 : memref<!tpu.dma_semaphore, #tpu.memory_space<semaphore_mem>>)
          %dma_wait3A_236 = arith.constant 0 : i32
          %dma_wait3A_237 = arith.constant 0 : i32
          %dma_wait3A_238 = tpu.memref_slice %arg7[%and3A_219, %dma_wait3A_236, %dma_wait3A_237] : memref<2x8x128xi32, #tpu.memory_space<vmem>> -> memref<1x8x128xi32, #tpu.memory_space<vmem>>
          %dma_wait3A_239 = tpu.memref_squeeze %dma_wait3A_238 : memref<1x8x128xi32, #tpu.memory_space<vmem>> -> memref<8x128xi32, #tpu.memory_space<vmem>>
          %dma_wait3A_240 = arith.constant 0 : i32
          %dma_wait3A_241 = tpu.memref_slice %arg3[%add3A_222, %dma_wait3A_240] : memref<2560x128xi32, #tpu.memory_space<hbm>> -> memref<8x128xi32, #tpu.memory_space<hbm>>
          %dma_wait3A_242 = arith.constant 0 : i32
          %dma_wait3A_243 = arith.constant 0 : i32
          %dma_wait3A_244 = tpu.memref_slice %arg7[%and3A_219, %dma_wait3A_242, %dma_wait3A_243] : memref<2x8x128xi32, #tpu.memory_space<vmem>> -> memref<1x8x128xi32, #tpu.memory_space<vmem>>
          %dma_wait3A_245 = tpu.memref_squeeze %dma_wait3A_244 : memref<1x8x128xi32, #tpu.memory_space<vmem>> -> memref<8x128xi32, #tpu.memory_space<vmem>>
          %dma_wait3A_246 = arith.constant 0 : i32
          %dma_wait3A_247 = tpu.memref_slice %arg3[%add3A_222, %dma_wait3A_246] : memref<2560x128xi32, #tpu.memory_space<hbm>> -> memref<8x128xi32, #tpu.memory_space<hbm>>
          tpu.wait_dma2 semaphore(%run_scoped3A_223 : memref<!tpu.dma_semaphore, #tpu.memory_space<semaphore_mem>>) src(%dma_wait3A_247 : memref<8x128xi32, #tpu.memory_space<hbm>>) dst(%dma_wait3A_245 : memref<8x128xi32, #tpu.memory_space<vmem>>)
          tpu.yield
        }) : () -> ()
        "tpu.region"() ({
          %run_scoped3A_223 = tpu.sem_alloc : memref<!tpu.dma_semaphore, #tpu.memory_space<semaphore_mem>>
          %dma_start3A_224 = arith.constant 0 : i32
          %dma_start3A_225 = arith.constant 0 : i32
          %dma_start3A_226 = tpu.memref_slice %arg8[%and3A_219, %dma_start3A_224, %dma_start3A_225] : memref<2x8x128xi32, #tpu.memory_space<vmem>> -> memref<1x8x128xi32, #tpu.memory_space<vmem>>
          %dma_start3A_227 = tpu.memref_squeeze %dma_start3A_226 : memref<1x8x128xi32, #tpu.memory_space<vmem>> -> memref<8x128xi32, #tpu.memory_space<vmem>>
          %dma_start3A_228 = arith.constant 0 : i32
          %dma_start3A_229 = tpu.memref_slice %arg4[%add3A_222, %dma_start3A_228] : memref<2560x128xi32, #tpu.memory_space<hbm>> -> memref<8x128xi32, #tpu.memory_space<hbm>>
          %dma_start3A_230 = arith.constant 0 : i32
          %dma_start3A_231 = arith.constant 0 : i32
          %dma_start3A_232 = tpu.memref_slice %arg8[%and3A_219, %dma_start3A_230, %dma_start3A_231] : memref<2x8x128xi32, #tpu.memory_space<vmem>> -> memref<1x8x128xi32, #tpu.memory_space<vmem>>
          %dma_start3A_233 = tpu.memref_squeeze %dma_start3A_232 : memref<1x8x128xi32, #tpu.memory_space<vmem>> -> memref<8x128xi32, #tpu.memory_space<vmem>>
          %dma_start3A_234 = arith.constant 0 : i32
          %dma_start3A_235 = tpu.memref_slice %arg4[%add3A_222, %dma_start3A_234] : memref<2560x128xi32, #tpu.memory_space<hbm>> -> memref<8x128xi32, #tpu.memory_space<hbm>>
          tpu.enqueue_dma source(%dma_start3A_235 : memref<8x128xi32, #tpu.memory_space<hbm>>) target(%dma_start3A_233 : memref<8x128xi32, #tpu.memory_space<vmem>>) target_semaphore(%run_scoped3A_223 : memref<!tpu.dma_semaphore, #tpu.memory_space<semaphore_mem>>)
          %dma_wait3A_236 = arith.constant 0 : i32
          %dma_wait3A_237 = arith.constant 0 : i32
          %dma_wait3A_238 = tpu.memref_slice %arg8[%and3A_219, %dma_wait3A_236, %dma_wait3A_237] : memref<2x8x128xi32, #tpu.memory_space<vmem>> -> memref<1x8x128xi32, #tpu.memory_space<vmem>>
          %dma_wait3A_239 = tpu.memref_squeeze %dma_wait3A_238 : memref<1x8x128xi32, #tpu.memory_space<vmem>> -> memref<8x128xi32, #tpu.memory_space<vmem>>
          %dma_wait3A_240 = arith.constant 0 : i32
          %dma_wait3A_241 = tpu.memref_slice %arg4[%add3A_222, %dma_wait3A_240] : memref<2560x128xi32, #tpu.memory_space<hbm>> -> memref<8x128xi32, #tpu.memory_space<hbm>>
          %dma_wait3A_242 = arith.constant 0 : i32
          %dma_wait3A_243 = arith.constant 0 : i32
          %dma_wait3A_244 = tpu.memref_slice %arg8[%and3A_219, %dma_wait3A_242, %dma_wait3A_243] : memref<2x8x128xi32, #tpu.memory_space<vmem>> -> memref<1x8x128xi32, #tpu.memory_space<vmem>>
          %dma_wait3A_245 = tpu.memref_squeeze %dma_wait3A_244 : memref<1x8x128xi32, #tpu.memory_space<vmem>> -> memref<8x128xi32, #tpu.memory_space<vmem>>
          %dma_wait3A_246 = arith.constant 0 : i32
          %dma_wait3A_247 = tpu.memref_slice %arg4[%add3A_222, %dma_wait3A_246] : memref<2560x128xi32, #tpu.memory_space<hbm>> -> memref<8x128xi32, #tpu.memory_space<hbm>>
          tpu.wait_dma2 semaphore(%run_scoped3A_223 : memref<!tpu.dma_semaphore, #tpu.memory_space<semaphore_mem>>) src(%dma_wait3A_247 : memref<8x128xi32, #tpu.memory_space<hbm>>) dst(%dma_wait3A_245 : memref<8x128xi32, #tpu.memory_space<vmem>>)
          tpu.yield
        }) : () -> ()
        "tpu.region"() ({
          %run_scoped3A_223 = tpu.sem_alloc : memref<!tpu.dma_semaphore, #tpu.memory_space<semaphore_mem>>
          %dma_start3A_224 = arith.constant 0 : i32
          %dma_start3A_225 = arith.constant 0 : i32
          %dma_start3A_226 = tpu.memref_slice %arg9[%and3A_219, %dma_start3A_224, %dma_start3A_225] : memref<2x8x128xf32, #tpu.memory_space<vmem>> -> memref<1x8x128xf32, #tpu.memory_space<vmem>>
          %dma_start3A_227 = tpu.memref_squeeze %dma_start3A_226 : memref<1x8x128xf32, #tpu.memory_space<vmem>> -> memref<8x128xf32, #tpu.memory_space<vmem>>
          %dma_start3A_228 = arith.constant 0 : i32
          %dma_start3A_229 = tpu.memref_slice %arg5[%add3A_222, %dma_start3A_228] : memref<2560x128xf32, #tpu.memory_space<hbm>> -> memref<8x128xf32, #tpu.memory_space<hbm>>
          %dma_start3A_230 = arith.constant 0 : i32
          %dma_start3A_231 = arith.constant 0 : i32
          %dma_start3A_232 = tpu.memref_slice %arg9[%and3A_219, %dma_start3A_230, %dma_start3A_231] : memref<2x8x128xf32, #tpu.memory_space<vmem>> -> memref<1x8x128xf32, #tpu.memory_space<vmem>>
          %dma_start3A_233 = tpu.memref_squeeze %dma_start3A_232 : memref<1x8x128xf32, #tpu.memory_space<vmem>> -> memref<8x128xf32, #tpu.memory_space<vmem>>
          %dma_start3A_234 = arith.constant 0 : i32
          %dma_start3A_235 = tpu.memref_slice %arg5[%add3A_222, %dma_start3A_234] : memref<2560x128xf32, #tpu.memory_space<hbm>> -> memref<8x128xf32, #tpu.memory_space<hbm>>
          tpu.enqueue_dma source(%dma_start3A_235 : memref<8x128xf32, #tpu.memory_space<hbm>>) target(%dma_start3A_233 : memref<8x128xf32, #tpu.memory_space<vmem>>) target_semaphore(%run_scoped3A_223 : memref<!tpu.dma_semaphore, #tpu.memory_space<semaphore_mem>>)
          %dma_wait3A_236 = arith.constant 0 : i32
          %dma_wait3A_237 = arith.constant 0 : i32
          %dma_wait3A_238 = tpu.memref_slice %arg9[%and3A_219, %dma_wait3A_236, %dma_wait3A_237] : memref<2x8x128xf32, #tpu.memory_space<vmem>> -> memref<1x8x128xf32, #tpu.memory_space<vmem>>
          %dma_wait3A_239 = tpu.memref_squeeze %dma_wait3A_238 : memref<1x8x128xf32, #tpu.memory_space<vmem>> -> memref<8x128xf32, #tpu.memory_space<vmem>>
          %dma_wait3A_240 = arith.constant 0 : i32
          %dma_wait3A_241 = tpu.memref_slice %arg5[%add3A_222, %dma_wait3A_240] : memref<2560x128xf32, #tpu.memory_space<hbm>> -> memref<8x128xf32, #tpu.memory_space<hbm>>
          %dma_wait3A_242 = arith.constant 0 : i32
          %dma_wait3A_243 = arith.constant 0 : i32
          %dma_wait3A_244 = tpu.memref_slice %arg9[%and3A_219, %dma_wait3A_242, %dma_wait3A_243] : memref<2x8x128xf32, #tpu.memory_space<vmem>> -> memref<1x8x128xf32, #tpu.memory_space<vmem>>
          %dma_wait3A_245 = tpu.memref_squeeze %dma_wait3A_244 : memref<1x8x128xf32, #tpu.memory_space<vmem>> -> memref<8x128xf32, #tpu.memory_space<vmem>>
          %dma_wait3A_246 = arith.constant 0 : i32
          %dma_wait3A_247 = tpu.memref_slice %arg5[%add3A_222, %dma_wait3A_246] : memref<2560x128xf32, #tpu.memory_space<hbm>> -> memref<8x128xf32, #tpu.memory_space<hbm>>
          tpu.wait_dma2 semaphore(%run_scoped3A_223 : memref<!tpu.dma_semaphore, #tpu.memory_space<semaphore_mem>>) src(%dma_wait3A_247 : memref<8x128xf32, #tpu.memory_space<hbm>>) dst(%dma_wait3A_245 : memref<8x128xf32, #tpu.memory_space<vmem>>)
          tpu.yield
        }) : () -> ()
      } else {
      }
      %add3A_130 = arith.constant 1 : i32
      %add3A_131 = arith.addi %mul3A_103, %add3A_130 : i32
      %lt3A_132 = arith.cmpi slt, %add3A_131, %select_n3A : i32
      %convert_element_type3A_133 = arith.extui %lt3A_132 : i1 to i32
      %cond3A_134 = arith.constant 0 : i32
      %cond3A_135 = arith.cmpi ne, %convert_element_type3A_133, %cond3A_134 : i32
      scf.if %cond3A_135 {
        %add3A_214 = arith.constant 1 : i32
        %add3A_215 = arith.addi %mul3A_103, %add3A_214 : i32
        %shift_right_arithmetic3A_216 = arith.constant 3 : i32
        %shift_right_arithmetic3A_217 = arith.shrsi %add3A_215, %shift_right_arithmetic3A_216 : i32
        %and3A_218 = arith.constant 1 : i32
        %and3A_219 = arith.andi %shift_right_arithmetic3A_217, %and3A_218 : i32
        %and3A_220 = arith.constant 7 : i32
        %and3A_221 = arith.andi %add3A_215, %and3A_220 : i32
        %dma_start3A_222 = arith.constant 1 : i32
        %dma_start3A_223 = arith.constant 0 : i32
        %dma_start3A_224 = arith.constant 0 : i32
        %dma_start3A_225 = tpu.memref_slice %arg10[%dma_start3A_222, %dma_start3A_223, %dma_start3A_224] : memref<2x128x128xf32, #tpu.memory_space<vmem>> -> memref<1x128x128xf32, #tpu.memory_space<vmem>>
        %dma_start3A_226 = tpu.memref_squeeze %dma_start3A_225 : memref<1x128x128xf32, #tpu.memory_space<vmem>> -> memref<128x128xf32, #tpu.memory_space<vmem>>
        %dma_start3A_227 = arith.constant 0 : i32
        %dma_start3A_228 = tpu.memref_slice %arg7[%and3A_219, %and3A_221, %dma_start3A_227] : memref<2x8x128xi32, #tpu.memory_space<vmem>> -> memref<1x1x128xi32, #tpu.memory_space<vmem>>
        %dma_start3A_229 = tpu.memref_squeeze %dma_start3A_228 : memref<1x1x128xi32, #tpu.memory_space<vmem>> -> memref<128xi32, #tpu.memory_space<vmem>>
        %dma_start3A_230 = arith.constant 0 : i32
        %dma_start3A_231 = arith.constant 0 : i32
        %dma_start3A_232 = tpu.memref_slice %arg2[%dma_start3A_230, %dma_start3A_231] : memref<10240x128xf32, #tpu.memory_space<hbm>> -> memref<10240x128xf32, #tpu.memory_space<hbm>>
        tpu.enqueue_indirect_dma source(%dma_start3A_232 : memref<10240x128xf32, #tpu.memory_space<hbm>>) target(%dma_start3A_226 : memref<128x128xf32, #tpu.memory_space<vmem>>) offsets(%dma_start3A_229 : memref<128xi32, #tpu.memory_space<vmem>>) semaphore(%arg13 : memref<!tpu.dma_semaphore, #tpu.memory_space<semaphore_mem>>)
      } else {
      }
      %scan3A_136 = arith.constant 0 : i32
      %scan3A_137 = arith.constant 0 : i32
      %scan3A_138 = arith.constant 8 : i32
      %scan3A_139 = arith.addi %scan3A_137, %scan3A_138 : i32
      %scan3A_140 = arith.constant 1 : i32
      %scan3A_141 = scf.for %scan3A_214 = %scan3A_137 to %scan3A_139 step %scan3A_140 iter_args(%scan3A_215 = %scan3A_136) -> (i32)  : i32 {
        %mul3A_216 = arith.constant 16 : i32
        %mul3A_217 = arith.muli %scan3A_214, %mul3A_216 : i32
        %get3A = arith.index_cast %and3A_106 : i32 to index
        %get3A_218 = arith.index_cast %and3A_108 : i32 to index
        %get3A_219 = arith.index_cast %mul3A_217 : i32 to index
        %get3A_220 = tpu.vector_load %arg9[%get3A, %get3A_218, %get3A_219] {strides = array<i32>} : memref<2x8x128xf32, #tpu.memory_space<vmem>>, vector<16xf32>,
        %scan3A_221 = arith.constant 0 : i32
        %scan3A_222 = arith.constant 0 : i32
        %scan3A_223 = arith.constant 16 : i32
        %scan3A_224 = arith.addi %scan3A_222, %scan3A_223 : i32
        %scan3A_225 = arith.constant 1 : i32
        %scan3A_226 = scf.for %scan3A_229 = %scan3A_222 to %scan3A_224 step %scan3A_225 iter_args(%scan3A_230 = %scan3A_221) -> (i32)  : i32 {
          %mul3A_231 = arith.constant 16 : i32
          %mul3A_232 = arith.muli %scan3A_214, %mul3A_231 : i32
          %add3A_233 = arith.addi %mul3A_232, %scan3A_229 : i32
          %broadcast_in_dim3A = vector.broadcast %scan3A_229 : i32 to vector<16xi32>
          %broadcast_in_dim3A_234 = vector.shape_cast %broadcast_in_dim3A : vector<16xi32> to vector<16x1xi32>
          %gather3A = vector.shape_cast %broadcast_in_dim3A_234 : vector<16x1xi32> to vector<16xi32>
          %gather3A_235 = tpu.dynamic_gather %get3A_220[%gather3A] in [0] : vector<16xf32>, vector<16xi32> -> vector<16xf32>
          %get3A_236 = arith.constant 0 : i32
          %get3A_237 = arith.index_cast %get3A_236 : i32 to index
          %get3A_238 = arith.index_cast %add3A_233 : i32 to index
          %get3A_239 = arith.constant 0 : index
          %get3A_240 = tpu.vector_load %arg10[%get3A_237, %get3A_238, %get3A_239] {strides = array<i32>} : memref<2x128x128xf32, #tpu.memory_space<vmem>>, vector<16xf32>,
          %mul3A_241 = arith.mulf %get3A_240, %gather3A_235 : vector<16xf32>
          %swap3A = arith.constant 0 : i32
          %swap3A_242 = arith.index_cast %swap3A : i32 to index
          %swap3A_243 = arith.index_cast %add3A_233 : i32 to index
          %swap3A_244 = arith.constant 0 : index
          %swap3A_245 = tpu.vector_load %arg10[%swap3A_242, %swap3A_243, %swap3A_244] {strides = array<i32>} : memref<2x128x128xf32, #tpu.memory_space<vmem>>, vector<16xf32>,
          tpu.vector_store %arg10[%swap3A_242, %swap3A_243, %swap3A_244], %mul3A_241 {strides = array<i32>} : memref<2x128x128xf32, #tpu.memory_space<vmem>>, vector<16xf32>,
          %get3A_246 = arith.constant 0 : i32
          %get3A_247 = arith.index_cast %get3A_246 : i32 to index
          %get3A_248 = arith.index_cast %add3A_233 : i32 to index
          %get3A_249 = arith.constant 16 : index
          %get3A_250 = tpu.vector_load %arg10[%get3A_247, %get3A_248, %get3A_249] {strides = array<i32>} : memref<2x128x128xf32, #tpu.memory_space<vmem>>, vector<16xf32>,
          %mul3A_251 = arith.mulf %get3A_250, %gather3A_235 : vector<16xf32>
          %swap3A_252 = arith.constant 0 : i32
          %swap3A_253 = arith.index_cast %swap3A_252 : i32 to index
          %swap3A_254 = arith.index_cast %add3A_233 : i32 to index
          %swap3A_255 = arith.constant 16 : index
          %swap3A_256 = tpu.vector_load %arg10[%swap3A_253, %swap3A_254, %swap3A_255] {strides = array<i32>} : memref<2x128x128xf32, #tpu.memory_space<vmem>>, vector<16xf32>,
          tpu.vector_store %arg10[%swap3A_253, %swap3A_254, %swap3A_255], %mul3A_251 {strides = array<i32>} : memref<2x128x128xf32, #tpu.memory_space<vmem>>, vector<16xf32>,
          %get3A_257 = arith.constant 0 : i32
          %get3A_258 = arith.index_cast %get3A_257 : i32 to index
          %get3A_259 = arith.index_cast %add3A_233 : i32 to index
          %get3A_260 = arith.constant 32 : index
          %get3A_261 = tpu.vector_load %arg10[%get3A_258, %get3A_259, %get3A_260] {strides = array<i32>} : memref<2x128x128xf32, #tpu.memory_space<vmem>>, vector<16xf32>,
          %mul3A_262 = arith.mulf %get3A_261, %gather3A_235 : vector<16xf32>
          %swap3A_263 = arith.constant 0 : i32
          %swap3A_264 = arith.index_cast %swap3A_263 : i32 to index
          %swap3A_265 = arith.index_cast %add3A_233 : i32 to index
          %swap3A_266 = arith.constant 32 : index
          %swap3A_267 = tpu.vector_load %arg10[%swap3A_264, %swap3A_265, %swap3A_266] {strides = array<i32>} : memref<2x128x128xf32, #tpu.memory_space<vmem>>, vector<16xf32>,
          tpu.vector_store %arg10[%swap3A_264, %swap3A_265, %swap3A_266], %mul3A_262 {strides = array<i32>} : memref<2x128x128xf32, #tpu.memory_space<vmem>>, vector<16xf32>,
          %get3A_268 = arith.constant 0 : i32
          %get3A_269 = arith.index_cast %get3A_268 : i32 to index
          %get3A_270 = arith.index_cast %add3A_233 : i32 to index
          %get3A_271 = arith.constant 48 : index
          %get3A_272 = tpu.vector_load %arg10[%get3A_269, %get3A_270, %get3A_271] {strides = array<i32>} : memref<2x128x128xf32, #tpu.memory_space<vmem>>, vector<16xf32>,
          %mul3A_273 = arith.mulf %get3A_272, %gather3A_235 : vector<16xf32>
          %swap3A_274 = arith.constant 0 : i32
          %swap3A_275 = arith.index_cast %swap3A_274 : i32 to index
          %swap3A_276 = arith.index_cast %add3A_233 : i32 to index
          %swap3A_277 = arith.constant 48 : index
          %swap3A_278 = tpu.vector_load %arg10[%swap3A_275, %swap3A_276, %swap3A_277] {strides = array<i32>} : memref<2x128x128xf32, #tpu.memory_space<vmem>>, vector<16xf32>,
          tpu.vector_store %arg10[%swap3A_275, %swap3A_276, %swap3A_277], %mul3A_273 {strides = array<i32>} : memref<2x128x128xf32, #tpu.memory_space<vmem>>, vector<16xf32>,
          %get3A_279 = arith.constant 0 : i32
          %get3A_280 = arith.index_cast %get3A_279 : i32 to index
          %get3A_281 = arith.index_cast %add3A_233 : i32 to index
          %get3A_282 = arith.constant 64 : index
          %get3A_283 = tpu.vector_load %arg10[%get3A_280, %get3A_281, %get3A_282] {strides = array<i32>} : memref<2x128x128xf32, #tpu.memory_space<vmem>>, vector<16xf32>,
          %mul3A_284 = arith.mulf %get3A_283, %gather3A_235 : vector<16xf32>
          %swap3A_285 = arith.constant 0 : i32
          %swap3A_286 = arith.index_cast %swap3A_285 : i32 to index
          %swap3A_287 = arith.index_cast %add3A_233 : i32 to index
          %swap3A_288 = arith.constant 64 : index
          %swap3A_289 = tpu.vector_load %arg10[%swap3A_286, %swap3A_287, %swap3A_288] {strides = array<i32>} : memref<2x128x128xf32, #tpu.memory_space<vmem>>, vector<16xf32>,
          tpu.vector_store %arg10[%swap3A_286, %swap3A_287, %swap3A_288], %mul3A_284 {strides = array<i32>} : memref<2x128x128xf32, #tpu.memory_space<vmem>>, vector<16xf32>,
          %get3A_290 = arith.constant 0 : i32
          %get3A_291 = arith.index_cast %get3A_290 : i32 to index
          %get3A_292 = arith.index_cast %add3A_233 : i32 to index
          %get3A_293 = arith.constant 80 : index
          %get3A_294 = tpu.vector_load %arg10[%get3A_291, %get3A_292, %get3A_293] {strides = array<i32>} : memref<2x128x128xf32, #tpu.memory_space<vmem>>, vector<16xf32>,
          %mul3A_295 = arith.mulf %get3A_294, %gather3A_235 : vector<16xf32>
          %swap3A_296 = arith.constant 0 : i32
          %swap3A_297 = arith.index_cast %swap3A_296 : i32 to index
          %swap3A_298 = arith.index_cast %add3A_233 : i32 to index
          %swap3A_299 = arith.constant 80 : index
          %swap3A_300 = tpu.vector_load %arg10[%swap3A_297, %swap3A_298, %swap3A_299] {strides = array<i32>} : memref<2x128x128xf32, #tpu.memory_space<vmem>>, vector<16xf32>,
          tpu.vector_store %arg10[%swap3A_297, %swap3A_298, %swap3A_299], %mul3A_295 {strides = array<i32>} : memref<2x128x128xf32, #tpu.memory_space<vmem>>, vector<16xf32>,
          %get3A_301 = arith.constant 0 : i32
          %get3A_302 = arith.index_cast %get3A_301 : i32 to index
          %get3A_303 = arith.index_cast %add3A_233 : i32 to index
          %get3A_304 = arith.constant 96 : index
          %get3A_305 = tpu.vector_load %arg10[%get3A_302, %get3A_303, %get3A_304] {strides = array<i32>} : memref<2x128x128xf32, #tpu.memory_space<vmem>>, vector<16xf32>,
          %mul3A_306 = arith.mulf %get3A_305, %gather3A_235 : vector<16xf32>
          %swap3A_307 = arith.constant 0 : i32
          %swap3A_308 = arith.index_cast %swap3A_307 : i32 to index
          %swap3A_309 = arith.index_cast %add3A_233 : i32 to index
          %swap3A_310 = arith.constant 96 : index
          %swap3A_311 = tpu.vector_load %arg10[%swap3A_308, %swap3A_309, %swap3A_310] {strides = array<i32>} : memref<2x128x128xf32, #tpu.memory_space<vmem>>, vector<16xf32>,
          tpu.vector_store %arg10[%swap3A_308, %swap3A_309, %swap3A_310], %mul3A_306 {strides = array<i32>} : memref<2x128x128xf32, #tpu.memory_space<vmem>>, vector<16xf32>,
          %get3A_312 = arith.constant 0 : i32
          %get3A_313 = arith.index_cast %get3A_312 : i32 to index
          %get3A_314 = arith.index_cast %add3A_233 : i32 to index
          %get3A_315 = arith.constant 112 : index
          %get3A_316 = tpu.vector_load %arg10[%get3A_313, %get3A_314, %get3A_315] {strides = array<i32>} : memref<2x128x128xf32, #tpu.memory_space<vmem>>, vector<16xf32>,
          %mul3A_317 = arith.mulf %get3A_316, %gather3A_235 : vector<16xf32>
          %swap3A_318 = arith.constant 0 : i32
          %swap3A_319 = arith.index_cast %swap3A_318 : i32 to index
          %swap3A_320 = arith.index_cast %add3A_233 : i32 to index
          %swap3A_321 = arith.constant 112 : index
          %swap3A_322 = tpu.vector_load %arg10[%swap3A_319, %swap3A_320, %swap3A_321] {strides = array<i32>} : memref<2x128x128xf32, #tpu.memory_space<vmem>>, vector<16xf32>,
          tpu.vector_store %arg10[%swap3A_319, %swap3A_320, %swap3A_321], %mul3A_317 {strides = array<i32>} : memref<2x128x128xf32, #tpu.memory_space<vmem>>, vector<16xf32>,
          %scan3A_323 = arith.constant 0 : i32
          scf.yield %scan3A_323 : i32
        }
        %scan3A_227 = arith.constant 16 : i32
        %scan3A_228 = arith.constant 0 : i32
        scf.yield %scan3A_228 : i32
      }
      %scan3A_142 = arith.constant 8 : i32
      %dma_start3A_143 = arith.constant 0 : i32
      %dma_start3A_144 = arith.constant 0 : i32
      %dma_start3A_145 = arith.constant 0 : i32
      %dma_start3A_146 = tpu.memref_slice %arg10[%dma_start3A_143, %dma_start3A_144, %dma_start3A_145] : memref<2x128x128xf32, #tpu.memory_space<vmem>> -> memref<1x128x128xf32, #tpu.memory_space<vmem>>
      %dma_start3A_147 = tpu.memref_squeeze %dma_start3A_146 : memref<1x128x128xf32, #tpu.memory_space<vmem>> -> memref<128x128xf32, #tpu.memory_space<vmem>>
      %dma_start3A_148 = arith.constant 0 : i32
      %dma_start3A_149 = tpu.memref_slice %arg8[%and3A_106, %and3A_108, %dma_start3A_148] : memref<2x8x128xi32, #tpu.memory_space<vmem>> -> memref<1x1x128xi32, #tpu.memory_space<vmem>>
      %dma_start3A_150 = tpu.memref_squeeze %dma_start3A_149 : memref<1x1x128xi32, #tpu.memory_space<vmem>> -> memref<128xi32, #tpu.memory_space<vmem>>
      %dma_start3A_151 = arith.constant 0 : i32
      %dma_start3A_152 = arith.constant 0 : i32
      %dma_start3A_153 = tpu.memref_slice %arg11[%dma_start3A_151, %dma_start3A_152] : memref<10240x128xf32, #tpu.memory_space<vmem_shared>> -> memref<10240x128xf32, #tpu.memory_space<vmem_shared>>
      tpu.enqueue_indirect_dma source(%dma_start3A_147 : memref<128x128xf32, #tpu.memory_space<vmem>>) target(%dma_start3A_153 : memref<10240x128xf32, #tpu.memory_space<vmem_shared>>) offsets(%dma_start3A_150 : memref<128xi32, #tpu.memory_space<vmem>>) semaphore(%arg14 : memref<!tpu.dma_semaphore, #tpu.memory_space<semaphore_mem>>) {add = true}
      %mul3A_154 = arith.constant 2 : i32
      %mul3A_155 = arith.muli %mul3A_154, %while3A_100 : i32
      %add3A_156 = arith.constant 1 : i32
      %add3A_157 = arith.addi %mul3A_155, %add3A_156 : i32
      %shift_right_arithmetic3A_158 = arith.constant 3 : i32
      %shift_right_arithmetic3A_159 = arith.shrsi %add3A_157, %shift_right_arithmetic3A_158 : i32
      %and3A_160 = arith.constant 1 : i32
      %and3A_161 = arith.andi %shift_right_arithmetic3A_159, %and3A_160 : i32
      %and3A_162 = arith.constant 7 : i32
      %and3A_163 = arith.andi %add3A_157, %and3A_162 : i32
      %dma_wait3A_164 = arith.constant 1 : i32
      %dma_wait3A_165 = arith.constant 0 : i32
      %dma_wait3A_166 = arith.constant 0 : i32
      %dma_wait3A_167 = tpu.memref_slice %arg10[%dma_wait3A_164, %dma_wait3A_165, %dma_wait3A_166] : memref<2x128x128xf32, #tpu.memory_space<vmem>> -> memref<1x128x128xf32, #tpu.memory_space<vmem>>
      %dma_wait3A_168 = tpu.memref_squeeze %dma_wait3A_167 : memref<1x128x128xf32, #tpu.memory_space<vmem>> -> memref<128x128xf32, #tpu.memory_space<vmem>>
      %dma_wait3A_169 = arith.constant 0 : i32
      %dma_wait3A_170 = tpu.memref_slice %arg7[%and3A_161, %and3A_163, %dma_wait3A_169] : memref<2x8x128xi32, #tpu.memory_space<vmem>> -> memref<1x1x128xi32, #tpu.memory_space<vmem>>
      %dma_wait3A_171 = tpu.memref_squeeze %dma_wait3A_170 : memref<1x1x128xi32, #tpu.memory_space<vmem>> -> memref<128xi32, #tpu.memory_space<vmem>>
      %dma_wait3A_172 = arith.constant 0 : i32
      %dma_wait3A_173 = arith.constant 0 : i32
      %dma_wait3A_174 = tpu.memref_slice %arg2[%dma_wait3A_172, %dma_wait3A_173] : memref<10240x128xf32, #tpu.memory_space<hbm>> -> memref<10240x128xf32, #tpu.memory_space<hbm>>
      tpu.wait_indirect_dma semaphore(%arg13 : memref<!tpu.dma_semaphore, #tpu.memory_space<semaphore_mem>>) src(%dma_wait3A_174 : memref<10240x128xf32, #tpu.memory_space<hbm>>) dst(%dma_wait3A_168 : memref<128x128xf32, #tpu.memory_space<vmem>>)
      %ge3A_175 = arith.constant 1 : i32
      %ge3A_176 = arith.cmpi sge, %add3A_157, %ge3A_175 : i32
      %convert_element_type3A_177 = arith.extui %ge3A_176 : i1 to i32
      %cond3A_178 = arith.constant 0 : i32
      %cond3A_179 = arith.cmpi ne, %convert_element_type3A_177, %cond3A_178 : i32
      scf.if %cond3A_179 {
        %dma_wait3A_214 = arith.constant 0 : i32
        %dma_wait3A_215 = arith.constant 0 : i32
        %dma_wait3A_216 = arith.constant 0 : i32
        %dma_wait3A_217 = arith.constant 0 : i32
        %dma_wait3A_218 = arith.constant 0 : i32
        %dma_wait3A_219 = tpu.memref_slice %arg10[%dma_wait3A_214, %dma_wait3A_217, %dma_wait3A_218] : memref<2x128x128xf32, #tpu.memory_space<vmem>> -> memref<1x128x128xf32, #tpu.memory_space<vmem>>
        %dma_wait3A_220 = tpu.memref_squeeze %dma_wait3A_219 : memref<1x128x128xf32, #tpu.memory_space<vmem>> -> memref<128x128xf32, #tpu.memory_space<vmem>>
        %dma_wait3A_221 = arith.constant 0 : i32
        %dma_wait3A_222 = tpu.memref_slice %arg8[%dma_wait3A_215, %dma_wait3A_216, %dma_wait3A_221] : memref<2x8x128xi32, #tpu.memory_space<vmem>> -> memref<1x1x128xi32, #tpu.memory_space<vmem>>
        %dma_wait3A_223 = tpu.memref_squeeze %dma_wait3A_222 : memref<1x1x128xi32, #tpu.memory_space<vmem>> -> memref<128xi32, #tpu.memory_space<vmem>>
        %dma_wait3A_224 = arith.constant 0 : i32
        %dma_wait3A_225 = arith.constant 0 : i32
        %dma_wait3A_226 = tpu.memref_slice %arg11[%dma_wait3A_224, %dma_wait3A_225] : memref<10240x128xf32, #tpu.memory_space<vmem_shared>> -> memref<10240x128xf32, #tpu.memory_space<vmem_shared>>
        tpu.wait_indirect_dma semaphore(%arg14 : memref<!tpu.dma_semaphore, #tpu.memory_space<semaphore_mem>>) src(%dma_wait3A_220 : memref<128x128xf32, #tpu.memory_space<vmem>>) dst(%dma_wait3A_226 : memref<10240x128xf32, #tpu.memory_space<vmem_shared>>)
      } else {
      }
      %eq3A_180 = arith.constant 7 : i32
      %eq3A_181 = arith.cmpi eq, %and3A_163, %eq3A_180 : i32
      %add3A_182 = arith.constant 1 : i32
      %add3A_183 = arith.addi %add3A_157, %add3A_182 : i32
      %lt3A_184 = arith.cmpi slt, %add3A_183, %select_n3A : i32
      %and3A_185 = arith.andi %eq3A_181, %lt3A_184 : i1
      %convert_element_type3A_186 = arith.extui %and3A_185 : i1 to i32
      %cond3A_187 = arith.constant 0 : i32
      %cond3A_188 = arith.cmpi ne, %convert_element_type3A_186, %cond3A_187 : i32
      scf.if %cond3A_188 {
        %add3A_214 = arith.constant 1 : i32
        %add3A_215 = arith.addi %add3A_157, %add3A_214 : i32
        %shift_right_arithmetic3A_216 = arith.constant 3 : i32
        %shift_right_arithmetic3A_217 = arith.shrsi %add3A_215, %shift_right_arithmetic3A_216 : i32
        %and3A_218 = arith.constant 1 : i32
        %and3A_219 = arith.andi %shift_right_arithmetic3A_217, %and3A_218 : i32
        %mul3A_220 = arith.constant 8 : i32
        %mul3A_221 = arith.muli %shift_right_arithmetic3A_217, %mul3A_220 : i32
        %add3A_222 = arith.addi %select_n3A_8, %mul3A_221 : i32
        "tpu.region"() ({
          %run_scoped3A_223 = tpu.sem_alloc : memref<!tpu.dma_semaphore, #tpu.memory_space<semaphore_mem>>
          %dma_start3A_224 = arith.constant 0 : i32
          %dma_start3A_225 = arith.constant 0 : i32
          %dma_start3A_226 = tpu.memref_slice %arg7[%and3A_219, %dma_start3A_224, %dma_start3A_225] : memref<2x8x128xi32, #tpu.memory_space<vmem>> -> memref<1x8x128xi32, #tpu.memory_space<vmem>>
          %dma_start3A_227 = tpu.memref_squeeze %dma_start3A_226 : memref<1x8x128xi32, #tpu.memory_space<vmem>> -> memref<8x128xi32, #tpu.memory_space<vmem>>
          %dma_start3A_228 = arith.constant 0 : i32
          %dma_start3A_229 = tpu.memref_slice %arg3[%add3A_222, %dma_start3A_228] : memref<2560x128xi32, #tpu.memory_space<hbm>> -> memref<8x128xi32, #tpu.memory_space<hbm>>
          %dma_start3A_230 = arith.constant 0 : i32
          %dma_start3A_231 = arith.constant 0 : i32
          %dma_start3A_232 = tpu.memref_slice %arg7[%and3A_219, %dma_start3A_230, %dma_start3A_231] : memref<2x8x128xi32, #tpu.memory_space<vmem>> -> memref<1x8x128xi32, #tpu.memory_space<vmem>>
          %dma_start3A_233 = tpu.memref_squeeze %dma_start3A_232 : memref<1x8x128xi32, #tpu.memory_space<vmem>> -> memref<8x128xi32, #tpu.memory_space<vmem>>
          %dma_start3A_234 = arith.constant 0 : i32
          %dma_start3A_235 = tpu.memref_slice %arg3[%add3A_222, %dma_start3A_234] : memref<2560x128xi32, #tpu.memory_space<hbm>> -> memref<8x128xi32, #tpu.memory_space<hbm>>
          tpu.enqueue_dma source(%dma_start3A_235 : memref<8x128xi32, #tpu.memory_space<hbm>>) target(%dma_start3A_233 : memref<8x128xi32, #tpu.memory_space<vmem>>) target_semaphore(%run_scoped3A_223 : memref<!tpu.dma_semaphore, #tpu.memory_space<semaphore_mem>>)
          %dma_wait3A_236 = arith.constant 0 : i32
          %dma_wait3A_237 = arith.constant 0 : i32
          %dma_wait3A_238 = tpu.memref_slice %arg7[%and3A_219, %dma_wait3A_236, %dma_wait3A_237] : memref<2x8x128xi32, #tpu.memory_space<vmem>> -> memref<1x8x128xi32, #tpu.memory_space<vmem>>
          %dma_wait3A_239 = tpu.memref_squeeze %dma_wait3A_238 : memref<1x8x128xi32, #tpu.memory_space<vmem>> -> memref<8x128xi32, #tpu.memory_space<vmem>>
          %dma_wait3A_240 = arith.constant 0 : i32
          %dma_wait3A_241 = tpu.memref_slice %arg3[%add3A_222, %dma_wait3A_240] : memref<2560x128xi32, #tpu.memory_space<hbm>> -> memref<8x128xi32, #tpu.memory_space<hbm>>
          %dma_wait3A_242 = arith.constant 0 : i32
          %dma_wait3A_243 = arith.constant 0 : i32
          %dma_wait3A_244 = tpu.memref_slice %arg7[%and3A_219, %dma_wait3A_242, %dma_wait3A_243] : memref<2x8x128xi32, #tpu.memory_space<vmem>> -> memref<1x8x128xi32, #tpu.memory_space<vmem>>
          %dma_wait3A_245 = tpu.memref_squeeze %dma_wait3A_244 : memref<1x8x128xi32, #tpu.memory_space<vmem>> -> memref<8x128xi32, #tpu.memory_space<vmem>>
          %dma_wait3A_246 = arith.constant 0 : i32
          %dma_wait3A_247 = tpu.memref_slice %arg3[%add3A_222, %dma_wait3A_246] : memref<2560x128xi32, #tpu.memory_space<hbm>> -> memref<8x128xi32, #tpu.memory_space<hbm>>
          tpu.wait_dma2 semaphore(%run_scoped3A_223 : memref<!tpu.dma_semaphore, #tpu.memory_space<semaphore_mem>>) src(%dma_wait3A_247 : memref<8x128xi32, #tpu.memory_space<hbm>>) dst(%dma_wait3A_245 : memref<8x128xi32, #tpu.memory_space<vmem>>)
          tpu.yield
        }) : () -> ()
        "tpu.region"() ({
          %run_scoped3A_223 = tpu.sem_alloc : memref<!tpu.dma_semaphore, #tpu.memory_space<semaphore_mem>>
          %dma_start3A_224 = arith.constant 0 : i32
          %dma_start3A_225 = arith.constant 0 : i32
          %dma_start3A_226 = tpu.memref_slice %arg8[%and3A_219, %dma_start3A_224, %dma_start3A_225] : memref<2x8x128xi32, #tpu.memory_space<vmem>> -> memref<1x8x128xi32, #tpu.memory_space<vmem>>
          %dma_start3A_227 = tpu.memref_squeeze %dma_start3A_226 : memref<1x8x128xi32, #tpu.memory_space<vmem>> -> memref<8x128xi32, #tpu.memory_space<vmem>>
          %dma_start3A_228 = arith.constant 0 : i32
          %dma_start3A_229 = tpu.memref_slice %arg4[%add3A_222, %dma_start3A_228] : memref<2560x128xi32, #tpu.memory_space<hbm>> -> memref<8x128xi32, #tpu.memory_space<hbm>>
          %dma_start3A_230 = arith.constant 0 : i32
          %dma_start3A_231 = arith.constant 0 : i32
          %dma_start3A_232 = tpu.memref_slice %arg8[%and3A_219, %dma_start3A_230, %dma_start3A_231] : memref<2x8x128xi32, #tpu.memory_space<vmem>> -> memref<1x8x128xi32, #tpu.memory_space<vmem>>
          %dma_start3A_233 = tpu.memref_squeeze %dma_start3A_232 : memref<1x8x128xi32, #tpu.memory_space<vmem>> -> memref<8x128xi32, #tpu.memory_space<vmem>>
          %dma_start3A_234 = arith.constant 0 : i32
          %dma_start3A_235 = tpu.memref_slice %arg4[%add3A_222, %dma_start3A_234] : memref<2560x128xi32, #tpu.memory_space<hbm>> -> memref<8x128xi32, #tpu.memory_space<hbm>>
          tpu.enqueue_dma source(%dma_start3A_235 : memref<8x128xi32, #tpu.memory_space<hbm>>) target(%dma_start3A_233 : memref<8x128xi32, #tpu.memory_space<vmem>>) target_semaphore(%run_scoped3A_223 : memref<!tpu.dma_semaphore, #tpu.memory_space<semaphore_mem>>)
          %dma_wait3A_236 = arith.constant 0 : i32
          %dma_wait3A_237 = arith.constant 0 : i32
          %dma_wait3A_238 = tpu.memref_slice %arg8[%and3A_219, %dma_wait3A_236, %dma_wait3A_237] : memref<2x8x128xi32, #tpu.memory_space<vmem>> -> memref<1x8x128xi32, #tpu.memory_space<vmem>>
          %dma_wait3A_239 = tpu.memref_squeeze %dma_wait3A_238 : memref<1x8x128xi32, #tpu.memory_space<vmem>> -> memref<8x128xi32, #tpu.memory_space<vmem>>
          %dma_wait3A_240 = arith.constant 0 : i32
          %dma_wait3A_241 = tpu.memref_slice %arg4[%add3A_222, %dma_wait3A_240] : memref<2560x128xi32, #tpu.memory_space<hbm>> -> memref<8x128xi32, #tpu.memory_space<hbm>>
          %dma_wait3A_242 = arith.constant 0 : i32
          %dma_wait3A_243 = arith.constant 0 : i32
          %dma_wait3A_244 = tpu.memref_slice %arg8[%and3A_219, %dma_wait3A_242, %dma_wait3A_243] : memref<2x8x128xi32, #tpu.memory_space<vmem>> -> memref<1x8x128xi32, #tpu.memory_space<vmem>>
          %dma_wait3A_245 = tpu.memref_squeeze %dma_wait3A_244 : memref<1x8x128xi32, #tpu.memory_space<vmem>> -> memref<8x128xi32, #tpu.memory_space<vmem>>
          %dma_wait3A_246 = arith.constant 0 : i32
          %dma_wait3A_247 = tpu.memref_slice %arg4[%add3A_222, %dma_wait3A_246] : memref<2560x128xi32, #tpu.memory_space<hbm>> -> memref<8x128xi32, #tpu.memory_space<hbm>>
          tpu.wait_dma2 semaphore(%run_scoped3A_223 : memref<!tpu.dma_semaphore, #tpu.memory_space<semaphore_mem>>) src(%dma_wait3A_247 : memref<8x128xi32, #tpu.memory_space<hbm>>) dst(%dma_wait3A_245 : memref<8x128xi32, #tpu.memory_space<vmem>>)
          tpu.yield
        }) : () -> ()
        "tpu.region"() ({
          %run_scoped3A_223 = tpu.sem_alloc : memref<!tpu.dma_semaphore, #tpu.memory_space<semaphore_mem>>
          %dma_start3A_224 = arith.constant 0 : i32
          %dma_start3A_225 = arith.constant 0 : i32
          %dma_start3A_226 = tpu.memref_slice %arg9[%and3A_219, %dma_start3A_224, %dma_start3A_225] : memref<2x8x128xf32, #tpu.memory_space<vmem>> -> memref<1x8x128xf32, #tpu.memory_space<vmem>>
          %dma_start3A_227 = tpu.memref_squeeze %dma_start3A_226 : memref<1x8x128xf32, #tpu.memory_space<vmem>> -> memref<8x128xf32, #tpu.memory_space<vmem>>
          %dma_start3A_228 = arith.constant 0 : i32
          %dma_start3A_229 = tpu.memref_slice %arg5[%add3A_222, %dma_start3A_228] : memref<2560x128xf32, #tpu.memory_space<hbm>> -> memref<8x128xf32, #tpu.memory_space<hbm>>
          %dma_start3A_230 = arith.constant 0 : i32
          %dma_start3A_231 = arith.constant 0 : i32
          %dma_start3A_232 = tpu.memref_slice %arg9[%and3A_219, %dma_start3A_230, %dma_start3A_231] : memref<2x8x128xf32, #tpu.memory_space<vmem>> -> memref<1x8x128xf32, #tpu.memory_space<vmem>>
          %dma_start3A_233 = tpu.memref_squeeze %dma_start3A_232 : memref<1x8x128xf32, #tpu.memory_space<vmem>> -> memref<8x128xf32, #tpu.memory_space<vmem>>
          %dma_start3A_234 = arith.constant 0 : i32
          %dma_start3A_235 = tpu.memref_slice %arg5[%add3A_222, %dma_start3A_234] : memref<2560x128xf32, #tpu.memory_space<hbm>> -> memref<8x128xf32, #tpu.memory_space<hbm>>
          tpu.enqueue_dma source(%dma_start3A_235 : memref<8x128xf32, #tpu.memory_space<hbm>>) target(%dma_start3A_233 : memref<8x128xf32, #tpu.memory_space<vmem>>) target_semaphore(%run_scoped3A_223 : memref<!tpu.dma_semaphore, #tpu.memory_space<semaphore_mem>>)
          %dma_wait3A_236 = arith.constant 0 : i32
          %dma_wait3A_237 = arith.constant 0 : i32
          %dma_wait3A_238 = tpu.memref_slice %arg9[%and3A_219, %dma_wait3A_236, %dma_wait3A_237] : memref<2x8x128xf32, #tpu.memory_space<vmem>> -> memref<1x8x128xf32, #tpu.memory_space<vmem>>
          %dma_wait3A_239 = tpu.memref_squeeze %dma_wait3A_238 : memref<1x8x128xf32, #tpu.memory_space<vmem>> -> memref<8x128xf32, #tpu.memory_space<vmem>>
          %dma_wait3A_240 = arith.constant 0 : i32
          %dma_wait3A_241 = tpu.memref_slice %arg5[%add3A_222, %dma_wait3A_240] : memref<2560x128xf32, #tpu.memory_space<hbm>> -> memref<8x128xf32, #tpu.memory_space<hbm>>
          %dma_wait3A_242 = arith.constant 0 : i32
          %dma_wait3A_243 = arith.constant 0 : i32
          %dma_wait3A_244 = tpu.memref_slice %arg9[%and3A_219, %dma_wait3A_242, %dma_wait3A_243] : memref<2x8x128xf32, #tpu.memory_space<vmem>> -> memref<1x8x128xf32, #tpu.memory_space<vmem>>
          %dma_wait3A_245 = tpu.memref_squeeze %dma_wait3A_244 : memref<1x8x128xf32, #tpu.memory_space<vmem>> -> memref<8x128xf32, #tpu.memory_space<vmem>>
          %dma_wait3A_246 = arith.constant 0 : i32
          %dma_wait3A_247 = tpu.memref_slice %arg5[%add3A_222, %dma_wait3A_246] : memref<2560x128xf32, #tpu.memory_space<hbm>> -> memref<8x128xf32, #tpu.memory_space<hbm>>
          tpu.wait_dma2 semaphore(%run_scoped3A_223 : memref<!tpu.dma_semaphore, #tpu.memory_space<semaphore_mem>>) src(%dma_wait3A_247 : memref<8x128xf32, #tpu.memory_space<hbm>>) dst(%dma_wait3A_245 : memref<8x128xf32, #tpu.memory_space<vmem>>)
          tpu.yield
        }) : () -> ()
      } else {
      }
      %add3A_189 = arith.constant 1 : i32
      %add3A_190 = arith.addi %add3A_157, %add3A_189 : i32
      %lt3A_191 = arith.cmpi slt, %add3A_190, %select_n3A : i32
      %convert_element_type3A_192 = arith.extui %lt3A_191 : i1 to i32
      %cond3A_193 = arith.constant 0 : i32
      %cond3A_194 = arith.cmpi ne, %convert_element_type3A_192, %cond3A_193 : i32
      scf.if %cond3A_194 {
        %add3A_214 = arith.constant 1 : i32
        %add3A_215 = arith.addi %add3A_157, %add3A_214 : i32
        %shift_right_arithmetic3A_216 = arith.constant 3 : i32
        %shift_right_arithmetic3A_217 = arith.shrsi %add3A_215, %shift_right_arithmetic3A_216 : i32
        %and3A_218 = arith.constant 1 : i32
        %and3A_219 = arith.andi %shift_right_arithmetic3A_217, %and3A_218 : i32
        %and3A_220 = arith.constant 7 : i32
        %and3A_221 = arith.andi %add3A_215, %and3A_220 : i32
        %dma_start3A_222 = arith.constant 0 : i32
        %dma_start3A_223 = arith.constant 0 : i32
        %dma_start3A_224 = arith.constant 0 : i32
        %dma_start3A_225 = tpu.memref_slice %arg10[%dma_start3A_222, %dma_start3A_223, %dma_start3A_224] : memref<2x128x128xf32, #tpu.memory_space<vmem>> -> memref<1x128x128xf32, #tpu.memory_space<vmem>>
        %dma_start3A_226 = tpu.memref_squeeze %dma_start3A_225 : memref<1x128x128xf32, #tpu.memory_space<vmem>> -> memref<128x128xf32, #tpu.memory_space<vmem>>
        %dma_start3A_227 = arith.constant 0 : i32
        %dma_start3A_228 = tpu.memref_slice %arg7[%and3A_219, %and3A_221, %dma_start3A_227] : memref<2x8x128xi32, #tpu.memory_space<vmem>> -> memref<1x1x128xi32, #tpu.memory_space<vmem>>
        %dma_start3A_229 = tpu.memref_squeeze %dma_start3A_228 : memref<1x1x128xi32, #tpu.memory_space<vmem>> -> memref<128xi32, #tpu.memory_space<vmem>>
        %dma_start3A_230 = arith.constant 0 : i32
        %dma_start3A_231 = arith.constant 0 : i32
        %dma_start3A_232 = tpu.memref_slice %arg2[%dma_start3A_230, %dma_start3A_231] : memref<10240x128xf32, #tpu.memory_space<hbm>> -> memref<10240x128xf32, #tpu.memory_space<hbm>>
        tpu.enqueue_indirect_dma source(%dma_start3A_232 : memref<10240x128xf32, #tpu.memory_space<hbm>>) target(%dma_start3A_226 : memref<128x128xf32, #tpu.memory_space<vmem>>) offsets(%dma_start3A_229 : memref<128xi32, #tpu.memory_space<vmem>>) semaphore(%arg12 : memref<!tpu.dma_semaphore, #tpu.memory_space<semaphore_mem>>)
      } else {
      }
      %scan3A_195 = arith.constant 0 : i32
      %scan3A_196 = arith.constant 0 : i32
      %scan3A_197 = arith.constant 8 : i32
      %scan3A_198 = arith.addi %scan3A_196, %scan3A_197 : i32
      %scan3A_199 = arith.constant 1 : i32
      %scan3A_200 = scf.for %scan3A_214 = %scan3A_196 to %scan3A_198 step %scan3A_199 iter_args(%scan3A_215 = %scan3A_195) -> (i32)  : i32 {
        %mul3A_216 = arith.constant 16 : i32
        %mul3A_217 = arith.muli %scan3A_214, %mul3A_216 : i32
        %get3A = arith.index_cast %and3A_161 : i32 to index
        %get3A_218 = arith.index_cast %and3A_163 : i32 to index
        %get3A_219 = arith.index_cast %mul3A_217 : i32 to index
        %get3A_220 = tpu.vector_load %arg9[%get3A, %get3A_218, %get3A_219] {strides = array<i32>} : memref<2x8x128xf32, #tpu.memory_space<vmem>>, vector<16xf32>,
        %scan3A_221 = arith.constant 0 : i32
        %scan3A_222 = arith.constant 0 : i32
        %scan3A_223 = arith.constant 16 : i32
        %scan3A_224 = arith.addi %scan3A_222, %scan3A_223 : i32
        %scan3A_225 = arith.constant 1 : i32
        %scan3A_226 = scf.for %scan3A_229 = %scan3A_222 to %scan3A_224 step %scan3A_225 iter_args(%scan3A_230 = %scan3A_221) -> (i32)  : i32 {
          %mul3A_231 = arith.constant 16 : i32
          %mul3A_232 = arith.muli %scan3A_214, %mul3A_231 : i32
          %add3A_233 = arith.addi %mul3A_232, %scan3A_229 : i32
          %broadcast_in_dim3A = vector.broadcast %scan3A_229 : i32 to vector<16xi32>
          %broadcast_in_dim3A_234 = vector.shape_cast %broadcast_in_dim3A : vector<16xi32> to vector<16x1xi32>
          %gather3A = vector.shape_cast %broadcast_in_dim3A_234 : vector<16x1xi32> to vector<16xi32>
          %gather3A_235 = tpu.dynamic_gather %get3A_220[%gather3A] in [0] : vector<16xf32>, vector<16xi32> -> vector<16xf32>
          %get3A_236 = arith.constant 1 : i32
          %get3A_237 = arith.index_cast %get3A_236 : i32 to index
          %get3A_238 = arith.index_cast %add3A_233 : i32 to index
          %get3A_239 = arith.constant 0 : index
          %get3A_240 = tpu.vector_load %arg10[%get3A_237, %get3A_238, %get3A_239] {strides = array<i32>} : memref<2x128x128xf32, #tpu.memory_space<vmem>>, vector<16xf32>,
          %mul3A_241 = arith.mulf %get3A_240, %gather3A_235 : vector<16xf32>
          %swap3A = arith.constant 1 : i32
          %swap3A_242 = arith.index_cast %swap3A : i32 to index
          %swap3A_243 = arith.index_cast %add3A_233 : i32 to index
          %swap3A_244 = arith.constant 0 : index
          %swap3A_245 = tpu.vector_load %arg10[%swap3A_242, %swap3A_243, %swap3A_244] {strides = array<i32>} : memref<2x128x128xf32, #tpu.memory_space<vmem>>, vector<16xf32>,
          tpu.vector_store %arg10[%swap3A_242, %swap3A_243, %swap3A_244], %mul3A_241 {strides = array<i32>} : memref<2x128x128xf32, #tpu.memory_space<vmem>>, vector<16xf32>,
          %get3A_246 = arith.constant 1 : i32
          %get3A_247 = arith.index_cast %get3A_246 : i32 to index
          %get3A_248 = arith.index_cast %add3A_233 : i32 to index
          %get3A_249 = arith.constant 16 : index
          %get3A_250 = tpu.vector_load %arg10[%get3A_247, %get3A_248, %get3A_249] {strides = array<i32>} : memref<2x128x128xf32, #tpu.memory_space<vmem>>, vector<16xf32>,
          %mul3A_251 = arith.mulf %get3A_250, %gather3A_235 : vector<16xf32>
          %swap3A_252 = arith.constant 1 : i32
          %swap3A_253 = arith.index_cast %swap3A_252 : i32 to index
          %swap3A_254 = arith.index_cast %add3A_233 : i32 to index
          %swap3A_255 = arith.constant 16 : index
          %swap3A_256 = tpu.vector_load %arg10[%swap3A_253, %swap3A_254, %swap3A_255] {strides = array<i32>} : memref<2x128x128xf32, #tpu.memory_space<vmem>>, vector<16xf32>,
          tpu.vector_store %arg10[%swap3A_253, %swap3A_254, %swap3A_255], %mul3A_251 {strides = array<i32>} : memref<2x128x128xf32, #tpu.memory_space<vmem>>, vector<16xf32>,
          %get3A_257 = arith.constant 1 : i32
          %get3A_258 = arith.index_cast %get3A_257 : i32 to index
          %get3A_259 = arith.index_cast %add3A_233 : i32 to index
          %get3A_260 = arith.constant 32 : index
          %get3A_261 = tpu.vector_load %arg10[%get3A_258, %get3A_259, %get3A_260] {strides = array<i32>} : memref<2x128x128xf32, #tpu.memory_space<vmem>>, vector<16xf32>,
          %mul3A_262 = arith.mulf %get3A_261, %gather3A_235 : vector<16xf32>
          %swap3A_263 = arith.constant 1 : i32
          %swap3A_264 = arith.index_cast %swap3A_263 : i32 to index
          %swap3A_265 = arith.index_cast %add3A_233 : i32 to index
          %swap3A_266 = arith.constant 32 : index
          %swap3A_267 = tpu.vector_load %arg10[%swap3A_264, %swap3A_265, %swap3A_266] {strides = array<i32>} : memref<2x128x128xf32, #tpu.memory_space<vmem>>, vector<16xf32>,
          tpu.vector_store %arg10[%swap3A_264, %swap3A_265, %swap3A_266], %mul3A_262 {strides = array<i32>} : memref<2x128x128xf32, #tpu.memory_space<vmem>>, vector<16xf32>,
          %get3A_268 = arith.constant 1 : i32
          %get3A_269 = arith.index_cast %get3A_268 : i32 to index
          %get3A_270 = arith.index_cast %add3A_233 : i32 to index
          %get3A_271 = arith.constant 48 : index
          %get3A_272 = tpu.vector_load %arg10[%get3A_269, %get3A_270, %get3A_271] {strides = array<i32>} : memref<2x128x128xf32, #tpu.memory_space<vmem>>, vector<16xf32>,
          %mul3A_273 = arith.mulf %get3A_272, %gather3A_235 : vector<16xf32>
          %swap3A_274 = arith.constant 1 : i32
          %swap3A_275 = arith.index_cast %swap3A_274 : i32 to index
          %swap3A_276 = arith.index_cast %add3A_233 : i32 to index
          %swap3A_277 = arith.constant 48 : index
          %swap3A_278 = tpu.vector_load %arg10[%swap3A_275, %swap3A_276, %swap3A_277] {strides = array<i32>} : memref<2x128x128xf32, #tpu.memory_space<vmem>>, vector<16xf32>,
          tpu.vector_store %arg10[%swap3A_275, %swap3A_276, %swap3A_277], %mul3A_273 {strides = array<i32>} : memref<2x128x128xf32, #tpu.memory_space<vmem>>, vector<16xf32>,
          %get3A_279 = arith.constant 1 : i32
          %get3A_280 = arith.index_cast %get3A_279 : i32 to index
          %get3A_281 = arith.index_cast %add3A_233 : i32 to index
          %get3A_282 = arith.constant 64 : index
          %get3A_283 = tpu.vector_load %arg10[%get3A_280, %get3A_281, %get3A_282] {strides = array<i32>} : memref<2x128x128xf32, #tpu.memory_space<vmem>>, vector<16xf32>,
          %mul3A_284 = arith.mulf %get3A_283, %gather3A_235 : vector<16xf32>
          %swap3A_285 = arith.constant 1 : i32
          %swap3A_286 = arith.index_cast %swap3A_285 : i32 to index
          %swap3A_287 = arith.index_cast %add3A_233 : i32 to index
          %swap3A_288 = arith.constant 64 : index
          %swap3A_289 = tpu.vector_load %arg10[%swap3A_286, %swap3A_287, %swap3A_288] {strides = array<i32>} : memref<2x128x128xf32, #tpu.memory_space<vmem>>, vector<16xf32>,
          tpu.vector_store %arg10[%swap3A_286, %swap3A_287, %swap3A_288], %mul3A_284 {strides = array<i32>} : memref<2x128x128xf32, #tpu.memory_space<vmem>>, vector<16xf32>,
          %get3A_290 = arith.constant 1 : i32
          %get3A_291 = arith.index_cast %get3A_290 : i32 to index
          %get3A_292 = arith.index_cast %add3A_233 : i32 to index
          %get3A_293 = arith.constant 80 : index
          %get3A_294 = tpu.vector_load %arg10[%get3A_291, %get3A_292, %get3A_293] {strides = array<i32>} : memref<2x128x128xf32, #tpu.memory_space<vmem>>, vector<16xf32>,
          %mul3A_295 = arith.mulf %get3A_294, %gather3A_235 : vector<16xf32>
          %swap3A_296 = arith.constant 1 : i32
          %swap3A_297 = arith.index_cast %swap3A_296 : i32 to index
          %swap3A_298 = arith.index_cast %add3A_233 : i32 to index
          %swap3A_299 = arith.constant 80 : index
          %swap3A_300 = tpu.vector_load %arg10[%swap3A_297, %swap3A_298, %swap3A_299] {strides = array<i32>} : memref<2x128x128xf32, #tpu.memory_space<vmem>>, vector<16xf32>,
          tpu.vector_store %arg10[%swap3A_297, %swap3A_298, %swap3A_299], %mul3A_295 {strides = array<i32>} : memref<2x128x128xf32, #tpu.memory_space<vmem>>, vector<16xf32>,
          %get3A_301 = arith.constant 1 : i32
          %get3A_302 = arith.index_cast %get3A_301 : i32 to index
          %get3A_303 = arith.index_cast %add3A_233 : i32 to index
          %get3A_304 = arith.constant 96 : index
          %get3A_305 = tpu.vector_load %arg10[%get3A_302, %get3A_303, %get3A_304] {strides = array<i32>} : memref<2x128x128xf32, #tpu.memory_space<vmem>>, vector<16xf32>,
          %mul3A_306 = arith.mulf %get3A_305, %gather3A_235 : vector<16xf32>
          %swap3A_307 = arith.constant 1 : i32
          %swap3A_308 = arith.index_cast %swap3A_307 : i32 to index
          %swap3A_309 = arith.index_cast %add3A_233 : i32 to index
          %swap3A_310 = arith.constant 96 : index
          %swap3A_311 = tpu.vector_load %arg10[%swap3A_308, %swap3A_309, %swap3A_310] {strides = array<i32>} : memref<2x128x128xf32, #tpu.memory_space<vmem>>, vector<16xf32>,
          tpu.vector_store %arg10[%swap3A_308, %swap3A_309, %swap3A_310], %mul3A_306 {strides = array<i32>} : memref<2x128x128xf32, #tpu.memory_space<vmem>>, vector<16xf32>,
          %get3A_312 = arith.constant 1 : i32
          %get3A_313 = arith.index_cast %get3A_312 : i32 to index
          %get3A_314 = arith.index_cast %add3A_233 : i32 to index
          %get3A_315 = arith.constant 112 : index
          %get3A_316 = tpu.vector_load %arg10[%get3A_313, %get3A_314, %get3A_315] {strides = array<i32>} : memref<2x128x128xf32, #tpu.memory_space<vmem>>, vector<16xf32>,
          %mul3A_317 = arith.mulf %get3A_316, %gather3A_235 : vector<16xf32>
          %swap3A_318 = arith.constant 1 : i32
          %swap3A_319 = arith.index_cast %swap3A_318 : i32 to index
          %swap3A_320 = arith.index_cast %add3A_233 : i32 to index
          %swap3A_321 = arith.constant 112 : index
          %swap3A_322 = tpu.vector_load %arg10[%swap3A_319, %swap3A_320, %swap3A_321] {strides = array<i32>} : memref<2x128x128xf32, #tpu.memory_space<vmem>>, vector<16xf32>,
          tpu.vector_store %arg10[%swap3A_319, %swap3A_320, %swap3A_321], %mul3A_317 {strides = array<i32>} : memref<2x128x128xf32, #tpu.memory_space<vmem>>, vector<16xf32>,
          %scan3A_323 = arith.constant 0 : i32
          scf.yield %scan3A_323 : i32
        }
        %scan3A_227 = arith.constant 16 : i32
        %scan3A_228 = arith.constant 0 : i32
        scf.yield %scan3A_228 : i32
      }
      %scan3A_201 = arith.constant 8 : i32
      %dma_start3A_202 = arith.constant 1 : i32
      %dma_start3A_203 = arith.constant 0 : i32
      %dma_start3A_204 = arith.constant 0 : i32
      %dma_start3A_205 = tpu.memref_slice %arg10[%dma_start3A_202, %dma_start3A_203, %dma_start3A_204] : memref<2x128x128xf32, #tpu.memory_space<vmem>> -> memref<1x128x128xf32, #tpu.memory_space<vmem>>
      %dma_start3A_206 = tpu.memref_squeeze %dma_start3A_205 : memref<1x128x128xf32, #tpu.memory_space<vmem>> -> memref<128x128xf32, #tpu.memory_space<vmem>>
      %dma_start3A_207 = arith.constant 0 : i32
      %dma_start3A_208 = tpu.memref_slice %arg8[%and3A_161, %and3A_163, %dma_start3A_207] : memref<2x8x128xi32, #tpu.memory_space<vmem>> -> memref<1x1x128xi32, #tpu.memory_space<vmem>>
      %dma_start3A_209 = tpu.memref_squeeze %dma_start3A_208 : memref<1x1x128xi32, #tpu.memory_space<vmem>> -> memref<128xi32, #tpu.memory_space<vmem>>
      %dma_start3A_210 = arith.constant 0 : i32
      %dma_start3A_211 = arith.constant 0 : i32
      %dma_start3A_212 = tpu.memref_slice %arg11[%dma_start3A_210, %dma_start3A_211] : memref<10240x128xf32, #tpu.memory_space<vmem_shared>> -> memref<10240x128xf32, #tpu.memory_space<vmem_shared>>
      tpu.enqueue_indirect_dma source(%dma_start3A_206 : memref<128x128xf32, #tpu.memory_space<vmem>>) target(%dma_start3A_212 : memref<10240x128xf32, #tpu.memory_space<vmem_shared>>) offsets(%dma_start3A_209 : memref<128xi32, #tpu.memory_space<vmem>>) semaphore(%arg15 : memref<!tpu.dma_semaphore, #tpu.memory_space<semaphore_mem>>) {add = true}
      %while3A_213 = arith.constant 0 : i32
      scf.yield %while3A_213 : i32
    }
    %dma_wait3A = arith.constant 1 : i32
    %dma_wait3A_83 = arith.constant 0 : i32
    %dma_wait3A_84 = arith.constant 0 : i32
    %dma_wait3A_85 = arith.constant 0 : i32
    %dma_wait3A_86 = arith.constant 0 : i32
    %dma_wait3A_87 = tpu.memref_slice %arg10[%dma_wait3A, %dma_wait3A_85, %dma_wait3A_86] : memref<2x128x128xf32, #tpu.memory_space<vmem>> -> memref<1x128x128xf32, #tpu.memory_space<vmem>>
    %dma_wait3A_88 = tpu.memref_squeeze %dma_wait3A_87 : memref<1x128x128xf32, #tpu.memory_space<vmem>> -> memref<128x128xf32, #tpu.memory_space<vmem>>
    %dma_wait3A_89 = arith.constant 0 : i32
    %dma_wait3A_90 = tpu.memref_slice %arg8[%dma_wait3A_83, %dma_wait3A_84, %dma_wait3A_89] : memref<2x8x128xi32, #tpu.memory_space<vmem>> -> memref<1x1x128xi32, #tpu.memory_space<vmem>>
    %dma_wait3A_91 = tpu.memref_squeeze %dma_wait3A_90 : memref<1x1x128xi32, #tpu.memory_space<vmem>> -> memref<128xi32, #tpu.memory_space<vmem>>
    %dma_wait3A_92 = arith.constant 0 : i32
    %dma_wait3A_93 = arith.constant 0 : i32
    %dma_wait3A_94 = tpu.memref_slice %arg11[%dma_wait3A_92, %dma_wait3A_93] : memref<10240x128xf32, #tpu.memory_space<vmem_shared>> -> memref<10240x128xf32, #tpu.memory_space<vmem_shared>>
    tpu.wait_indirect_dma semaphore(%arg15 : memref<!tpu.dma_semaphore, #tpu.memory_space<semaphore_mem>>) src(%dma_wait3A_88 : memref<128x128xf32, #tpu.memory_space<vmem>>) dst(%dma_wait3A_94 : memref<10240x128xf32, #tpu.memory_space<vmem_shared>>)
    %barrier3A_95 = arith.constant 0 : index
    tpu.barrier barrier_id(%barrier3A_95)
    %mul3A_96 = arith.constant 640 : i32
    %mul3A_97 = arith.muli %arg1, %mul3A_96 : i32
    %mul3A_98 = arith.constant 640 : i32
    %mul3A_99 = arith.muli %arg1, %mul3A_98 : i32
    "tpu.region"() ({
      %run_scoped3A_100 = tpu.sem_alloc : memref<!tpu.dma_semaphore, #tpu.memory_space<semaphore_mem>>
      %dma_start3A_101 = arith.constant 0 : i32
      %dma_start3A_102 = tpu.memref_slice %arg6[%arg0, %mul3A_99, %dma_start3A_101] : memref<2x10240x128xf32, #tpu.memory_space<hbm>> -> memref<1x640x128xf32, #tpu.memory_space<hbm>>
      %dma_start3A_103 = tpu.memref_squeeze %dma_start3A_102 : memref<1x640x128xf32, #tpu.memory_space<hbm>> -> memref<640x128xf32, #tpu.memory_space<hbm>>
      %dma_start3A_104 = arith.constant 0 : i32
      %dma_start3A_105 = tpu.memref_slice %arg11[%mul3A_97, %dma_start3A_104] : memref<10240x128xf32, #tpu.memory_space<vmem_shared>> -> memref<640x128xf32, #tpu.memory_space<vmem_shared>>
      tpu.enqueue_dma source(%dma_start3A_105 : memref<640x128xf32, #tpu.memory_space<vmem_shared>>) target(%dma_start3A_103 : memref<640x128xf32, #tpu.memory_space<hbm>>) target_semaphore(%run_scoped3A_100 : memref<!tpu.dma_semaphore, #tpu.memory_space<semaphore_mem>>)
      %dma_wait3A_106 = arith.constant 0 : i32
      %dma_wait3A_107 = tpu.memref_slice %arg6[%arg0, %mul3A_99, %dma_wait3A_106] : memref<2x10240x128xf32, #tpu.memory_space<hbm>> -> memref<1x640x128xf32, #tpu.memory_space<hbm>>
      %dma_wait3A_108 = tpu.memref_squeeze %dma_wait3A_107 : memref<1x640x128xf32, #tpu.memory_space<hbm>> -> memref<640x128xf32, #tpu.memory_space<hbm>>
      %dma_wait3A_109 = arith.constant 0 : i32
      %dma_wait3A_110 = tpu.memref_slice %arg11[%mul3A_97, %dma_wait3A_109] : memref<10240x128xf32, #tpu.memory_space<vmem_shared>> -> memref<640x128xf32, #tpu.memory_space<vmem_shared>>
      tpu.wait_dma2 semaphore(%run_scoped3A_100 : memref<!tpu.dma_semaphore, #tpu.memory_space<semaphore_mem>>) src(%dma_wait3A_110 : memref<640x128xf32, #tpu.memory_space<vmem_shared>>) dst(%dma_wait3A_108 : memref<640x128xf32, #tpu.memory_space<hbm>>)
      tpu.yield
    }) : () -> ()
    return
  }
}

module attributes {stable_mosaic.version = 14 : i64} {
  func.func @_tc_prep_body(%arg0: i32, %arg1: memref<2048x128xf32, #tpu.memory_space<vmem>>, %arg2: memref<128x128xf32, #tpu.memory_space<vmem>>, %arg3: memref<10240xf32, #tpu.memory_space<vmem>>, %arg4: memref<10240xf32, #tpu.memory_space<vmem>>, %arg5: memref<2048x128xf32, #tpu.memory_space<vmem>>) attributes {dimension_semantics = [#tpu.dimension_semantics<arbitrary>], iteration_bounds = array<i64: 5>, scalar_prefetch = 0 : i64, scratch_operands = 0 : i64, tpu.core_type = #tpu.core_type<tc>, window_params = [{transform_indices = @transform_0, window_bounds = array<i64: 2048, 128>}, {pipeline_mode = #tpu.pipeline_mode<synchronous>, transform_indices = @transform_1, window_bounds = array<i64: 128, 128>}, {pipeline_mode = #tpu.pipeline_mode<synchronous>, transform_indices = @transform_2, window_bounds = array<i64: 10240>}, {pipeline_mode = #tpu.pipeline_mode<synchronous>, transform_indices = @transform_3, window_bounds = array<i64: 10240>}, {transform_indices = @transform_4, window_bounds = array<i64: 2048, 128>}]} {
    %mul3A = arith.constant 2048 : i32
    %mul3A_0 = arith.muli %arg0, %mul3A : i32
    %get3A = arith.index_cast %mul3A_0 : i32 to index
    %get3A_1 = vector.load %arg3[%get3A] : memref<10240xf32, #tpu.memory_space<vmem>>, vector<2048xf32>
    %mul3A_2 = arith.constant 2048 : i32
    %mul3A_3 = arith.muli %arg0, %mul3A_2 : i32
    %get3A_4 = arith.index_cast %mul3A_3 : i32 to index
    %get3A_5 = vector.load %arg4[%get3A_4] : memref<10240xf32, #tpu.memory_space<vmem>>, vector<2048xf32>
    %add3A = arith.addf %get3A_1, %get3A_5 : vector<2048xf32>
    %add3A_6 = arith.constant 1.000000e+00 : f32
    %add3A_7 = vector.broadcast %add3A_6 : f32 to vector<2048xf32>
    %add3A_8 = arith.addf %add3A, %add3A_7 : vector<2048xf32>
    %rsqrt3A = math.rsqrt %add3A_8 : vector<2048xf32>
    %get3A_9 = arith.constant 0 : index
    %get3A_10 = arith.constant 0 : index
    %get3A_11 = vector.load %arg1[%get3A_9, %get3A_10] : memref<2048x128xf32, #tpu.memory_space<vmem>>, vector<2048x128xf32>
    %get3A_12 = arith.constant 0 : index
    %get3A_13 = arith.constant 0 : index
    %get3A_14 = vector.load %arg2[%get3A_12, %get3A_13] : memref<128x128xf32, #tpu.memory_space<vmem>>, vector<128x128xf32>
    %dot_general3A = arith.constant dense<0.000000e+00> : vector<2048x128xf32>
    %dot_general3A_15 = tpu.matmul %get3A_11, %get3A_14, %dot_general3A {dimension_numbers = #tpu.dot_dimension_numbers<[1], [0], [0], [1], [0, 0, 1, 1], [], []>, transpose_lhs_hint = false} : vector<2048x128xf32>, vector<128x128xf32>, vector<2048x128xf32> -> vector<2048x128xf32>
    %broadcast_in_dim3A = vector.shape_cast %rsqrt3A : vector<2048xf32> to vector<2048x1xf32>
    %mul3A_16 = vector.broadcast %broadcast_in_dim3A : vector<2048x1xf32> to vector<2048x128xf32>
    %mul3A_17 = arith.mulf %dot_general3A_15, %mul3A_16 : vector<2048x128xf32>
    %swap3A = arith.constant 0 : index
    %swap3A_18 = arith.constant 0 : index
    %swap3A_19 = vector.load %arg5[%swap3A, %swap3A_18] : memref<2048x128xf32, #tpu.memory_space<vmem>>, vector<2048x128xf32>
    tpu.vector_store %arg5[%swap3A, %swap3A_18], %mul3A_17 {strides = array<i32>} : memref<2048x128xf32, #tpu.memory_space<vmem>>, vector<2048x128xf32>,
    return
  }
  func.func @transform_0(%arg0: i32) -> (i32, i32) {
    %c0_i32 = arith.constant 0 : i32
    %c0_i32_0 = arith.constant 0 : i32
    return %arg0, %c0_i32 : i32, i32
  }
  func.func @transform_1(%arg0: i32) -> (i32, i32) {
    %c0_i32 = arith.constant 0 : i32
    %c0_i32_0 = arith.constant 0 : i32
    %c0_i32_1 = arith.constant 0 : i32
    return %c0_i32, %c0_i32_0 : i32, i32
  }
  func.func @transform_2(%arg0: i32) -> i32 {
    %c0_i32 = arith.constant 0 : i32
    %c0_i32_0 = arith.constant 0 : i32
    return %c0_i32 : i32
  }
  func.func @transform_3(%arg0: i32) -> i32 {
    %c0_i32 = arith.constant 0 : i32
    %c0_i32_0 = arith.constant 0 : i32
    return %c0_i32 : i32
  }
  func.func @transform_4(%arg0: i32) -> (i32, i32) {
    %c0_i32 = arith.constant 0 : i32
    %c0_i32_0 = arith.constant 0 : i32
    return %arg0, %c0_i32 : i32, i32
  }
}

module attributes {stable_mosaic.version = 14 : i64} {
  func.func @_tc_mid_body(%arg0: i32, %arg1: memref<2048x128xf32, #tpu.memory_space<vmem>>, %arg2: memref<2048x128xf32, #tpu.memory_space<vmem>>, %arg3: memref<2048x128xf32, #tpu.memory_space<vmem>>, %arg4: memref<10240xf32, #tpu.memory_space<vmem>>, %arg5: memref<10240xf32, #tpu.memory_space<vmem>>, %arg6: memref<128x128xf32, #tpu.memory_space<vmem>>, %arg7: memref<128xf32, #tpu.memory_space<vmem>>, %arg8: memref<2048x128xf32, #tpu.memory_space<vmem>>) attributes {dimension_semantics = [#tpu.dimension_semantics<arbitrary>], iteration_bounds = array<i64: 5>, scalar_prefetch = 0 : i64, scratch_operands = 0 : i64, tpu.core_type = #tpu.core_type<tc>, window_params = [{transform_indices = @transform_0, window_bounds = array<i64: 2048, 128>}, {transform_indices = @transform_1, window_bounds = array<i64: 2048, 128>}, {transform_indices = @transform_2, window_bounds = array<i64: 2048, 128>}, {pipeline_mode = #tpu.pipeline_mode<synchronous>, transform_indices = @transform_3, window_bounds = array<i64: 10240>}, {pipeline_mode = #tpu.pipeline_mode<synchronous>, transform_indices = @transform_4, window_bounds = array<i64: 10240>}, {pipeline_mode = #tpu.pipeline_mode<synchronous>, transform_indices = @transform_5, window_bounds = array<i64: 128, 128>}, {pipeline_mode = #tpu.pipeline_mode<synchronous>, transform_indices = @transform_6, window_bounds = array<i64: 128>}, {transform_indices = @transform_7, window_bounds = array<i64: 2048, 128>}]} {
    %mul3A = arith.constant 2048 : i32
    %mul3A_0 = arith.muli %arg0, %mul3A : i32
    %get3A = arith.index_cast %mul3A_0 : i32 to index
    %get3A_1 = vector.load %arg4[%get3A] : memref<10240xf32, #tpu.memory_space<vmem>>, vector<2048xf32>
    %mul3A_2 = arith.constant 2048 : i32
    %mul3A_3 = arith.muli %arg0, %mul3A_2 : i32
    %get3A_4 = arith.index_cast %mul3A_3 : i32 to index
    %get3A_5 = vector.load %arg5[%get3A_4] : memref<10240xf32, #tpu.memory_space<vmem>>, vector<2048xf32>
    %add3A = arith.addf %get3A_1, %get3A_5 : vector<2048xf32>
    %add3A_6 = arith.constant 1.000000e+00 : f32
    %add3A_7 = vector.broadcast %add3A_6 : f32 to vector<2048xf32>
    %add3A_8 = arith.addf %add3A, %add3A_7 : vector<2048xf32>
    %rsqrt3A = math.rsqrt %add3A_8 : vector<2048xf32>
    %get3A_9 = arith.constant 0 : index
    %get3A_10 = arith.constant 0 : index
    %get3A_11 = vector.load %arg1[%get3A_9, %get3A_10] : memref<2048x128xf32, #tpu.memory_space<vmem>>, vector<2048x128xf32>
    %get3A_12 = arith.constant 0 : index
    %get3A_13 = arith.constant 0 : index
    %get3A_14 = vector.load %arg2[%get3A_12, %get3A_13] : memref<2048x128xf32, #tpu.memory_space<vmem>>, vector<2048x128xf32>
    %add3A_15 = arith.addf %get3A_11, %get3A_14 : vector<2048x128xf32>
    %get3A_16 = arith.constant 0 : index
    %get3A_17 = arith.constant 0 : index
    %get3A_18 = vector.load %arg3[%get3A_16, %get3A_17] : memref<2048x128xf32, #tpu.memory_space<vmem>>, vector<2048x128xf32>
    %add3A_19 = arith.addf %add3A_15, %get3A_18 : vector<2048x128xf32>
    %broadcast_in_dim3A = vector.shape_cast %rsqrt3A : vector<2048xf32> to vector<2048x1xf32>
    %mul3A_20 = vector.broadcast %broadcast_in_dim3A : vector<2048x1xf32> to vector<2048x128xf32>
    %mul3A_21 = arith.mulf %add3A_19, %mul3A_20 : vector<2048x128xf32>
    %get3A_22 = arith.constant 0 : index
    %get3A_23 = vector.load %arg7[%get3A_22] : memref<128xf32, #tpu.memory_space<vmem>>, vector<128xf32>
    %broadcast_in_dim3A_24 = vector.shape_cast %get3A_23 : vector<128xf32> to vector<1x128xf32>
    %add3A_25 = vector.broadcast %broadcast_in_dim3A_24 : vector<1x128xf32> to vector<2048x128xf32>
    %add3A_26 = arith.addf %mul3A_21, %add3A_25 : vector<2048x128xf32>
    %max3A = arith.constant 0.000000e+00 : f32
    %max3A_27 = vector.broadcast %max3A : f32 to vector<2048x128xf32>
    %max3A_28 = arith.maximumf %add3A_26, %max3A_27 : vector<2048x128xf32>
    %get3A_29 = arith.constant 0 : index
    %get3A_30 = arith.constant 0 : index
    %get3A_31 = vector.load %arg6[%get3A_29, %get3A_30] : memref<128x128xf32, #tpu.memory_space<vmem>>, vector<128x128xf32>
    %dot_general3A = arith.constant dense<0.000000e+00> : vector<2048x128xf32>
    %dot_general3A_32 = tpu.matmul %max3A_28, %get3A_31, %dot_general3A {dimension_numbers = #tpu.dot_dimension_numbers<[1], [0], [0], [1], [0, 0, 1, 1], [], []>, transpose_lhs_hint = false} : vector<2048x128xf32>, vector<128x128xf32>, vector<2048x128xf32> -> vector<2048x128xf32>
    %broadcast_in_dim3A_33 = vector.shape_cast %rsqrt3A : vector<2048xf32> to vector<2048x1xf32>
    %mul3A_34 = vector.broadcast %broadcast_in_dim3A_33 : vector<2048x1xf32> to vector<2048x128xf32>
    %mul3A_35 = arith.mulf %dot_general3A_32, %mul3A_34 : vector<2048x128xf32>
    %swap3A = arith.constant 0 : index
    %swap3A_36 = arith.constant 0 : index
    %swap3A_37 = vector.load %arg8[%swap3A, %swap3A_36] : memref<2048x128xf32, #tpu.memory_space<vmem>>, vector<2048x128xf32>
    tpu.vector_store %arg8[%swap3A, %swap3A_36], %mul3A_35 {strides = array<i32>} : memref<2048x128xf32, #tpu.memory_space<vmem>>, vector<2048x128xf32>,
    return
  }
  func.func @transform_0(%arg0: i32) -> (i32, i32) {
    %c0_i32 = arith.constant 0 : i32
    %c0_i32_0 = arith.constant 0 : i32
    return %arg0, %c0_i32 : i32, i32
  }
  func.func @transform_1(%arg0: i32) -> (i32, i32) {
    %c0_i32 = arith.constant 0 : i32
    %c0_i32_0 = arith.constant 0 : i32
    return %arg0, %c0_i32 : i32, i32
  }
  func.func @transform_2(%arg0: i32) -> (i32, i32) {
    %c0_i32 = arith.constant 0 : i32
    %c0_i32_0 = arith.constant 0 : i32
    return %arg0, %c0_i32 : i32, i32
  }
  func.func @transform_3(%arg0: i32) -> i32 {
    %c0_i32 = arith.constant 0 : i32
    %c0_i32_0 = arith.constant 0 : i32
    return %c0_i32 : i32
  }
  func.func @transform_4(%arg0: i32) -> i32 {
    %c0_i32 = arith.constant 0 : i32
    %c0_i32_0 = arith.constant 0 : i32
    return %c0_i32 : i32
  }
  func.func @transform_5(%arg0: i32) -> (i32, i32) {
    %c0_i32 = arith.constant 0 : i32
    %c0_i32_0 = arith.constant 0 : i32
    %c0_i32_1 = arith.constant 0 : i32
    return %c0_i32, %c0_i32_0 : i32, i32
  }
  func.func @transform_6(%arg0: i32) -> i32 {
    %c0_i32 = arith.constant 0 : i32
    %c0_i32_0 = arith.constant 0 : i32
    return %c0_i32 : i32
  }
  func.func @transform_7(%arg0: i32) -> (i32, i32) {
    %c0_i32 = arith.constant 0 : i32
    %c0_i32_0 = arith.constant 0 : i32
    return %arg0, %c0_i32 : i32, i32
  }
}

module attributes {stable_mosaic.version = 14 : i64} {
  func.func @_tc_final_body(%arg0: i32, %arg1: memref<2048x128xf32, #tpu.memory_space<vmem>>, %arg2: memref<2048x128xf32, #tpu.memory_space<vmem>>, %arg3: memref<2048x128xf32, #tpu.memory_space<vmem>>, %arg4: memref<10240xf32, #tpu.memory_space<vmem>>, %arg5: memref<10240xf32, #tpu.memory_space<vmem>>, %arg6: memref<128xf32, #tpu.memory_space<vmem>>, %arg7: memref<128x40xf32, #tpu.memory_space<vmem>>, %arg8: memref<40xf32, #tpu.memory_space<vmem>>, %arg9: memref<2048x40xf32, #tpu.memory_space<vmem>>) attributes {dimension_semantics = [#tpu.dimension_semantics<arbitrary>], iteration_bounds = array<i64: 5>, scalar_prefetch = 0 : i64, scratch_operands = 0 : i64, tpu.core_type = #tpu.core_type<tc>, window_params = [{transform_indices = @transform_0, window_bounds = array<i64: 2048, 128>}, {transform_indices = @transform_1, window_bounds = array<i64: 2048, 128>}, {transform_indices = @transform_2, window_bounds = array<i64: 2048, 128>}, {pipeline_mode = #tpu.pipeline_mode<synchronous>, transform_indices = @transform_3, window_bounds = array<i64: 10240>}, {pipeline_mode = #tpu.pipeline_mode<synchronous>, transform_indices = @transform_4, window_bounds = array<i64: 10240>}, {pipeline_mode = #tpu.pipeline_mode<synchronous>, transform_indices = @transform_5, window_bounds = array<i64: 128>}, {pipeline_mode = #tpu.pipeline_mode<synchronous>, transform_indices = @transform_6, window_bounds = array<i64: 128, 40>}, {pipeline_mode = #tpu.pipeline_mode<synchronous>, transform_indices = @transform_7, window_bounds = array<i64: 40>}, {transform_indices = @transform_8, window_bounds = array<i64: 2048, 40>}]} {
    %mul3A = arith.constant 2048 : i32
    %mul3A_0 = arith.muli %arg0, %mul3A : i32
    %get3A = arith.index_cast %mul3A_0 : i32 to index
    %get3A_1 = vector.load %arg4[%get3A] : memref<10240xf32, #tpu.memory_space<vmem>>, vector<2048xf32>
    %mul3A_2 = arith.constant 2048 : i32
    %mul3A_3 = arith.muli %arg0, %mul3A_2 : i32
    %get3A_4 = arith.index_cast %mul3A_3 : i32 to index
    %get3A_5 = vector.load %arg5[%get3A_4] : memref<10240xf32, #tpu.memory_space<vmem>>, vector<2048xf32>
    %add3A = arith.addf %get3A_1, %get3A_5 : vector<2048xf32>
    %add3A_6 = arith.constant 1.000000e+00 : f32
    %add3A_7 = vector.broadcast %add3A_6 : f32 to vector<2048xf32>
    %add3A_8 = arith.addf %add3A, %add3A_7 : vector<2048xf32>
    %rsqrt3A = math.rsqrt %add3A_8 : vector<2048xf32>
    %get3A_9 = arith.constant 0 : index
    %get3A_10 = arith.constant 0 : index
    %get3A_11 = vector.load %arg1[%get3A_9, %get3A_10] : memref<2048x128xf32, #tpu.memory_space<vmem>>, vector<2048x128xf32>
    %get3A_12 = arith.constant 0 : index
    %get3A_13 = arith.constant 0 : index
    %get3A_14 = vector.load %arg2[%get3A_12, %get3A_13] : memref<2048x128xf32, #tpu.memory_space<vmem>>, vector<2048x128xf32>
    %add3A_15 = arith.addf %get3A_11, %get3A_14 : vector<2048x128xf32>
    %get3A_16 = arith.constant 0 : index
    %get3A_17 = arith.constant 0 : index
    %get3A_18 = vector.load %arg3[%get3A_16, %get3A_17] : memref<2048x128xf32, #tpu.memory_space<vmem>>, vector<2048x128xf32>
    %add3A_19 = arith.addf %add3A_15, %get3A_18 : vector<2048x128xf32>
    %broadcast_in_dim3A = vector.shape_cast %rsqrt3A : vector<2048xf32> to vector<2048x1xf32>
    %mul3A_20 = vector.broadcast %broadcast_in_dim3A : vector<2048x1xf32> to vector<2048x128xf32>
    %mul3A_21 = arith.mulf %add3A_19, %mul3A_20 : vector<2048x128xf32>
    %get3A_22 = arith.constant 0 : index
    %get3A_23 = vector.load %arg6[%get3A_22] : memref<128xf32, #tpu.memory_space<vmem>>, vector<128xf32>
    %broadcast_in_dim3A_24 = vector.shape_cast %get3A_23 : vector<128xf32> to vector<1x128xf32>
    %add3A_25 = vector.broadcast %broadcast_in_dim3A_24 : vector<1x128xf32> to vector<2048x128xf32>
    %add3A_26 = arith.addf %mul3A_21, %add3A_25 : vector<2048x128xf32>
    %get3A_27 = arith.constant 0 : index
    %get3A_28 = arith.constant 0 : index
    %get3A_29 = vector.load %arg7[%get3A_27, %get3A_28] : memref<128x40xf32, #tpu.memory_space<vmem>>, vector<128x40xf32>
    %dot_general3A = arith.constant dense<0.000000e+00> : vector<2048x40xf32>
    %dot_general3A_30 = tpu.matmul %add3A_26, %get3A_29, %dot_general3A {dimension_numbers = #tpu.dot_dimension_numbers<[1], [0], [0], [1], [0, 0, 1, 1], [], []>, transpose_lhs_hint = false} : vector<2048x128xf32>, vector<128x40xf32>, vector<2048x40xf32> -> vector<2048x40xf32>
    %get3A_31 = arith.constant 0 : index
    %get3A_32 = vector.load %arg8[%get3A_31] : memref<40xf32, #tpu.memory_space<vmem>>, vector<40xf32>
    %broadcast_in_dim3A_33 = vector.shape_cast %get3A_32 : vector<40xf32> to vector<1x40xf32>
    %add3A_34 = vector.broadcast %broadcast_in_dim3A_33 : vector<1x40xf32> to vector<2048x40xf32>
    %add3A_35 = arith.addf %dot_general3A_30, %add3A_34 : vector<2048x40xf32>
    %mul3A_36 = arith.constant 5.000000e+00 : f32
    %mul3A_37 = vector.broadcast %mul3A_36 : f32 to vector<2048x40xf32>
    %mul3A_38 = arith.mulf %add3A_35, %mul3A_37 : vector<2048x40xf32>
    %reduce_max3A = arith.constant dense<0xFF800000> : vector<2048xf32>
    %reduce_max3A_39 = vector.multi_reduction <maximumf>, %mul3A_38, %reduce_max3A [1] : vector<2048x40xf32> to vector<2048xf32>
    %broadcast_in_dim3A_40 = vector.shape_cast %reduce_max3A_39 : vector<2048xf32> to vector<2048x1xf32>
    %sub3A = vector.broadcast %broadcast_in_dim3A_40 : vector<2048x1xf32> to vector<2048x40xf32>
    %sub3A_41 = arith.subf %mul3A_38, %sub3A : vector<2048x40xf32>
    %exp3A = math.exp %sub3A_41 : vector<2048x40xf32>
    %reduce_sum3A = arith.constant dense<0.000000e+00> : vector<2048xf32>
    %reduce_sum3A_42 = vector.multi_reduction <add>, %exp3A, %reduce_sum3A [1] : vector<2048x40xf32> to vector<2048xf32>
    %broadcast_in_dim3A_43 = vector.shape_cast %reduce_sum3A_42 : vector<2048xf32> to vector<2048x1xf32>
    %log3A = math.log %broadcast_in_dim3A_43 : vector<2048x1xf32>
    %sub3A_44 = vector.broadcast %log3A : vector<2048x1xf32> to vector<2048x40xf32>
    %sub3A_45 = arith.subf %sub3A_41, %sub3A_44 : vector<2048x40xf32>
    %swap3A = arith.constant 0 : index
    %swap3A_46 = arith.constant 0 : index
    %swap3A_47 = vector.load %arg9[%swap3A, %swap3A_46] : memref<2048x40xf32, #tpu.memory_space<vmem>>, vector<2048x40xf32>
    tpu.vector_store %arg9[%swap3A, %swap3A_46], %sub3A_45 {strides = array<i32>} : memref<2048x40xf32, #tpu.memory_space<vmem>>, vector<2048x40xf32>,
    return
  }
  func.func @transform_0(%arg0: i32) -> (i32, i32) {
    %c0_i32 = arith.constant 0 : i32
    %c0_i32_0 = arith.constant 0 : i32
    return %arg0, %c0_i32 : i32, i32
  }
  func.func @transform_1(%arg0: i32) -> (i32, i32) {
    %c0_i32 = arith.constant 0 : i32
    %c0_i32_0 = arith.constant 0 : i32
    return %arg0, %c0_i32 : i32, i32
  }
  func.func @transform_2(%arg0: i32) -> (i32, i32) {
    %c0_i32 = arith.constant 0 : i32
    %c0_i32_0 = arith.constant 0 : i32
    return %arg0, %c0_i32 : i32, i32
  }
  func.func @transform_3(%arg0: i32) -> i32 {
    %c0_i32 = arith.constant 0 : i32
    %c0_i32_0 = arith.constant 0 : i32
    return %c0_i32 : i32
  }
  func.func @transform_4(%arg0: i32) -> i32 {
    %c0_i32 = arith.constant 0 : i32
    %c0_i32_0 = arith.constant 0 : i32
    return %c0_i32 : i32
  }
  func.func @transform_5(%arg0: i32) -> i32 {
    %c0_i32 = arith.constant 0 : i32
    %c0_i32_0 = arith.constant 0 : i32
    return %c0_i32 : i32
  }
  func.func @transform_6(%arg0: i32) -> (i32, i32) {
    %c0_i32 = arith.constant 0 : i32
    %c0_i32_0 = arith.constant 0 : i32
    %c0_i32_1 = arith.constant 0 : i32
    return %c0_i32, %c0_i32_0 : i32, i32
  }
  func.func @transform_7(%arg0: i32) -> i32 {
    %c0_i32 = arith.constant 0 : i32
    %c0_i32_0 = arith.constant 0 : i32
    return %c0_i32 : i32
  }
  func.func @transform_8(%arg0: i32) -> (i32, i32) {
    %c0_i32 = arith.constant 0 : i32
    %c0_i32_0 = arith.constant 0 : i32
    return %arg0, %c0_i32 : i32, i32
  }
}

</mosaic_0001>

<sc_bundles>
// kernel: kernel.11.cloned.1.call-start
scs
__scs_entry_jumppad:
0x0: {  	(pc) =	sbr.rel $0x88, $3  }
0x1: {  	(tag) =	ssettag $0x0;
	lr =	simm.s32 $0x1  }
0x2: {  	[smem:$0x3F98] =	sst lr;
	_ =	strace $0xD0000000  }
0x3: {  	_ = 	snop  }
0x4: {  	_ = 	snop  }
0x5: {  	_ = 	snop  }
0x6: {  	_ = 	snop  }
0x7: {  	_ = 	snop  }
__scs_overlays_trampoline_lowered:
0x8: {  	[smem:$0x3FA7] =	sst s0  }
0x9: {  	[smem:$0x3FA8] =	sst s1  }
0xa: {  	[smem:$0x3FA9] =	sst s2  }
0xb: {  	[smem:$0x3FAA] =	sst s3  }
0xc: {  	[smem:$0x3FAB] =	sst s4  }
0xd: {  	[smem:$0x3FAC] =	sst s5  }
0xe: {  	[smem:$0x3FAD] =	sst s6  }
0xf: {  	[smem:$0x3FAE] =	sst s7  }
0x10: {  	[smem:$0x3FAF] =	sst s8  }
0x11: {  	[smem:$0x3FB0] =	sst s9;
	s0 =	simm.s32 @!p0 $0x0  }
0x12: {  	s1 =	sld [smem:$0x3F96];
	s0 =	simm.s32 @p0 $0x1  }
0x13: {  	[smem:$0x3FB1] =	sst s0;
	s0 =	simm.s32 @!p1 $0x0  }
0x14: {  	s2 =	sld [smem:$0x3F95];
	s0 =	simm.s32 @p1 $0x1  }
0x15: {  	[smem:$0x3FB2] =	sst s0;
	s0 =	simm.s32 @!p2 $0x0  }
0x16: {  	s3 =	sld [smem:$0x3FDB];
	s0 =	simm.s32 @p2 $0x1  }
0x17: {  	s4 =	simm.s32 $0x1BF5;
	[smem:$0x3FB4] =	sst s0  }
0x18: {  	s0 =	sld [smem:$0x3F97];
	_ =	swait.ge [sflag:s4], $0x0  }
0x19: {  	s7 =	sld [smem:$0x3F98]  }
0x1a: {  	s8 =	sadd.s32 $0xFFFFE003, lr  }
0x1b: {  	s9 =	sadd.s32 $0xFFFFFEF7, lr;
	s5 =	simm.s32 $0xFFFFFFFF;
	p2 =	slt.u32 s8, $0xFFFFF086  }
0x1c: {  	p1 =	slt.u32 s9, $0xF7A;
	s5 =	simm.s32 @!p2 $0x0  }
0x1d: {  	s5 =	simm.s32 @p1 $0x1;
	p0 =	seq.s32 s7, s2  }
0x1e: {  	s7 =	smul.u32 @!p0 $0xF7A, s2;
	p2 =	seq.s32 @!p0 s5, $0x0  }
0x1f: {  	s9 =	smul.u32 $0xF7A, s1;
	s8 =	simm.s32 @!p0 $0x1BF5;
	p2 =	por !p2, p0  }
0x20: {  	[sflag:s8] =	ssyncset.s32 @!p0 $0xFFFFF086;
	s6 =	sadd.s32 @!p0 s3, s7;
	s7 =	simm.s32 @!p0 $0x108  }
0x21: {  	s3 =	sadd.s32 s3, s9;
	s6 =	sadd.s32 @!p0 $0x88, s6;
	s7 =	simm.s32 @p2 $0x1082  }
0x22: {  	[simem:s7], [sflag:s8] =	dma.local @!p0 [hbm:s6], $0xF7A  }
0x23: {  	s9 =	sor.u32 $0xD0000000, s2;
	s6 =	simm.s32 $0x108;
	_ =	swait.ge @!p0 [sflag:s8], $0x0  }
0x24: {  	s3 =	sadd.s32 $0x88, s3;
	s6 =	simm.s32 @!p1 $0x1082;
	[sflag:s4] =	ssyncset.s32 $0xFFFFF086  }
0x25: {  	[simem:s6], [sflag:s4] =	dma.local [hbm:s3], $0xF7A  }
0x26: {  	[smem:$0x3F98] =	sst s1;
	(tag) =	ssettag s2;
	_ =	strace s9  }
0x27: {  	s1 =	sld [smem:$0x3FA8]  }
0x28: {  	s2 =	sld [smem:$0x3FA9]  }
0x29: {  	s4 =	sld [smem:$0x3FAB]  }
0x2a: {  	p0 =	seq.s32 s5, $0x0;
	s5 =	sld [smem:$0x3FAC]  }
0x2b: {  	s6 =	sld [smem:$0x3FAD]  }
0x2c: {  	s7 =	sld [smem:$0x3FAE]  }
0x2d: {  	s3 =	simm.s32 $0x108;
	s8 =	sld [smem:$0x3FAF]  }
0x2e: {  	s3 =	simm.s32 @!p0 $0x1082;
	s9 =	sld [smem:$0x3FB0]  }
0x2f: {  	lr =	sadd.s32 s0, s3;
	s0 =	sld [smem:$0x3FA7]  }
0x30: {  	s3 =	sld [smem:$0x3FAA]  }
0x31: {  	[smem:$0x3FB3] =	sst s10  }
0x32: {  	s10 =	sld [smem:$0x3FB1];
	_ =	sdelay $0x3  }
0x33: {  	p0 =	seq.s32 s10, $0x1;
	s10 =	sld [smem:$0x3FB3];
	_ =	sdelay $0x3  }
0x34: {  	[smem:$0x3FB3] =	sst s10  }
0x35: {  	s10 =	sld [smem:$0x3FB2];
	_ =	sdelay $0x3  }
0x36: {  	p1 =	seq.s32 s10, $0x1;
	s10 =	sld [smem:$0x3FB3];
	_ =	sdelay $0x3  }
0x37: {  	[smem:$0x3FB3] =	sst s10  }
0x38: {  	s10 =	sld [smem:$0x3FB4]  }
0x39: {  	_ = 	snop;
	(pc) =	sbr.ind lr, $3  }
0x3a: {  	_ = 	snop  }
0x3b: {  	_ = 	snop  }
0x3c: {  	p2 =	seq.s32 s10, $0x1;
	s10 =	sld [smem:$0x3FB3]  }
0x3d: {  	_ =	shalt  }
0x3e: {  	_ =	shalt  }
0x3f: {  	_ =	shalt  }
0x40: {  	_ =	shalt  }
0x41: {  	_ =	shalt  }
0x42: {  	_ =	shalt  }
0x43: {  	_ =	shalt  }
0x44: {  	_ =	shalt  }
0x45: {  	_ =	shalt  }
0x46: {  	_ =	shalt  }
0x47: {  	_ =	shalt  }
0x48: {  	_ =	shalt  }
0x49: {  	_ =	shalt  }
0x4a: {  	_ =	shalt  }
0x4b: {  	_ =	shalt  }
0x4c: {  	_ =	shalt  }
0x4d: {  	_ =	shalt  }
0x4e: {  	_ =	shalt  }
0x4f: {  	_ =	shalt  }
0x50: {  	_ =	shalt  }
0x51: {  	_ =	shalt  }
0x52: {  	_ =	shalt  }
0x53: {  	_ =	shalt  }
0x54: {  	_ =	shalt  }
0x55: {  	_ =	shalt  }
0x56: {  	_ =	shalt  }
0x57: {  	_ =	shalt  }
0x58: {  	_ =	shalt  }
0x59: {  	_ =	shalt  }
0x5a: {  	_ =	shalt  }
0x5b: {  	_ =	shalt  }
0x5c: {  	_ =	shalt  }
0x5d: {  	_ =	shalt  }
0x5e: {  	_ =	shalt  }
0x5f: {  	_ =	shalt  }
0x60: {  	_ =	shalt  }
0x61: {  	_ =	shalt  }
0x62: {  	_ =	shalt  }
0x63: {  	_ =	shalt  }
0x64: {  	_ =	shalt  }
0x65: {  	_ =	shalt  }
0x66: {  	_ =	shalt  }
0x67: {  	_ =	shalt  }
0x68: {  	_ =	shalt  }
0x69: {  	_ =	shalt  }
0x6a: {  	_ =	shalt  }
0x6b: {  	_ =	shalt  }
0x6c: {  	_ =	shalt  }
0x6d: {  	_ =	shalt  }
0x6e: {  	_ =	shalt  }
0x6f: {  	_ =	shalt  }
0x70: {  	_ =	shalt  }
0x71: {  	_ =	shalt  }
0x72: {  	_ =	shalt  }
0x73: {  	_ =	shalt  }
0x74: {  	_ =	shalt  }
0x75: {  	_ =	shalt  }
0x76: {  	_ =	shalt  }
0x77: {  	_ =	shalt  }
0x78: {  	_ =	shalt  }
0x79: {  	_ =	shalt  }
0x7a: {  	_ =	shalt  }
0x7b: {  	_ =	shalt  }
0x7c: {  	_ =	shalt  }
0x7d: {  	_ =	shalt  }
0x7e: {  	_ =	shalt  }
0x7f: {  	_ =	shalt  }
0x80: {  	_ =	shalt  }
0x81: {  	_ =	shalt  }
0x82: {  	_ =	shalt  }
0x83: {  	_ =	shalt  }
0x84: {  	_ =	shalt  }
0x85: {  	_ =	shalt  }
0x86: {  	_ =	shalt  }
0x87: {  	_ =	shalt  }
.Lfunc_end0:
.L_simem_size_0:
called_computation.1_lowered:
.L_overlay_start_0:
0x88: {  	s2 =	sld [smem:$0x3FD9]  }
0x89: {  	s3 =	sld [smem:$0x3FFE];
	_ =	sdelay $0x1  }
0x8a: {  	s1 =	srdreg.scid  }
0x8b: {  	s0 =	sand.u32 $0x1, s1  }
0x8c: {  	s17 =	sshll.u32 s0, $0xA;
	s2 =	sadd.s32 s3, s2  }
0x8d: {  	s2 =	sadd.s32 s2, s17  }
0x8e: {  	[smem:$0x3FBF] =	sst s2  }
0x8f: {  	_ = 	snop  }
0x90: {  	s2 =	sld [smem:$0x3FD0];
	(tm) =	ssettm $0x1  }
0x91: {  	s18 =	sld [smem:$0x3FFB];
	_ =	sdelay $0x3  }
0x92: {  	_ =	strace s18  }
0x93: {  	s3 =	sld [smem:$0x3FFC];
	_ =	sdelay $0x3  }
0x94: {  	_ =	strace s3  }
0x95: {  	s3 =	sld [smem:$0x3FFD];
	_ =	sdelay $0x3  }
0x96: {  	_ =	strace s3  }
0x97: {  	_ =	strace $0x8FFFFFFF  }
0x98: {  	s19 =	sld [smem:$0x3FDB];
	_ =	sdelay $0x1  }
0x99: {  	s4 =	simm.s32 $_scs_section_size  }
0x9a: {  	s5 =	simm.s32 $_size__tile_overlayer_lowered;
	s6 =	simm.s32 $_tile_overlayer_lowered  }
0x9b: {  	s22 =	simm.s32 $0x1BFF;
	s21 =	sshll.u32 s6, $0x1;
	s3 =	sadd.s32 s4, s19  }
0x9c: {  	s7 =	simm.s32 $0x0;
	s20 =	sshll.u32 s5, $0x1;
	s5 =	sadd.s32 s21, s3  }
0x9d: {  	[timem:s7], [sflag:s22] =	dma.local [hbm:s5], s20  }
0x9e: {  	_ =	swait.ge [sflag:s22], s20  }
0x9f: {  	s4 =	ssub.s32 $0x0, s20;
	[sflag:s22] =	ssyncset.done $0x0  }
0xa0: {  	[sflag:s22] =	ssyncadd.s32 s4;
	_ =	sdelay $0x1  }
0xa1: {  	s23 =	simm.s32 $0x1B8B  }
0xa2: {  	_ =	swait.ge [sflag:s23], $0x1  }
0xa3: {  	[sflag:s23] =	ssyncset.done $0x0  }
0xa4: {  	s25 =	simm.s32 $0x1B8E;
	s24 =	sld [smem:$0x3FFE];
	[sflag:s23] =	ssyncadd.s32 $0xFFFFFFFF  }
0xa5: {  	s26 =	simm.s32 $execute0_lowered;
	[smem:$0x3FD2] =	sst s25  }
0xa6: {  	s5 =	sshll.u32 s26, $0x1;
	_ =	strace $0x80000049;
	[dreg:$0x1] =	wrdreg $0xFFFFFFFF  }
0xa7: {  	s28 =	simm.s32 $_size_execute0_lowered;
	s3 =	sadd.s32 s3, s5;
	[dreg:$0x0] =	wrdreg $0x0  }
0xa8: {  	s5 =	sshll.u32 s28, $0x1;
	[dreg:$0x2] =	wrdreg s3  }
0xa9: {  	[dreg:$0x3] =	wrdreg s5  }
0xaa: {  	[dreg:$0x4] =	wrdreg $0xC0  }
0xab: {  	_ =	task [dreg:s7], $0x5FFFF  }
0xac: {  	[dreg:$0x1] =	wrdreg $0xFFFFFFFF  }
0xad: {  	[dreg:$0x0] =	wrdreg $0x60  }
0xae: {  	[dreg:$0x2] =	wrdreg s24  }
0xaf: {  	[dreg:$0x3] =	wrdreg s2  }
0xb0: {  	[dreg:$0x4] =	wrdreg $0x98000  }
0xb1: {  	[dreg:$0x5] =	wrdreg $0x9  }
0xb2: {  	_ =	task.clear_ibuf [dreg:s7], $0x6FFFF;
	_ =	strace $0x90000049  }
0xb3: {  	s29 =	simm.s32 $0x9;
	_ =	strace $0x8000004B  }
0xb4: {  	_ =	swait.ge [sflag:s29], $0x1  }
0xb5: {  	[sflag:s29] =	ssyncadd.s32 $0xFFFFFFFF  }
0xb6: {  	_ =	strace $0x9000004B  }
0xb7: {  	_ =	sfence  }
0xb8: {  	s30 =	sld [smem:$0x0];
	_ =	sdelay $0x2  }
0xb9: {  	s31 =	sshll.u32 s1, $0xD;
	s1 =	sshrl.u32 s1, $0x2  }
0xba: {  	s3 =	sand.u32 $0x4000, s31;
	s1 =	sadd.s32 s1, s30  }
0xbb: {  	s0 =	sor.u32 s3, s0;
	s1 =	sshll.u32 s1, $0x11  }
0xbc: {  	s0 =	sor.u32 s1, s0  }
0xbd: {  	s0 =	sadd.s32 $0x8F2B, s0  }
0xbe: {  	[sflag:s0] =	ssyncadd.remote.s32 $0x1  }
0xbf: {  	_ =	sfence.sel $0xFFFF  }
0xc0: {  	[dreg:$0x0] =	wrdreg $0xFFFFFFFF;
	(pc) =	sbr.abs _section_cstart, $3  }
0xc1: {  	[dreg:$0x1] =	wrdreg $0xFFFFFFFF  }
0xc2: {  	_ =	task.clear_ibuf [dreg:s7], $0x2FFFF;
	_ =	strace $0x9FFFFFFF  }
0xc3: {  	(tm) =	ssettm $0x7FFFFFFF  }
tec
execute0_lowered:
.L_overlay_start_1:
0x0: {  	(tag) =	ssettag $0x1  }
0x1: {  	s0 =	rddreg [dreg:$0x0]  }
0x2: {  	s1 =	rddreg [dreg:$0x1]  }
0x3: {  	s2 =	rddreg [dreg:$0x2];
	s3 =	srdreg.scid;
	s4 =	simm.s32 $0x0  }
0x4: {  	s13 =	stileid.u32;
	s28 =	simm.s32 $0x2;
	s29 =	simm.s32 $0x3  }
0x5: {  	s30 =	simm.s32 $0x5800;
	s31 =	simm.s32 $0x4;
	s9 =	smul.u32 $0x14000, s13  }
0x6: {  	s3 =	sand.u32 $0x1, s3;
	[smem:$0x7FF] =	sst s4;
	s10 =	smul.u32 $0x28, s13  }
0x7: {  	s5 =	sadd.s32 $0x17000, s0;
	s6 =	sadd.s32 $0xD000, s0;
	s11 =	smul.u32 $0x50000, s13  }
0x8: {  	s7 =	sadd.s32 $0x3000, s0;
	s8 =	smul.u32 $0x140000, s3;
	_ =	strace $0x8000004A  }
0x9: {  	s17 =	ssub.s32 $0x2, s3;
	p0 =	seq.s32 s3, $0x0;
	s3 =	smul.u32 $0x78, s13  }
0xa: {  	s18 =	sshrl.u32 s17, $0x1;
	s19 =	sshrl.u32 s11, $0x2;
	s8 =	sadd.s32 s9, s8  }
0xb: {  	s12 =	ssub.s32 s17, s18;
	s9 =	sadd.s32 $0x780, s10;
	s10 =	sadd.s32 s19, s2  }
0xc: {  	s8 =	sshrl.u32 s8, $0x3;
	s9 =	smov.u32 @p0 s3;
	s20 =	sadd.s32 $0x4000, s10  }
0xd: {  	s21 =	sadd.s32 $0x8000, s10;
	s23 =	sadd.s32 $0xC000, s10;
	[dreg:$0x4] =	wrdreg s20  }
0xe: {  	s24 =	sadd.s32 $0x10000, s10;
	s0 =	sadd.s32 s8, s0;
	[dreg:$0x5] =	wrdreg s21  }
0xf: {  	s8 =	simm.s32 $0x78;
	s22 =	sshll.u32 s9, $0x4;
	[dreg:$0x6] =	wrdreg s23  }
0x10: {  	[dreg:$0x7] =	wrdreg s24;
	s20 =	smax.u32 s12, $0x1;
	s25 =	sadd.s32 s1, s22  }
0x11: {  	s21 =	simm.s32 $0x1800;
	s26 =	sadd.s32 s6, s22;
	[dreg:$0x8] =	wrdreg s25  }
0x12: {  	s8 =	simm.s32 @!p0 $0x28;
	s3 =	sadd.s32 s7, s22;
	[dreg:$0x9] =	wrdreg s26  }
0x13: {  	s19 =	sadd.s32 $0x3F000, s0;
	s22 =	simm.s32 $0x5;
	[dreg:$0xa] =	wrdreg s3  }
0x14: {  	v0 =	vimm.f32 $0.0e+00;
	s18 =	sshrl.u32 s8, $0x1;
	s25 =	simm.s32 $0x80;
	s26 =	simm.s32 $0x1  }
.LBB2_1:
0x15: {  	s0 =	simm.s32 $0x0;
	s3 =	simm.s32 $0x200  }
.LBB2_2:
0x16: {  	p0 =	sne.s32 s3, $0xFE00;
	[tilespmem:s0+$0x1870] =	vst v0  }
0x17: {  	[tilespmem:s0+$0x1800] =	vst v0  }
0x18: {  	[tilespmem:s0+$0x1810] =	vst v0  }
.Ltmp0:
0x19: {  	[tilespmem:s0+$0x1820] =	vst v0;
	(pc) =	sbr.rel @p0 .LBB2_2-.Ltmp0, $4  }
0x1a: {  	[tilespmem:s0+$0x1830] =	vst v0  }
0x1b: {  	[tilespmem:s0+$0x1840] =	vst v0  }
0x1c: {  	[tilespmem:s0+$0x1850] =	vst v0  }
0x1d: {  	[tilespmem:s0+$0x1860] =	vst v0;
	s0 =	sshra.s32 s3, $0x2;
	s3 =	sadd.s32 $0x200, s3  }
0x1e: {  	[tilespmem:s0+$0x1870] =	vst v0  }
0x1f: {  	[tilespmem:s0+$0x1800] =	vst v0  }
0x20: {  	[tilespmem:s0+$0x1810] =	vst v0  }
0x21: {  	[tilespmem:s0+$0x1820] =	vst v0  }
0x22: {  	[tilespmem:s0+$0x1830] =	vst v0  }
0x23: {  	[tilespmem:s0+$0x1840] =	vst v0  }
0x24: {  	[tilespmem:s0+$0x1850] =	vst v0  }
0x25: {  	[tilespmem:s0+$0x1860] =	vst v0  }
0x26: {  	[spmem:s10] =	stream.linear.scatter [tilespmem:s21], [sflag:$0x5], $0x4000, $0x38;
	[tilespmem:$0x1D800] =	vst v63  }
0x27: {  	_ =	swait.ge [sflag:s22], $0x4000  }
0x28: {  	[sflag:s22] =	ssyncset.done $0x0  }
0x29: {  	s13 =	rddreg [dreg:$0x4];
	[sflag:s22] =	ssyncadd.s32 $0xFFFFC000  }
0x2a: {  	[spmem:s13] =	stream.linear.scatter [tilespmem:s21], [sflag:$0x5], $0x4000, $0x38;
	[tilespmem:$0x1D800] =	vst v63  }
0x2b: {  	_ =	swait.ge [sflag:s22], $0x4000  }
0x2c: {  	[sflag:s22] =	ssyncset.done $0x0  }
0x2d: {  	s14 =	rddreg [dreg:$0x5];
	[sflag:s22] =	ssyncadd.s32 $0xFFFFC000  }
0x2e: {  	[spmem:s14] =	stream.linear.scatter [tilespmem:s21], [sflag:$0x5], $0x4000, $0x38;
	[tilespmem:$0x1D800] =	vst v63  }
0x2f: {  	_ =	swait.ge [sflag:s22], $0x4000  }
0x30: {  	[sflag:s22] =	ssyncset.done $0x0  }
0x31: {  	s15 =	rddreg [dreg:$0x6];
	[sflag:s22] =	ssyncadd.s32 $0xFFFFC000  }
0x32: {  	[spmem:s15] =	stream.linear.scatter [tilespmem:s21], [sflag:$0x5], $0x4000, $0x38;
	[tilespmem:$0x1D800] =	vst v63  }
0x33: {  	_ =	swait.ge [sflag:s22], $0x4000  }
0x34: {  	[sflag:s22] =	ssyncset.done $0x0  }
0x35: {  	s16 =	rddreg [dreg:$0x7];
	[sflag:s22] =	ssyncadd.s32 $0xFFFFC000  }
0x36: {  	[spmem:s16] =	stream.linear.scatter [tilespmem:s21], [sflag:$0x5], $0x4000, $0x38;
	[tilespmem:$0x1D800] =	vst v63  }
0x37: {  	_ =	swait.ge [sflag:s22], $0x4000  }
0x38: {  	[sflag:s22] =	ssyncset.done $0x0  }
0x39: {  	[sflag:s22] =	ssyncadd.s32 $0xFFFFC000  }
0x3a: {  	[bflag:$0x0] =	sbarrier.arrive $0xFFFF  }
0x3b: {  	s0 =	simm.s32 $0x0;
	s3 =	rddreg [dreg:$0x8]  }
0x3c: {  	[tilespmem:s0], [sflag:$0x5] =	stream.linear.gather [hbm4b:s3+s0], $0x400, $0x38;
	[tilespmem:$0x1D800] =	vst v63  }
0x3d: {  	_ =	swait.ge [sflag:s22], $0x400  }
0x3e: {  	[sflag:s22] =	ssyncset.done $0x0  }
0x3f: {  	s11 =	simm.s32 $0x800;
	s17 =	rddreg [dreg:$0x9];
	[sflag:s22] =	ssyncadd.s32 $0xFFFFFC00  }
0x40: {  	[tilespmem:s11], [sflag:$0x5] =	stream.linear.gather [hbm4b:s17+s0], $0x400, $0x38;
	[tilespmem:$0x1D800] =	vst v63  }
0x41: {  	_ =	swait.ge [sflag:s22], $0x400  }
0x42: {  	[sflag:s22] =	ssyncset.done $0x0  }
0x43: {  	s24 =	simm.s32 $0x1000;
	s23 =	rddreg [dreg:$0xa];
	[sflag:s22] =	ssyncadd.s32 $0xFFFFFC00  }
0x44: {  	[tilespmem:s24], [sflag:$0x5] =	stream.linear.gather [hbm4b:s23+s0], $0x400, $0x38;
	[tilespmem:$0x1D800] =	vst v63  }
0x45: {  	_ =	swait.ge [sflag:s22], $0x400  }
0x46: {  	[sflag:s22] =	ssyncset.done $0x0  }
0x47: {  	[sflag:s22] =	ssyncadd.s32 $0xFFFFFC00  }
0x48: {  	[tilespmem:s21], [sflag:$0x1] =	stream.indirect.gather [hbm4b:s5+s25], $0x80, s0, s25, $0xb8;
	[tilespmem:$0x1D800] =	vst v63  }
.LBB2_4:
0x49: {  	_ =	swait.ge [sflag:s26], $0x4000;
	s11 =	sshll.u32 s0, $0x1  }
0x4a: {  	p0 =	seq.s32 s0, $0x0;
	s17 =	sshll.u32 s0, $0xA;
	[sflag:s26] =	ssyncset.done $0x0  }
0x4b: {  	s3 =	simm.s32 @!p0 $0x4;
	s12 =	sor.u32 $0x1, s11;
	[sflag:s26] =	ssyncadd.s32 $0xFFFFC000  }
0x4c: {  	s23 =	sand.u32 $0x1000, s17;
	p1 =	sge.u32 s12, s8;
	_ =	swait.ge @!p0 [sflag:s3], $0x4000  }
0x4d: {  	s13 =	sshll.u32 @!p1 s0, $0x8;
	s14 =	sshll.u32 @!p1 s12, $0x7;
	[sflag:s3] =	ssyncset.done @!p0 $0x0  }
0x4e: {  	[sflag:s3] =	ssyncadd.s32 @!p0 $0xFFFFC000;
	s3 =	sand.u32 @!p1 $0x400, s13;
	s13 =	sand.u32 @!p1 $0x380, s14  }
0x4f: {  	s14 =	simm.s32 @!p1 $0x5800;
	s3 =	sor.u32 @!p1 s13, s3;
	s13 =	simm.s32 @!p1 $0x80  }
0x50: {  	[tilespmem:s14], [sflag:$0x2] =	stream.indirect.gather @!p1 [hbm4b:s5+s13], $0x80, s3, s13, $0xb8;
	[tilespmem:$0x1D800] =	vst v63  }
0x51: {  	s24 =	sand.u32 $0xC00, s17;
	s13 =	sshrl.u32 s23, $0x2  }
0x52: {  	s14 =	sshrl.u32 s24, $0x2;
	s3 =	sor.u32 $0x1000, s13  }
0x53: {  	s15 =	sor.u32 s14, s3  }
0x54: {  	s16 =	simm.s32 $0x0;
	s17 =	simm.s32 $0x1840;
	v1 =	vmov s15  }
.LBB2_5:
0x55: {  	_ =	sdelay $0x2  }
0x56: {  	s15 =	sshll.u32 s16, $0x4  }
0x57: {  	v2 =	vld.idx.msk [tilespmem:v1+s15+$0x0 ss:$0x1], $0xffff;
	_ =	sdelay $0x1  }
0x58: {  	v7 =	vld [tilespmem:s17+$0xFFFFFFC0]  }
0x59: {  	v9 =	vld [tilespmem:s17+$0xFFFFFFD0];
	s24 =	simm.s32 $0x0  }
0x5a: {  	v8 =	vld [tilespmem:s17+$0xFFFFFFE0];
	v3 =	vmov s24  }
0x5b: {  	v5 =	vld [tilespmem:s17+$0x0];
	v3 =	vperm.xlane v2, v3  }
0x5c: {  	v6 =	vld [tilespmem:s17+$0x10]  }
0x5d: {  	v4 =	vld [tilespmem:s17+$0x20];
	v10 =	vmul.f32 v7, v3  }
0x5e: {  	s23 =	smov.u32 s17;
	s24 =	simm.s32 $0x1;
	s15 =	smov.u32 s17;
	v9 =	vmul.f32 v9, v3;
	v7 =	vld [tilespmem:s17+$0x30]  }
.LBB2_6:
0x5f: {  	p0 =	sne.s32 s24, $0xF;
	[tilespmem:s23+$0xFFFFFFC0] =	vst v10;
	v8 =	vmul.f32 v8, v3;
	v10 =	vld [tilespmem:s23+$0xFFFFFFF0];
	s15 =	sadd.s32 $0x80, s15  }
0x60: {  	v11 =	vld [tilespmem:s15+$0xFFFFFFC0];
	[tilespmem:s23+$0xFFFFFFD0] =	vst v9;
	v5 =	vmul.f32 v5, v3  }
0x61: {  	v9 =	vld [tilespmem:s15+$0xFFFFFFD0];
	[tilespmem:s23+$0xFFFFFFE0] =	vst v8;
	v6 =	vmul.f32 v6, v3  }
.Ltmp1:
0x62: {  	v12 =	vmov s24;
	v8 =	vld [tilespmem:s15+$0xFFFFFFE0];
	[tilespmem:s23+$0x0] =	vst v5;
	v4 =	vmul.f32 v4, v3;
	(pc) =	sbr.rel @p0 .LBB2_6-.Ltmp1, $4  }
0x63: {  	v12 =	vperm.xlane v2, v12;
	v5 =	vld [tilespmem:s15+$0x0];
	[tilespmem:s23+$0x10] =	vst v6;
	v7 =	vmul.f32 v7, v3  }
0x64: {  	v6 =	vld [tilespmem:s15+$0x10];
	v13 =	vmul.f32 v10, v3;
	[tilespmem:s23+$0x20] =	vst v4  }
0x65: {  	v3 =	vmov v12;
	v10 =	vmul.f32 v11, v12;
	v4 =	vld [tilespmem:s15+$0x20];
	[tilespmem:s23+$0x30] =	vst v7  }
0x66: {  	s24 =	sadd.s32 $0x1, s24;
	v9 =	vmul.f32 v9, v3;
	v7 =	vld [tilespmem:s15+$0x30];
	[tilespmem:s23+$0xFFFFFFF0] =	vst v13;
	s23 =	smov.u32 s15  }
0x67: {  	[tilespmem:s23+$0xFFFFFFC0] =	vst v10;
	v2 =	vmul.f32 v8, v3;
	v63 =	vld [tilespmem:s23+$0xFFFFFFF0]  }
0x68: {  	s16 =	sadd.s32 $0x1, s16;
	[tilespmem:s23+$0xFFFFFFD0] =	vst v9;
	v5 =	vmul.f32 v5, v3  }
0x69: {  	p0 =	sne.s32 s16, $0x8;
	[tilespmem:s23+$0xFFFFFFE0] =	vst v2;
	v2 =	vmul.f32 v6, v3  }
.Ltmp2:
0x6a: {  	[tilespmem:s23+$0x0] =	vst v5;
	v4 =	vmul.f32 v4, v3;
	(pc) =	sbr.rel @p0 .LBB2_5-.Ltmp2, $4  }
0x6b: {  	[tilespmem:s23+$0x10] =	vst v2;
	v2 =	vmul.f32 v7, v3  }
0x6c: {  	v3 =	vmul.f32 v63, v3;
	[tilespmem:s23+$0x20] =	vst v4  }
0x6d: {  	[tilespmem:s23+$0x30] =	vst v2  }
0x6e: {  	s17 =	sadd.s32 $0x800, s17;
	[tilespmem:s23+$0xFFFFFFF0] =	vst v3  }
0x6f: {  	s23 =	sor.u32 $0x800, s13;
	s11 =	sadd.s32 $0x2, s11  }
0x70: {  	s12 =	sand.u32 $0x7, s12;
	s13 =	sadd.s32 s14, s23;
	p0 =	sge.u32 s11, s8  }
0x71: {  	[spmem:s2] =	stream.indirect.scatter.add.f32 [tilespmem:s21], [sflag:$0x3], $0x80, s13, s25, $0xb8;
	[tilespmem:$0x1D800] =	vst v63  }
0x72: {  	p1 =	sne.s32 @!p0 s12, $0x7;
	_ =	swait.ge [sflag:s28], $0x4000  }
0x73: {  	p1 =	por p1, p0;
	[sflag:s28] =	ssyncset.done $0x0  }
0x74: {  	s13 =	sand.u32 @!p1 $0xFFFFFF8, s11;
	[sflag:s28] =	ssyncadd.s32 $0xFFFFC000  }
0x75: {  	s14 =	sshll.u32 @!p1 s11, $0x7;
	s13 =	sadd.s32 @!p1 s9, s13;
	_ =	swait.ge [sflag:s29], $0x4000  }
0x76: {  	s16 =	simm.s32 @!p1 $0x0;
	s13 =	sshll.u32 @!p1 s13, $0x4;
	[sflag:s29] =	ssyncset.done $0x0  }
0x77: {  	s14 =	sand.u32 @!p1 $0x400, s14;
	s15 =	sadd.s32 @!p1 s1, s13;
	[sflag:s29] =	ssyncadd.s32 $0xFFFFC000  }
0x78: {  	[tilespmem:s14], [sflag:$0x5] =	stream.linear.gather @!p1 [hbm4b:s15+s16], $0x400, $0x38;
	[tilespmem:$0x1D800] =	vst v63  }
0x79: {  	s15 =	simm.s32 @!p1 $0x5  }
0x7a: {  	_ =	swait.ge @!p1 [sflag:s15], $0x400  }
0x7b: {  	[sflag:s15] =	ssyncset.done @!p1 $0x0  }
0x7c: {  	s17 =	sor.u32 @!p1 $0x800, s14;
	s24 =	sadd.s32 @!p1 s6, s13;
	[sflag:s15] =	ssyncadd.s32 @!p1 $0xFFFFFC00  }
0x7d: {  	[tilespmem:s17], [sflag:$0x5] =	stream.linear.gather @!p1 [hbm4b:s24+s16], $0x400, $0x38;
	[tilespmem:$0x1D800] =	vst v63  }
0x7e: {  	_ =	swait.ge @!p1 [sflag:s15], $0x400  }
0x7f: {  	s11 =	sshll.u32 @!p0 s11, $0x7;
	[sflag:s15] =	ssyncset.done @!p1 $0x0  }
0x80: {  	s13 =	sadd.s32 @!p1 s7, s13;
	s14 =	sor.u32 @!p1 $0x1000, s14;
	[sflag:s15] =	ssyncadd.s32 @!p1 $0xFFFFFC00  }
0x81: {  	[tilespmem:s14], [sflag:$0x5] =	stream.linear.gather @!p1 [hbm4b:s13+s16], $0x400, $0x38;
	[tilespmem:$0x1D800] =	vst v63  }
0x82: {  	s11 =	sand.u32 @!p0 $0x700, s11;
	s16 =	sshll.u32 s12, $0x9;
	_ =	swait.ge @!p1 [sflag:s15], $0x400  }
0x83: {  	s13 =	simm.s32 @!p0 $0x80;
	s24 =	sshrl.u32 s16, $0x2;
	[sflag:s15] =	ssyncset.done @!p1 $0x0  }
0x84: {  	s14 =	simm.s32 @!p0 $0x1800;
	s17 =	sadd.s32 s24, s3;
	[sflag:s15] =	ssyncadd.s32 @!p1 $0xFFFFFC00  }
0x85: {  	[tilespmem:s14], [sflag:$0x1] =	stream.indirect.gather @!p0 [hbm4b:s5+s13], $0x80, s11, s13, $0xb8;
	[tilespmem:$0x1D800] =	vst v63  }
0x86: {  	s12 =	simm.s32 $0x0;
	s3 =	simm.s32 $0x0;
	v1 =	vmov s17;
	s11 =	simm.s32 $0x1800  }
.LBB2_9:
0x87: {  	_ = 	snop  }
0x88: {  	v2 =	vmov s11;
	_ =	sdelay $0x1  }
0x89: {  	s13 =	sshll.u32 s12, $0x4  }
0x8a: {  	v3 =	vld.idx.msk [tilespmem:v1+s13+$0x0 ss:$0x1], $0xffff  }
0x8b: {  	s13 =	simm.s32 $0x0  }
0x8c: {  	v4 =	vld.idx.msk [tilespmem:v2+s13+$0x4000 ss:$0x1], $0xffff;
	_ =	sdelay $0x1  }
0x8d: {  	v5 =	vmov s3  }
0x8e: {  	v5 =	vperm.xlane v3, v5;
	_ =	sdelay $0x1  }
0x8f: {  	v4 =	vmul.f32 v4, v5;
	_ =	sdelay $0x1  }
0x90: {  	[tilespmem:v2+s13+$0x4000 ss:$0x1] =	vst.idx.msk $0xffff, v4  }
0x91: {  	v4 =	vld.idx.msk [tilespmem:v2+s13+$0x4010 ss:$0x1], $0xffff;
	_ =	sdelay $0x4  }
0x92: {  	v4 =	vmul.f32 v4, v5;
	_ =	sdelay $0x1  }
0x93: {  	[tilespmem:v2+s13+$0x4010 ss:$0x1] =	vst.idx.msk $0xffff, v4  }
0x94: {  	v4 =	vld.idx.msk [tilespmem:v2+s13+$0x4020 ss:$0x1], $0xffff;
	_ =	sdelay $0x4  }
0x95: {  	v4 =	vmul.f32 v4, v5;
	_ =	sdelay $0x1  }
0x96: {  	[tilespmem:v2+s13+$0x4020 ss:$0x1] =	vst.idx.msk $0xffff, v4  }
0x97: {  	v4 =	vld.idx.msk [tilespmem:v2+s13+$0x4030 ss:$0x1], $0xffff;
	_ =	sdelay $0x4  }
0x98: {  	v4 =	vmul.f32 v4, v5;
	_ =	sdelay $0x1  }
0x99: {  	[tilespmem:v2+s13+$0x4030 ss:$0x1] =	vst.idx.msk $0xffff, v4  }
0x9a: {  	v4 =	vld.idx.msk [tilespmem:v2+s13+$0x4040 ss:$0x1], $0xffff;
	_ =	sdelay $0x4  }
0x9b: {  	v4 =	vmul.f32 v4, v5;
	_ =	sdelay $0x1  }
0x9c: {  	[tilespmem:v2+s13+$0x4040 ss:$0x1] =	vst.idx.msk $0xffff, v4  }
0x9d: {  	v4 =	vld.idx.msk [tilespmem:v2+s13+$0x4050 ss:$0x1], $0xffff;
	_ =	sdelay $0x4  }
0x9e: {  	v4 =	vmul.f32 v4, v5;
	_ =	sdelay $0x1  }
0x9f: {  	[tilespmem:v2+s13+$0x4050 ss:$0x1] =	vst.idx.msk $0xffff, v4  }
0xa0: {  	v4 =	vld.idx.msk [tilespmem:v2+s13+$0x4060 ss:$0x1], $0xffff;
	_ =	sdelay $0x4  }
0xa1: {  	v4 =	vmul.f32 v4, v5;
	_ =	sdelay $0x1  }
0xa2: {  	[tilespmem:v2+s13+$0x4060 ss:$0x1] =	vst.idx.msk $0xffff, v4  }
0xa3: {  	v4 =	vld.idx.msk [tilespmem:v2+s13+$0x4070 ss:$0x1], $0xffff;
	_ =	sdelay $0x4  }
0xa4: {  	s15 =	simm.s32 $0x200;
	s17 =	simm.s32 $0x400;
	s14 =	simm.s32 $0x0;
	v4 =	vmul.f32 v4, v5  }
.LBB2_10:
0xa5: {  	s14 =	sadd.s32 $0x1, s14  }
0xa6: {  	s16 =	sadd.s32 $0x200, s17;
	[tilespmem:v2+s13+$0x4070 ss:$0x1] =	vst.idx.msk $0xffff, v4;
	s13 =	sshra.s32 s15, $0x2;
	s15 =	smov.u32 s17  }
0xa7: {  	p0 =	sne.s32 s17, $0x1E00;
	v4 =	vld.idx.msk [tilespmem:v2+s13+$0x4000 ss:$0x1], $0xffff;
	_ =	sdelay $0x2  }
0xa8: {  	v5 =	vmov s14  }
0xa9: {  	v5 =	vperm.xlane v3, v5;
	_ =	sdelay $0x1  }
0xaa: {  	v4 =	vmul.f32 v4, v5;
	_ =	sdelay $0x1  }
0xab: {  	[tilespmem:v2+s13+$0x4000 ss:$0x1] =	vst.idx.msk $0xffff, v4  }
0xac: {  	v4 =	vld.idx.msk [tilespmem:v2+s13+$0x4010 ss:$0x1], $0xffff;
	_ =	sdelay $0x5  }
0xad: {  	v4 =	vmul.f32 v4, v5;
	_ =	sdelay $0x1  }
0xae: {  	[tilespmem:v2+s13+$0x4010 ss:$0x1] =	vst.idx.msk $0xffff, v4  }
0xaf: {  	v4 =	vld.idx.msk [tilespmem:v2+s13+$0x4020 ss:$0x1], $0xffff;
	_ =	sdelay $0x5  }
0xb0: {  	v4 =	vmul.f32 v4, v5;
	_ =	sdelay $0x1  }
0xb1: {  	[tilespmem:v2+s13+$0x4020 ss:$0x1] =	vst.idx.msk $0xffff, v4  }
0xb2: {  	v4 =	vld.idx.msk [tilespmem:v2+s13+$0x4030 ss:$0x1], $0xffff;
	_ =	sdelay $0x5  }
0xb3: {  	v4 =	vmul.f32 v4, v5;
	_ =	sdelay $0x1  }
0xb4: {  	[tilespmem:v2+s13+$0x4030 ss:$0x1] =	vst.idx.msk $0xffff, v4  }
0xb5: {  	v4 =	vld.idx.msk [tilespmem:v2+s13+$0x4040 ss:$0x1], $0xffff;
	_ =	sdelay $0x5  }
0xb6: {  	v4 =	vmul.f32 v4, v5;
	_ =	sdelay $0x1  }
0xb7: {  	[tilespmem:v2+s13+$0x4040 ss:$0x1] =	vst.idx.msk $0xffff, v4  }
0xb8: {  	v4 =	vld.idx.msk [tilespmem:v2+s13+$0x4050 ss:$0x1], $0xffff;
	_ =	sdelay $0x5  }
0xb9: {  	v4 =	vmul.f32 v4, v5;
	_ =	sdelay $0x1  }
0xba: {  	[tilespmem:v2+s13+$0x4050 ss:$0x1] =	vst.idx.msk $0xffff, v4  }
0xbb: {  	v4 =	vld.idx.msk [tilespmem:v2+s13+$0x4060 ss:$0x1], $0xffff;
	_ =	sdelay $0x5  }
0xbc: {  	v4 =	vmul.f32 v4, v5;
	_ =	sdelay $0x1  }
0xbd: {  	[tilespmem:v2+s13+$0x4060 ss:$0x1] =	vst.idx.msk $0xffff, v4  }
0xbe: {  	v4 =	vld.idx.msk [tilespmem:v2+s13+$0x4070 ss:$0x1], $0xffff;
	_ =	sdelay $0x1  }
.Ltmp3:
0xbf: {  	(pc) =	sbr.rel @p0 .LBB2_10-.Ltmp3, $2  }
0xc0: {  	_ =	sdelay $0x2  }
0xc1: {  	s17 =	smov.u32 s16;
	v4 =	vmul.f32 v4, v5  }
0xc2: {  	_ =	sdelay $0x3  }
0xc3: {  	s15 =	sshra.s32 s15, $0x2;
	[tilespmem:v2+s13+$0x4070 ss:$0x1] =	vst.idx.msk $0xffff, v4  }
0xc4: {  	v4 =	vld.idx.msk [tilespmem:v2+s15+$0x4000 ss:$0x1], $0xffff  }
0xc5: {  	s17 =	sadd.s32 $0x1, s14  }
0xc6: {  	v5 =	vmov s17  }
0xc7: {  	v3 =	vperm.xlane v3, v5;
	_ =	sdelay $0x1  }
0xc8: {  	v4 =	vmul.f32 v4, v3;
	_ =	sdelay $0x1  }
0xc9: {  	[tilespmem:v2+s15+$0x4000 ss:$0x1] =	vst.idx.msk $0xffff, v4  }
0xca: {  	v4 =	vld.idx.msk [tilespmem:v2+s15+$0x4010 ss:$0x1], $0xffff;
	_ =	sdelay $0x4  }
0xcb: {  	v4 =	vmul.f32 v4, v3;
	_ =	sdelay $0x1  }
0xcc: {  	[tilespmem:v2+s15+$0x4010 ss:$0x1] =	vst.idx.msk $0xffff, v4  }
0xcd: {  	v4 =	vld.idx.msk [tilespmem:v2+s15+$0x4020 ss:$0x1], $0xffff;
	_ =	sdelay $0x4  }
0xce: {  	v4 =	vmul.f32 v4, v3;
	_ =	sdelay $0x1  }
0xcf: {  	[tilespmem:v2+s15+$0x4020 ss:$0x1] =	vst.idx.msk $0xffff, v4  }
0xd0: {  	v4 =	vld.idx.msk [tilespmem:v2+s15+$0x4030 ss:$0x1], $0xffff;
	_ =	sdelay $0x4  }
0xd1: {  	v4 =	vmul.f32 v4, v3;
	_ =	sdelay $0x1  }
0xd2: {  	[tilespmem:v2+s15+$0x4030 ss:$0x1] =	vst.idx.msk $0xffff, v4  }
0xd3: {  	v4 =	vld.idx.msk [tilespmem:v2+s15+$0x4040 ss:$0x1], $0xffff;
	_ =	sdelay $0x4  }
0xd4: {  	v4 =	vmul.f32 v4, v3;
	_ =	sdelay $0x1  }
0xd5: {  	[tilespmem:v2+s15+$0x4040 ss:$0x1] =	vst.idx.msk $0xffff, v4  }
0xd6: {  	v4 =	vld.idx.msk [tilespmem:v2+s15+$0x4050 ss:$0x1], $0xffff;
	_ =	sdelay $0x4  }
0xd7: {  	v4 =	vmul.f32 v4, v3;
	_ =	sdelay $0x1  }
0xd8: {  	[tilespmem:v2+s15+$0x4050 ss:$0x1] =	vst.idx.msk $0xffff, v4  }
0xd9: {  	v4 =	vld.idx.msk [tilespmem:v2+s15+$0x4060 ss:$0x1], $0xffff;
	_ =	sdelay $0x4  }
0xda: {  	v4 =	vmul.f32 v4, v3;
	_ =	sdelay $0x1  }
0xdb: {  	[tilespmem:v2+s15+$0x4060 ss:$0x1] =	vst.idx.msk $0xffff, v4  }
0xdc: {  	v4 =	vld.idx.msk [tilespmem:v2+s15+$0x4070 ss:$0x1], $0xffff  }
0xdd: {  	s12 =	sadd.s32 $0x1, s12  }
0xde: {  	p0 =	sne.s32 s12, $0x8  }
.Ltmp4:
0xdf: {  	_ = 	snop;
	(pc) =	sbr.rel @p0 .LBB2_9-.Ltmp4, $3  }
0xe0: {  	_ = 	snop  }
0xe1: {  	v3 =	vmul.f32 v4, v3;
	_ =	sdelay $0x1  }
0xe2: {  	s11 =	sadd.s32 $0x800, s11;
	[tilespmem:v2+s15+$0x4070 ss:$0x1] =	vst.idx.msk $0xffff, v3  }
0xe3: {  	s0 =	sadd.s32 $0x1, s0  }
0xe4: {  	p0 =	sne.s32 s0, s18  }
.Ltmp5:
0xe5: {  	_ = 	snop;
	(pc) =	sbr.rel @p0 .LBB2_4-.Ltmp5, $3  }
0xe6: {  	_ =	sdelay $0x1  }
0xe7: {  	s3 =	sadd.s32 s24, s23  }
0xe8: {  	[spmem:s2] =	stream.indirect.scatter.add.f32 [tilespmem:s30], [sflag:$0x4], $0x80, s3, s25, $0xb8;
	[tilespmem:$0x1D800] =	vst v63  }
0xe9: {  	_ =	swait.ge [sflag:s31], $0x4000;
	s0 =	stileid.u32  }
0xea: {  	s3 =	sshrl.u32 s10, $0x3;
	s4 =	sadd.s32 $0x1, s4;
	[sflag:s31] =	ssyncset.done $0x0  }
0xeb: {  	s0 =	sshll.u32 s0, $0x6;
	p0 =	sne.s32 s4, s20;
	[sflag:s31] =	ssyncadd.s32 $0xFFFFC000  }
.Ltmp6:
0xec: {  	s0 =	sor.u32 $0x1C05, s0;
	[bflag:$0x0] =	sbarrier.arrive $0xFFFF;
	(pc) =	sbr.rel @p0 .LBB2_1-.Ltmp6, $4  }
0xed: {  	[hbm:s19], [sflag:s0] =	dma.local [spmem:s3], $0x2800  }
0xee: {  	_ =	swait.ge [sflag:s22], $0x2800  }
0xef: {  	[sflag:s22] =	ssyncset.done $0x0  }
0xf0: {  	[sflag:s22] =	ssyncadd.s32 $0xFFFFD800  }
0xf1: {  	_ =	sfence.sel $0x180000  }
0xf2: {  	[bflag:$0x0] =	sbarrier.arrive $0xFFFF  }
0xf3: {  	_ =	strace $0x9000004A  }
0xf4: {  	s0 =	stileid.u32;
	[bflag:$0x2] =	sbarrier.arrive $0xFFFF  }
0xf5: {  	p0 =	sne.s32 s0, $0x0;
	s0 =	rddreg [dreg:$0x3]  }
0xf6: {  	s0 =	sadd.s32 @!p0 $0x100000, s0  }
0xf7: {  	[sflag:s0] =	ssyncadd.tile.s32 @!p0 $0x1;
	_ =	shalt  }
.Lfunc_end2:
_tile_overlayer_lowered:
.L_overlay_start_2:
0xf8: {  	(tag) =	ssettag $0x2  }
0xf9: {  	s0 =	rddreg [dreg:$0x0];
	s2 =	stileid.u32  }
0xfa: {  	s1 =	rddreg [dreg:$0x1];
	p0 =	sne.s32 s2, $0x0  }
0xfb: {  	s3 =	rddreg [dreg:$0x2];
	[bflag:$0x3] =	sbarrier.arrive $0xFFFF;
	s2 =	simm.s32 @!p0 $0x1C05  }
0xfc: {  	[timem:s3], [sflag:s2] =	dma.local @!p0 [hbm:s0], s1  }
0xfd: {  	s0 =	simm.s32 @!p0 $0x5  }
0xfe: {  	_ =	swait.ge @!p0 [sflag:s0], s1  }
0xff: {  	s1 =	ssub.s32 @!p0 $0x0, s1;
	[sflag:s0] =	ssyncset.done @!p0 $0x0  }
0x100: {  	[sflag:s0] =	ssyncadd.s32 @!p0 s1  }
0x101: {  	[bflag:$0x3] =	sbarrier.arrive $0xFFFF  }
0x102: {  	_ =	shalt  }

// kernel: kernel.14.cloned.1.call-start
scs
__scs_entry_jumppad:
0x0: {  	(pc) =	sbr.rel $0x88, $3  }
0x1: {  	(tag) =	ssettag $0x0;
	lr =	simm.s32 $0x1  }
0x2: {  	[smem:$0x3F98] =	sst lr;
	_ =	strace $0xD0000000  }
0x3: {  	_ = 	snop  }
0x4: {  	_ = 	snop  }
0x5: {  	_ = 	snop  }
0x6: {  	_ = 	snop  }
0x7: {  	_ = 	snop  }
__scs_overlays_trampoline_lowered:
0x8: {  	[smem:$0x3FA7] =	sst s0  }
0x9: {  	[smem:$0x3FA8] =	sst s1  }
0xa: {  	[smem:$0x3FA9] =	sst s2  }
0xb: {  	[smem:$0x3FAA] =	sst s3  }
0xc: {  	[smem:$0x3FAB] =	sst s4  }
0xd: {  	[smem:$0x3FAC] =	sst s5  }
0xe: {  	[smem:$0x3FAD] =	sst s6  }
0xf: {  	[smem:$0x3FAE] =	sst s7  }
0x10: {  	[smem:$0x3FAF] =	sst s8  }
0x11: {  	[smem:$0x3FB0] =	sst s9;
	s0 =	simm.s32 @!p0 $0x0  }
0x12: {  	s1 =	sld [smem:$0x3F96];
	s0 =	simm.s32 @p0 $0x1  }
0x13: {  	[smem:$0x3FB1] =	sst s0;
	s0 =	simm.s32 @!p1 $0x0  }
0x14: {  	s2 =	sld [smem:$0x3F95];
	s0 =	simm.s32 @p1 $0x1  }
0x15: {  	[smem:$0x3FB2] =	sst s0;
	s0 =	simm.s32 @!p2 $0x0  }
0x16: {  	s3 =	sld [smem:$0x3FDB];
	s0 =	simm.s32 @p2 $0x1  }
0x17: {  	s4 =	simm.s32 $0x1BF5;
	[smem:$0x3FB4] =	sst s0  }
0x18: {  	s0 =	sld [smem:$0x3F97];
	_ =	swait.ge [sflag:s4], $0x0  }
0x19: {  	s7 =	sld [smem:$0x3F98]  }
0x1a: {  	s8 =	sadd.s32 $0xFFFFE003, lr  }
0x1b: {  	s9 =	sadd.s32 $0xFFFFFEF7, lr;
	s5 =	simm.s32 $0xFFFFFFFF;
	p2 =	slt.u32 s8, $0xFFFFF086  }
0x1c: {  	p1 =	slt.u32 s9, $0xF7A;
	s5 =	simm.s32 @!p2 $0x0  }
0x1d: {  	s5 =	simm.s32 @p1 $0x1;
	p0 =	seq.s32 s7, s2  }
0x1e: {  	s7 =	smul.u32 @!p0 $0xF7A, s2;
	p2 =	seq.s32 @!p0 s5, $0x0  }
0x1f: {  	s9 =	smul.u32 $0xF7A, s1;
	s8 =	simm.s32 @!p0 $0x1BF5;
	p2 =	por !p2, p0  }
0x20: {  	[sflag:s8] =	ssyncset.s32 @!p0 $0xFFFFF086;
	s6 =	sadd.s32 @!p0 s3, s7;
	s7 =	simm.s32 @!p0 $0x108  }
0x21: {  	s3 =	sadd.s32 s3, s9;
	s6 =	sadd.s32 @!p0 $0x88, s6;
	s7 =	simm.s32 @p2 $0x1082  }
0x22: {  	[simem:s7], [sflag:s8] =	dma.local @!p0 [hbm:s6], $0xF7A  }
0x23: {  	s9 =	sor.u32 $0xD0000000, s2;
	s6 =	simm.s32 $0x108;
	_ =	swait.ge @!p0 [sflag:s8], $0x0  }
0x24: {  	s3 =	sadd.s32 $0x88, s3;
	s6 =	simm.s32 @!p1 $0x1082;
	[sflag:s4] =	ssyncset.s32 $0xFFFFF086  }
0x25: {  	[simem:s6], [sflag:s4] =	dma.local [hbm:s3], $0xF7A  }
0x26: {  	[smem:$0x3F98] =	sst s1;
	(tag) =	ssettag s2;
	_ =	strace s9  }
0x27: {  	s1 =	sld [smem:$0x3FA8]  }
0x28: {  	s2 =	sld [smem:$0x3FA9]  }
0x29: {  	s4 =	sld [smem:$0x3FAB]  }
0x2a: {  	p0 =	seq.s32 s5, $0x0;
	s5 =	sld [smem:$0x3FAC]  }
0x2b: {  	s6 =	sld [smem:$0x3FAD]  }
0x2c: {  	s7 =	sld [smem:$0x3FAE]  }
0x2d: {  	s3 =	simm.s32 $0x108;
	s8 =	sld [smem:$0x3FAF]  }
0x2e: {  	s3 =	simm.s32 @!p0 $0x1082;
	s9 =	sld [smem:$0x3FB0]  }
0x2f: {  	lr =	sadd.s32 s0, s3;
	s0 =	sld [smem:$0x3FA7]  }
0x30: {  	s3 =	sld [smem:$0x3FAA]  }
0x31: {  	[smem:$0x3FB3] =	sst s10  }
0x32: {  	s10 =	sld [smem:$0x3FB1];
	_ =	sdelay $0x3  }
0x33: {  	p0 =	seq.s32 s10, $0x1;
	s10 =	sld [smem:$0x3FB3];
	_ =	sdelay $0x3  }
0x34: {  	[smem:$0x3FB3] =	sst s10  }
0x35: {  	s10 =	sld [smem:$0x3FB2];
	_ =	sdelay $0x3  }
0x36: {  	p1 =	seq.s32 s10, $0x1;
	s10 =	sld [smem:$0x3FB3];
	_ =	sdelay $0x3  }
0x37: {  	[smem:$0x3FB3] =	sst s10  }
0x38: {  	s10 =	sld [smem:$0x3FB4]  }
0x39: {  	_ = 	snop;
	(pc) =	sbr.ind lr, $3  }
0x3a: {  	_ = 	snop  }
0x3b: {  	_ = 	snop  }
0x3c: {  	p2 =	seq.s32 s10, $0x1;
	s10 =	sld [smem:$0x3FB3]  }
0x3d: {  	_ =	shalt  }
0x3e: {  	_ =	shalt  }
0x3f: {  	_ =	shalt  }
0x40: {  	_ =	shalt  }
0x41: {  	_ =	shalt  }
0x42: {  	_ =	shalt  }
0x43: {  	_ =	shalt  }
0x44: {  	_ =	shalt  }
0x45: {  	_ =	shalt  }
0x46: {  	_ =	shalt  }
0x47: {  	_ =	shalt  }
0x48: {  	_ =	shalt  }
0x49: {  	_ =	shalt  }
0x4a: {  	_ =	shalt  }
0x4b: {  	_ =	shalt  }
0x4c: {  	_ =	shalt  }
0x4d: {  	_ =	shalt  }
0x4e: {  	_ =	shalt  }
0x4f: {  	_ =	shalt  }
0x50: {  	_ =	shalt  }
0x51: {  	_ =	shalt  }
0x52: {  	_ =	shalt  }
0x53: {  	_ =	shalt  }
0x54: {  	_ =	shalt  }
0x55: {  	_ =	shalt  }
0x56: {  	_ =	shalt  }
0x57: {  	_ =	shalt  }
0x58: {  	_ =	shalt  }
0x59: {  	_ =	shalt  }
0x5a: {  	_ =	shalt  }
0x5b: {  	_ =	shalt  }
0x5c: {  	_ =	shalt  }
0x5d: {  	_ =	shalt  }
0x5e: {  	_ =	shalt  }
0x5f: {  	_ =	shalt  }
0x60: {  	_ =	shalt  }
0x61: {  	_ =	shalt  }
0x62: {  	_ =	shalt  }
0x63: {  	_ =	shalt  }
0x64: {  	_ =	shalt  }
0x65: {  	_ =	shalt  }
0x66: {  	_ =	shalt  }
0x67: {  	_ =	shalt  }
0x68: {  	_ =	shalt  }
0x69: {  	_ =	shalt  }
0x6a: {  	_ =	shalt  }
0x6b: {  	_ =	shalt  }
0x6c: {  	_ =	shalt  }
0x6d: {  	_ =	shalt  }
0x6e: {  	_ =	shalt  }
0x6f: {  	_ =	shalt  }
0x70: {  	_ =	shalt  }
0x71: {  	_ =	shalt  }
0x72: {  	_ =	shalt  }
0x73: {  	_ =	shalt  }
0x74: {  	_ =	shalt  }
0x75: {  	_ =	shalt  }
0x76: {  	_ =	shalt  }
0x77: {  	_ =	shalt  }
0x78: {  	_ =	shalt  }
0x79: {  	_ =	shalt  }
0x7a: {  	_ =	shalt  }
0x7b: {  	_ =	shalt  }
0x7c: {  	_ =	shalt  }
0x7d: {  	_ =	shalt  }
0x7e: {  	_ =	shalt  }
0x7f: {  	_ =	shalt  }
0x80: {  	_ =	shalt  }
0x81: {  	_ =	shalt  }
0x82: {  	_ =	shalt  }
0x83: {  	_ =	shalt  }
0x84: {  	_ =	shalt  }
0x85: {  	_ =	shalt  }
0x86: {  	_ =	shalt  }
0x87: {  	_ =	shalt  }
.Lfunc_end0:
.L_simem_size_0:
called_computation.2_lowered:
.L_overlay_start_0:
0x88: {  	s2 =	sld [smem:$0x3FD9]  }
0x89: {  	s3 =	sld [smem:$0x3FFE];
	_ =	sdelay $0x1  }
0x8a: {  	s1 =	srdreg.scid  }
0x8b: {  	s0 =	sand.u32 $0x1, s1  }
0x8c: {  	s17 =	sshll.u32 s0, $0xA;
	s2 =	sadd.s32 s3, s2  }
0x8d: {  	s2 =	sadd.s32 s2, s17  }
0x8e: {  	[smem:$0x3FBF] =	sst s2  }
0x8f: {  	_ = 	snop  }
0x90: {  	s2 =	sld [smem:$0x3FD0];
	(tm) =	ssettm $0x1  }
0x91: {  	s18 =	sld [smem:$0x3FFB];
	_ =	sdelay $0x3  }
0x92: {  	_ =	strace s18  }
0x93: {  	s3 =	sld [smem:$0x3FFC];
	_ =	sdelay $0x3  }
0x94: {  	_ =	strace s3  }
0x95: {  	s3 =	sld [smem:$0x3FFD];
	_ =	sdelay $0x3  }
0x96: {  	_ =	strace s3  }
0x97: {  	_ =	strace $0x8FFFFFFF  }
0x98: {  	s19 =	sld [smem:$0x3FDB];
	_ =	sdelay $0x1  }
0x99: {  	s4 =	simm.s32 $_scs_section_size  }
0x9a: {  	s5 =	simm.s32 $_size__tile_overlayer_lowered;
	s6 =	simm.s32 $_tile_overlayer_lowered  }
0x9b: {  	s22 =	simm.s32 $0x1BFF;
	s21 =	sshll.u32 s6, $0x1;
	s3 =	sadd.s32 s4, s19  }
0x9c: {  	s7 =	simm.s32 $0x0;
	s20 =	sshll.u32 s5, $0x1;
	s5 =	sadd.s32 s21, s3  }
0x9d: {  	[timem:s7], [sflag:s22] =	dma.local [hbm:s5], s20  }
0x9e: {  	_ =	swait.ge [sflag:s22], s20  }
0x9f: {  	s4 =	ssub.s32 $0x0, s20;
	[sflag:s22] =	ssyncset.done $0x0  }
0xa0: {  	[sflag:s22] =	ssyncadd.s32 s4;
	_ =	sdelay $0x1  }
0xa1: {  	s23 =	simm.s32 $0x1B8B  }
0xa2: {  	_ =	swait.ge [sflag:s23], $0x1  }
0xa3: {  	[sflag:s23] =	ssyncset.done $0x0  }
0xa4: {  	s25 =	simm.s32 $0x1B8E;
	s24 =	sld [smem:$0x3FFE];
	[sflag:s23] =	ssyncadd.s32 $0xFFFFFFFF  }
0xa5: {  	s26 =	simm.s32 $execute0_lowered;
	[smem:$0x3FD2] =	sst s25  }
0xa6: {  	s5 =	sshll.u32 s26, $0x1;
	_ =	strace $0x8000004C;
	[dreg:$0x1] =	wrdreg $0xFFFFFFFF  }
0xa7: {  	s28 =	simm.s32 $_size_execute0_lowered;
	s3 =	sadd.s32 s3, s5;
	[dreg:$0x0] =	wrdreg $0x0  }
0xa8: {  	s5 =	sshll.u32 s28, $0x1;
	[dreg:$0x2] =	wrdreg s3  }
0xa9: {  	[dreg:$0x3] =	wrdreg s5  }
0xaa: {  	[dreg:$0x4] =	wrdreg $0xC0  }
0xab: {  	_ =	task [dreg:s7], $0x5FFFF  }
0xac: {  	[dreg:$0x1] =	wrdreg $0xFFFFFFFF  }
0xad: {  	[dreg:$0x0] =	wrdreg $0x60  }
0xae: {  	[dreg:$0x2] =	wrdreg s24  }
0xaf: {  	[dreg:$0x3] =	wrdreg s2  }
0xb0: {  	[dreg:$0x4] =	wrdreg $0x98000  }
0xb1: {  	[dreg:$0x5] =	wrdreg $0x9  }
0xb2: {  	_ =	task.clear_ibuf [dreg:s7], $0x6FFFF;
	_ =	strace $0x9000004C  }
0xb3: {  	s29 =	simm.s32 $0x9;
	_ =	strace $0x8000004E  }
0xb4: {  	_ =	swait.ge [sflag:s29], $0x1  }
0xb5: {  	[sflag:s29] =	ssyncadd.s32 $0xFFFFFFFF  }
0xb6: {  	_ =	strace $0x9000004E  }
0xb7: {  	_ =	sfence  }
0xb8: {  	s30 =	sld [smem:$0x0];
	_ =	sdelay $0x2  }
0xb9: {  	s31 =	sshll.u32 s1, $0xD;
	s1 =	sshrl.u32 s1, $0x2  }
0xba: {  	s3 =	sand.u32 $0x4000, s31;
	s1 =	sadd.s32 s1, s30  }
0xbb: {  	s0 =	sor.u32 s3, s0;
	s1 =	sshll.u32 s1, $0x11  }
0xbc: {  	s0 =	sor.u32 s1, s0  }
0xbd: {  	s0 =	sadd.s32 $0x8F2B, s0  }
0xbe: {  	[sflag:s0] =	ssyncadd.remote.s32 $0x1  }
0xbf: {  	_ =	sfence.sel $0xFFFF  }
0xc0: {  	[dreg:$0x0] =	wrdreg $0xFFFFFFFF;
	(pc) =	sbr.abs _section_cstart, $3  }
0xc1: {  	[dreg:$0x1] =	wrdreg $0xFFFFFFFF  }
0xc2: {  	_ =	task.clear_ibuf [dreg:s7], $0x2FFFF;
	_ =	strace $0x9FFFFFFF  }
0xc3: {  	(tm) =	ssettm $0x7FFFFFFF  }
tec
execute0_lowered:
.L_overlay_start_1:
0x0: {  	(tag) =	ssettag $0x1  }
0x1: {  	s0 =	rddreg [dreg:$0x0]  }
0x2: {  	s1 =	rddreg [dreg:$0x1]  }
0x3: {  	s2 =	rddreg [dreg:$0x2];
	s3 =	srdreg.scid;
	s4 =	simm.s32 $0x0  }
0x4: {  	s13 =	stileid.u32;
	s28 =	simm.s32 $0x2;
	s29 =	simm.s32 $0x3  }
0x5: {  	s30 =	simm.s32 $0x5800;
	s31 =	simm.s32 $0x4;
	s9 =	smul.u32 $0x14000, s13  }
0x6: {  	s3 =	sand.u32 $0x1, s3;
	[smem:$0x7FF] =	sst s4;
	s10 =	smul.u32 $0x28, s13  }
0x7: {  	s5 =	sadd.s32 $0x17000, s0;
	s6 =	sadd.s32 $0xD000, s0;
	s11 =	smul.u32 $0x50000, s13  }
0x8: {  	s7 =	sadd.s32 $0x3000, s0;
	s8 =	smul.u32 $0x140000, s3;
	_ =	strace $0x8000004D  }
0x9: {  	s17 =	ssub.s32 $0x2, s3;
	p0 =	seq.s32 s3, $0x0;
	s3 =	smul.u32 $0x78, s13  }
0xa: {  	s18 =	sshrl.u32 s17, $0x1;
	s19 =	sshrl.u32 s11, $0x2;
	s8 =	sadd.s32 s9, s8  }
0xb: {  	s12 =	ssub.s32 s17, s18;
	s9 =	sadd.s32 $0x780, s10;
	s10 =	sadd.s32 s19, s2  }
0xc: {  	s8 =	sshrl.u32 s8, $0x3;
	s9 =	smov.u32 @p0 s3;
	s20 =	sadd.s32 $0x4000, s10  }
0xd: {  	s21 =	sadd.s32 $0x8000, s10;
	s23 =	sadd.s32 $0xC000, s10;
	[dreg:$0x4] =	wrdreg s20  }
0xe: {  	s24 =	sadd.s32 $0x10000, s10;
	s0 =	sadd.s32 s8, s0;
	[dreg:$0x5] =	wrdreg s21  }
0xf: {  	s8 =	simm.s32 $0x78;
	s22 =	sshll.u32 s9, $0x4;
	[dreg:$0x6] =	wrdreg s23  }
0x10: {  	[dreg:$0x7] =	wrdreg s24;
	s20 =	smax.u32 s12, $0x1;
	s25 =	sadd.s32 s1, s22  }
0x11: {  	s21 =	simm.s32 $0x1800;
	s26 =	sadd.s32 s6, s22;
	[dreg:$0x8] =	wrdreg s25  }
0x12: {  	s8 =	simm.s32 @!p0 $0x28;
	s3 =	sadd.s32 s7, s22;
	[dreg:$0x9] =	wrdreg s26  }
0x13: {  	s19 =	sadd.s32 $0x3F000, s0;
	s22 =	simm.s32 $0x5;
	[dreg:$0xa] =	wrdreg s3  }
0x14: {  	v0 =	vimm.f32 $0.0e+00;
	s18 =	sshrl.u32 s8, $0x1;
	s25 =	simm.s32 $0x80;
	s26 =	simm.s32 $0x1  }
.LBB2_1:
0x15: {  	s0 =	simm.s32 $0x0;
	s3 =	simm.s32 $0x200  }
.LBB2_2:
0x16: {  	p0 =	sne.s32 s3, $0xFE00;
	[tilespmem:s0+$0x1870] =	vst v0  }
0x17: {  	[tilespmem:s0+$0x1800] =	vst v0  }
0x18: {  	[tilespmem:s0+$0x1810] =	vst v0  }
.Ltmp0:
0x19: {  	[tilespmem:s0+$0x1820] =	vst v0;
	(pc) =	sbr.rel @p0 .LBB2_2-.Ltmp0, $4  }
0x1a: {  	[tilespmem:s0+$0x1830] =	vst v0  }
0x1b: {  	[tilespmem:s0+$0x1840] =	vst v0  }
0x1c: {  	[tilespmem:s0+$0x1850] =	vst v0  }
0x1d: {  	[tilespmem:s0+$0x1860] =	vst v0;
	s0 =	sshra.s32 s3, $0x2;
	s3 =	sadd.s32 $0x200, s3  }
0x1e: {  	[tilespmem:s0+$0x1870] =	vst v0  }
0x1f: {  	[tilespmem:s0+$0x1800] =	vst v0  }
0x20: {  	[tilespmem:s0+$0x1810] =	vst v0  }
0x21: {  	[tilespmem:s0+$0x1820] =	vst v0  }
0x22: {  	[tilespmem:s0+$0x1830] =	vst v0  }
0x23: {  	[tilespmem:s0+$0x1840] =	vst v0  }
0x24: {  	[tilespmem:s0+$0x1850] =	vst v0  }
0x25: {  	[tilespmem:s0+$0x1860] =	vst v0  }
0x26: {  	[spmem:s10] =	stream.linear.scatter [tilespmem:s21], [sflag:$0x5], $0x4000, $0x38;
	[tilespmem:$0x1D800] =	vst v63  }
0x27: {  	_ =	swait.ge [sflag:s22], $0x4000  }
0x28: {  	[sflag:s22] =	ssyncset.done $0x0  }
0x29: {  	s13 =	rddreg [dreg:$0x4];
	[sflag:s22] =	ssyncadd.s32 $0xFFFFC000  }
0x2a: {  	[spmem:s13] =	stream.linear.scatter [tilespmem:s21], [sflag:$0x5], $0x4000, $0x38;
	[tilespmem:$0x1D800] =	vst v63  }
0x2b: {  	_ =	swait.ge [sflag:s22], $0x4000  }
0x2c: {  	[sflag:s22] =	ssyncset.done $0x0  }
0x2d: {  	s14 =	rddreg [dreg:$0x5];
	[sflag:s22] =	ssyncadd.s32 $0xFFFFC000  }
0x2e: {  	[spmem:s14] =	stream.linear.scatter [tilespmem:s21], [sflag:$0x5], $0x4000, $0x38;
	[tilespmem:$0x1D800] =	vst v63  }
0x2f: {  	_ =	swait.ge [sflag:s22], $0x4000  }
0x30: {  	[sflag:s22] =	ssyncset.done $0x0  }
0x31: {  	s15 =	rddreg [dreg:$0x6];
	[sflag:s22] =	ssyncadd.s32 $0xFFFFC000  }
0x32: {  	[spmem:s15] =	stream.linear.scatter [tilespmem:s21], [sflag:$0x5], $0x4000, $0x38;
	[tilespmem:$0x1D800] =	vst v63  }
0x33: {  	_ =	swait.ge [sflag:s22], $0x4000  }
0x34: {  	[sflag:s22] =	ssyncset.done $0x0  }
0x35: {  	s16 =	rddreg [dreg:$0x7];
	[sflag:s22] =	ssyncadd.s32 $0xFFFFC000  }
0x36: {  	[spmem:s16] =	stream.linear.scatter [tilespmem:s21], [sflag:$0x5], $0x4000, $0x38;
	[tilespmem:$0x1D800] =	vst v63  }
0x37: {  	_ =	swait.ge [sflag:s22], $0x4000  }
0x38: {  	[sflag:s22] =	ssyncset.done $0x0  }
0x39: {  	[sflag:s22] =	ssyncadd.s32 $0xFFFFC000  }
0x3a: {  	[bflag:$0x0] =	sbarrier.arrive $0xFFFF  }
0x3b: {  	s0 =	simm.s32 $0x0;
	s3 =	rddreg [dreg:$0x8]  }
0x3c: {  	[tilespmem:s0], [sflag:$0x5] =	stream.linear.gather [hbm4b:s3+s0], $0x400, $0x38;
	[tilespmem:$0x1D800] =	vst v63  }
0x3d: {  	_ =	swait.ge [sflag:s22], $0x400  }
0x3e: {  	[sflag:s22] =	ssyncset.done $0x0  }
0x3f: {  	s11 =	simm.s32 $0x800;
	s17 =	rddreg [dreg:$0x9];
	[sflag:s22] =	ssyncadd.s32 $0xFFFFFC00  }
0x40: {  	[tilespmem:s11], [sflag:$0x5] =	stream.linear.gather [hbm4b:s17+s0], $0x400, $0x38;
	[tilespmem:$0x1D800] =	vst v63  }
0x41: {  	_ =	swait.ge [sflag:s22], $0x400  }
0x42: {  	[sflag:s22] =	ssyncset.done $0x0  }
0x43: {  	s24 =	simm.s32 $0x1000;
	s23 =	rddreg [dreg:$0xa];
	[sflag:s22] =	ssyncadd.s32 $0xFFFFFC00  }
0x44: {  	[tilespmem:s24], [sflag:$0x5] =	stream.linear.gather [hbm4b:s23+s0], $0x400, $0x38;
	[tilespmem:$0x1D800] =	vst v63  }
0x45: {  	_ =	swait.ge [sflag:s22], $0x400  }
0x46: {  	[sflag:s22] =	ssyncset.done $0x0  }
0x47: {  	[sflag:s22] =	ssyncadd.s32 $0xFFFFFC00  }
0x48: {  	[tilespmem:s21], [sflag:$0x1] =	stream.indirect.gather [hbm4b:s5+s25], $0x80, s0, s25, $0xb8;
	[tilespmem:$0x1D800] =	vst v63  }
.LBB2_4:
0x49: {  	_ =	swait.ge [sflag:s26], $0x4000;
	s11 =	sshll.u32 s0, $0x1  }
0x4a: {  	p0 =	seq.s32 s0, $0x0;
	s17 =	sshll.u32 s0, $0xA;
	[sflag:s26] =	ssyncset.done $0x0  }
0x4b: {  	s3 =	simm.s32 @!p0 $0x4;
	s12 =	sor.u32 $0x1, s11;
	[sflag:s26] =	ssyncadd.s32 $0xFFFFC000  }
0x4c: {  	s23 =	sand.u32 $0x1000, s17;
	p1 =	sge.u32 s12, s8;
	_ =	swait.ge @!p0 [sflag:s3], $0x4000  }
0x4d: {  	s13 =	sshll.u32 @!p1 s0, $0x8;
	s14 =	sshll.u32 @!p1 s12, $0x7;
	[sflag:s3] =	ssyncset.done @!p0 $0x0  }
0x4e: {  	[sflag:s3] =	ssyncadd.s32 @!p0 $0xFFFFC000;
	s3 =	sand.u32 @!p1 $0x400, s13;
	s13 =	sand.u32 @!p1 $0x380, s14  }
0x4f: {  	s14 =	simm.s32 @!p1 $0x5800;
	s3 =	sor.u32 @!p1 s13, s3;
	s13 =	simm.s32 @!p1 $0x80  }
0x50: {  	[tilespmem:s14], [sflag:$0x2] =	stream.indirect.gather @!p1 [hbm4b:s5+s13], $0x80, s3, s13, $0xb8;
	[tilespmem:$0x1D800] =	vst v63  }
0x51: {  	s24 =	sand.u32 $0xC00, s17;
	s13 =	sshrl.u32 s23, $0x2  }
0x52: {  	s14 =	sshrl.u32 s24, $0x2;
	s3 =	sor.u32 $0x1000, s13  }
0x53: {  	s15 =	sor.u32 s14, s3  }
0x54: {  	s16 =	simm.s32 $0x0;
	s17 =	simm.s32 $0x1840;
	v1 =	vmov s15  }
.LBB2_5:
0x55: {  	_ =	sdelay $0x2  }
0x56: {  	s15 =	sshll.u32 s16, $0x4  }
0x57: {  	v2 =	vld.idx.msk [tilespmem:v1+s15+$0x0 ss:$0x1], $0xffff;
	_ =	sdelay $0x1  }
0x58: {  	v7 =	vld [tilespmem:s17+$0xFFFFFFC0]  }
0x59: {  	v9 =	vld [tilespmem:s17+$0xFFFFFFD0];
	s24 =	simm.s32 $0x0  }
0x5a: {  	v8 =	vld [tilespmem:s17+$0xFFFFFFE0];
	v3 =	vmov s24  }
0x5b: {  	v5 =	vld [tilespmem:s17+$0x0];
	v3 =	vperm.xlane v2, v3  }
0x5c: {  	v6 =	vld [tilespmem:s17+$0x10]  }
0x5d: {  	v4 =	vld [tilespmem:s17+$0x20];
	v10 =	vmul.f32 v7, v3  }
0x5e: {  	s23 =	smov.u32 s17;
	s24 =	simm.s32 $0x1;
	s15 =	smov.u32 s17;
	v9 =	vmul.f32 v9, v3;
	v7 =	vld [tilespmem:s17+$0x30]  }
.LBB2_6:
0x5f: {  	p0 =	sne.s32 s24, $0xF;
	[tilespmem:s23+$0xFFFFFFC0] =	vst v10;
	v8 =	vmul.f32 v8, v3;
	v10 =	vld [tilespmem:s23+$0xFFFFFFF0];
	s15 =	sadd.s32 $0x80, s15  }
0x60: {  	v11 =	vld [tilespmem:s15+$0xFFFFFFC0];
	[tilespmem:s23+$0xFFFFFFD0] =	vst v9;
	v5 =	vmul.f32 v5, v3  }
0x61: {  	v9 =	vld [tilespmem:s15+$0xFFFFFFD0];
	[tilespmem:s23+$0xFFFFFFE0] =	vst v8;
	v6 =	vmul.f32 v6, v3  }
.Ltmp1:
0x62: {  	v12 =	vmov s24;
	v8 =	vld [tilespmem:s15+$0xFFFFFFE0];
	[tilespmem:s23+$0x0] =	vst v5;
	v4 =	vmul.f32 v4, v3;
	(pc) =	sbr.rel @p0 .LBB2_6-.Ltmp1, $4  }
0x63: {  	v12 =	vperm.xlane v2, v12;
	v5 =	vld [tilespmem:s15+$0x0];
	[tilespmem:s23+$0x10] =	vst v6;
	v7 =	vmul.f32 v7, v3  }
0x64: {  	v6 =	vld [tilespmem:s15+$0x10];
	v13 =	vmul.f32 v10, v3;
	[tilespmem:s23+$0x20] =	vst v4  }
0x65: {  	v3 =	vmov v12;
	v10 =	vmul.f32 v11, v12;
	v4 =	vld [tilespmem:s15+$0x20];
	[tilespmem:s23+$0x30] =	vst v7  }
0x66: {  	s24 =	sadd.s32 $0x1, s24;
	v9 =	vmul.f32 v9, v3;
	v7 =	vld [tilespmem:s15+$0x30];
	[tilespmem:s23+$0xFFFFFFF0] =	vst v13;
	s23 =	smov.u32 s15  }
0x67: {  	[tilespmem:s23+$0xFFFFFFC0] =	vst v10;
	v2 =	vmul.f32 v8, v3;
	v63 =	vld [tilespmem:s23+$0xFFFFFFF0]  }
0x68: {  	s16 =	sadd.s32 $0x1, s16;
	[tilespmem:s23+$0xFFFFFFD0] =	vst v9;
	v5 =	vmul.f32 v5, v3  }
0x69: {  	p0 =	sne.s32 s16, $0x8;
	[tilespmem:s23+$0xFFFFFFE0] =	vst v2;
	v2 =	vmul.f32 v6, v3  }
.Ltmp2:
0x6a: {  	[tilespmem:s23+$0x0] =	vst v5;
	v4 =	vmul.f32 v4, v3;
	(pc) =	sbr.rel @p0 .LBB2_5-.Ltmp2, $4  }
0x6b: {  	[tilespmem:s23+$0x10] =	vst v2;
	v2 =	vmul.f32 v7, v3  }
0x6c: {  	v3 =	vmul.f32 v63, v3;
	[tilespmem:s23+$0x20] =	vst v4  }
0x6d: {  	[tilespmem:s23+$0x30] =	vst v2  }
0x6e: {  	s17 =	sadd.s32 $0x800, s17;
	[tilespmem:s23+$0xFFFFFFF0] =	vst v3  }
0x6f: {  	s23 =	sor.u32 $0x800, s13;
	s11 =	sadd.s32 $0x2, s11  }
0x70: {  	s12 =	sand.u32 $0x7, s12;
	s13 =	sadd.s32 s14, s23;
	p0 =	sge.u32 s11, s8  }
0x71: {  	[spmem:s2] =	stream.indirect.scatter.add.f32 [tilespmem:s21], [sflag:$0x3], $0x80, s13, s25, $0xb8;
	[tilespmem:$0x1D800] =	vst v63  }
0x72: {  	p1 =	sne.s32 @!p0 s12, $0x7;
	_ =	swait.ge [sflag:s28], $0x4000  }
0x73: {  	p1 =	por p1, p0;
	[sflag:s28] =	ssyncset.done $0x0  }
0x74: {  	s13 =	sand.u32 @!p1 $0xFFFFFF8, s11;
	[sflag:s28] =	ssyncadd.s32 $0xFFFFC000  }
0x75: {  	s14 =	sshll.u32 @!p1 s11, $0x7;
	s13 =	sadd.s32 @!p1 s9, s13;
	_ =	swait.ge [sflag:s29], $0x4000  }
0x76: {  	s16 =	simm.s32 @!p1 $0x0;
	s13 =	sshll.u32 @!p1 s13, $0x4;
	[sflag:s29] =	ssyncset.done $0x0  }
0x77: {  	s14 =	sand.u32 @!p1 $0x400, s14;
	s15 =	sadd.s32 @!p1 s1, s13;
	[sflag:s29] =	ssyncadd.s32 $0xFFFFC000  }
0x78: {  	[tilespmem:s14], [sflag:$0x5] =	stream.linear.gather @!p1 [hbm4b:s15+s16], $0x400, $0x38;
	[tilespmem:$0x1D800] =	vst v63  }
0x79: {  	s15 =	simm.s32 @!p1 $0x5  }
0x7a: {  	_ =	swait.ge @!p1 [sflag:s15], $0x400  }
0x7b: {  	[sflag:s15] =	ssyncset.done @!p1 $0x0  }
0x7c: {  	s17 =	sor.u32 @!p1 $0x800, s14;
	s24 =	sadd.s32 @!p1 s6, s13;
	[sflag:s15] =	ssyncadd.s32 @!p1 $0xFFFFFC00  }
0x7d: {  	[tilespmem:s17], [sflag:$0x5] =	stream.linear.gather @!p1 [hbm4b:s24+s16], $0x400, $0x38;
	[tilespmem:$0x1D800] =	vst v63  }
0x7e: {  	_ =	swait.ge @!p1 [sflag:s15], $0x400  }
0x7f: {  	s11 =	sshll.u32 @!p0 s11, $0x7;
	[sflag:s15] =	ssyncset.done @!p1 $0x0  }
0x80: {  	s13 =	sadd.s32 @!p1 s7, s13;
	s14 =	sor.u32 @!p1 $0x1000, s14;
	[sflag:s15] =	ssyncadd.s32 @!p1 $0xFFFFFC00  }
0x81: {  	[tilespmem:s14], [sflag:$0x5] =	stream.linear.gather @!p1 [hbm4b:s13+s16], $0x400, $0x38;
	[tilespmem:$0x1D800] =	vst v63  }
0x82: {  	s11 =	sand.u32 @!p0 $0x700, s11;
	s16 =	sshll.u32 s12, $0x9;
	_ =	swait.ge @!p1 [sflag:s15], $0x400  }
0x83: {  	s13 =	simm.s32 @!p0 $0x80;
	s24 =	sshrl.u32 s16, $0x2;
	[sflag:s15] =	ssyncset.done @!p1 $0x0  }
0x84: {  	s14 =	simm.s32 @!p0 $0x1800;
	s17 =	sadd.s32 s24, s3;
	[sflag:s15] =	ssyncadd.s32 @!p1 $0xFFFFFC00  }
0x85: {  	[tilespmem:s14], [sflag:$0x1] =	stream.indirect.gather @!p0 [hbm4b:s5+s13], $0x80, s11, s13, $0xb8;
	[tilespmem:$0x1D800] =	vst v63  }
0x86: {  	s12 =	simm.s32 $0x0;
	s3 =	simm.s32 $0x0;
	v1 =	vmov s17;
	s11 =	simm.s32 $0x1800  }
.LBB2_9:
0x87: {  	_ = 	snop  }
0x88: {  	v2 =	vmov s11;
	_ =	sdelay $0x1  }
0x89: {  	s13 =	sshll.u32 s12, $0x4  }
0x8a: {  	v3 =	vld.idx.msk [tilespmem:v1+s13+$0x0 ss:$0x1], $0xffff  }
0x8b: {  	s13 =	simm.s32 $0x0  }
0x8c: {  	v4 =	vld.idx.msk [tilespmem:v2+s13+$0x4000 ss:$0x1], $0xffff;
	_ =	sdelay $0x1  }
0x8d: {  	v5 =	vmov s3  }
0x8e: {  	v5 =	vperm.xlane v3, v5;
	_ =	sdelay $0x1  }
0x8f: {  	v4 =	vmul.f32 v4, v5;
	_ =	sdelay $0x1  }
0x90: {  	[tilespmem:v2+s13+$0x4000 ss:$0x1] =	vst.idx.msk $0xffff, v4  }
0x91: {  	v4 =	vld.idx.msk [tilespmem:v2+s13+$0x4010 ss:$0x1], $0xffff;
	_ =	sdelay $0x4  }
0x92: {  	v4 =	vmul.f32 v4, v5;
	_ =	sdelay $0x1  }
0x93: {  	[tilespmem:v2+s13+$0x4010 ss:$0x1] =	vst.idx.msk $0xffff, v4  }
0x94: {  	v4 =	vld.idx.msk [tilespmem:v2+s13+$0x4020 ss:$0x1], $0xffff;
	_ =	sdelay $0x4  }
0x95: {  	v4 =	vmul.f32 v4, v5;
	_ =	sdelay $0x1  }
0x96: {  	[tilespmem:v2+s13+$0x4020 ss:$0x1] =	vst.idx.msk $0xffff, v4  }
0x97: {  	v4 =	vld.idx.msk [tilespmem:v2+s13+$0x4030 ss:$0x1], $0xffff;
	_ =	sdelay $0x4  }
0x98: {  	v4 =	vmul.f32 v4, v5;
	_ =	sdelay $0x1  }
0x99: {  	[tilespmem:v2+s13+$0x4030 ss:$0x1] =	vst.idx.msk $0xffff, v4  }
0x9a: {  	v4 =	vld.idx.msk [tilespmem:v2+s13+$0x4040 ss:$0x1], $0xffff;
	_ =	sdelay $0x4  }
0x9b: {  	v4 =	vmul.f32 v4, v5;
	_ =	sdelay $0x1  }
0x9c: {  	[tilespmem:v2+s13+$0x4040 ss:$0x1] =	vst.idx.msk $0xffff, v4  }
0x9d: {  	v4 =	vld.idx.msk [tilespmem:v2+s13+$0x4050 ss:$0x1], $0xffff;
	_ =	sdelay $0x4  }
0x9e: {  	v4 =	vmul.f32 v4, v5;
	_ =	sdelay $0x1  }
0x9f: {  	[tilespmem:v2+s13+$0x4050 ss:$0x1] =	vst.idx.msk $0xffff, v4  }
0xa0: {  	v4 =	vld.idx.msk [tilespmem:v2+s13+$0x4060 ss:$0x1], $0xffff;
	_ =	sdelay $0x4  }
0xa1: {  	v4 =	vmul.f32 v4, v5;
	_ =	sdelay $0x1  }
0xa2: {  	[tilespmem:v2+s13+$0x4060 ss:$0x1] =	vst.idx.msk $0xffff, v4  }
0xa3: {  	v4 =	vld.idx.msk [tilespmem:v2+s13+$0x4070 ss:$0x1], $0xffff;
	_ =	sdelay $0x4  }
0xa4: {  	s15 =	simm.s32 $0x200;
	s17 =	simm.s32 $0x400;
	s14 =	simm.s32 $0x0;
	v4 =	vmul.f32 v4, v5  }
.LBB2_10:
0xa5: {  	s14 =	sadd.s32 $0x1, s14  }
0xa6: {  	s16 =	sadd.s32 $0x200, s17;
	[tilespmem:v2+s13+$0x4070 ss:$0x1] =	vst.idx.msk $0xffff, v4;
	s13 =	sshra.s32 s15, $0x2;
	s15 =	smov.u32 s17  }
0xa7: {  	p0 =	sne.s32 s17, $0x1E00;
	v4 =	vld.idx.msk [tilespmem:v2+s13+$0x4000 ss:$0x1], $0xffff;
	_ =	sdelay $0x2  }
0xa8: {  	v5 =	vmov s14  }
0xa9: {  	v5 =	vperm.xlane v3, v5;
	_ =	sdelay $0x1  }
0xaa: {  	v4 =	vmul.f32 v4, v5;
	_ =	sdelay $0x1  }
0xab: {  	[tilespmem:v2+s13+$0x4000 ss:$0x1] =	vst.idx.msk $0xffff, v4  }
0xac: {  	v4 =	vld.idx.msk [tilespmem:v2+s13+$0x4010 ss:$0x1], $0xffff;
	_ =	sdelay $0x5  }
0xad: {  	v4 =	vmul.f32 v4, v5;
	_ =	sdelay $0x1  }
0xae: {  	[tilespmem:v2+s13+$0x4010 ss:$0x1] =	vst.idx.msk $0xffff, v4  }
0xaf: {  	v4 =	vld.idx.msk [tilespmem:v2+s13+$0x4020 ss:$0x1], $0xffff;
	_ =	sdelay $0x5  }
0xb0: {  	v4 =	vmul.f32 v4, v5;
	_ =	sdelay $0x1  }
0xb1: {  	[tilespmem:v2+s13+$0x4020 ss:$0x1] =	vst.idx.msk $0xffff, v4  }
0xb2: {  	v4 =	vld.idx.msk [tilespmem:v2+s13+$0x4030 ss:$0x1], $0xffff;
	_ =	sdelay $0x5  }
0xb3: {  	v4 =	vmul.f32 v4, v5;
	_ =	sdelay $0x1  }
0xb4: {  	[tilespmem:v2+s13+$0x4030 ss:$0x1] =	vst.idx.msk $0xffff, v4  }
0xb5: {  	v4 =	vld.idx.msk [tilespmem:v2+s13+$0x4040 ss:$0x1], $0xffff;
	_ =	sdelay $0x5  }
0xb6: {  	v4 =	vmul.f32 v4, v5;
	_ =	sdelay $0x1  }
0xb7: {  	[tilespmem:v2+s13+$0x4040 ss:$0x1] =	vst.idx.msk $0xffff, v4  }
0xb8: {  	v4 =	vld.idx.msk [tilespmem:v2+s13+$0x4050 ss:$0x1], $0xffff;
	_ =	sdelay $0x5  }
0xb9: {  	v4 =	vmul.f32 v4, v5;
	_ =	sdelay $0x1  }
0xba: {  	[tilespmem:v2+s13+$0x4050 ss:$0x1] =	vst.idx.msk $0xffff, v4  }
0xbb: {  	v4 =	vld.idx.msk [tilespmem:v2+s13+$0x4060 ss:$0x1], $0xffff;
	_ =	sdelay $0x5  }
0xbc: {  	v4 =	vmul.f32 v4, v5;
	_ =	sdelay $0x1  }
0xbd: {  	[tilespmem:v2+s13+$0x4060 ss:$0x1] =	vst.idx.msk $0xffff, v4  }
0xbe: {  	v4 =	vld.idx.msk [tilespmem:v2+s13+$0x4070 ss:$0x1], $0xffff;
	_ =	sdelay $0x1  }
.Ltmp3:
0xbf: {  	(pc) =	sbr.rel @p0 .LBB2_10-.Ltmp3, $2  }
0xc0: {  	_ =	sdelay $0x2  }
0xc1: {  	s17 =	smov.u32 s16;
	v4 =	vmul.f32 v4, v5  }
0xc2: {  	_ =	sdelay $0x3  }
0xc3: {  	s15 =	sshra.s32 s15, $0x2;
	[tilespmem:v2+s13+$0x4070 ss:$0x1] =	vst.idx.msk $0xffff, v4  }
0xc4: {  	v4 =	vld.idx.msk [tilespmem:v2+s15+$0x4000 ss:$0x1], $0xffff  }
0xc5: {  	s17 =	sadd.s32 $0x1, s14  }
0xc6: {  	v5 =	vmov s17  }
0xc7: {  	v3 =	vperm.xlane v3, v5;
	_ =	sdelay $0x1  }
0xc8: {  	v4 =	vmul.f32 v4, v3;
	_ =	sdelay $0x1  }
0xc9: {  	[tilespmem:v2+s15+$0x4000 ss:$0x1] =	vst.idx.msk $0xffff, v4  }
0xca: {  	v4 =	vld.idx.msk [tilespmem:v2+s15+$0x4010 ss:$0x1], $0xffff;
	_ =	sdelay $0x4  }
0xcb: {  	v4 =	vmul.f32 v4, v3;
	_ =	sdelay $0x1  }
0xcc: {  	[tilespmem:v2+s15+$0x4010 ss:$0x1] =	vst.idx.msk $0xffff, v4  }
0xcd: {  	v4 =	vld.idx.msk [tilespmem:v2+s15+$0x4020 ss:$0x1], $0xffff;
	_ =	sdelay $0x4  }
0xce: {  	v4 =	vmul.f32 v4, v3;
	_ =	sdelay $0x1  }
0xcf: {  	[tilespmem:v2+s15+$0x4020 ss:$0x1] =	vst.idx.msk $0xffff, v4  }
0xd0: {  	v4 =	vld.idx.msk [tilespmem:v2+s15+$0x4030 ss:$0x1], $0xffff;
	_ =	sdelay $0x4  }
0xd1: {  	v4 =	vmul.f32 v4, v3;
	_ =	sdelay $0x1  }
0xd2: {  	[tilespmem:v2+s15+$0x4030 ss:$0x1] =	vst.idx.msk $0xffff, v4  }
0xd3: {  	v4 =	vld.idx.msk [tilespmem:v2+s15+$0x4040 ss:$0x1], $0xffff;
	_ =	sdelay $0x4  }
0xd4: {  	v4 =	vmul.f32 v4, v3;
	_ =	sdelay $0x1  }
0xd5: {  	[tilespmem:v2+s15+$0x4040 ss:$0x1] =	vst.idx.msk $0xffff, v4  }
0xd6: {  	v4 =	vld.idx.msk [tilespmem:v2+s15+$0x4050 ss:$0x1], $0xffff;
	_ =	sdelay $0x4  }
0xd7: {  	v4 =	vmul.f32 v4, v3;
	_ =	sdelay $0x1  }
0xd8: {  	[tilespmem:v2+s15+$0x4050 ss:$0x1] =	vst.idx.msk $0xffff, v4  }
0xd9: {  	v4 =	vld.idx.msk [tilespmem:v2+s15+$0x4060 ss:$0x1], $0xffff;
	_ =	sdelay $0x4  }
0xda: {  	v4 =	vmul.f32 v4, v3;
	_ =	sdelay $0x1  }
0xdb: {  	[tilespmem:v2+s15+$0x4060 ss:$0x1] =	vst.idx.msk $0xffff, v4  }
0xdc: {  	v4 =	vld.idx.msk [tilespmem:v2+s15+$0x4070 ss:$0x1], $0xffff  }
0xdd: {  	s12 =	sadd.s32 $0x1, s12  }
0xde: {  	p0 =	sne.s32 s12, $0x8  }
.Ltmp4:
0xdf: {  	_ = 	snop;
	(pc) =	sbr.rel @p0 .LBB2_9-.Ltmp4, $3  }
0xe0: {  	_ = 	snop  }
0xe1: {  	v3 =	vmul.f32 v4, v3;
	_ =	sdelay $0x1  }
0xe2: {  	s11 =	sadd.s32 $0x800, s11;
	[tilespmem:v2+s15+$0x4070 ss:$0x1] =	vst.idx.msk $0xffff, v3  }
0xe3: {  	s0 =	sadd.s32 $0x1, s0  }
0xe4: {  	p0 =	sne.s32 s0, s18  }
.Ltmp5:
0xe5: {  	_ = 	snop;
	(pc) =	sbr.rel @p0 .LBB2_4-.Ltmp5, $3  }
0xe6: {  	_ =	sdelay $0x1  }
0xe7: {  	s3 =	sadd.s32 s24, s23  }
0xe8: {  	[spmem:s2] =	stream.indirect.scatter.add.f32 [tilespmem:s30], [sflag:$0x4], $0x80, s3, s25, $0xb8;
	[tilespmem:$0x1D800] =	vst v63  }
0xe9: {  	_ =	swait.ge [sflag:s31], $0x4000;
	s0 =	stileid.u32  }
0xea: {  	s3 =	sshrl.u32 s10, $0x3;
	s4 =	sadd.s32 $0x1, s4;
	[sflag:s31] =	ssyncset.done $0x0  }
0xeb: {  	s0 =	sshll.u32 s0, $0x6;
	p0 =	sne.s32 s4, s20;
	[sflag:s31] =	ssyncadd.s32 $0xFFFFC000  }
.Ltmp6:
0xec: {  	s0 =	sor.u32 $0x1C05, s0;
	[bflag:$0x0] =	sbarrier.arrive $0xFFFF;
	(pc) =	sbr.rel @p0 .LBB2_1-.Ltmp6, $4  }
0xed: {  	[hbm:s19], [sflag:s0] =	dma.local [spmem:s3], $0x2800  }
0xee: {  	_ =	swait.ge [sflag:s22], $0x2800  }
0xef: {  	[sflag:s22] =	ssyncset.done $0x0  }
0xf0: {  	[sflag:s22] =	ssyncadd.s32 $0xFFFFD800  }
0xf1: {  	_ =	sfence.sel $0x180000  }
0xf2: {  	[bflag:$0x0] =	sbarrier.arrive $0xFFFF  }
0xf3: {  	_ =	strace $0x9000004D  }
0xf4: {  	s0 =	stileid.u32;
	[bflag:$0x2] =	sbarrier.arrive $0xFFFF  }
0xf5: {  	p0 =	sne.s32 s0, $0x0;
	s0 =	rddreg [dreg:$0x3]  }
0xf6: {  	s0 =	sadd.s32 @!p0 $0x100000, s0  }
0xf7: {  	[sflag:s0] =	ssyncadd.tile.s32 @!p0 $0x1;
	_ =	shalt  }
.Lfunc_end2:
_tile_overlayer_lowered:
.L_overlay_start_2:
0xf8: {  	(tag) =	ssettag $0x2  }
0xf9: {  	s0 =	rddreg [dreg:$0x0];
	s2 =	stileid.u32  }
0xfa: {  	s1 =	rddreg [dreg:$0x1];
	p0 =	sne.s32 s2, $0x0  }
0xfb: {  	s3 =	rddreg [dreg:$0x2];
	[bflag:$0x3] =	sbarrier.arrive $0xFFFF;
	s2 =	simm.s32 @!p0 $0x1C05  }
0xfc: {  	[timem:s3], [sflag:s2] =	dma.local @!p0 [hbm:s0], s1  }
0xfd: {  	s0 =	simm.s32 @!p0 $0x5  }
0xfe: {  	_ =	swait.ge @!p0 [sflag:s0], s1  }
0xff: {  	s1 =	ssub.s32 @!p0 $0x0, s1;
	[sflag:s0] =	ssyncset.done @!p0 $0x0  }
0x100: {  	[sflag:s0] =	ssyncadd.s32 @!p0 s1  }
0x101: {  	[bflag:$0x3] =	sbarrier.arrive $0xFFFF  }
0x102: {  	_ =	shalt  }

// kernel: kernel.8.cloned.1.call-start
scs
__scs_entry_jumppad:
0x0: {  	(pc) =	sbr.rel $0x88, $3  }
0x1: {  	(tag) =	ssettag $0x0;
	lr =	simm.s32 $0x1  }
0x2: {  	[smem:$0x3F98] =	sst lr;
	_ =	strace $0xD0000000  }
0x3: {  	_ = 	snop  }
0x4: {  	_ = 	snop  }
0x5: {  	_ = 	snop  }
0x6: {  	_ = 	snop  }
0x7: {  	_ = 	snop  }
__scs_overlays_trampoline_lowered:
0x8: {  	[smem:$0x3FA7] =	sst s0  }
0x9: {  	[smem:$0x3FA8] =	sst s1  }
0xa: {  	[smem:$0x3FA9] =	sst s2  }
0xb: {  	[smem:$0x3FAA] =	sst s3  }
0xc: {  	[smem:$0x3FAB] =	sst s4  }
0xd: {  	[smem:$0x3FAC] =	sst s5  }
0xe: {  	[smem:$0x3FAD] =	sst s6  }
0xf: {  	[smem:$0x3FAE] =	sst s7  }
0x10: {  	[smem:$0x3FAF] =	sst s8  }
0x11: {  	[smem:$0x3FB0] =	sst s9;
	s0 =	simm.s32 @!p0 $0x0  }
0x12: {  	s1 =	sld [smem:$0x3F96];
	s0 =	simm.s32 @p0 $0x1  }
0x13: {  	[smem:$0x3FB1] =	sst s0;
	s0 =	simm.s32 @!p1 $0x0  }
0x14: {  	s2 =	sld [smem:$0x3F95];
	s0 =	simm.s32 @p1 $0x1  }
0x15: {  	[smem:$0x3FB2] =	sst s0;
	s0 =	simm.s32 @!p2 $0x0  }
0x16: {  	s3 =	sld [smem:$0x3FDB];
	s0 =	simm.s32 @p2 $0x1  }
0x17: {  	s4 =	simm.s32 $0x1BF5;
	[smem:$0x3FB4] =	sst s0  }
0x18: {  	s0 =	sld [smem:$0x3F97];
	_ =	swait.ge [sflag:s4], $0x0  }
0x19: {  	s7 =	sld [smem:$0x3F98]  }
0x1a: {  	s8 =	sadd.s32 $0xFFFFE003, lr  }
0x1b: {  	s9 =	sadd.s32 $0xFFFFFEF7, lr;
	s5 =	simm.s32 $0xFFFFFFFF;
	p2 =	slt.u32 s8, $0xFFFFF086  }
0x1c: {  	p1 =	slt.u32 s9, $0xF7A;
	s5 =	simm.s32 @!p2 $0x0  }
0x1d: {  	s5 =	simm.s32 @p1 $0x1;
	p0 =	seq.s32 s7, s2  }
0x1e: {  	s7 =	smul.u32 @!p0 $0xF7A, s2;
	p2 =	seq.s32 @!p0 s5, $0x0  }
0x1f: {  	s9 =	smul.u32 $0xF7A, s1;
	s8 =	simm.s32 @!p0 $0x1BF5;
	p2 =	por !p2, p0  }
0x20: {  	[sflag:s8] =	ssyncset.s32 @!p0 $0xFFFFF086;
	s6 =	sadd.s32 @!p0 s3, s7;
	s7 =	simm.s32 @!p0 $0x108  }
0x21: {  	s3 =	sadd.s32 s3, s9;
	s6 =	sadd.s32 @!p0 $0x88, s6;
	s7 =	simm.s32 @p2 $0x1082  }
0x22: {  	[simem:s7], [sflag:s8] =	dma.local @!p0 [hbm:s6], $0xF7A  }
0x23: {  	s9 =	sor.u32 $0xD0000000, s2;
	s6 =	simm.s32 $0x108;
	_ =	swait.ge @!p0 [sflag:s8], $0x0  }
0x24: {  	s3 =	sadd.s32 $0x88, s3;
	s6 =	simm.s32 @!p1 $0x1082;
	[sflag:s4] =	ssyncset.s32 $0xFFFFF086  }
0x25: {  	[simem:s6], [sflag:s4] =	dma.local [hbm:s3], $0xF7A  }
0x26: {  	[smem:$0x3F98] =	sst s1;
	(tag) =	ssettag s2;
	_ =	strace s9  }
0x27: {  	s1 =	sld [smem:$0x3FA8]  }
0x28: {  	s2 =	sld [smem:$0x3FA9]  }
0x29: {  	s4 =	sld [smem:$0x3FAB]  }
0x2a: {  	p0 =	seq.s32 s5, $0x0;
	s5 =	sld [smem:$0x3FAC]  }
0x2b: {  	s6 =	sld [smem:$0x3FAD]  }
0x2c: {  	s7 =	sld [smem:$0x3FAE]  }
0x2d: {  	s3 =	simm.s32 $0x108;
	s8 =	sld [smem:$0x3FAF]  }
0x2e: {  	s3 =	simm.s32 @!p0 $0x1082;
	s9 =	sld [smem:$0x3FB0]  }
0x2f: {  	lr =	sadd.s32 s0, s3;
	s0 =	sld [smem:$0x3FA7]  }
0x30: {  	s3 =	sld [smem:$0x3FAA]  }
0x31: {  	[smem:$0x3FB3] =	sst s10  }
0x32: {  	s10 =	sld [smem:$0x3FB1];
	_ =	sdelay $0x3  }
0x33: {  	p0 =	seq.s32 s10, $0x1;
	s10 =	sld [smem:$0x3FB3];
	_ =	sdelay $0x3  }
0x34: {  	[smem:$0x3FB3] =	sst s10  }
0x35: {  	s10 =	sld [smem:$0x3FB2];
	_ =	sdelay $0x3  }
0x36: {  	p1 =	seq.s32 s10, $0x1;
	s10 =	sld [smem:$0x3FB3];
	_ =	sdelay $0x3  }
0x37: {  	[smem:$0x3FB3] =	sst s10  }
0x38: {  	s10 =	sld [smem:$0x3FB4]  }
0x39: {  	_ = 	snop;
	(pc) =	sbr.ind lr, $3  }
0x3a: {  	_ = 	snop  }
0x3b: {  	_ = 	snop  }
0x3c: {  	p2 =	seq.s32 s10, $0x1;
	s10 =	sld [smem:$0x3FB3]  }
0x3d: {  	_ =	shalt  }
0x3e: {  	_ =	shalt  }
0x3f: {  	_ =	shalt  }
0x40: {  	_ =	shalt  }
0x41: {  	_ =	shalt  }
0x42: {  	_ =	shalt  }
0x43: {  	_ =	shalt  }
0x44: {  	_ =	shalt  }
0x45: {  	_ =	shalt  }
0x46: {  	_ =	shalt  }
0x47: {  	_ =	shalt  }
0x48: {  	_ =	shalt  }
0x49: {  	_ =	shalt  }
0x4a: {  	_ =	shalt  }
0x4b: {  	_ =	shalt  }
0x4c: {  	_ =	shalt  }
0x4d: {  	_ =	shalt  }
0x4e: {  	_ =	shalt  }
0x4f: {  	_ =	shalt  }
0x50: {  	_ =	shalt  }
0x51: {  	_ =	shalt  }
0x52: {  	_ =	shalt  }
0x53: {  	_ =	shalt  }
0x54: {  	_ =	shalt  }
0x55: {  	_ =	shalt  }
0x56: {  	_ =	shalt  }
0x57: {  	_ =	shalt  }
0x58: {  	_ =	shalt  }
0x59: {  	_ =	shalt  }
0x5a: {  	_ =	shalt  }
0x5b: {  	_ =	shalt  }
0x5c: {  	_ =	shalt  }
0x5d: {  	_ =	shalt  }
0x5e: {  	_ =	shalt  }
0x5f: {  	_ =	shalt  }
0x60: {  	_ =	shalt  }
0x61: {  	_ =	shalt  }
0x62: {  	_ =	shalt  }
0x63: {  	_ =	shalt  }
0x64: {  	_ =	shalt  }
0x65: {  	_ =	shalt  }
0x66: {  	_ =	shalt  }
0x67: {  	_ =	shalt  }
0x68: {  	_ =	shalt  }
0x69: {  	_ =	shalt  }
0x6a: {  	_ =	shalt  }
0x6b: {  	_ =	shalt  }
0x6c: {  	_ =	shalt  }
0x6d: {  	_ =	shalt  }
0x6e: {  	_ =	shalt  }
0x6f: {  	_ =	shalt  }
0x70: {  	_ =	shalt  }
0x71: {  	_ =	shalt  }
0x72: {  	_ =	shalt  }
0x73: {  	_ =	shalt  }
0x74: {  	_ =	shalt  }
0x75: {  	_ =	shalt  }
0x76: {  	_ =	shalt  }
0x77: {  	_ =	shalt  }
0x78: {  	_ =	shalt  }
0x79: {  	_ =	shalt  }
0x7a: {  	_ =	shalt  }
0x7b: {  	_ =	shalt  }
0x7c: {  	_ =	shalt  }
0x7d: {  	_ =	shalt  }
0x7e: {  	_ =	shalt  }
0x7f: {  	_ =	shalt  }
0x80: {  	_ =	shalt  }
0x81: {  	_ =	shalt  }
0x82: {  	_ =	shalt  }
0x83: {  	_ =	shalt  }
0x84: {  	_ =	shalt  }
0x85: {  	_ =	shalt  }
0x86: {  	_ =	shalt  }
0x87: {  	_ =	shalt  }
.Lfunc_end0:
.L_simem_size_0:
called_computation_lowered:
.L_overlay_start_0:
0x88: {  	s2 =	sld [smem:$0x3FD9]  }
0x89: {  	s3 =	sld [smem:$0x3FFE];
	_ =	sdelay $0x1  }
0x8a: {  	s1 =	srdreg.scid  }
0x8b: {  	s0 =	sand.u32 $0x1, s1  }
0x8c: {  	s16 =	sshll.u32 s0, $0xA;
	s2 =	sadd.s32 s3, s2  }
0x8d: {  	s2 =	sadd.s32 s2, s16  }
0x8e: {  	[smem:$0x3FBF] =	sst s2  }
0x8f: {  	_ = 	snop  }
0x90: {  	(tm) =	ssettm $0x1  }
0x91: {  	s17 =	sld [smem:$0x3FFB];
	_ =	sdelay $0x3  }
0x92: {  	_ =	strace s17  }
0x93: {  	s2 =	sld [smem:$0x3FFC];
	_ =	sdelay $0x3  }
0x94: {  	_ =	strace s2  }
0x95: {  	s2 =	sld [smem:$0x3FFD];
	_ =	sdelay $0x3  }
0x96: {  	_ =	strace s2  }
0x97: {  	_ =	strace $0x8FFFFFFF  }
0x98: {  	s18 =	sld [smem:$0x3FDB];
	_ =	sdelay $0x1  }
0x99: {  	s19 =	simm.s32 $_scs_section_size  }
0x9a: {  	s4 =	simm.s32 $_size__tile_overlayer_lowered;
	s5 =	simm.s32 $_tile_overlayer_lowered  }
0x9b: {  	s22 =	simm.s32 $0x1BFF;
	s21 =	sshll.u32 s5, $0x1;
	s2 =	sadd.s32 s19, s18  }
0x9c: {  	s6 =	simm.s32 $0x0;
	s20 =	sshll.u32 s4, $0x1;
	s4 =	sadd.s32 s21, s2  }
0x9d: {  	[timem:s6], [sflag:s22] =	dma.local [hbm:s4], s20  }
0x9e: {  	_ =	swait.ge [sflag:s22], s20  }
0x9f: {  	s3 =	ssub.s32 $0x0, s20;
	[sflag:s22] =	ssyncset.done $0x0  }
0xa0: {  	[sflag:s22] =	ssyncadd.s32 s3;
	_ =	sdelay $0x1  }
0xa1: {  	s23 =	simm.s32 $0x1B8B  }
0xa2: {  	_ =	swait.ge [sflag:s23], $0x1  }
0xa3: {  	[sflag:s23] =	ssyncset.done $0x0  }
0xa4: {  	s25 =	simm.s32 $0x1B8E;
	s24 =	sld [smem:$0x3FFE];
	[sflag:s23] =	ssyncadd.s32 $0xFFFFFFFF  }
0xa5: {  	s26 =	simm.s32 $execute0_lowered;
	[smem:$0x3FD2] =	sst s25  }
0xa6: {  	s4 =	sshll.u32 s26, $0x1;
	_ =	strace $0x80000046;
	[dreg:$0x1] =	wrdreg $0xFFFFFFFF  }
0xa7: {  	s28 =	simm.s32 $_size_execute0_lowered;
	s2 =	sadd.s32 s2, s4;
	[dreg:$0x0] =	wrdreg $0x0  }
0xa8: {  	s4 =	sshll.u32 s28, $0x1;
	[dreg:$0x2] =	wrdreg s2  }
0xa9: {  	[dreg:$0x3] =	wrdreg s4  }
0xaa: {  	[dreg:$0x4] =	wrdreg $0xC0  }
0xab: {  	_ =	task [dreg:s6], $0x5FFFF  }
0xac: {  	[dreg:$0x1] =	wrdreg $0xFFFFFFFF  }
0xad: {  	[dreg:$0x0] =	wrdreg $0x60  }
0xae: {  	[dreg:$0x2] =	wrdreg s24  }
0xaf: {  	[dreg:$0x3] =	wrdreg $0x38000  }
0xb0: {  	[dreg:$0x4] =	wrdreg $0x9  }
0xb1: {  	_ =	task.clear_ibuf [dreg:s6], $0x5FFFF;
	_ =	strace $0x90000046  }
0xb2: {  	s29 =	simm.s32 $0x9;
	_ =	strace $0x80000048  }
0xb3: {  	_ =	swait.ge [sflag:s29], $0x1  }
0xb4: {  	[sflag:s29] =	ssyncadd.s32 $0xFFFFFFFF  }
0xb5: {  	_ =	strace $0x90000048  }
0xb6: {  	_ =	sfence  }
0xb7: {  	s30 =	sld [smem:$0x0];
	_ =	sdelay $0x2  }
0xb8: {  	s31 =	sshll.u32 s1, $0xD;
	s1 =	sshrl.u32 s1, $0x2  }
0xb9: {  	s3 =	sand.u32 $0x4000, s31;
	s1 =	sadd.s32 s1, s30  }
0xba: {  	s0 =	sor.u32 s3, s0;
	s1 =	sshll.u32 s1, $0x11  }
0xbb: {  	s0 =	sor.u32 s1, s0  }
0xbc: {  	s0 =	sadd.s32 $0x8F2B, s0  }
0xbd: {  	[sflag:s0] =	ssyncadd.remote.s32 $0x1  }
0xbe: {  	_ =	sfence.sel $0xFFFF  }
0xbf: {  	[dreg:$0x0] =	wrdreg $0xFFFFFFFF;
	(pc) =	sbr.abs _section_cstart, $3  }
0xc0: {  	[dreg:$0x1] =	wrdreg $0xFFFFFFFF  }
0xc1: {  	_ =	task.clear_ibuf [dreg:s6], $0x2FFFF;
	_ =	strace $0x9FFFFFFF  }
0xc2: {  	(tm) =	ssettm $0x7FFFFFFF  }
0xc3: {  	_ =	shalt  }
tec
execute0_lowered:
.L_overlay_start_1:
0x0: {  	(tag) =	ssettag $0x1  }
0x1: {  	s15 =	rddreg [dreg:$0x0]  }
0x2: {  	s14 =	rddreg [dreg:$0x1]  }
0x3: {  	s1 =	srdreg.scid;
	s2 =	simm.s32 $0x0;
	s20 =	simm.s32 $0x17600  }
0x4: {  	s22 =	simm.s32 $0x1400;
	s23 =	simm.s32 $0x14000;
	s24 =	simm.s32 $0x6000  }
0x5: {  	s25 =	simm.s32 $0x8800;
	s26 =	simm.s32 $0x0;
	s13 =	sand.u32 $0x1, s1  }
0x6: {  	s1 =	stileid.u32;
	[smem:$0x7FF] =	sst s2;
	s11 =	sadd.s32 $0xD000, s15  }
0x7: {  	s12 =	sadd.s32 $0x3000, s15;
	s3 =	sshll.u32 s13, $0x4;
	s19 =	smul.u32 $0x5000, s1  }
0x8: {  	_ =	strace $0x80000047;
	s18 =	sshrl.u32 s1, $0x3;
	s21 =	smul.u32 $0x50, s1  }
0x9: {  	s5 =	ssub.s32 $0x2, s13;
	s3 =	sor.u32 s1, s3;
	s18 =	smul.u32 $0x50000, s18  }
0xa: {  	s30 =	sshll.u32 s1, $0x7;
	p0 =	seq.s32 s13, $0x1;
	s4 =	smul.u32 $0x2800, s3  }
0xb: {  	s29 =	sshrl.u32 s5, $0x1;
	s20 =	simm.s32 @!p0 $0x17000;
	s6 =	smul.u32 $0x500, s3  }
0xc: {  	s17 =	ssub.s32 s5, s29;
	s19 =	sshrl.u32 s19, $0x2;
	s31 =	sadd.s32 s20, s15  }
0xd: {  	s20 =	simm.s32 $0x80;
	s18 =	sshrl.u32 s18, $0x2;
	s15 =	smax.u32 s17, $0x1  }
0xe: {  	s17 =	simm.s32 $0x1;
	s16 =	sshrl.u32 s4, $0x3;
	s3 =	sadd.s32 s11, s6  }
0xf: {  	s4 =	sadd.s32 s12, s6;
	s18 =	sadd.s32 s18, s14;
	s7 =	sadd.s32 $0x100, s16  }
0x10: {  	s8 =	sadd.s32 $0x200, s16;
	s10 =	sadd.s32 $0x300, s16;
	s16 =	sadd.s32 $0x400, s16  }
0x11: {  	s5 =	sadd.s32 s11, s7;
	s6 =	sadd.s32 s12, s7;
	s7 =	sadd.s32 s11, s8  }
0x12: {  	s8 =	sadd.s32 s12, s8;
	s9 =	sadd.s32 s11, s10;
	s10 =	sadd.s32 s12, s10  }
0x13: {  	s11 =	sadd.s32 s11, s16;
	s12 =	sadd.s32 s12, s16;
	s16 =	sand.u32 $0x380, s30  }
0x14: {  	s14 =	sadd.s32 s19, s14;
	s19 =	simm.s32 $0x1000;
	s13 =	sadd.s32 s16, s18  }
0x15: {  	v0 =	vimm.f32 $0.0e+00;
	s16 =	sadd.s32 s31, s21;
	s18 =	simm.s32 $0x800;
	s21 =	simm.s32 $0x400  }
.LBB2_1:
0x16: {  	s28 =	simm.s32 $0x40;
	s29 =	simm.s32 $0x0  }
.LBB2_2:
0x17: {  	p0 =	sne.s32 s28, $0x9FC0;
	[tilespmem:s29+$0x1000] =	vst v0;
	s29 =	smov.u32 s28;
	s28 =	sadd.s32 $0x40, s28  }
.Ltmp0:
0x18: {  	(pc) =	sbr.rel @p0 .LBB2_2-.Ltmp0, $2  }
0x19: {  	_ =	sdelay $0x2  }
0x1a: {  	s29 =	sshra.s32 s29, $0x2  }
0x1b: {  	[tilespmem:s29+$0x1000] =	vst v0;
	s28 =	simm.s32 $0x0  }
0x1c: {  	[tilespmem:s28], [sflag:$0x1] =	stream.linear.gather [hbm4b:s3+s28], $0x800, $0x38;
	[tilespmem:$0x8A80] =	vst v63  }
0x1d: {  	_ =	swait.ge [sflag:s17], $0x800  }
0x1e: {  	[sflag:s17] =	ssyncset.done $0x0  }
0x1f: {  	[sflag:s17] =	ssyncadd.s32 $0xFFFFF800  }
0x20: {  	[tilespmem:s18], [sflag:$0x1] =	stream.linear.gather [hbm4b:s4+s28], $0x800, $0x38;
	[tilespmem:$0x8A80] =	vst v63  }
0x21: {  	_ =	swait.ge [sflag:s17], $0x800  }
0x22: {  	[sflag:s17] =	ssyncset.done $0x0  }
0x23: {  	[sflag:s17] =	ssyncadd.s32 $0xFFFFF800  }
.LBB2_4:
0x24: {  	s29 =	sshra.s32 s28, $0x2  }
0x25: {  	v1 =	vld [tilespmem:s29+$0x0];
	_ =	sdelay $0x2  }
0x26: {  	v2 =	vld [tilespmem:s29+$0x800];
	_ =	sdelay $0x4  }
0x27: {  	[tilespmem:v1+s19+$0x0] =	vst.idx.add.f32.msk $0xffff, v2  }
0x28: {  	v1 =	vld [tilespmem:s29+$0x10];
	_ =	sdelay $0x2  }
0x29: {  	v2 =	vld [tilespmem:s29+$0x810];
	_ =	sdelay $0x4  }
0x2a: {  	[tilespmem:v1+s19+$0x0] =	vst.idx.add.f32.msk $0xffff, v2  }
0x2b: {  	v1 =	vld [tilespmem:s29+$0x20];
	_ =	sdelay $0x2  }
0x2c: {  	v2 =	vld [tilespmem:s29+$0x820];
	_ =	sdelay $0x4  }
0x2d: {  	[tilespmem:v1+s19+$0x0] =	vst.idx.add.f32.msk $0xffff, v2  }
0x2e: {  	v1 =	vld [tilespmem:s29+$0x30];
	_ =	sdelay $0x2  }
0x2f: {  	v2 =	vld [tilespmem:s29+$0x830];
	_ =	sdelay $0x4  }
0x30: {  	[tilespmem:v1+s19+$0x0] =	vst.idx.add.f32.msk $0xffff, v2  }
0x31: {  	v1 =	vld [tilespmem:s29+$0x40];
	_ =	sdelay $0x2  }
0x32: {  	v2 =	vld [tilespmem:s29+$0x840];
	_ =	sdelay $0x4  }
0x33: {  	[tilespmem:v1+s19+$0x0] =	vst.idx.add.f32.msk $0xffff, v2  }
0x34: {  	v1 =	vld [tilespmem:s29+$0x50];
	_ =	sdelay $0x2  }
0x35: {  	v2 =	vld [tilespmem:s29+$0x850];
	_ =	sdelay $0x4  }
0x36: {  	[tilespmem:v1+s19+$0x0] =	vst.idx.add.f32.msk $0xffff, v2  }
0x37: {  	v1 =	vld [tilespmem:s29+$0x60];
	_ =	sdelay $0x2  }
0x38: {  	v2 =	vld [tilespmem:s29+$0x860];
	_ =	sdelay $0x4  }
0x39: {  	[tilespmem:v1+s19+$0x0] =	vst.idx.add.f32.msk $0xffff, v2  }
0x3a: {  	v1 =	vld [tilespmem:s29+$0x70];
	_ =	sdelay $0x2  }
0x3b: {  	p0 =	sne.s32 s28, $0x1E00;
	v2 =	vld [tilespmem:s29+$0x870]  }
.Ltmp1:
0x3c: {  	_ = 	snop;
	(pc) =	sbr.rel @p0 .LBB2_4-.Ltmp1, $2  }
0x3d: {  	_ =	sdelay $0x2  }
0x3e: {  	s28 =	sadd.s32 $0x200, s28;
	[tilespmem:v1+s19+$0x0] =	vst.idx.add.f32.msk $0xffff, v2  }
0x3f: {  	s28 =	simm.s32 $0x0  }
0x40: {  	[tilespmem:s28], [sflag:$0x1] =	stream.linear.gather [hbm4b:s5+s28], $0x800, $0x38;
	[tilespmem:$0x8A80] =	vst v63  }
0x41: {  	_ =	swait.ge [sflag:s17], $0x800  }
0x42: {  	[sflag:s17] =	ssyncset.done $0x0  }
0x43: {  	[sflag:s17] =	ssyncadd.s32 $0xFFFFF800  }
0x44: {  	[tilespmem:s18], [sflag:$0x1] =	stream.linear.gather [hbm4b:s6+s28], $0x800, $0x38;
	[tilespmem:$0x8A80] =	vst v63  }
0x45: {  	_ =	swait.ge [sflag:s17], $0x800  }
0x46: {  	[sflag:s17] =	ssyncset.done $0x0  }
0x47: {  	[sflag:s17] =	ssyncadd.s32 $0xFFFFF800  }
.LBB2_6:
0x48: {  	s29 =	sshra.s32 s28, $0x2  }
0x49: {  	v1 =	vld [tilespmem:s29+$0x0];
	_ =	sdelay $0x2  }
0x4a: {  	v2 =	vld [tilespmem:s29+$0x800];
	_ =	sdelay $0x4  }
0x4b: {  	[tilespmem:v1+s19+$0x0] =	vst.idx.add.f32.msk $0xffff, v2  }
0x4c: {  	v1 =	vld [tilespmem:s29+$0x10];
	_ =	sdelay $0x2  }
0x4d: {  	v2 =	vld [tilespmem:s29+$0x810];
	_ =	sdelay $0x4  }
0x4e: {  	[tilespmem:v1+s19+$0x0] =	vst.idx.add.f32.msk $0xffff, v2  }
0x4f: {  	v1 =	vld [tilespmem:s29+$0x20];
	_ =	sdelay $0x2  }
0x50: {  	v2 =	vld [tilespmem:s29+$0x820];
	_ =	sdelay $0x4  }
0x51: {  	[tilespmem:v1+s19+$0x0] =	vst.idx.add.f32.msk $0xffff, v2  }
0x52: {  	v1 =	vld [tilespmem:s29+$0x30];
	_ =	sdelay $0x2  }
0x53: {  	v2 =	vld [tilespmem:s29+$0x830];
	_ =	sdelay $0x4  }
0x54: {  	[tilespmem:v1+s19+$0x0] =	vst.idx.add.f32.msk $0xffff, v2  }
0x55: {  	v1 =	vld [tilespmem:s29+$0x40];
	_ =	sdelay $0x2  }
0x56: {  	v2 =	vld [tilespmem:s29+$0x840];
	_ =	sdelay $0x4  }
0x57: {  	[tilespmem:v1+s19+$0x0] =	vst.idx.add.f32.msk $0xffff, v2  }
0x58: {  	v1 =	vld [tilespmem:s29+$0x50];
	_ =	sdelay $0x2  }
0x59: {  	v2 =	vld [tilespmem:s29+$0x850];
	_ =	sdelay $0x4  }
0x5a: {  	[tilespmem:v1+s19+$0x0] =	vst.idx.add.f32.msk $0xffff, v2  }
0x5b: {  	v1 =	vld [tilespmem:s29+$0x60];
	_ =	sdelay $0x2  }
0x5c: {  	v2 =	vld [tilespmem:s29+$0x860];
	_ =	sdelay $0x4  }
0x5d: {  	[tilespmem:v1+s19+$0x0] =	vst.idx.add.f32.msk $0xffff, v2  }
0x5e: {  	v1 =	vld [tilespmem:s29+$0x70];
	_ =	sdelay $0x2  }
0x5f: {  	p0 =	sne.s32 s28, $0x1E00;
	v2 =	vld [tilespmem:s29+$0x870]  }
.Ltmp2:
0x60: {  	_ = 	snop;
	(pc) =	sbr.rel @p0 .LBB2_6-.Ltmp2, $2  }
0x61: {  	_ =	sdelay $0x2  }
0x62: {  	s28 =	sadd.s32 $0x200, s28;
	[tilespmem:v1+s19+$0x0] =	vst.idx.add.f32.msk $0xffff, v2  }
0x63: {  	s28 =	simm.s32 $0x0  }
0x64: {  	[tilespmem:s28], [sflag:$0x1] =	stream.linear.gather [hbm4b:s7+s28], $0x800, $0x38;
	[tilespmem:$0x8A80] =	vst v63  }
0x65: {  	_ =	swait.ge [sflag:s17], $0x800  }
0x66: {  	[sflag:s17] =	ssyncset.done $0x0  }
0x67: {  	[sflag:s17] =	ssyncadd.s32 $0xFFFFF800  }
0x68: {  	[tilespmem:s18], [sflag:$0x1] =	stream.linear.gather [hbm4b:s8+s28], $0x800, $0x38;
	[tilespmem:$0x8A80] =	vst v63  }
0x69: {  	_ =	swait.ge [sflag:s17], $0x800  }
0x6a: {  	[sflag:s17] =	ssyncset.done $0x0  }
0x6b: {  	[sflag:s17] =	ssyncadd.s32 $0xFFFFF800  }
.LBB2_8:
0x6c: {  	s29 =	sshra.s32 s28, $0x2  }
0x6d: {  	v1 =	vld [tilespmem:s29+$0x0];
	_ =	sdelay $0x2  }
0x6e: {  	v2 =	vld [tilespmem:s29+$0x800];
	_ =	sdelay $0x4  }
0x6f: {  	[tilespmem:v1+s19+$0x0] =	vst.idx.add.f32.msk $0xffff, v2  }
0x70: {  	v1 =	vld [tilespmem:s29+$0x10];
	_ =	sdelay $0x2  }
0x71: {  	v2 =	vld [tilespmem:s29+$0x810];
	_ =	sdelay $0x4  }
0x72: {  	[tilespmem:v1+s19+$0x0] =	vst.idx.add.f32.msk $0xffff, v2  }
0x73: {  	v1 =	vld [tilespmem:s29+$0x20];
	_ =	sdelay $0x2  }
0x74: {  	v2 =	vld [tilespmem:s29+$0x820];
	_ =	sdelay $0x4  }
0x75: {  	[tilespmem:v1+s19+$0x0] =	vst.idx.add.f32.msk $0xffff, v2  }
0x76: {  	v1 =	vld [tilespmem:s29+$0x30];
	_ =	sdelay $0x2  }
0x77: {  	v2 =	vld [tilespmem:s29+$0x830];
	_ =	sdelay $0x4  }
0x78: {  	[tilespmem:v1+s19+$0x0] =	vst.idx.add.f32.msk $0xffff, v2  }
0x79: {  	v1 =	vld [tilespmem:s29+$0x40];
	_ =	sdelay $0x2  }
0x7a: {  	v2 =	vld [tilespmem:s29+$0x840];
	_ =	sdelay $0x4  }
0x7b: {  	[tilespmem:v1+s19+$0x0] =	vst.idx.add.f32.msk $0xffff, v2  }
0x7c: {  	v1 =	vld [tilespmem:s29+$0x50];
	_ =	sdelay $0x2  }
0x7d: {  	v2 =	vld [tilespmem:s29+$0x850];
	_ =	sdelay $0x4  }
0x7e: {  	[tilespmem:v1+s19+$0x0] =	vst.idx.add.f32.msk $0xffff, v2  }
0x7f: {  	v1 =	vld [tilespmem:s29+$0x60];
	_ =	sdelay $0x2  }
0x80: {  	v2 =	vld [tilespmem:s29+$0x860];
	_ =	sdelay $0x4  }
0x81: {  	[tilespmem:v1+s19+$0x0] =	vst.idx.add.f32.msk $0xffff, v2  }
0x82: {  	v1 =	vld [tilespmem:s29+$0x70];
	_ =	sdelay $0x2  }
0x83: {  	p0 =	sne.s32 s28, $0x1E00;
	v2 =	vld [tilespmem:s29+$0x870]  }
.Ltmp3:
0x84: {  	_ = 	snop;
	(pc) =	sbr.rel @p0 .LBB2_8-.Ltmp3, $2  }
0x85: {  	_ =	sdelay $0x2  }
0x86: {  	s28 =	sadd.s32 $0x200, s28;
	[tilespmem:v1+s19+$0x0] =	vst.idx.add.f32.msk $0xffff, v2  }
0x87: {  	s28 =	simm.s32 $0x0  }
0x88: {  	[tilespmem:s28], [sflag:$0x1] =	stream.linear.gather [hbm4b:s9+s28], $0x800, $0x38;
	[tilespmem:$0x8A80] =	vst v63  }
0x89: {  	_ =	swait.ge [sflag:s17], $0x800  }
0x8a: {  	[sflag:s17] =	ssyncset.done $0x0  }
0x8b: {  	[sflag:s17] =	ssyncadd.s32 $0xFFFFF800  }
0x8c: {  	[tilespmem:s18], [sflag:$0x1] =	stream.linear.gather [hbm4b:s10+s28], $0x800, $0x38;
	[tilespmem:$0x8A80] =	vst v63  }
0x8d: {  	_ =	swait.ge [sflag:s17], $0x800  }
0x8e: {  	[sflag:s17] =	ssyncset.done $0x0  }
0x8f: {  	[sflag:s17] =	ssyncadd.s32 $0xFFFFF800  }
.LBB2_10:
0x90: {  	s29 =	sshra.s32 s28, $0x2  }
0x91: {  	v1 =	vld [tilespmem:s29+$0x0];
	_ =	sdelay $0x2  }
0x92: {  	v2 =	vld [tilespmem:s29+$0x800];
	_ =	sdelay $0x4  }
0x93: {  	[tilespmem:v1+s19+$0x0] =	vst.idx.add.f32.msk $0xffff, v2  }
0x94: {  	v1 =	vld [tilespmem:s29+$0x10];
	_ =	sdelay $0x2  }
0x95: {  	v2 =	vld [tilespmem:s29+$0x810];
	_ =	sdelay $0x4  }
0x96: {  	[tilespmem:v1+s19+$0x0] =	vst.idx.add.f32.msk $0xffff, v2  }
0x97: {  	v1 =	vld [tilespmem:s29+$0x20];
	_ =	sdelay $0x2  }
0x98: {  	v2 =	vld [tilespmem:s29+$0x820];
	_ =	sdelay $0x4  }
0x99: {  	[tilespmem:v1+s19+$0x0] =	vst.idx.add.f32.msk $0xffff, v2  }
0x9a: {  	v1 =	vld [tilespmem:s29+$0x30];
	_ =	sdelay $0x2  }
0x9b: {  	v2 =	vld [tilespmem:s29+$0x830];
	_ =	sdelay $0x4  }
0x9c: {  	[tilespmem:v1+s19+$0x0] =	vst.idx.add.f32.msk $0xffff, v2  }
0x9d: {  	v1 =	vld [tilespmem:s29+$0x40];
	_ =	sdelay $0x2  }
0x9e: {  	v2 =	vld [tilespmem:s29+$0x840];
	_ =	sdelay $0x4  }
0x9f: {  	[tilespmem:v1+s19+$0x0] =	vst.idx.add.f32.msk $0xffff, v2  }
0xa0: {  	v1 =	vld [tilespmem:s29+$0x50];
	_ =	sdelay $0x2  }
0xa1: {  	v2 =	vld [tilespmem:s29+$0x850];
	_ =	sdelay $0x4  }
0xa2: {  	[tilespmem:v1+s19+$0x0] =	vst.idx.add.f32.msk $0xffff, v2  }
0xa3: {  	v1 =	vld [tilespmem:s29+$0x60];
	_ =	sdelay $0x2  }
0xa4: {  	v2 =	vld [tilespmem:s29+$0x860];
	_ =	sdelay $0x4  }
0xa5: {  	[tilespmem:v1+s19+$0x0] =	vst.idx.add.f32.msk $0xffff, v2  }
0xa6: {  	v1 =	vld [tilespmem:s29+$0x70];
	_ =	sdelay $0x2  }
0xa7: {  	p0 =	sne.s32 s28, $0x1E00;
	v2 =	vld [tilespmem:s29+$0x870]  }
.Ltmp4:
0xa8: {  	_ = 	snop;
	(pc) =	sbr.rel @p0 .LBB2_10-.Ltmp4, $2  }
0xa9: {  	_ =	sdelay $0x2  }
0xaa: {  	s28 =	sadd.s32 $0x200, s28;
	[tilespmem:v1+s19+$0x0] =	vst.idx.add.f32.msk $0xffff, v2  }
0xab: {  	s28 =	simm.s32 $0x0  }
0xac: {  	[tilespmem:s28], [sflag:$0x1] =	stream.linear.gather [hbm4b:s11+s28], $0x800, $0x38;
	[tilespmem:$0x8A80] =	vst v63  }
0xad: {  	_ =	swait.ge [sflag:s17], $0x800  }
0xae: {  	[sflag:s17] =	ssyncset.done $0x0  }
0xaf: {  	[sflag:s17] =	ssyncadd.s32 $0xFFFFF800  }
0xb0: {  	[tilespmem:s18], [sflag:$0x1] =	stream.linear.gather [hbm4b:s12+s28], $0x800, $0x38;
	[tilespmem:$0x8A80] =	vst v63  }
0xb1: {  	_ =	swait.ge [sflag:s17], $0x800  }
0xb2: {  	[sflag:s17] =	ssyncset.done $0x0  }
0xb3: {  	[sflag:s17] =	ssyncadd.s32 $0xFFFFF800  }
.LBB2_12:
0xb4: {  	s29 =	sshra.s32 s28, $0x2  }
0xb5: {  	v1 =	vld [tilespmem:s29+$0x0];
	_ =	sdelay $0x2  }
0xb6: {  	v2 =	vld [tilespmem:s29+$0x800];
	_ =	sdelay $0x4  }
0xb7: {  	[tilespmem:v1+s19+$0x0] =	vst.idx.add.f32.msk $0xffff, v2  }
0xb8: {  	v1 =	vld [tilespmem:s29+$0x10];
	_ =	sdelay $0x2  }
0xb9: {  	v2 =	vld [tilespmem:s29+$0x810];
	_ =	sdelay $0x4  }
0xba: {  	[tilespmem:v1+s19+$0x0] =	vst.idx.add.f32.msk $0xffff, v2  }
0xbb: {  	v1 =	vld [tilespmem:s29+$0x20];
	_ =	sdelay $0x2  }
0xbc: {  	v2 =	vld [tilespmem:s29+$0x820];
	_ =	sdelay $0x4  }
0xbd: {  	[tilespmem:v1+s19+$0x0] =	vst.idx.add.f32.msk $0xffff, v2  }
0xbe: {  	v1 =	vld [tilespmem:s29+$0x30];
	_ =	sdelay $0x2  }
0xbf: {  	v2 =	vld [tilespmem:s29+$0x830];
	_ =	sdelay $0x4  }
0xc0: {  	[tilespmem:v1+s19+$0x0] =	vst.idx.add.f32.msk $0xffff, v2  }
0xc1: {  	v1 =	vld [tilespmem:s29+$0x40];
	_ =	sdelay $0x2  }
0xc2: {  	v2 =	vld [tilespmem:s29+$0x840];
	_ =	sdelay $0x4  }
0xc3: {  	[tilespmem:v1+s19+$0x0] =	vst.idx.add.f32.msk $0xffff, v2  }
0xc4: {  	v1 =	vld [tilespmem:s29+$0x50];
	_ =	sdelay $0x2  }
0xc5: {  	v2 =	vld [tilespmem:s29+$0x850];
	_ =	sdelay $0x4  }
0xc6: {  	[tilespmem:v1+s19+$0x0] =	vst.idx.add.f32.msk $0xffff, v2  }
0xc7: {  	v1 =	vld [tilespmem:s29+$0x60];
	_ =	sdelay $0x2  }
0xc8: {  	v2 =	vld [tilespmem:s29+$0x860];
	_ =	sdelay $0x4  }
0xc9: {  	[tilespmem:v1+s19+$0x0] =	vst.idx.add.f32.msk $0xffff, v2  }
0xca: {  	v1 =	vld [tilespmem:s29+$0x70];
	_ =	sdelay $0x2  }
0xcb: {  	p0 =	sne.s32 s28, $0x1E00;
	v2 =	vld [tilespmem:s29+$0x870]  }
.Ltmp5:
0xcc: {  	_ = 	snop;
	(pc) =	sbr.rel @p0 .LBB2_12-.Ltmp5, $2  }
0xcd: {  	_ =	sdelay $0x2  }
0xce: {  	s28 =	sadd.s32 $0x200, s28;
	[tilespmem:v1+s19+$0x0] =	vst.idx.add.f32.msk $0xffff, v2  }
0xcf: {  	[spmem:s13] =	stream.strided.scatter [tilespmem:s19], [sflag:$0x1], $0x2800, s21, s20, $0x38;
	[tilespmem:$0x8A80] =	vst v63  }
0xd0: {  	_ =	swait.ge [sflag:s17], $0x2800  }
0xd1: {  	[sflag:s17] =	ssyncset.done $0x0  }
0xd2: {  	[sflag:s17] =	ssyncadd.s32 $0xFFFFD800  }
0xd3: {  	[bflag:$0x0] =	sbarrier.arrive $0xFFFF  }
0xd4: {  	[tilespmem:s24], [sflag:$0x1] =	stream.strided.gather [spmem:s14], $0x2800, s23, s22, $0x38;
	[tilespmem:$0x8A80] =	vst v63  }
0xd5: {  	s28 =	simm.s32 $0x0;
	_ =	swait.ge [sflag:s17], $0x2800  }
0xd6: {  	s29 =	sand.u32 $0x70, s28;
	s28 =	sand.u32 $0x1C00, s28;
	[sflag:s17] =	ssyncset.done $0x0  }
0xd7: {  	s28 =	sor.u32 s29, s28;
	[sflag:s17] =	ssyncadd.s32 $0xFFFFD800  }
0xd8: {  	v1 =	vld [tilespmem:s28+$0x6080]  }
0xd9: {  	v2 =	vld [tilespmem:s28+$0x6000];
	_ =	sdelay $0x1  }
0xda: {  	v3 =	vld [tilespmem:s28+$0x6100];
	_ =	sdelay $0x1  }
0xdb: {  	v4 =	vld [tilespmem:s28+$0x6180]  }
0xdc: {  	v1 =	vadd.f32 v1, v2  }
0xdd: {  	v2 =	vld [tilespmem:s28+$0x6200]  }
0xde: {  	v1 =	vadd.f32 v3, v1  }
0xdf: {  	v3 =	vld [tilespmem:s28+$0x6280]  }
0xe0: {  	v1 =	vadd.f32 v4, v1  }
0xe1: {  	v60 =	vld [tilespmem:s28+$0x6300]  }
0xe2: {  	v1 =	vadd.f32 v2, v1  }
0xe3: {  	v2 =	vld [tilespmem:s28+$0x6380]  }
0xe4: {  	v1 =	vadd.f32 v3, v1  }
0xe5: {  	v3 =	vld [tilespmem:s28+$0x7400]  }
0xe6: {  	v1 =	vadd.f32 v60, v1  }
0xe7: {  	v61 =	vld [tilespmem:s28+$0x7480]  }
0xe8: {  	v1 =	vadd.f32 v2, v1  }
0xe9: {  	v2 =	vld [tilespmem:s28+$0x7500]  }
0xea: {  	v1 =	vadd.f32 v3, v1  }
0xeb: {  	v3 =	vld [tilespmem:s28+$0x7580]  }
0xec: {  	v1 =	vadd.f32 v61, v1  }
0xed: {  	v62 =	vld [tilespmem:s28+$0x7600]  }
0xee: {  	v1 =	vadd.f32 v2, v1  }
0xef: {  	v2 =	vld [tilespmem:s28+$0x7680]  }
0xf0: {  	v1 =	vadd.f32 v3, v1  }
0xf1: {  	v3 =	vld [tilespmem:s28+$0x7700]  }
0xf2: {  	v1 =	vadd.f32 v62, v1  }
0xf3: {  	v63 =	vld [tilespmem:s28+$0x7780]  }
0xf4: {  	v1 =	vadd.f32 v2, v1;
	_ =	sdelay $0x1  }
0xf5: {  	v1 =	vadd.f32 v3, v1;
	_ =	sdelay $0x1  }
0xf6: {  	s30 =	simm.s32 $0x80;
	s29 =	simm.s32 $0x10;
	v1 =	vadd.f32 v63, v1  }
0xf7: {  	s31 =	sand.u32 $0x1C00, s30;
	s29 =	sand.u32 $0x70, s29;
	s28 =	simm.s32 $0x8800  }
0xf8: {  	s29 =	sor.u32 s29, s31;
	s31 =	simm.s32 $0x20;
	[tilespmem:s28+$0x0] =	vst v1  }
.LBB2_14:
0xf9: {  	p0 =	sne.s32 s31, $0x270;
	v1 =	vld [tilespmem:s29+$0x6080]  }
0xfa: {  	v2 =	vld [tilespmem:s29+$0x6000];
	_ =	sdelay $0x1  }
0xfb: {  	v3 =	vld [tilespmem:s29+$0x6100];
	_ =	sdelay $0x1  }
0xfc: {  	v4 =	vld [tilespmem:s29+$0x6180]  }
0xfd: {  	v1 =	vadd.f32 v1, v2  }
0xfe: {  	v2 =	vld [tilespmem:s29+$0x6200]  }
0xff: {  	v1 =	vadd.f32 v3, v1  }
0x100: {  	v3 =	vld [tilespmem:s29+$0x6280]  }
0x101: {  	v1 =	vadd.f32 v4, v1  }
0x102: {  	v4 =	vld [tilespmem:s29+$0x6300]  }
0x103: {  	v1 =	vadd.f32 v2, v1  }
0x104: {  	v2 =	vld [tilespmem:s29+$0x6380]  }
0x105: {  	v1 =	vadd.f32 v3, v1  }
0x106: {  	v3 =	vld [tilespmem:s29+$0x7400]  }
0x107: {  	v1 =	vadd.f32 v4, v1  }
0x108: {  	v4 =	vld [tilespmem:s29+$0x7480]  }
0x109: {  	v1 =	vadd.f32 v2, v1  }
0x10a: {  	v2 =	vld [tilespmem:s29+$0x7500]  }
0x10b: {  	v1 =	vadd.f32 v3, v1  }
0x10c: {  	v3 =	vld [tilespmem:s29+$0x7580]  }
0x10d: {  	v1 =	vadd.f32 v4, v1  }
0x10e: {  	v4 =	vld [tilespmem:s29+$0x7600]  }
0x10f: {  	v1 =	vadd.f32 v2, v1  }
0x110: {  	v2 =	vld [tilespmem:s29+$0x7680]  }
0x111: {  	v1 =	vadd.f32 v3, v1  }
0x112: {  	v3 =	vld [tilespmem:s29+$0x7700]  }
0x113: {  	v1 =	vadd.f32 v4, v1  }
0x114: {  	v4 =	vld [tilespmem:s29+$0x7780]  }
0x115: {  	v1 =	vadd.f32 v2, v1;
	_ =	sdelay $0x1  }
.Ltmp6:
0x116: {  	v1 =	vadd.f32 v3, v1;
	(pc) =	sbr.rel @p0 .LBB2_14-.Ltmp6, $4  }
0x117: {  	_ = 	snop  }
0x118: {  	s30 =	sadd.s32 $0x80, s30;
	v1 =	vadd.f32 v4, v1  }
0x119: {  	s28 =	sadd.s32 $0x10, s28;
	s0 =	sand.u32 $0x1C00, s30;
	s29 =	sand.u32 $0x70, s31  }
0x11a: {  	s31 =	sadd.s32 $0x10, s31;
	s29 =	sor.u32 s29, s0;
	[tilespmem:s28+$0x0] =	vst v1  }
0x11b: {  	v1 =	vld [tilespmem:s29+$0x6080]  }
0x11c: {  	v2 =	vld [tilespmem:s29+$0x6000];
	_ =	sdelay $0x1  }
0x11d: {  	v3 =	vld [tilespmem:s29+$0x6100];
	_ =	sdelay $0x1  }
0x11e: {  	v4 =	vld [tilespmem:s29+$0x6180]  }
0x11f: {  	v1 =	vadd.f32 v1, v2  }
0x120: {  	v2 =	vld [tilespmem:s29+$0x6200]  }
0x121: {  	v1 =	vadd.f32 v3, v1  }
0x122: {  	v3 =	vld [tilespmem:s29+$0x6280]  }
0x123: {  	v1 =	vadd.f32 v4, v1  }
0x124: {  	v60 =	vld [tilespmem:s29+$0x6300]  }
0x125: {  	v1 =	vadd.f32 v2, v1  }
0x126: {  	v2 =	vld [tilespmem:s29+$0x6380]  }
0x127: {  	v1 =	vadd.f32 v3, v1  }
0x128: {  	v3 =	vld [tilespmem:s29+$0x7400]  }
0x129: {  	v1 =	vadd.f32 v60, v1  }
0x12a: {  	v61 =	vld [tilespmem:s29+$0x7480]  }
0x12b: {  	v1 =	vadd.f32 v2, v1  }
0x12c: {  	v2 =	vld [tilespmem:s29+$0x7500]  }
0x12d: {  	v1 =	vadd.f32 v3, v1  }
0x12e: {  	v3 =	vld [tilespmem:s29+$0x7580]  }
0x12f: {  	v1 =	vadd.f32 v61, v1  }
0x130: {  	v62 =	vld [tilespmem:s29+$0x7600]  }
0x131: {  	v1 =	vadd.f32 v2, v1  }
0x132: {  	v2 =	vld [tilespmem:s29+$0x7680]  }
0x133: {  	v1 =	vadd.f32 v3, v1  }
0x134: {  	v3 =	vld [tilespmem:s29+$0x7700]  }
0x135: {  	v1 =	vadd.f32 v62, v1  }
0x136: {  	v63 =	vld [tilespmem:s29+$0x7780]  }
0x137: {  	v1 =	vadd.f32 v2, v1;
	_ =	sdelay $0x1  }
0x138: {  	v1 =	vadd.f32 v3, v1;
	_ =	sdelay $0x1  }
0x139: {  	s26 =	sadd.s32 $0x1, s26;
	v1 =	vadd.f32 v63, v1  }
0x13a: {  	s0 =	sadd.s32 $0x10, s28;
	p0 =	sne.s32 s26, s15  }
.Ltmp7:
0x13b: {  	[tilespmem:s0+$0x0] =	vst v1;
	(pc) =	sbr.rel @p0 .LBB2_1-.Ltmp7, $4  }
0x13c: {  	[hbm4b:s16+s2] =	stream.linear.scatter [tilespmem:s25], [sflag:$0x1], $0x280, $0x38;
	[tilespmem:$0x8A80] =	vst v63  }
0x13d: {  	_ =	swait.ge [sflag:s17], $0x280  }
0x13e: {  	[sflag:s17] =	ssyncset.done $0x0  }
0x13f: {  	[sflag:s17] =	ssyncadd.s32 $0xFFFFFD80  }
0x140: {  	_ =	sfence.sel $0x180000  }
0x141: {  	[bflag:$0x0] =	sbarrier.arrive $0xFFFF  }
0x142: {  	_ =	strace $0x90000047  }
0x143: {  	[bflag:$0x2] =	sbarrier.arrive $0xFFFF  }
0x144: {  	p0 =	sne.s32 s1, $0x0;
	s0 =	rddreg [dreg:$0x2]  }
0x145: {  	s0 =	sadd.s32 @!p0 $0x100000, s0  }
0x146: {  	[sflag:s0] =	ssyncadd.tile.s32 @!p0 $0x1;
	_ =	shalt  }
.Lfunc_end2:
_tile_overlayer_lowered:
.L_overlay_start_2:
0x147: {  	(tag) =	ssettag $0x2  }
0x148: {  	s0 =	rddreg [dreg:$0x0];
	s2 =	stileid.u32  }
0x149: {  	s1 =	rddreg [dreg:$0x1];
	p0 =	sne.s32 s2, $0x0  }
0x14a: {  	s3 =	rddreg [dreg:$0x2];
	[bflag:$0x3] =	sbarrier.arrive $0xFFFF;
	s2 =	simm.s32 @!p0 $0x1C01  }
0x14b: {  	[timem:s3], [sflag:s2] =	dma.local @!p0 [hbm:s0], s1  }
0x14c: {  	s0 =	simm.s32 @!p0 $0x1  }
0x14d: {  	_ =	swait.ge @!p0 [sflag:s0], s1  }
0x14e: {  	s1 =	ssub.s32 @!p0 $0x0, s1;
	[sflag:s0] =	ssyncset.done @!p0 $0x0  }
0x14f: {  	[sflag:s0] =	ssyncadd.s32 @!p0 s1  }
0x150: {  	[bflag:$0x3] =	sbarrier.arrive $0xFFFF  }
0x151: {  	_ =	shalt  }

</sc_bundles>
